<compile_context>
chip_gen: v7x
topology: tpu7x:2x2x1
jax: 0.10.2.dev20260603
libtpu: 0.0.44.dev20260713+nightly
codegen_flags: <defaults>
</compile_context>

<pallas_src>
import functools
import math

import jax
import jax.numpy as jnp
from jax import lax
from jax.experimental import pallas as pl
from jax.experimental.pallas import tpu as pltpu
from jax.experimental.pallas import tpu_sc as plsc

_NC = 2
_NS = 16
_L = 16
_NW = _NC * _NS
_NB = 3


@functools.partial(jax.jit, static_argnums=(2, 3))
def _gather_scaled(idx, table, d, chunk):
    b = idx.shape[0]
    b_per_w = b // _NW
    n_chunks = b_per_w // chunk
    scale = jnp.float32(math.sqrt(d))
    mesh = plsc.VectorSubcoreMesh(core_axis_name="c", subcore_axis_name="s")

    @functools.partial(
        pl.kernel,
        out_type=jax.ShapeDtypeStruct((b, d), jnp.float32),
        mesh=mesh,
        scratch_types=[
            pltpu.VMEM((b_per_w,), jnp.int32),
            pltpu.VMEM((_NB, chunk, d), jnp.float32),
            pltpu.VMEM((_NB, chunk, d), jnp.float32),
            pltpu.SemaphoreType.DMA,
            pltpu.SemaphoreType.DMA,
            pltpu.SemaphoreType.DMA,
            pltpu.SemaphoreType.DMA,
            pltpu.SemaphoreType.DMA,
            pltpu.SemaphoreType.DMA,
        ],
    )
    def k(idx_hbm, table_hbm, out_hbm, idx_v, ibufs, obufs, g0, g1, g2, o0, o1, o2):
        gsems = (g0, g1, g2)
        osems = (o0, o1, o2)
        wid = lax.axis_index("s") * _NC + lax.axis_index("c")
        base = wid * b_per_w
        pltpu.sync_copy(idx_hbm.at[pl.ds(base, b_per_w)], idx_v)

        def gather_copy(c, bb):
            return pltpu.make_async_copy(
                table_hbm.at[idx_v.at[pl.ds(c * chunk, chunk)]],
                ibufs.at[bb],
                gsems[bb],
            )

        def out_copy(c, bb):
            return pltpu.make_async_copy(
                obufs.at[bb],
                out_hbm.at[pl.ds(base + c * chunk, chunk)],
                osems[bb],
            )

        def scale_chunk(bb):
            src = ibufs.at[bb]
            dst = obufs.at[bb]

            @plsc.parallel_loop(0, d // _L, 1, unroll=8)
            def _(i):
                sl = pl.ds(i * _L, _L)
                for r in range(chunk):
                    dst[r, sl] = src[r, sl] * scale

        gather_copy(0, 0).start()
        gather_copy(1, 1).start()
        gather_copy(2, 2).start()
        gather_copy(0, 0).wait()
        scale_chunk(0)
        out_copy(0, 0).start()
        gather_copy(3, 0).start()
        gather_copy(1, 1).wait()
        scale_chunk(1)
        out_copy(1, 1).start()

        def step3(g, carry):
            for bb_off in range(_NB):
                c = _NB * g + 2 + bb_off
                bb = (2 + bb_off) % _NB
                gather_copy(c + 2, (4 + bb_off) % _NB).start()
                gather_copy(c, bb).wait()

                @pl.when(c >= _NB)
                def _():
                    out_copy(c - _NB, bb).wait()

                scale_chunk(bb)
                out_copy(c, bb).start()
            return carry

        lax.fori_loop(0, (n_chunks - 4) // _NB, step3, 0)

        for c in (n_chunks - 2, n_chunks - 1):
            bb = c % _NB
            gather_copy(c, bb).wait()
            out_copy(c - _NB, bb).wait()
            scale_chunk(bb)
            out_copy(c, bb).start()

        for c in (n_chunks - 3, n_chunks - 2, n_chunks - 1):
            out_copy(c, c % _NB).wait()

    return k(idx, table)


def kernel(x, W):
    b = x.size
    d = W.shape[1]
    xf = x.reshape(b).astype(jnp.int32)
    out = _gather_scaled(xf, W, d, 8)
    return out.reshape(x.shape + (d,))

# --- scband reference (transcript-rebuilt; emitter-appended) ---
"""Pipeline reference for scband-embedding-12369505813137 (READ-ONLY COPY).

The authoritative reference and input builder live on the scoring server;
editing this copy changes nothing except your own understanding.
"""

import jax, jax.numpy as jnp
import numpy as np

VOCAB = 100000
D_MODEL = 2048

def setup_inputs(seed: int = 0) -> dict:
    key = jax.random.key(seed)
    k_idx, k_w = jax.random.split(key)
    x = jax.random.randint(k_idx, (4, 4096), 0, VOCAB, dtype=jnp.int64 if jax.config.jax_enable_x64 else jnp.int32)
    W = jax.random.normal(k_w, (VOCAB, D_MODEL), dtype=jnp.float32) * 0.02
    return {"x": x, "W": W}

def reference(x, W):
    # forward with inverse=False: encoder(x) * sqrt(model_dim)
    emb = jnp.take(W, x, axis=0)
    return emb * np.sqrt(D_MODEL).astype(np.float32)

if __name__ == "__main__":
    import jax
    _d = setup_inputs()
    print(jax.jit(kernel)(*tuple(_d.values())))

</pallas_src>

<mosaic_0001>
#map = affine_map<(d0, d1) -> (0)>
#map1 = affine_map<(d0, d1) -> (0, 0)>
module attributes {stable_mosaic.version = 14 : i64} {
  func.func @_rewritten_body(%arg0: i32, %arg1: i32, %arg2: memref<16384xi32, #tpu.memory_space<hbm>>, %arg3: memref<100000x2048xf32, #tpu.memory_space<hbm>>, %arg4: memref<1xf32, #tpu.memory_space<hbm>>, %arg5: memref<16384x2048xf32, #tpu.memory_space<hbm>>, %arg6: memref<512xi32, #tpu.memory_space<vmem>>, %arg7: memref<3x8x2048xf32, #tpu.memory_space<vmem>>, %arg8: memref<3x8x2048xf32, #tpu.memory_space<vmem>>, %arg9: memref<!tpu.dma_semaphore, #tpu.memory_space<semaphore_mem>>, %arg10: memref<!tpu.dma_semaphore, #tpu.memory_space<semaphore_mem>>, %arg11: memref<!tpu.dma_semaphore, #tpu.memory_space<semaphore_mem>>, %arg12: memref<!tpu.dma_semaphore, #tpu.memory_space<semaphore_mem>>, %arg13: memref<!tpu.dma_semaphore, #tpu.memory_space<semaphore_mem>>, %arg14: memref<!tpu.dma_semaphore, #tpu.memory_space<semaphore_mem>>) attributes {dimension_semantics = [#tpu.dimension_semantics<core_parallel>, #tpu.dimension_semantics<subcore_parallel>], iteration_bounds = array<i64: 2, 16>, scalar_prefetch = 0 : i64, scratch_operands = 9 : i64, tpu.core_type = #tpu.core_type<sc_vector_subcore>, window_params = [{transform_indices = #map}, {transform_indices = #map1}, {transform_indices = #map}, {transform_indices = #map1}]} {
    %empty_ref3A = memref.alloca() : memref<16xf32, #tpu.memory_space<vmem>>
    "tpu.region"() ({
      %run_scoped3A = tpu.sem_alloc : memref<!tpu.dma_semaphore, #tpu.memory_space<semaphore_mem>>
      %dma_start3A_242 = arith.constant 0 : i32
      %dma_start3A_243 = tpu.memref_slice %empty_ref3A[%dma_start3A_242] : memref<16xf32, #tpu.memory_space<vmem>> -> memref<1xf32, #tpu.memory_space<vmem>>
      %dma_start3A_244 = arith.constant 0 : i32
      %dma_start3A_245 = tpu.memref_slice %empty_ref3A[%dma_start3A_244] : memref<16xf32, #tpu.memory_space<vmem>> -> memref<1xf32, #tpu.memory_space<vmem>>
      tpu.enqueue_dma source(%arg4 : memref<1xf32, #tpu.memory_space<hbm>>) target(%dma_start3A_245 : memref<1xf32, #tpu.memory_space<vmem>>) target_semaphore(%run_scoped3A : memref<!tpu.dma_semaphore, #tpu.memory_space<semaphore_mem>>)
      %dma_wait3A_246 = arith.constant 0 : i32
      %dma_wait3A_247 = tpu.memref_slice %empty_ref3A[%dma_wait3A_246] : memref<16xf32, #tpu.memory_space<vmem>> -> memref<1xf32, #tpu.memory_space<vmem>>
      %dma_wait3A_248 = arith.constant 0 : i32
      %dma_wait3A_249 = tpu.memref_slice %empty_ref3A[%dma_wait3A_248] : memref<16xf32, #tpu.memory_space<vmem>> -> memref<1xf32, #tpu.memory_space<vmem>>
      tpu.wait_dma2 semaphore(%run_scoped3A : memref<!tpu.dma_semaphore, #tpu.memory_space<semaphore_mem>>) src(%arg4 : memref<1xf32, #tpu.memory_space<hbm>>) dst(%dma_wait3A_249 : memref<1xf32, #tpu.memory_space<vmem>>)
      tpu.yield
    }) : () -> ()
    %get3A = arith.constant 0 : index
    %get3A_0 = tpu.vector_load %empty_ref3A[%get3A] {strides = array<i32>} : memref<16xf32, #tpu.memory_space<vmem>>, vector<16xf32>,
    %get3A_1 = vector.shape_cast %get3A_0 : vector<16xf32> to vector<16xf32>
    %slice3A = vector.extract_strided_slice %get3A_1 {offsets = [0], sizes = [1], strides = [1]} : vector<16xf32> to vector<1xf32>
    %squeeze3A = vector.extract %slice3A[0] : f32 from vector<1xf32>
    %mul3A = arith.constant 2 : i32
    %mul3A_2 = arith.muli %arg1, %mul3A : i32
    %add3A = arith.addi %mul3A_2, %arg0 : i32
    %mul3A_3 = arith.constant 512 : i32
    %mul3A_4 = arith.muli %add3A, %mul3A_3 : i32
    "tpu.region"() ({
      %run_scoped3A = tpu.sem_alloc : memref<!tpu.dma_semaphore, #tpu.memory_space<semaphore_mem>>
      %dma_start3A_242 = tpu.memref_slice %arg2[%mul3A_4] : memref<16384xi32, #tpu.memory_space<hbm>> -> memref<512xi32, #tpu.memory_space<hbm>>
      %dma_start3A_243 = tpu.memref_slice %arg2[%mul3A_4] : memref<16384xi32, #tpu.memory_space<hbm>> -> memref<512xi32, #tpu.memory_space<hbm>>
      tpu.enqueue_dma source(%dma_start3A_243 : memref<512xi32, #tpu.memory_space<hbm>>) target(%arg6 : memref<512xi32, #tpu.memory_space<vmem>>) target_semaphore(%run_scoped3A : memref<!tpu.dma_semaphore, #tpu.memory_space<semaphore_mem>>)
      %dma_wait3A_244 = tpu.memref_slice %arg2[%mul3A_4] : memref<16384xi32, #tpu.memory_space<hbm>> -> memref<512xi32, #tpu.memory_space<hbm>>
      %dma_wait3A_245 = tpu.memref_slice %arg2[%mul3A_4] : memref<16384xi32, #tpu.memory_space<hbm>> -> memref<512xi32, #tpu.memory_space<hbm>>
      tpu.wait_dma2 semaphore(%run_scoped3A : memref<!tpu.dma_semaphore, #tpu.memory_space<semaphore_mem>>) src(%dma_wait3A_245 : memref<512xi32, #tpu.memory_space<hbm>>) dst(%arg6 : memref<512xi32, #tpu.memory_space<vmem>>)
      tpu.yield
    }) : () -> ()
    %dma_start3A = arith.constant 0 : i32
    %dma_start3A_5 = arith.constant 0 : i32
    %dma_start3A_6 = arith.constant 0 : i32
    %dma_start3A_7 = tpu.memref_slice %arg7[%dma_start3A, %dma_start3A_5, %dma_start3A_6] : memref<3x8x2048xf32, #tpu.memory_space<vmem>> -> memref<1x8x2048xf32, #tpu.memory_space<vmem>>
    %dma_start3A_8 = tpu.memref_squeeze %dma_start3A_7 : memref<1x8x2048xf32, #tpu.memory_space<vmem>> -> memref<8x2048xf32, #tpu.memory_space<vmem>>
    %dma_start3A_9 = arith.constant 0 : i32
    %dma_start3A_10 = tpu.memref_slice %arg6[%dma_start3A_9] : memref<512xi32, #tpu.memory_space<vmem>> -> memref<8xi32, #tpu.memory_space<vmem>>
    %dma_start3A_11 = arith.constant 0 : i32
    %dma_start3A_12 = arith.constant 0 : i32
    %dma_start3A_13 = tpu.memref_slice %arg3[%dma_start3A_11, %dma_start3A_12] : memref<100000x2048xf32, #tpu.memory_space<hbm>> -> memref<100000x2048xf32, #tpu.memory_space<hbm>>
    tpu.enqueue_indirect_dma source(%dma_start3A_13 : memref<100000x2048xf32, #tpu.memory_space<hbm>>) target(%dma_start3A_8 : memref<8x2048xf32, #tpu.memory_space<vmem>>) offsets(%dma_start3A_10 : memref<8xi32, #tpu.memory_space<vmem>>) semaphore(%arg9 : memref<!tpu.dma_semaphore, #tpu.memory_space<semaphore_mem>>)
    %dma_start3A_14 = arith.constant 1 : i32
    %dma_start3A_15 = arith.constant 0 : i32
    %dma_start3A_16 = arith.constant 0 : i32
    %dma_start3A_17 = tpu.memref_slice %arg7[%dma_start3A_14, %dma_start3A_15, %dma_start3A_16] : memref<3x8x2048xf32, #tpu.memory_space<vmem>> -> memref<1x8x2048xf32, #tpu.memory_space<vmem>>
    %dma_start3A_18 = tpu.memref_squeeze %dma_start3A_17 : memref<1x8x2048xf32, #tpu.memory_space<vmem>> -> memref<8x2048xf32, #tpu.memory_space<vmem>>
    %dma_start3A_19 = arith.constant 8 : i32
    %dma_start3A_20 = tpu.memref_slice %arg6[%dma_start3A_19] : memref<512xi32, #tpu.memory_space<vmem>> -> memref<8xi32, #tpu.memory_space<vmem>>
    %dma_start3A_21 = arith.constant 0 : i32
    %dma_start3A_22 = arith.constant 0 : i32
    %dma_start3A_23 = tpu.memref_slice %arg3[%dma_start3A_21, %dma_start3A_22] : memref<100000x2048xf32, #tpu.memory_space<hbm>> -> memref<100000x2048xf32, #tpu.memory_space<hbm>>
    tpu.enqueue_indirect_dma source(%dma_start3A_23 : memref<100000x2048xf32, #tpu.memory_space<hbm>>) target(%dma_start3A_18 : memref<8x2048xf32, #tpu.memory_space<vmem>>) offsets(%dma_start3A_20 : memref<8xi32, #tpu.memory_space<vmem>>) semaphore(%arg10 : memref<!tpu.dma_semaphore, #tpu.memory_space<semaphore_mem>>)
    %dma_start3A_24 = arith.constant 2 : i32
    %dma_start3A_25 = arith.constant 0 : i32
    %dma_start3A_26 = arith.constant 0 : i32
    %dma_start3A_27 = tpu.memref_slice %arg7[%dma_start3A_24, %dma_start3A_25, %dma_start3A_26] : memref<3x8x2048xf32, #tpu.memory_space<vmem>> -> memref<1x8x2048xf32, #tpu.memory_space<vmem>>
    %dma_start3A_28 = tpu.memref_squeeze %dma_start3A_27 : memref<1x8x2048xf32, #tpu.memory_space<vmem>> -> memref<8x2048xf32, #tpu.memory_space<vmem>>
    %dma_start3A_29 = arith.constant 16 : i32
    %dma_start3A_30 = tpu.memref_slice %arg6[%dma_start3A_29] : memref<512xi32, #tpu.memory_space<vmem>> -> memref<8xi32, #tpu.memory_space<vmem>>
    %dma_start3A_31 = arith.constant 0 : i32
    %dma_start3A_32 = arith.constant 0 : i32
    %dma_start3A_33 = tpu.memref_slice %arg3[%dma_start3A_31, %dma_start3A_32] : memref<100000x2048xf32, #tpu.memory_space<hbm>> -> memref<100000x2048xf32, #tpu.memory_space<hbm>>
    tpu.enqueue_indirect_dma source(%dma_start3A_33 : memref<100000x2048xf32, #tpu.memory_space<hbm>>) target(%dma_start3A_28 : memref<8x2048xf32, #tpu.memory_space<vmem>>) offsets(%dma_start3A_30 : memref<8xi32, #tpu.memory_space<vmem>>) semaphore(%arg11 : memref<!tpu.dma_semaphore, #tpu.memory_space<semaphore_mem>>)
    %dma_wait3A = arith.constant 0 : i32
    %dma_wait3A_34 = arith.constant 0 : i32
    %dma_wait3A_35 = arith.constant 0 : i32
    %dma_wait3A_36 = tpu.memref_slice %arg7[%dma_wait3A, %dma_wait3A_34, %dma_wait3A_35] : memref<3x8x2048xf32, #tpu.memory_space<vmem>> -> memref<1x8x2048xf32, #tpu.memory_space<vmem>>
    %dma_wait3A_37 = tpu.memref_squeeze %dma_wait3A_36 : memref<1x8x2048xf32, #tpu.memory_space<vmem>> -> memref<8x2048xf32, #tpu.memory_space<vmem>>
    %dma_wait3A_38 = arith.constant 0 : i32
    %dma_wait3A_39 = tpu.memref_slice %arg6[%dma_wait3A_38] : memref<512xi32, #tpu.memory_space<vmem>> -> memref<8xi32, #tpu.memory_space<vmem>>
    %dma_wait3A_40 = arith.constant 0 : i32
    %dma_wait3A_41 = arith.constant 0 : i32
    %dma_wait3A_42 = tpu.memref_slice %arg3[%dma_wait3A_40, %dma_wait3A_41] : memref<100000x2048xf32, #tpu.memory_space<hbm>> -> memref<100000x2048xf32, #tpu.memory_space<hbm>>
    tpu.wait_indirect_dma semaphore(%arg9 : memref<!tpu.dma_semaphore, #tpu.memory_space<semaphore_mem>>) src(%dma_wait3A_42 : memref<100000x2048xf32, #tpu.memory_space<hbm>>) dst(%dma_wait3A_37 : memref<8x2048xf32, #tpu.memory_space<vmem>>)
    %parallel_loop3A = arith.constant 0 : i32
    %parallel_loop3A_43 = arith.constant 128 : i32
    %parallel_loop3A_44 = arith.constant 1 : i32
    %parallel_loop3A_45 = arith.constant 0 : i32
    %parallel_loop3A_46 = arith.constant 0 : i32
    scf.for %parallel_loop3A_242 = %parallel_loop3A to %parallel_loop3A_43 step %parallel_loop3A_44  : i32 {
      %parallel_loop3A_243 = arith.constant 16 : i32
      %parallel_loop3A_244 = arith.muli %parallel_loop3A_242, %parallel_loop3A_243 : i32
      %parallel_loop3A_245 = arith.constant 0 : i32
      %parallel_loop3A_246 = arith.constant 0 : i32
      %parallel_loop3A_247 = arith.constant 0 : i32
      %parallel_loop3A_248 = tpu.memref_slice %arg7[%parallel_loop3A_45, %parallel_loop3A_246, %parallel_loop3A_247] : memref<3x8x2048xf32, #tpu.memory_space<vmem>> -> memref<1x8x2048xf32, #tpu.memory_space<vmem>>
      %parallel_loop3A_249 = tpu.memref_squeeze %parallel_loop3A_248 : memref<1x8x2048xf32, #tpu.memory_space<vmem>> -> memref<8x2048xf32, #tpu.memory_space<vmem>>
      %parallel_loop3A_250 = arith.index_cast %parallel_loop3A_245 : i32 to index
      %parallel_loop3A_251 = arith.index_cast %parallel_loop3A_244 : i32 to index
      %parallel_loop3A_252 = tpu.vector_load %parallel_loop3A_249[%parallel_loop3A_250, %parallel_loop3A_251] {strides = array<i32>} : memref<8x2048xf32, #tpu.memory_space<vmem>>, vector<1x16xf32>,
      %parallel_loop3A_253 = vector.shape_cast %parallel_loop3A_252 : vector<1x16xf32> to vector<16xf32>
      %parallel_loop3A_254 = vector.broadcast %squeeze3A : f32 to vector<16xf32>
      %parallel_loop3A_255 = arith.mulf %parallel_loop3A_253, %parallel_loop3A_254 : vector<16xf32>
      %parallel_loop3A_256 = arith.constant 0 : i32
      %parallel_loop3A_257 = arith.constant 0 : i32
      %parallel_loop3A_258 = arith.constant 0 : i32
      %parallel_loop3A_259 = tpu.memref_slice %arg8[%parallel_loop3A_46, %parallel_loop3A_257, %parallel_loop3A_258] : memref<3x8x2048xf32, #tpu.memory_space<vmem>> -> memref<1x8x2048xf32, #tpu.memory_space<vmem>>
      %parallel_loop3A_260 = tpu.memref_squeeze %parallel_loop3A_259 : memref<1x8x2048xf32, #tpu.memory_space<vmem>> -> memref<8x2048xf32, #tpu.memory_space<vmem>>
      %parallel_loop3A_261 = arith.index_cast %parallel_loop3A_256 : i32 to index
      %parallel_loop3A_262 = arith.index_cast %parallel_loop3A_244 : i32 to index
      %parallel_loop3A_263 = tpu.vector_load %parallel_loop3A_260[%parallel_loop3A_261, %parallel_loop3A_262] {strides = array<i32>} : memref<8x2048xf32, #tpu.memory_space<vmem>>, vector<1x16xf32>,
      %parallel_loop3A_264 = vector.shape_cast %parallel_loop3A_263 : vector<1x16xf32> to vector<16xf32>
      %parallel_loop3A_265 = vector.shape_cast %parallel_loop3A_255 : vector<16xf32> to vector<1x16xf32>
      tpu.vector_store %parallel_loop3A_260[%parallel_loop3A_261, %parallel_loop3A_262], %parallel_loop3A_265 {strides = array<i32>} : memref<8x2048xf32, #tpu.memory_space<vmem>>, vector<1x16xf32>,
      %parallel_loop3A_266 = arith.constant 1 : i32
      %parallel_loop3A_267 = arith.constant 0 : i32
      %parallel_loop3A_268 = arith.constant 0 : i32
      %parallel_loop3A_269 = tpu.memref_slice %arg7[%parallel_loop3A_45, %parallel_loop3A_267, %parallel_loop3A_268] : memref<3x8x2048xf32, #tpu.memory_space<vmem>> -> memref<1x8x2048xf32, #tpu.memory_space<vmem>>
      %parallel_loop3A_270 = tpu.memref_squeeze %parallel_loop3A_269 : memref<1x8x2048xf32, #tpu.memory_space<vmem>> -> memref<8x2048xf32, #tpu.memory_space<vmem>>
      %parallel_loop3A_271 = arith.index_cast %parallel_loop3A_266 : i32 to index
      %parallel_loop3A_272 = arith.index_cast %parallel_loop3A_244 : i32 to index
      %parallel_loop3A_273 = tpu.vector_load %parallel_loop3A_270[%parallel_loop3A_271, %parallel_loop3A_272] {strides = array<i32>} : memref<8x2048xf32, #tpu.memory_space<vmem>>, vector<1x16xf32>,
      %parallel_loop3A_274 = vector.shape_cast %parallel_loop3A_273 : vector<1x16xf32> to vector<16xf32>
      %parallel_loop3A_275 = vector.broadcast %squeeze3A : f32 to vector<16xf32>
      %parallel_loop3A_276 = arith.mulf %parallel_loop3A_274, %parallel_loop3A_275 : vector<16xf32>
      %parallel_loop3A_277 = arith.constant 1 : i32
      %parallel_loop3A_278 = arith.constant 0 : i32
      %parallel_loop3A_279 = arith.constant 0 : i32
      %parallel_loop3A_280 = tpu.memref_slice %arg8[%parallel_loop3A_46, %parallel_loop3A_278, %parallel_loop3A_279] : memref<3x8x2048xf32, #tpu.memory_space<vmem>> -> memref<1x8x2048xf32, #tpu.memory_space<vmem>>
      %parallel_loop3A_281 = tpu.memref_squeeze %parallel_loop3A_280 : memref<1x8x2048xf32, #tpu.memory_space<vmem>> -> memref<8x2048xf32, #tpu.memory_space<vmem>>
      %parallel_loop3A_282 = arith.index_cast %parallel_loop3A_277 : i32 to index
      %parallel_loop3A_283 = arith.index_cast %parallel_loop3A_244 : i32 to index
      %parallel_loop3A_284 = tpu.vector_load %parallel_loop3A_281[%parallel_loop3A_282, %parallel_loop3A_283] {strides = array<i32>} : memref<8x2048xf32, #tpu.memory_space<vmem>>, vector<1x16xf32>,
      %parallel_loop3A_285 = vector.shape_cast %parallel_loop3A_284 : vector<1x16xf32> to vector<16xf32>
      %parallel_loop3A_286 = vector.shape_cast %parallel_loop3A_276 : vector<16xf32> to vector<1x16xf32>
      tpu.vector_store %parallel_loop3A_281[%parallel_loop3A_282, %parallel_loop3A_283], %parallel_loop3A_286 {strides = array<i32>} : memref<8x2048xf32, #tpu.memory_space<vmem>>, vector<1x16xf32>,
      %parallel_loop3A_287 = arith.constant 2 : i32
      %parallel_loop3A_288 = arith.constant 0 : i32
      %parallel_loop3A_289 = arith.constant 0 : i32
      %parallel_loop3A_290 = tpu.memref_slice %arg7[%parallel_loop3A_45, %parallel_loop3A_288, %parallel_loop3A_289] : memref<3x8x2048xf32, #tpu.memory_space<vmem>> -> memref<1x8x2048xf32, #tpu.memory_space<vmem>>
      %parallel_loop3A_291 = tpu.memref_squeeze %parallel_loop3A_290 : memref<1x8x2048xf32, #tpu.memory_space<vmem>> -> memref<8x2048xf32, #tpu.memory_space<vmem>>
      %parallel_loop3A_292 = arith.index_cast %parallel_loop3A_287 : i32 to index
      %parallel_loop3A_293 = arith.index_cast %parallel_loop3A_244 : i32 to index
      %parallel_loop3A_294 = tpu.vector_load %parallel_loop3A_291[%parallel_loop3A_292, %parallel_loop3A_293] {strides = array<i32>} : memref<8x2048xf32, #tpu.memory_space<vmem>>, vector<1x16xf32>,
      %parallel_loop3A_295 = vector.shape_cast %parallel_loop3A_294 : vector<1x16xf32> to vector<16xf32>
      %parallel_loop3A_296 = vector.broadcast %squeeze3A : f32 to vector<16xf32>
      %parallel_loop3A_297 = arith.mulf %parallel_loop3A_295, %parallel_loop3A_296 : vector<16xf32>
      %parallel_loop3A_298 = arith.constant 2 : i32
      %parallel_loop3A_299 = arith.constant 0 : i32
      %parallel_loop3A_300 = arith.constant 0 : i32
      %parallel_loop3A_301 = tpu.memref_slice %arg8[%parallel_loop3A_46, %parallel_loop3A_299, %parallel_loop3A_300] : memref<3x8x2048xf32, #tpu.memory_space<vmem>> -> memref<1x8x2048xf32, #tpu.memory_space<vmem>>
      %parallel_loop3A_302 = tpu.memref_squeeze %parallel_loop3A_301 : memref<1x8x2048xf32, #tpu.memory_space<vmem>> -> memref<8x2048xf32, #tpu.memory_space<vmem>>
      %parallel_loop3A_303 = arith.index_cast %parallel_loop3A_298 : i32 to index
      %parallel_loop3A_304 = arith.index_cast %parallel_loop3A_244 : i32 to index
      %parallel_loop3A_305 = tpu.vector_load %parallel_loop3A_302[%parallel_loop3A_303, %parallel_loop3A_304] {strides = array<i32>} : memref<8x2048xf32, #tpu.memory_space<vmem>>, vector<1x16xf32>,
      %parallel_loop3A_306 = vector.shape_cast %parallel_loop3A_305 : vector<1x16xf32> to vector<16xf32>
      %parallel_loop3A_307 = vector.shape_cast %parallel_loop3A_297 : vector<16xf32> to vector<1x16xf32>
      tpu.vector_store %parallel_loop3A_302[%parallel_loop3A_303, %parallel_loop3A_304], %parallel_loop3A_307 {strides = array<i32>} : memref<8x2048xf32, #tpu.memory_space<vmem>>, vector<1x16xf32>,
      %parallel_loop3A_308 = arith.constant 3 : i32
      %parallel_loop3A_309 = arith.constant 0 : i32
      %parallel_loop3A_310 = arith.constant 0 : i32
      %parallel_loop3A_311 = tpu.memref_slice %arg7[%parallel_loop3A_45, %parallel_loop3A_309, %parallel_loop3A_310] : memref<3x8x2048xf32, #tpu.memory_space<vmem>> -> memref<1x8x2048xf32, #tpu.memory_space<vmem>>
      %parallel_loop3A_312 = tpu.memref_squeeze %parallel_loop3A_311 : memref<1x8x2048xf32, #tpu.memory_space<vmem>> -> memref<8x2048xf32, #tpu.memory_space<vmem>>
      %parallel_loop3A_313 = arith.index_cast %parallel_loop3A_308 : i32 to index
      %parallel_loop3A_314 = arith.index_cast %parallel_loop3A_244 : i32 to index
      %parallel_loop3A_315 = tpu.vector_load %parallel_loop3A_312[%parallel_loop3A_313, %parallel_loop3A_314] {strides = array<i32>} : memref<8x2048xf32, #tpu.memory_space<vmem>>, vector<1x16xf32>,
      %parallel_loop3A_316 = vector.shape_cast %parallel_loop3A_315 : vector<1x16xf32> to vector<16xf32>
      %parallel_loop3A_317 = vector.broadcast %squeeze3A : f32 to vector<16xf32>
      %parallel_loop3A_318 = arith.mulf %parallel_loop3A_316, %parallel_loop3A_317 : vector<16xf32>
      %parallel_loop3A_319 = arith.constant 3 : i32
      %parallel_loop3A_320 = arith.constant 0 : i32
      %parallel_loop3A_321 = arith.constant 0 : i32
      %parallel_loop3A_322 = tpu.memref_slice %arg8[%parallel_loop3A_46, %parallel_loop3A_320, %parallel_loop3A_321] : memref<3x8x2048xf32, #tpu.memory_space<vmem>> -> memref<1x8x2048xf32, #tpu.memory_space<vmem>>
      %parallel_loop3A_323 = tpu.memref_squeeze %parallel_loop3A_322 : memref<1x8x2048xf32, #tpu.memory_space<vmem>> -> memref<8x2048xf32, #tpu.memory_space<vmem>>
      %parallel_loop3A_324 = arith.index_cast %parallel_loop3A_319 : i32 to index
      %parallel_loop3A_325 = arith.index_cast %parallel_loop3A_244 : i32 to index
      %parallel_loop3A_326 = tpu.vector_load %parallel_loop3A_323[%parallel_loop3A_324, %parallel_loop3A_325] {strides = array<i32>} : memref<8x2048xf32, #tpu.memory_space<vmem>>, vector<1x16xf32>,
      %parallel_loop3A_327 = vector.shape_cast %parallel_loop3A_326 : vector<1x16xf32> to vector<16xf32>
      %parallel_loop3A_328 = vector.shape_cast %parallel_loop3A_318 : vector<16xf32> to vector<1x16xf32>
      tpu.vector_store %parallel_loop3A_323[%parallel_loop3A_324, %parallel_loop3A_325], %parallel_loop3A_328 {strides = array<i32>} : memref<8x2048xf32, #tpu.memory_space<vmem>>, vector<1x16xf32>,
      %parallel_loop3A_329 = arith.constant 4 : i32
      %parallel_loop3A_330 = arith.constant 0 : i32
      %parallel_loop3A_331 = arith.constant 0 : i32
      %parallel_loop3A_332 = tpu.memref_slice %arg7[%parallel_loop3A_45, %parallel_loop3A_330, %parallel_loop3A_331] : memref<3x8x2048xf32, #tpu.memory_space<vmem>> -> memref<1x8x2048xf32, #tpu.memory_space<vmem>>
      %parallel_loop3A_333 = tpu.memref_squeeze %parallel_loop3A_332 : memref<1x8x2048xf32, #tpu.memory_space<vmem>> -> memref<8x2048xf32, #tpu.memory_space<vmem>>
      %parallel_loop3A_334 = arith.index_cast %parallel_loop3A_329 : i32 to index
      %parallel_loop3A_335 = arith.index_cast %parallel_loop3A_244 : i32 to index
      %parallel_loop3A_336 = tpu.vector_load %parallel_loop3A_333[%parallel_loop3A_334, %parallel_loop3A_335] {strides = array<i32>} : memref<8x2048xf32, #tpu.memory_space<vmem>>, vector<1x16xf32>,
      %parallel_loop3A_337 = vector.shape_cast %parallel_loop3A_336 : vector<1x16xf32> to vector<16xf32>
      %parallel_loop3A_338 = vector.broadcast %squeeze3A : f32 to vector<16xf32>
      %parallel_loop3A_339 = arith.mulf %parallel_loop3A_337, %parallel_loop3A_338 : vector<16xf32>
      %parallel_loop3A_340 = arith.constant 4 : i32
      %parallel_loop3A_341 = arith.constant 0 : i32
      %parallel_loop3A_342 = arith.constant 0 : i32
      %parallel_loop3A_343 = tpu.memref_slice %arg8[%parallel_loop3A_46, %parallel_loop3A_341, %parallel_loop3A_342] : memref<3x8x2048xf32, #tpu.memory_space<vmem>> -> memref<1x8x2048xf32, #tpu.memory_space<vmem>>
      %parallel_loop3A_344 = tpu.memref_squeeze %parallel_loop3A_343 : memref<1x8x2048xf32, #tpu.memory_space<vmem>> -> memref<8x2048xf32, #tpu.memory_space<vmem>>
      %parallel_loop3A_345 = arith.index_cast %parallel_loop3A_340 : i32 to index
      %parallel_loop3A_346 = arith.index_cast %parallel_loop3A_244 : i32 to index
      %parallel_loop3A_347 = tpu.vector_load %parallel_loop3A_344[%parallel_loop3A_345, %parallel_loop3A_346] {strides = array<i32>} : memref<8x2048xf32, #tpu.memory_space<vmem>>, vector<1x16xf32>,
      %parallel_loop3A_348 = vector.shape_cast %parallel_loop3A_347 : vector<1x16xf32> to vector<16xf32>
      %parallel_loop3A_349 = vector.shape_cast %parallel_loop3A_339 : vector<16xf32> to vector<1x16xf32>
      tpu.vector_store %parallel_loop3A_344[%parallel_loop3A_345, %parallel_loop3A_346], %parallel_loop3A_349 {strides = array<i32>} : memref<8x2048xf32, #tpu.memory_space<vmem>>, vector<1x16xf32>,
      %parallel_loop3A_350 = arith.constant 5 : i32
      %parallel_loop3A_351 = arith.constant 0 : i32
      %parallel_loop3A_352 = arith.constant 0 : i32
      %parallel_loop3A_353 = tpu.memref_slice %arg7[%parallel_loop3A_45, %parallel_loop3A_351, %parallel_loop3A_352] : memref<3x8x2048xf32, #tpu.memory_space<vmem>> -> memref<1x8x2048xf32, #tpu.memory_space<vmem>>
      %parallel_loop3A_354 = tpu.memref_squeeze %parallel_loop3A_353 : memref<1x8x2048xf32, #tpu.memory_space<vmem>> -> memref<8x2048xf32, #tpu.memory_space<vmem>>
      %parallel_loop3A_355 = arith.index_cast %parallel_loop3A_350 : i32 to index
      %parallel_loop3A_356 = arith.index_cast %parallel_loop3A_244 : i32 to index
      %parallel_loop3A_357 = tpu.vector_load %parallel_loop3A_354[%parallel_loop3A_355, %parallel_loop3A_356] {strides = array<i32>} : memref<8x2048xf32, #tpu.memory_space<vmem>>, vector<1x16xf32>,
      %parallel_loop3A_358 = vector.shape_cast %parallel_loop3A_357 : vector<1x16xf32> to vector<16xf32>
      %parallel_loop3A_359 = vector.broadcast %squeeze3A : f32 to vector<16xf32>
      %parallel_loop3A_360 = arith.mulf %parallel_loop3A_358, %parallel_loop3A_359 : vector<16xf32>
      %parallel_loop3A_361 = arith.constant 5 : i32
      %parallel_loop3A_362 = arith.constant 0 : i32
      %parallel_loop3A_363 = arith.constant 0 : i32
      %parallel_loop3A_364 = tpu.memref_slice %arg8[%parallel_loop3A_46, %parallel_loop3A_362, %parallel_loop3A_363] : memref<3x8x2048xf32, #tpu.memory_space<vmem>> -> memref<1x8x2048xf32, #tpu.memory_space<vmem>>
      %parallel_loop3A_365 = tpu.memref_squeeze %parallel_loop3A_364 : memref<1x8x2048xf32, #tpu.memory_space<vmem>> -> memref<8x2048xf32, #tpu.memory_space<vmem>>
      %parallel_loop3A_366 = arith.index_cast %parallel_loop3A_361 : i32 to index
      %parallel_loop3A_367 = arith.index_cast %parallel_loop3A_244 : i32 to index
      %parallel_loop3A_368 = tpu.vector_load %parallel_loop3A_365[%parallel_loop3A_366, %parallel_loop3A_367] {strides = array<i32>} : memref<8x2048xf32, #tpu.memory_space<vmem>>, vector<1x16xf32>,
      %parallel_loop3A_369 = vector.shape_cast %parallel_loop3A_368 : vector<1x16xf32> to vector<16xf32>
      %parallel_loop3A_370 = vector.shape_cast %parallel_loop3A_360 : vector<16xf32> to vector<1x16xf32>
      tpu.vector_store %parallel_loop3A_365[%parallel_loop3A_366, %parallel_loop3A_367], %parallel_loop3A_370 {strides = array<i32>} : memref<8x2048xf32, #tpu.memory_space<vmem>>, vector<1x16xf32>,
      %parallel_loop3A_371 = arith.constant 6 : i32
      %parallel_loop3A_372 = arith.constant 0 : i32
      %parallel_loop3A_373 = arith.constant 0 : i32
      %parallel_loop3A_374 = tpu.memref_slice %arg7[%parallel_loop3A_45, %parallel_loop3A_372, %parallel_loop3A_373] : memref<3x8x2048xf32, #tpu.memory_space<vmem>> -> memref<1x8x2048xf32, #tpu.memory_space<vmem>>
      %parallel_loop3A_375 = tpu.memref_squeeze %parallel_loop3A_374 : memref<1x8x2048xf32, #tpu.memory_space<vmem>> -> memref<8x2048xf32, #tpu.memory_space<vmem>>
      %parallel_loop3A_376 = arith.index_cast %parallel_loop3A_371 : i32 to index
      %parallel_loop3A_377 = arith.index_cast %parallel_loop3A_244 : i32 to index
      %parallel_loop3A_378 = tpu.vector_load %parallel_loop3A_375[%parallel_loop3A_376, %parallel_loop3A_377] {strides = array<i32>} : memref<8x2048xf32, #tpu.memory_space<vmem>>, vector<1x16xf32>,
      %parallel_loop3A_379 = vector.shape_cast %parallel_loop3A_378 : vector<1x16xf32> to vector<16xf32>
      %parallel_loop3A_380 = vector.broadcast %squeeze3A : f32 to vector<16xf32>
      %parallel_loop3A_381 = arith.mulf %parallel_loop3A_379, %parallel_loop3A_380 : vector<16xf32>
      %parallel_loop3A_382 = arith.constant 6 : i32
      %parallel_loop3A_383 = arith.constant 0 : i32
      %parallel_loop3A_384 = arith.constant 0 : i32
      %parallel_loop3A_385 = tpu.memref_slice %arg8[%parallel_loop3A_46, %parallel_loop3A_383, %parallel_loop3A_384] : memref<3x8x2048xf32, #tpu.memory_space<vmem>> -> memref<1x8x2048xf32, #tpu.memory_space<vmem>>
      %parallel_loop3A_386 = tpu.memref_squeeze %parallel_loop3A_385 : memref<1x8x2048xf32, #tpu.memory_space<vmem>> -> memref<8x2048xf32, #tpu.memory_space<vmem>>
      %parallel_loop3A_387 = arith.index_cast %parallel_loop3A_382 : i32 to index
      %parallel_loop3A_388 = arith.index_cast %parallel_loop3A_244 : i32 to index
      %parallel_loop3A_389 = tpu.vector_load %parallel_loop3A_386[%parallel_loop3A_387, %parallel_loop3A_388] {strides = array<i32>} : memref<8x2048xf32, #tpu.memory_space<vmem>>, vector<1x16xf32>,
      %parallel_loop3A_390 = vector.shape_cast %parallel_loop3A_389 : vector<1x16xf32> to vector<16xf32>
      %parallel_loop3A_391 = vector.shape_cast %parallel_loop3A_381 : vector<16xf32> to vector<1x16xf32>
      tpu.vector_store %parallel_loop3A_386[%parallel_loop3A_387, %parallel_loop3A_388], %parallel_loop3A_391 {strides = array<i32>} : memref<8x2048xf32, #tpu.memory_space<vmem>>, vector<1x16xf32>,
      %parallel_loop3A_392 = arith.constant 7 : i32
      %parallel_loop3A_393 = arith.constant 0 : i32
      %parallel_loop3A_394 = arith.constant 0 : i32
      %parallel_loop3A_395 = tpu.memref_slice %arg7[%parallel_loop3A_45, %parallel_loop3A_393, %parallel_loop3A_394] : memref<3x8x2048xf32, #tpu.memory_space<vmem>> -> memref<1x8x2048xf32, #tpu.memory_space<vmem>>
      %parallel_loop3A_396 = tpu.memref_squeeze %parallel_loop3A_395 : memref<1x8x2048xf32, #tpu.memory_space<vmem>> -> memref<8x2048xf32, #tpu.memory_space<vmem>>
      %parallel_loop3A_397 = arith.index_cast %parallel_loop3A_392 : i32 to index
      %parallel_loop3A_398 = arith.index_cast %parallel_loop3A_244 : i32 to index
      %parallel_loop3A_399 = tpu.vector_load %parallel_loop3A_396[%parallel_loop3A_397, %parallel_loop3A_398] {strides = array<i32>} : memref<8x2048xf32, #tpu.memory_space<vmem>>, vector<1x16xf32>,
      %parallel_loop3A_400 = vector.shape_cast %parallel_loop3A_399 : vector<1x16xf32> to vector<16xf32>
      %parallel_loop3A_401 = vector.broadcast %squeeze3A : f32 to vector<16xf32>
      %parallel_loop3A_402 = arith.mulf %parallel_loop3A_400, %parallel_loop3A_401 : vector<16xf32>
      %parallel_loop3A_403 = arith.constant 7 : i32
      %parallel_loop3A_404 = arith.constant 0 : i32
      %parallel_loop3A_405 = arith.constant 0 : i32
      %parallel_loop3A_406 = tpu.memref_slice %arg8[%parallel_loop3A_46, %parallel_loop3A_404, %parallel_loop3A_405] : memref<3x8x2048xf32, #tpu.memory_space<vmem>> -> memref<1x8x2048xf32, #tpu.memory_space<vmem>>
      %parallel_loop3A_407 = tpu.memref_squeeze %parallel_loop3A_406 : memref<1x8x2048xf32, #tpu.memory_space<vmem>> -> memref<8x2048xf32, #tpu.memory_space<vmem>>
      %parallel_loop3A_408 = arith.index_cast %parallel_loop3A_403 : i32 to index
      %parallel_loop3A_409 = arith.index_cast %parallel_loop3A_244 : i32 to index
      %parallel_loop3A_410 = tpu.vector_load %parallel_loop3A_407[%parallel_loop3A_408, %parallel_loop3A_409] {strides = array<i32>} : memref<8x2048xf32, #tpu.memory_space<vmem>>, vector<1x16xf32>,
      %parallel_loop3A_411 = vector.shape_cast %parallel_loop3A_410 : vector<1x16xf32> to vector<16xf32>
      %parallel_loop3A_412 = vector.shape_cast %parallel_loop3A_402 : vector<16xf32> to vector<1x16xf32>
      tpu.vector_store %parallel_loop3A_407[%parallel_loop3A_408, %parallel_loop3A_409], %parallel_loop3A_412 {strides = array<i32>} : memref<8x2048xf32, #tpu.memory_space<vmem>>, vector<1x16xf32>,
    } {sc.loop_unroll_factor = 8 : i64, sc.parallel_access}
    %add3A_47 = arith.constant 0 : i32
    %add3A_48 = arith.addi %mul3A_4, %add3A_47 : i32
    %dma_start3A_49 = arith.constant 0 : i32
    %dma_start3A_50 = arith.constant 0 : i32
    %dma_start3A_51 = arith.constant 0 : i32
    %dma_start3A_52 = tpu.memref_slice %arg8[%dma_start3A_49, %dma_start3A_50, %dma_start3A_51] : memref<3x8x2048xf32, #tpu.memory_space<vmem>> -> memref<1x8x2048xf32, #tpu.memory_space<vmem>>
    %dma_start3A_53 = tpu.memref_squeeze %dma_start3A_52 : memref<1x8x2048xf32, #tpu.memory_space<vmem>> -> memref<8x2048xf32, #tpu.memory_space<vmem>>
    %dma_start3A_54 = arith.constant 0 : i32
    %dma_start3A_55 = tpu.memref_slice %arg5[%add3A_48, %dma_start3A_54] : memref<16384x2048xf32, #tpu.memory_space<hbm>> -> memref<8x2048xf32, #tpu.memory_space<hbm>>
    %dma_start3A_56 = arith.constant 0 : i32
    %dma_start3A_57 = tpu.memref_slice %arg5[%add3A_48, %dma_start3A_56] : memref<16384x2048xf32, #tpu.memory_space<hbm>> -> memref<8x2048xf32, #tpu.memory_space<hbm>>
    %dma_start3A_58 = arith.constant 0 : i32
    %dma_start3A_59 = arith.constant 0 : i32
    %dma_start3A_60 = tpu.memref_slice %arg8[%dma_start3A_49, %dma_start3A_58, %dma_start3A_59] : memref<3x8x2048xf32, #tpu.memory_space<vmem>> -> memref<1x8x2048xf32, #tpu.memory_space<vmem>>
    %dma_start3A_61 = tpu.memref_squeeze %dma_start3A_60 : memref<1x8x2048xf32, #tpu.memory_space<vmem>> -> memref<8x2048xf32, #tpu.memory_space<vmem>>
    tpu.enqueue_dma source(%dma_start3A_61 : memref<8x2048xf32, #tpu.memory_space<vmem>>) target(%dma_start3A_57 : memref<8x2048xf32, #tpu.memory_space<hbm>>) target_semaphore(%arg12 : memref<!tpu.dma_semaphore, #tpu.memory_space<semaphore_mem>>)
    %dma_start3A_62 = arith.constant 0 : i32
    %dma_start3A_63 = arith.constant 0 : i32
    %dma_start3A_64 = arith.constant 0 : i32
    %dma_start3A_65 = tpu.memref_slice %arg7[%dma_start3A_62, %dma_start3A_63, %dma_start3A_64] : memref<3x8x2048xf32, #tpu.memory_space<vmem>> -> memref<1x8x2048xf32, #tpu.memory_space<vmem>>
    %dma_start3A_66 = tpu.memref_squeeze %dma_start3A_65 : memref<1x8x2048xf32, #tpu.memory_space<vmem>> -> memref<8x2048xf32, #tpu.memory_space<vmem>>
    %dma_start3A_67 = arith.constant 24 : i32
    %dma_start3A_68 = tpu.memref_slice %arg6[%dma_start3A_67] : memref<512xi32, #tpu.memory_space<vmem>> -> memref<8xi32, #tpu.memory_space<vmem>>
    %dma_start3A_69 = arith.constant 0 : i32
    %dma_start3A_70 = arith.constant 0 : i32
    %dma_start3A_71 = tpu.memref_slice %arg3[%dma_start3A_69, %dma_start3A_70] : memref<100000x2048xf32, #tpu.memory_space<hbm>> -> memref<100000x2048xf32, #tpu.memory_space<hbm>>
    tpu.enqueue_indirect_dma source(%dma_start3A_71 : memref<100000x2048xf32, #tpu.memory_space<hbm>>) target(%dma_start3A_66 : memref<8x2048xf32, #tpu.memory_space<vmem>>) offsets(%dma_start3A_68 : memref<8xi32, #tpu.memory_space<vmem>>) semaphore(%arg9 : memref<!tpu.dma_semaphore, #tpu.memory_space<semaphore_mem>>)
    %dma_wait3A_72 = arith.constant 1 : i32
    %dma_wait3A_73 = arith.constant 0 : i32
    %dma_wait3A_74 = arith.constant 0 : i32
    %dma_wait3A_75 = tpu.memref_slice %arg7[%dma_wait3A_72, %dma_wait3A_73, %dma_wait3A_74] : memref<3x8x2048xf32, #tpu.memory_space<vmem>> -> memref<1x8x2048xf32, #tpu.memory_space<vmem>>
    %dma_wait3A_76 = tpu.memref_squeeze %dma_wait3A_75 : memref<1x8x2048xf32, #tpu.memory_space<vmem>> -> memref<8x2048xf32, #tpu.memory_space<vmem>>
    %dma_wait3A_77 = arith.constant 8 : i32
    %dma_wait3A_78 = tpu.memref_slice %arg6[%dma_wait3A_77] : memref<512xi32, #tpu.memory_space<vmem>> -> memref<8xi32, #tpu.memory_space<vmem>>
    %dma_wait3A_79 = arith.constant 0 : i32
    %dma_wait3A_80 = arith.constant 0 : i32
    %dma_wait3A_81 = tpu.memref_slice %arg3[%dma_wait3A_79, %dma_wait3A_80] : memref<100000x2048xf32, #tpu.memory_space<hbm>> -> memref<100000x2048xf32, #tpu.memory_space<hbm>>
    tpu.wait_indirect_dma semaphore(%arg10 : memref<!tpu.dma_semaphore, #tpu.memory_space<semaphore_mem>>) src(%dma_wait3A_81 : memref<100000x2048xf32, #tpu.memory_space<hbm>>) dst(%dma_wait3A_76 : memref<8x2048xf32, #tpu.memory_space<vmem>>)
    %parallel_loop3A_82 = arith.constant 0 : i32
    %parallel_loop3A_83 = arith.constant 128 : i32
    %parallel_loop3A_84 = arith.constant 1 : i32
    %parallel_loop3A_85 = arith.constant 1 : i32
    %parallel_loop3A_86 = arith.constant 1 : i32
    scf.for %parallel_loop3A_242 = %parallel_loop3A_82 to %parallel_loop3A_83 step %parallel_loop3A_84  : i32 {
      %parallel_loop3A_243 = arith.constant 16 : i32
      %parallel_loop3A_244 = arith.muli %parallel_loop3A_242, %parallel_loop3A_243 : i32
      %parallel_loop3A_245 = arith.constant 0 : i32
      %parallel_loop3A_246 = arith.constant 0 : i32
      %parallel_loop3A_247 = arith.constant 0 : i32
      %parallel_loop3A_248 = tpu.memref_slice %arg7[%parallel_loop3A_85, %parallel_loop3A_246, %parallel_loop3A_247] : memref<3x8x2048xf32, #tpu.memory_space<vmem>> -> memref<1x8x2048xf32, #tpu.memory_space<vmem>>
      %parallel_loop3A_249 = tpu.memref_squeeze %parallel_loop3A_248 : memref<1x8x2048xf32, #tpu.memory_space<vmem>> -> memref<8x2048xf32, #tpu.memory_space<vmem>>
      %parallel_loop3A_250 = arith.index_cast %parallel_loop3A_245 : i32 to index
      %parallel_loop3A_251 = arith.index_cast %parallel_loop3A_244 : i32 to index
      %parallel_loop3A_252 = tpu.vector_load %parallel_loop3A_249[%parallel_loop3A_250, %parallel_loop3A_251] {strides = array<i32>} : memref<8x2048xf32, #tpu.memory_space<vmem>>, vector<1x16xf32>,
      %parallel_loop3A_253 = vector.shape_cast %parallel_loop3A_252 : vector<1x16xf32> to vector<16xf32>
      %parallel_loop3A_254 = vector.broadcast %squeeze3A : f32 to vector<16xf32>
      %parallel_loop3A_255 = arith.mulf %parallel_loop3A_253, %parallel_loop3A_254 : vector<16xf32>
      %parallel_loop3A_256 = arith.constant 0 : i32
      %parallel_loop3A_257 = arith.constant 0 : i32
      %parallel_loop3A_258 = arith.constant 0 : i32
      %parallel_loop3A_259 = tpu.memref_slice %arg8[%parallel_loop3A_86, %parallel_loop3A_257, %parallel_loop3A_258] : memref<3x8x2048xf32, #tpu.memory_space<vmem>> -> memref<1x8x2048xf32, #tpu.memory_space<vmem>>
      %parallel_loop3A_260 = tpu.memref_squeeze %parallel_loop3A_259 : memref<1x8x2048xf32, #tpu.memory_space<vmem>> -> memref<8x2048xf32, #tpu.memory_space<vmem>>
      %parallel_loop3A_261 = arith.index_cast %parallel_loop3A_256 : i32 to index
      %parallel_loop3A_262 = arith.index_cast %parallel_loop3A_244 : i32 to index
      %parallel_loop3A_263 = tpu.vector_load %parallel_loop3A_260[%parallel_loop3A_261, %parallel_loop3A_262] {strides = array<i32>} : memref<8x2048xf32, #tpu.memory_space<vmem>>, vector<1x16xf32>,
      %parallel_loop3A_264 = vector.shape_cast %parallel_loop3A_263 : vector<1x16xf32> to vector<16xf32>
      %parallel_loop3A_265 = vector.shape_cast %parallel_loop3A_255 : vector<16xf32> to vector<1x16xf32>
      tpu.vector_store %parallel_loop3A_260[%parallel_loop3A_261, %parallel_loop3A_262], %parallel_loop3A_265 {strides = array<i32>} : memref<8x2048xf32, #tpu.memory_space<vmem>>, vector<1x16xf32>,
      %parallel_loop3A_266 = arith.constant 1 : i32
      %parallel_loop3A_267 = arith.constant 0 : i32
      %parallel_loop3A_268 = arith.constant 0 : i32
      %parallel_loop3A_269 = tpu.memref_slice %arg7[%parallel_loop3A_85, %parallel_loop3A_267, %parallel_loop3A_268] : memref<3x8x2048xf32, #tpu.memory_space<vmem>> -> memref<1x8x2048xf32, #tpu.memory_space<vmem>>
      %parallel_loop3A_270 = tpu.memref_squeeze %parallel_loop3A_269 : memref<1x8x2048xf32, #tpu.memory_space<vmem>> -> memref<8x2048xf32, #tpu.memory_space<vmem>>
      %parallel_loop3A_271 = arith.index_cast %parallel_loop3A_266 : i32 to index
      %parallel_loop3A_272 = arith.index_cast %parallel_loop3A_244 : i32 to index
      %parallel_loop3A_273 = tpu.vector_load %parallel_loop3A_270[%parallel_loop3A_271, %parallel_loop3A_272] {strides = array<i32>} : memref<8x2048xf32, #tpu.memory_space<vmem>>, vector<1x16xf32>,
      %parallel_loop3A_274 = vector.shape_cast %parallel_loop3A_273 : vector<1x16xf32> to vector<16xf32>
      %parallel_loop3A_275 = vector.broadcast %squeeze3A : f32 to vector<16xf32>
      %parallel_loop3A_276 = arith.mulf %parallel_loop3A_274, %parallel_loop3A_275 : vector<16xf32>
      %parallel_loop3A_277 = arith.constant 1 : i32
      %parallel_loop3A_278 = arith.constant 0 : i32
      %parallel_loop3A_279 = arith.constant 0 : i32
      %parallel_loop3A_280 = tpu.memref_slice %arg8[%parallel_loop3A_86, %parallel_loop3A_278, %parallel_loop3A_279] : memref<3x8x2048xf32, #tpu.memory_space<vmem>> -> memref<1x8x2048xf32, #tpu.memory_space<vmem>>
      %parallel_loop3A_281 = tpu.memref_squeeze %parallel_loop3A_280 : memref<1x8x2048xf32, #tpu.memory_space<vmem>> -> memref<8x2048xf32, #tpu.memory_space<vmem>>
      %parallel_loop3A_282 = arith.index_cast %parallel_loop3A_277 : i32 to index
      %parallel_loop3A_283 = arith.index_cast %parallel_loop3A_244 : i32 to index
      %parallel_loop3A_284 = tpu.vector_load %parallel_loop3A_281[%parallel_loop3A_282, %parallel_loop3A_283] {strides = array<i32>} : memref<8x2048xf32, #tpu.memory_space<vmem>>, vector<1x16xf32>,
      %parallel_loop3A_285 = vector.shape_cast %parallel_loop3A_284 : vector<1x16xf32> to vector<16xf32>
      %parallel_loop3A_286 = vector.shape_cast %parallel_loop3A_276 : vector<16xf32> to vector<1x16xf32>
      tpu.vector_store %parallel_loop3A_281[%parallel_loop3A_282, %parallel_loop3A_283], %parallel_loop3A_286 {strides = array<i32>} : memref<8x2048xf32, #tpu.memory_space<vmem>>, vector<1x16xf32>,
      %parallel_loop3A_287 = arith.constant 2 : i32
      %parallel_loop3A_288 = arith.constant 0 : i32
      %parallel_loop3A_289 = arith.constant 0 : i32
      %parallel_loop3A_290 = tpu.memref_slice %arg7[%parallel_loop3A_85, %parallel_loop3A_288, %parallel_loop3A_289] : memref<3x8x2048xf32, #tpu.memory_space<vmem>> -> memref<1x8x2048xf32, #tpu.memory_space<vmem>>
      %parallel_loop3A_291 = tpu.memref_squeeze %parallel_loop3A_290 : memref<1x8x2048xf32, #tpu.memory_space<vmem>> -> memref<8x2048xf32, #tpu.memory_space<vmem>>
      %parallel_loop3A_292 = arith.index_cast %parallel_loop3A_287 : i32 to index
      %parallel_loop3A_293 = arith.index_cast %parallel_loop3A_244 : i32 to index
      %parallel_loop3A_294 = tpu.vector_load %parallel_loop3A_291[%parallel_loop3A_292, %parallel_loop3A_293] {strides = array<i32>} : memref<8x2048xf32, #tpu.memory_space<vmem>>, vector<1x16xf32>,
      %parallel_loop3A_295 = vector.shape_cast %parallel_loop3A_294 : vector<1x16xf32> to vector<16xf32>
      %parallel_loop3A_296 = vector.broadcast %squeeze3A : f32 to vector<16xf32>
      %parallel_loop3A_297 = arith.mulf %parallel_loop3A_295, %parallel_loop3A_296 : vector<16xf32>
      %parallel_loop3A_298 = arith.constant 2 : i32
      %parallel_loop3A_299 = arith.constant 0 : i32
      %parallel_loop3A_300 = arith.constant 0 : i32
      %parallel_loop3A_301 = tpu.memref_slice %arg8[%parallel_loop3A_86, %parallel_loop3A_299, %parallel_loop3A_300] : memref<3x8x2048xf32, #tpu.memory_space<vmem>> -> memref<1x8x2048xf32, #tpu.memory_space<vmem>>
      %parallel_loop3A_302 = tpu.memref_squeeze %parallel_loop3A_301 : memref<1x8x2048xf32, #tpu.memory_space<vmem>> -> memref<8x2048xf32, #tpu.memory_space<vmem>>
      %parallel_loop3A_303 = arith.index_cast %parallel_loop3A_298 : i32 to index
      %parallel_loop3A_304 = arith.index_cast %parallel_loop3A_244 : i32 to index
      %parallel_loop3A_305 = tpu.vector_load %parallel_loop3A_302[%parallel_loop3A_303, %parallel_loop3A_304] {strides = array<i32>} : memref<8x2048xf32, #tpu.memory_space<vmem>>, vector<1x16xf32>,
      %parallel_loop3A_306 = vector.shape_cast %parallel_loop3A_305 : vector<1x16xf32> to vector<16xf32>
      %parallel_loop3A_307 = vector.shape_cast %parallel_loop3A_297 : vector<16xf32> to vector<1x16xf32>
      tpu.vector_store %parallel_loop3A_302[%parallel_loop3A_303, %parallel_loop3A_304], %parallel_loop3A_307 {strides = array<i32>} : memref<8x2048xf32, #tpu.memory_space<vmem>>, vector<1x16xf32>,
      %parallel_loop3A_308 = arith.constant 3 : i32
      %parallel_loop3A_309 = arith.constant 0 : i32
      %parallel_loop3A_310 = arith.constant 0 : i32
      %parallel_loop3A_311 = tpu.memref_slice %arg7[%parallel_loop3A_85, %parallel_loop3A_309, %parallel_loop3A_310] : memref<3x8x2048xf32, #tpu.memory_space<vmem>> -> memref<1x8x2048xf32, #tpu.memory_space<vmem>>
      %parallel_loop3A_312 = tpu.memref_squeeze %parallel_loop3A_311 : memref<1x8x2048xf32, #tpu.memory_space<vmem>> -> memref<8x2048xf32, #tpu.memory_space<vmem>>
      %parallel_loop3A_313 = arith.index_cast %parallel_loop3A_308 : i32 to index
      %parallel_loop3A_314 = arith.index_cast %parallel_loop3A_244 : i32 to index
      %parallel_loop3A_315 = tpu.vector_load %parallel_loop3A_312[%parallel_loop3A_313, %parallel_loop3A_314] {strides = array<i32>} : memref<8x2048xf32, #tpu.memory_space<vmem>>, vector<1x16xf32>,
      %parallel_loop3A_316 = vector.shape_cast %parallel_loop3A_315 : vector<1x16xf32> to vector<16xf32>
      %parallel_loop3A_317 = vector.broadcast %squeeze3A : f32 to vector<16xf32>
      %parallel_loop3A_318 = arith.mulf %parallel_loop3A_316, %parallel_loop3A_317 : vector<16xf32>
      %parallel_loop3A_319 = arith.constant 3 : i32
      %parallel_loop3A_320 = arith.constant 0 : i32
      %parallel_loop3A_321 = arith.constant 0 : i32
      %parallel_loop3A_322 = tpu.memref_slice %arg8[%parallel_loop3A_86, %parallel_loop3A_320, %parallel_loop3A_321] : memref<3x8x2048xf32, #tpu.memory_space<vmem>> -> memref<1x8x2048xf32, #tpu.memory_space<vmem>>
      %parallel_loop3A_323 = tpu.memref_squeeze %parallel_loop3A_322 : memref<1x8x2048xf32, #tpu.memory_space<vmem>> -> memref<8x2048xf32, #tpu.memory_space<vmem>>
      %parallel_loop3A_324 = arith.index_cast %parallel_loop3A_319 : i32 to index
      %parallel_loop3A_325 = arith.index_cast %parallel_loop3A_244 : i32 to index
      %parallel_loop3A_326 = tpu.vector_load %parallel_loop3A_323[%parallel_loop3A_324, %parallel_loop3A_325] {strides = array<i32>} : memref<8x2048xf32, #tpu.memory_space<vmem>>, vector<1x16xf32>,
      %parallel_loop3A_327 = vector.shape_cast %parallel_loop3A_326 : vector<1x16xf32> to vector<16xf32>
      %parallel_loop3A_328 = vector.shape_cast %parallel_loop3A_318 : vector<16xf32> to vector<1x16xf32>
      tpu.vector_store %parallel_loop3A_323[%parallel_loop3A_324, %parallel_loop3A_325], %parallel_loop3A_328 {strides = array<i32>} : memref<8x2048xf32, #tpu.memory_space<vmem>>, vector<1x16xf32>,
      %parallel_loop3A_329 = arith.constant 4 : i32
      %parallel_loop3A_330 = arith.constant 0 : i32
      %parallel_loop3A_331 = arith.constant 0 : i32
      %parallel_loop3A_332 = tpu.memref_slice %arg7[%parallel_loop3A_85, %parallel_loop3A_330, %parallel_loop3A_331] : memref<3x8x2048xf32, #tpu.memory_space<vmem>> -> memref<1x8x2048xf32, #tpu.memory_space<vmem>>
      %parallel_loop3A_333 = tpu.memref_squeeze %parallel_loop3A_332 : memref<1x8x2048xf32, #tpu.memory_space<vmem>> -> memref<8x2048xf32, #tpu.memory_space<vmem>>
      %parallel_loop3A_334 = arith.index_cast %parallel_loop3A_329 : i32 to index
      %parallel_loop3A_335 = arith.index_cast %parallel_loop3A_244 : i32 to index
      %parallel_loop3A_336 = tpu.vector_load %parallel_loop3A_333[%parallel_loop3A_334, %parallel_loop3A_335] {strides = array<i32>} : memref<8x2048xf32, #tpu.memory_space<vmem>>, vector<1x16xf32>,
      %parallel_loop3A_337 = vector.shape_cast %parallel_loop3A_336 : vector<1x16xf32> to vector<16xf32>
      %parallel_loop3A_338 = vector.broadcast %squeeze3A : f32 to vector<16xf32>
      %parallel_loop3A_339 = arith.mulf %parallel_loop3A_337, %parallel_loop3A_338 : vector<16xf32>
      %parallel_loop3A_340 = arith.constant 4 : i32
      %parallel_loop3A_341 = arith.constant 0 : i32
      %parallel_loop3A_342 = arith.constant 0 : i32
      %parallel_loop3A_343 = tpu.memref_slice %arg8[%parallel_loop3A_86, %parallel_loop3A_341, %parallel_loop3A_342] : memref<3x8x2048xf32, #tpu.memory_space<vmem>> -> memref<1x8x2048xf32, #tpu.memory_space<vmem>>
      %parallel_loop3A_344 = tpu.memref_squeeze %parallel_loop3A_343 : memref<1x8x2048xf32, #tpu.memory_space<vmem>> -> memref<8x2048xf32, #tpu.memory_space<vmem>>
      %parallel_loop3A_345 = arith.index_cast %parallel_loop3A_340 : i32 to index
      %parallel_loop3A_346 = arith.index_cast %parallel_loop3A_244 : i32 to index
      %parallel_loop3A_347 = tpu.vector_load %parallel_loop3A_344[%parallel_loop3A_345, %parallel_loop3A_346] {strides = array<i32>} : memref<8x2048xf32, #tpu.memory_space<vmem>>, vector<1x16xf32>,
      %parallel_loop3A_348 = vector.shape_cast %parallel_loop3A_347 : vector<1x16xf32> to vector<16xf32>
      %parallel_loop3A_349 = vector.shape_cast %parallel_loop3A_339 : vector<16xf32> to vector<1x16xf32>
      tpu.vector_store %parallel_loop3A_344[%parallel_loop3A_345, %parallel_loop3A_346], %parallel_loop3A_349 {strides = array<i32>} : memref<8x2048xf32, #tpu.memory_space<vmem>>, vector<1x16xf32>,
      %parallel_loop3A_350 = arith.constant 5 : i32
      %parallel_loop3A_351 = arith.constant 0 : i32
      %parallel_loop3A_352 = arith.constant 0 : i32
      %parallel_loop3A_353 = tpu.memref_slice %arg7[%parallel_loop3A_85, %parallel_loop3A_351, %parallel_loop3A_352] : memref<3x8x2048xf32, #tpu.memory_space<vmem>> -> memref<1x8x2048xf32, #tpu.memory_space<vmem>>
      %parallel_loop3A_354 = tpu.memref_squeeze %parallel_loop3A_353 : memref<1x8x2048xf32, #tpu.memory_space<vmem>> -> memref<8x2048xf32, #tpu.memory_space<vmem>>
      %parallel_loop3A_355 = arith.index_cast %parallel_loop3A_350 : i32 to index
      %parallel_loop3A_356 = arith.index_cast %parallel_loop3A_244 : i32 to index
      %parallel_loop3A_357 = tpu.vector_load %parallel_loop3A_354[%parallel_loop3A_355, %parallel_loop3A_356] {strides = array<i32>} : memref<8x2048xf32, #tpu.memory_space<vmem>>, vector<1x16xf32>,
      %parallel_loop3A_358 = vector.shape_cast %parallel_loop3A_357 : vector<1x16xf32> to vector<16xf32>
      %parallel_loop3A_359 = vector.broadcast %squeeze3A : f32 to vector<16xf32>
      %parallel_loop3A_360 = arith.mulf %parallel_loop3A_358, %parallel_loop3A_359 : vector<16xf32>
      %parallel_loop3A_361 = arith.constant 5 : i32
      %parallel_loop3A_362 = arith.constant 0 : i32
      %parallel_loop3A_363 = arith.constant 0 : i32
      %parallel_loop3A_364 = tpu.memref_slice %arg8[%parallel_loop3A_86, %parallel_loop3A_362, %parallel_loop3A_363] : memref<3x8x2048xf32, #tpu.memory_space<vmem>> -> memref<1x8x2048xf32, #tpu.memory_space<vmem>>
      %parallel_loop3A_365 = tpu.memref_squeeze %parallel_loop3A_364 : memref<1x8x2048xf32, #tpu.memory_space<vmem>> -> memref<8x2048xf32, #tpu.memory_space<vmem>>
      %parallel_loop3A_366 = arith.index_cast %parallel_loop3A_361 : i32 to index
      %parallel_loop3A_367 = arith.index_cast %parallel_loop3A_244 : i32 to index
      %parallel_loop3A_368 = tpu.vector_load %parallel_loop3A_365[%parallel_loop3A_366, %parallel_loop3A_367] {strides = array<i32>} : memref<8x2048xf32, #tpu.memory_space<vmem>>, vector<1x16xf32>,
      %parallel_loop3A_369 = vector.shape_cast %parallel_loop3A_368 : vector<1x16xf32> to vector<16xf32>
      %parallel_loop3A_370 = vector.shape_cast %parallel_loop3A_360 : vector<16xf32> to vector<1x16xf32>
      tpu.vector_store %parallel_loop3A_365[%parallel_loop3A_366, %parallel_loop3A_367], %parallel_loop3A_370 {strides = array<i32>} : memref<8x2048xf32, #tpu.memory_space<vmem>>, vector<1x16xf32>,
      %parallel_loop3A_371 = arith.constant 6 : i32
      %parallel_loop3A_372 = arith.constant 0 : i32
      %parallel_loop3A_373 = arith.constant 0 : i32
      %parallel_loop3A_374 = tpu.memref_slice %arg7[%parallel_loop3A_85, %parallel_loop3A_372, %parallel_loop3A_373] : memref<3x8x2048xf32, #tpu.memory_space<vmem>> -> memref<1x8x2048xf32, #tpu.memory_space<vmem>>
      %parallel_loop3A_375 = tpu.memref_squeeze %parallel_loop3A_374 : memref<1x8x2048xf32, #tpu.memory_space<vmem>> -> memref<8x2048xf32, #tpu.memory_space<vmem>>
      %parallel_loop3A_376 = arith.index_cast %parallel_loop3A_371 : i32 to index
      %parallel_loop3A_377 = arith.index_cast %parallel_loop3A_244 : i32 to index
      %parallel_loop3A_378 = tpu.vector_load %parallel_loop3A_375[%parallel_loop3A_376, %parallel_loop3A_377] {strides = array<i32>} : memref<8x2048xf32, #tpu.memory_space<vmem>>, vector<1x16xf32>,
      %parallel_loop3A_379 = vector.shape_cast %parallel_loop3A_378 : vector<1x16xf32> to vector<16xf32>
      %parallel_loop3A_380 = vector.broadcast %squeeze3A : f32 to vector<16xf32>
      %parallel_loop3A_381 = arith.mulf %parallel_loop3A_379, %parallel_loop3A_380 : vector<16xf32>
      %parallel_loop3A_382 = arith.constant 6 : i32
      %parallel_loop3A_383 = arith.constant 0 : i32
      %parallel_loop3A_384 = arith.constant 0 : i32
      %parallel_loop3A_385 = tpu.memref_slice %arg8[%parallel_loop3A_86, %parallel_loop3A_383, %parallel_loop3A_384] : memref<3x8x2048xf32, #tpu.memory_space<vmem>> -> memref<1x8x2048xf32, #tpu.memory_space<vmem>>
      %parallel_loop3A_386 = tpu.memref_squeeze %parallel_loop3A_385 : memref<1x8x2048xf32, #tpu.memory_space<vmem>> -> memref<8x2048xf32, #tpu.memory_space<vmem>>
      %parallel_loop3A_387 = arith.index_cast %parallel_loop3A_382 : i32 to index
      %parallel_loop3A_388 = arith.index_cast %parallel_loop3A_244 : i32 to index
      %parallel_loop3A_389 = tpu.vector_load %parallel_loop3A_386[%parallel_loop3A_387, %parallel_loop3A_388] {strides = array<i32>} : memref<8x2048xf32, #tpu.memory_space<vmem>>, vector<1x16xf32>,
      %parallel_loop3A_390 = vector.shape_cast %parallel_loop3A_389 : vector<1x16xf32> to vector<16xf32>
      %parallel_loop3A_391 = vector.shape_cast %parallel_loop3A_381 : vector<16xf32> to vector<1x16xf32>
      tpu.vector_store %parallel_loop3A_386[%parallel_loop3A_387, %parallel_loop3A_388], %parallel_loop3A_391 {strides = array<i32>} : memref<8x2048xf32, #tpu.memory_space<vmem>>, vector<1x16xf32>,
      %parallel_loop3A_392 = arith.constant 7 : i32
      %parallel_loop3A_393 = arith.constant 0 : i32
      %parallel_loop3A_394 = arith.constant 0 : i32
      %parallel_loop3A_395 = tpu.memref_slice %arg7[%parallel_loop3A_85, %parallel_loop3A_393, %parallel_loop3A_394] : memref<3x8x2048xf32, #tpu.memory_space<vmem>> -> memref<1x8x2048xf32, #tpu.memory_space<vmem>>
      %parallel_loop3A_396 = tpu.memref_squeeze %parallel_loop3A_395 : memref<1x8x2048xf32, #tpu.memory_space<vmem>> -> memref<8x2048xf32, #tpu.memory_space<vmem>>
      %parallel_loop3A_397 = arith.index_cast %parallel_loop3A_392 : i32 to index
      %parallel_loop3A_398 = arith.index_cast %parallel_loop3A_244 : i32 to index
      %parallel_loop3A_399 = tpu.vector_load %parallel_loop3A_396[%parallel_loop3A_397, %parallel_loop3A_398] {strides = array<i32>} : memref<8x2048xf32, #tpu.memory_space<vmem>>, vector<1x16xf32>,
      %parallel_loop3A_400 = vector.shape_cast %parallel_loop3A_399 : vector<1x16xf32> to vector<16xf32>
      %parallel_loop3A_401 = vector.broadcast %squeeze3A : f32 to vector<16xf32>
      %parallel_loop3A_402 = arith.mulf %parallel_loop3A_400, %parallel_loop3A_401 : vector<16xf32>
      %parallel_loop3A_403 = arith.constant 7 : i32
      %parallel_loop3A_404 = arith.constant 0 : i32
      %parallel_loop3A_405 = arith.constant 0 : i32
      %parallel_loop3A_406 = tpu.memref_slice %arg8[%parallel_loop3A_86, %parallel_loop3A_404, %parallel_loop3A_405] : memref<3x8x2048xf32, #tpu.memory_space<vmem>> -> memref<1x8x2048xf32, #tpu.memory_space<vmem>>
      %parallel_loop3A_407 = tpu.memref_squeeze %parallel_loop3A_406 : memref<1x8x2048xf32, #tpu.memory_space<vmem>> -> memref<8x2048xf32, #tpu.memory_space<vmem>>
      %parallel_loop3A_408 = arith.index_cast %parallel_loop3A_403 : i32 to index
      %parallel_loop3A_409 = arith.index_cast %parallel_loop3A_244 : i32 to index
      %parallel_loop3A_410 = tpu.vector_load %parallel_loop3A_407[%parallel_loop3A_408, %parallel_loop3A_409] {strides = array<i32>} : memref<8x2048xf32, #tpu.memory_space<vmem>>, vector<1x16xf32>,
      %parallel_loop3A_411 = vector.shape_cast %parallel_loop3A_410 : vector<1x16xf32> to vector<16xf32>
      %parallel_loop3A_412 = vector.shape_cast %parallel_loop3A_402 : vector<16xf32> to vector<1x16xf32>
      tpu.vector_store %parallel_loop3A_407[%parallel_loop3A_408, %parallel_loop3A_409], %parallel_loop3A_412 {strides = array<i32>} : memref<8x2048xf32, #tpu.memory_space<vmem>>, vector<1x16xf32>,
    } {sc.loop_unroll_factor = 8 : i64, sc.parallel_access}
    %add3A_87 = arith.constant 8 : i32
    %add3A_88 = arith.addi %mul3A_4, %add3A_87 : i32
    %dma_start3A_89 = arith.constant 1 : i32
    %dma_start3A_90 = arith.constant 0 : i32
    %dma_start3A_91 = arith.constant 0 : i32
    %dma_start3A_92 = tpu.memref_slice %arg8[%dma_start3A_89, %dma_start3A_90, %dma_start3A_91] : memref<3x8x2048xf32, #tpu.memory_space<vmem>> -> memref<1x8x2048xf32, #tpu.memory_space<vmem>>
    %dma_start3A_93 = tpu.memref_squeeze %dma_start3A_92 : memref<1x8x2048xf32, #tpu.memory_space<vmem>> -> memref<8x2048xf32, #tpu.memory_space<vmem>>
    %dma_start3A_94 = arith.constant 0 : i32
    %dma_start3A_95 = tpu.memref_slice %arg5[%add3A_88, %dma_start3A_94] : memref<16384x2048xf32, #tpu.memory_space<hbm>> -> memref<8x2048xf32, #tpu.memory_space<hbm>>
    %dma_start3A_96 = arith.constant 0 : i32
    %dma_start3A_97 = tpu.memref_slice %arg5[%add3A_88, %dma_start3A_96] : memref<16384x2048xf32, #tpu.memory_space<hbm>> -> memref<8x2048xf32, #tpu.memory_space<hbm>>
    %dma_start3A_98 = arith.constant 0 : i32
    %dma_start3A_99 = arith.constant 0 : i32
    %dma_start3A_100 = tpu.memref_slice %arg8[%dma_start3A_89, %dma_start3A_98, %dma_start3A_99] : memref<3x8x2048xf32, #tpu.memory_space<vmem>> -> memref<1x8x2048xf32, #tpu.memory_space<vmem>>
    %dma_start3A_101 = tpu.memref_squeeze %dma_start3A_100 : memref<1x8x2048xf32, #tpu.memory_space<vmem>> -> memref<8x2048xf32, #tpu.memory_space<vmem>>
    tpu.enqueue_dma source(%dma_start3A_101 : memref<8x2048xf32, #tpu.memory_space<vmem>>) target(%dma_start3A_97 : memref<8x2048xf32, #tpu.memory_space<hbm>>) target_semaphore(%arg13 : memref<!tpu.dma_semaphore, #tpu.memory_space<semaphore_mem>>)
    %scan3A = arith.constant 0 : i32
    %scan3A_102 = arith.constant 0 : i32
    %scan3A_103 = arith.constant 20 : i32
    %scan3A_104 = arith.addi %scan3A_102, %scan3A_103 : i32
    %scan3A_105 = arith.constant 1 : i32
    scf.for %scan3A_242 = %scan3A_102 to %scan3A_104 step %scan3A_105  : i32 {
      %mul3A_243 = arith.constant 3 : i32
      %mul3A_244 = arith.muli %mul3A_243, %scan3A_242 : i32
      %add3A_245 = arith.constant 2 : i32
      %add3A_246 = arith.addi %mul3A_244, %add3A_245 : i32
      %add3A_247 = arith.constant 0 : i32
      %add3A_248 = arith.addi %add3A_246, %add3A_247 : i32
      %add3A_249 = arith.constant 2 : i32
      %add3A_250 = arith.addi %add3A_248, %add3A_249 : i32
      %mul3A_251 = arith.constant 8 : i32
      %mul3A_252 = arith.muli %add3A_250, %mul3A_251 : i32
      %dma_start3A_253 = arith.constant 1 : i32
      %dma_start3A_254 = arith.constant 0 : i32
      %dma_start3A_255 = arith.constant 0 : i32
      %dma_start3A_256 = tpu.memref_slice %arg7[%dma_start3A_253, %dma_start3A_254, %dma_start3A_255] : memref<3x8x2048xf32, #tpu.memory_space<vmem>> -> memref<1x8x2048xf32, #tpu.memory_space<vmem>>
      %dma_start3A_257 = tpu.memref_squeeze %dma_start3A_256 : memref<1x8x2048xf32, #tpu.memory_space<vmem>> -> memref<8x2048xf32, #tpu.memory_space<vmem>>
      %dma_start3A_258 = tpu.memref_slice %arg6[%mul3A_252] : memref<512xi32, #tpu.memory_space<vmem>> -> memref<8xi32, #tpu.memory_space<vmem>>
      %dma_start3A_259 = arith.constant 0 : i32
      %dma_start3A_260 = arith.constant 0 : i32
      %dma_start3A_261 = tpu.memref_slice %arg3[%dma_start3A_259, %dma_start3A_260] : memref<100000x2048xf32, #tpu.memory_space<hbm>> -> memref<100000x2048xf32, #tpu.memory_space<hbm>>
      tpu.enqueue_indirect_dma source(%dma_start3A_261 : memref<100000x2048xf32, #tpu.memory_space<hbm>>) target(%dma_start3A_257 : memref<8x2048xf32, #tpu.memory_space<vmem>>) offsets(%dma_start3A_258 : memref<8xi32, #tpu.memory_space<vmem>>) semaphore(%arg10 : memref<!tpu.dma_semaphore, #tpu.memory_space<semaphore_mem>>)
      %mul3A_262 = arith.constant 8 : i32
      %mul3A_263 = arith.muli %add3A_248, %mul3A_262 : i32
      %dma_wait3A_264 = arith.constant 2 : i32
      %dma_wait3A_265 = arith.constant 0 : i32
      %dma_wait3A_266 = arith.constant 0 : i32
      %dma_wait3A_267 = tpu.memref_slice %arg7[%dma_wait3A_264, %dma_wait3A_265, %dma_wait3A_266] : memref<3x8x2048xf32, #tpu.memory_space<vmem>> -> memref<1x8x2048xf32, #tpu.memory_space<vmem>>
      %dma_wait3A_268 = tpu.memref_squeeze %dma_wait3A_267 : memref<1x8x2048xf32, #tpu.memory_space<vmem>> -> memref<8x2048xf32, #tpu.memory_space<vmem>>
      %dma_wait3A_269 = tpu.memref_slice %arg6[%mul3A_263] : memref<512xi32, #tpu.memory_space<vmem>> -> memref<8xi32, #tpu.memory_space<vmem>>
      %dma_wait3A_270 = arith.constant 0 : i32
      %dma_wait3A_271 = arith.constant 0 : i32
      %dma_wait3A_272 = tpu.memref_slice %arg3[%dma_wait3A_270, %dma_wait3A_271] : memref<100000x2048xf32, #tpu.memory_space<hbm>> -> memref<100000x2048xf32, #tpu.memory_space<hbm>>
      tpu.wait_indirect_dma semaphore(%arg11 : memref<!tpu.dma_semaphore, #tpu.memory_space<semaphore_mem>>) src(%dma_wait3A_272 : memref<100000x2048xf32, #tpu.memory_space<hbm>>) dst(%dma_wait3A_268 : memref<8x2048xf32, #tpu.memory_space<vmem>>)
      %ge3A = arith.constant 3 : i32
      %ge3A_273 = arith.cmpi sge, %add3A_248, %ge3A : i32
      %convert_element_type3A = arith.extui %ge3A_273 : i1 to i32
      %cond3A = arith.constant 0 : i32
      %cond3A_274 = arith.cmpi ne, %convert_element_type3A, %cond3A : i32
      scf.if %cond3A_274 {
        %sub3A = arith.constant 3 : i32
        %sub3A_408 = arith.subi %add3A_248, %sub3A : i32
        %mul3A_409 = arith.constant 8 : i32
        %mul3A_410 = arith.muli %sub3A_408, %mul3A_409 : i32
        %add3A_411 = arith.addi %mul3A_4, %mul3A_410 : i32
        %dma_wait3A_412 = arith.constant 2 : i32
        %dma_wait3A_413 = arith.constant 0 : i32
        %dma_wait3A_414 = arith.constant 0 : i32
        %dma_wait3A_415 = tpu.memref_slice %arg8[%dma_wait3A_412, %dma_wait3A_413, %dma_wait3A_414] : memref<3x8x2048xf32, #tpu.memory_space<vmem>> -> memref<1x8x2048xf32, #tpu.memory_space<vmem>>
        %dma_wait3A_416 = tpu.memref_squeeze %dma_wait3A_415 : memref<1x8x2048xf32, #tpu.memory_space<vmem>> -> memref<8x2048xf32, #tpu.memory_space<vmem>>
        %dma_wait3A_417 = arith.constant 0 : i32
        %dma_wait3A_418 = tpu.memref_slice %arg5[%add3A_411, %dma_wait3A_417] : memref<16384x2048xf32, #tpu.memory_space<hbm>> -> memref<8x2048xf32, #tpu.memory_space<hbm>>
        %dma_wait3A_419 = arith.constant 0 : i32
        %dma_wait3A_420 = tpu.memref_slice %arg5[%add3A_411, %dma_wait3A_419] : memref<16384x2048xf32, #tpu.memory_space<hbm>> -> memref<8x2048xf32, #tpu.memory_space<hbm>>
        %dma_wait3A_421 = arith.constant 0 : i32
        %dma_wait3A_422 = arith.constant 0 : i32
        %dma_wait3A_423 = tpu.memref_slice %arg8[%dma_wait3A_412, %dma_wait3A_421, %dma_wait3A_422] : memref<3x8x2048xf32, #tpu.memory_space<vmem>> -> memref<1x8x2048xf32, #tpu.memory_space<vmem>>
        %dma_wait3A_424 = tpu.memref_squeeze %dma_wait3A_423 : memref<1x8x2048xf32, #tpu.memory_space<vmem>> -> memref<8x2048xf32, #tpu.memory_space<vmem>>
        tpu.wait_dma2 semaphore(%arg14 : memref<!tpu.dma_semaphore, #tpu.memory_space<semaphore_mem>>) src(%dma_wait3A_424 : memref<8x2048xf32, #tpu.memory_space<vmem>>) dst(%dma_wait3A_420 : memref<8x2048xf32, #tpu.memory_space<hbm>>)
      } else {
      }
      %parallel_loop3A_275 = arith.constant 0 : i32
      %parallel_loop3A_276 = arith.constant 128 : i32
      %parallel_loop3A_277 = arith.constant 1 : i32
      %parallel_loop3A_278 = arith.constant 2 : i32
      %parallel_loop3A_279 = arith.constant 2 : i32
      scf.for %parallel_loop3A_408 = %parallel_loop3A_275 to %parallel_loop3A_276 step %parallel_loop3A_277  : i32 {
        %parallel_loop3A_409 = arith.constant 16 : i32
        %parallel_loop3A_410 = arith.muli %parallel_loop3A_408, %parallel_loop3A_409 : i32
        %parallel_loop3A_411 = arith.constant 0 : i32
        %parallel_loop3A_412 = arith.constant 0 : i32
        %parallel_loop3A_413 = arith.constant 0 : i32
        %parallel_loop3A_414 = tpu.memref_slice %arg7[%parallel_loop3A_278, %parallel_loop3A_412, %parallel_loop3A_413] : memref<3x8x2048xf32, #tpu.memory_space<vmem>> -> memref<1x8x2048xf32, #tpu.memory_space<vmem>>
        %parallel_loop3A_415 = tpu.memref_squeeze %parallel_loop3A_414 : memref<1x8x2048xf32, #tpu.memory_space<vmem>> -> memref<8x2048xf32, #tpu.memory_space<vmem>>
        %parallel_loop3A_416 = arith.index_cast %parallel_loop3A_411 : i32 to index
        %parallel_loop3A_417 = arith.index_cast %parallel_loop3A_410 : i32 to index
        %parallel_loop3A_418 = tpu.vector_load %parallel_loop3A_415[%parallel_loop3A_416, %parallel_loop3A_417] {strides = array<i32>} : memref<8x2048xf32, #tpu.memory_space<vmem>>, vector<1x16xf32>,
        %parallel_loop3A_419 = vector.shape_cast %parallel_loop3A_418 : vector<1x16xf32> to vector<16xf32>
        %parallel_loop3A_420 = vector.broadcast %squeeze3A : f32 to vector<16xf32>
        %parallel_loop3A_421 = arith.mulf %parallel_loop3A_419, %parallel_loop3A_420 : vector<16xf32>
        %parallel_loop3A_422 = arith.constant 0 : i32
        %parallel_loop3A_423 = arith.constant 0 : i32
        %parallel_loop3A_424 = arith.constant 0 : i32
        %parallel_loop3A_425 = tpu.memref_slice %arg8[%parallel_loop3A_279, %parallel_loop3A_423, %parallel_loop3A_424] : memref<3x8x2048xf32, #tpu.memory_space<vmem>> -> memref<1x8x2048xf32, #tpu.memory_space<vmem>>
        %parallel_loop3A_426 = tpu.memref_squeeze %parallel_loop3A_425 : memref<1x8x2048xf32, #tpu.memory_space<vmem>> -> memref<8x2048xf32, #tpu.memory_space<vmem>>
        %parallel_loop3A_427 = arith.index_cast %parallel_loop3A_422 : i32 to index
        %parallel_loop3A_428 = arith.index_cast %parallel_loop3A_410 : i32 to index
        %parallel_loop3A_429 = tpu.vector_load %parallel_loop3A_426[%parallel_loop3A_427, %parallel_loop3A_428] {strides = array<i32>} : memref<8x2048xf32, #tpu.memory_space<vmem>>, vector<1x16xf32>,
        %parallel_loop3A_430 = vector.shape_cast %parallel_loop3A_429 : vector<1x16xf32> to vector<16xf32>
        %parallel_loop3A_431 = vector.shape_cast %parallel_loop3A_421 : vector<16xf32> to vector<1x16xf32>
        tpu.vector_store %parallel_loop3A_426[%parallel_loop3A_427, %parallel_loop3A_428], %parallel_loop3A_431 {strides = array<i32>} : memref<8x2048xf32, #tpu.memory_space<vmem>>, vector<1x16xf32>,
        %parallel_loop3A_432 = arith.constant 1 : i32
        %parallel_loop3A_433 = arith.constant 0 : i32
        %parallel_loop3A_434 = arith.constant 0 : i32
        %parallel_loop3A_435 = tpu.memref_slice %arg7[%parallel_loop3A_278, %parallel_loop3A_433, %parallel_loop3A_434] : memref<3x8x2048xf32, #tpu.memory_space<vmem>> -> memref<1x8x2048xf32, #tpu.memory_space<vmem>>
        %parallel_loop3A_436 = tpu.memref_squeeze %parallel_loop3A_435 : memref<1x8x2048xf32, #tpu.memory_space<vmem>> -> memref<8x2048xf32, #tpu.memory_space<vmem>>
        %parallel_loop3A_437 = arith.index_cast %parallel_loop3A_432 : i32 to index
        %parallel_loop3A_438 = arith.index_cast %parallel_loop3A_410 : i32 to index
        %parallel_loop3A_439 = tpu.vector_load %parallel_loop3A_436[%parallel_loop3A_437, %parallel_loop3A_438] {strides = array<i32>} : memref<8x2048xf32, #tpu.memory_space<vmem>>, vector<1x16xf32>,
        %parallel_loop3A_440 = vector.shape_cast %parallel_loop3A_439 : vector<1x16xf32> to vector<16xf32>
        %parallel_loop3A_441 = vector.broadcast %squeeze3A : f32 to vector<16xf32>
        %parallel_loop3A_442 = arith.mulf %parallel_loop3A_440, %parallel_loop3A_441 : vector<16xf32>
        %parallel_loop3A_443 = arith.constant 1 : i32
        %parallel_loop3A_444 = arith.constant 0 : i32
        %parallel_loop3A_445 = arith.constant 0 : i32
        %parallel_loop3A_446 = tpu.memref_slice %arg8[%parallel_loop3A_279, %parallel_loop3A_444, %parallel_loop3A_445] : memref<3x8x2048xf32, #tpu.memory_space<vmem>> -> memref<1x8x2048xf32, #tpu.memory_space<vmem>>
        %parallel_loop3A_447 = tpu.memref_squeeze %parallel_loop3A_446 : memref<1x8x2048xf32, #tpu.memory_space<vmem>> -> memref<8x2048xf32, #tpu.memory_space<vmem>>
        %parallel_loop3A_448 = arith.index_cast %parallel_loop3A_443 : i32 to index
        %parallel_loop3A_449 = arith.index_cast %parallel_loop3A_410 : i32 to index
        %parallel_loop3A_450 = tpu.vector_load %parallel_loop3A_447[%parallel_loop3A_448, %parallel_loop3A_449] {strides = array<i32>} : memref<8x2048xf32, #tpu.memory_space<vmem>>, vector<1x16xf32>,
        %parallel_loop3A_451 = vector.shape_cast %parallel_loop3A_450 : vector<1x16xf32> to vector<16xf32>
        %parallel_loop3A_452 = vector.shape_cast %parallel_loop3A_442 : vector<16xf32> to vector<1x16xf32>
        tpu.vector_store %parallel_loop3A_447[%parallel_loop3A_448, %parallel_loop3A_449], %parallel_loop3A_452 {strides = array<i32>} : memref<8x2048xf32, #tpu.memory_space<vmem>>, vector<1x16xf32>,
        %parallel_loop3A_453 = arith.constant 2 : i32
        %parallel_loop3A_454 = arith.constant 0 : i32
        %parallel_loop3A_455 = arith.constant 0 : i32
        %parallel_loop3A_456 = tpu.memref_slice %arg7[%parallel_loop3A_278, %parallel_loop3A_454, %parallel_loop3A_455] : memref<3x8x2048xf32, #tpu.memory_space<vmem>> -> memref<1x8x2048xf32, #tpu.memory_space<vmem>>
        %parallel_loop3A_457 = tpu.memref_squeeze %parallel_loop3A_456 : memref<1x8x2048xf32, #tpu.memory_space<vmem>> -> memref<8x2048xf32, #tpu.memory_space<vmem>>
        %parallel_loop3A_458 = arith.index_cast %parallel_loop3A_453 : i32 to index
        %parallel_loop3A_459 = arith.index_cast %parallel_loop3A_410 : i32 to index
        %parallel_loop3A_460 = tpu.vector_load %parallel_loop3A_457[%parallel_loop3A_458, %parallel_loop3A_459] {strides = array<i32>} : memref<8x2048xf32, #tpu.memory_space<vmem>>, vector<1x16xf32>,
        %parallel_loop3A_461 = vector.shape_cast %parallel_loop3A_460 : vector<1x16xf32> to vector<16xf32>
        %parallel_loop3A_462 = vector.broadcast %squeeze3A : f32 to vector<16xf32>
        %parallel_loop3A_463 = arith.mulf %parallel_loop3A_461, %parallel_loop3A_462 : vector<16xf32>
        %parallel_loop3A_464 = arith.constant 2 : i32
        %parallel_loop3A_465 = arith.constant 0 : i32
        %parallel_loop3A_466 = arith.constant 0 : i32
        %parallel_loop3A_467 = tpu.memref_slice %arg8[%parallel_loop3A_279, %parallel_loop3A_465, %parallel_loop3A_466] : memref<3x8x2048xf32, #tpu.memory_space<vmem>> -> memref<1x8x2048xf32, #tpu.memory_space<vmem>>
        %parallel_loop3A_468 = tpu.memref_squeeze %parallel_loop3A_467 : memref<1x8x2048xf32, #tpu.memory_space<vmem>> -> memref<8x2048xf32, #tpu.memory_space<vmem>>
        %parallel_loop3A_469 = arith.index_cast %parallel_loop3A_464 : i32 to index
        %parallel_loop3A_470 = arith.index_cast %parallel_loop3A_410 : i32 to index
        %parallel_loop3A_471 = tpu.vector_load %parallel_loop3A_468[%parallel_loop3A_469, %parallel_loop3A_470] {strides = array<i32>} : memref<8x2048xf32, #tpu.memory_space<vmem>>, vector<1x16xf32>,
        %parallel_loop3A_472 = vector.shape_cast %parallel_loop3A_471 : vector<1x16xf32> to vector<16xf32>
        %parallel_loop3A_473 = vector.shape_cast %parallel_loop3A_463 : vector<16xf32> to vector<1x16xf32>
        tpu.vector_store %parallel_loop3A_468[%parallel_loop3A_469, %parallel_loop3A_470], %parallel_loop3A_473 {strides = array<i32>} : memref<8x2048xf32, #tpu.memory_space<vmem>>, vector<1x16xf32>,
        %parallel_loop3A_474 = arith.constant 3 : i32
        %parallel_loop3A_475 = arith.constant 0 : i32
        %parallel_loop3A_476 = arith.constant 0 : i32
        %parallel_loop3A_477 = tpu.memref_slice %arg7[%parallel_loop3A_278, %parallel_loop3A_475, %parallel_loop3A_476] : memref<3x8x2048xf32, #tpu.memory_space<vmem>> -> memref<1x8x2048xf32, #tpu.memory_space<vmem>>
        %parallel_loop3A_478 = tpu.memref_squeeze %parallel_loop3A_477 : memref<1x8x2048xf32, #tpu.memory_space<vmem>> -> memref<8x2048xf32, #tpu.memory_space<vmem>>
        %parallel_loop3A_479 = arith.index_cast %parallel_loop3A_474 : i32 to index
        %parallel_loop3A_480 = arith.index_cast %parallel_loop3A_410 : i32 to index
        %parallel_loop3A_481 = tpu.vector_load %parallel_loop3A_478[%parallel_loop3A_479, %parallel_loop3A_480] {strides = array<i32>} : memref<8x2048xf32, #tpu.memory_space<vmem>>, vector<1x16xf32>,
        %parallel_loop3A_482 = vector.shape_cast %parallel_loop3A_481 : vector<1x16xf32> to vector<16xf32>
        %parallel_loop3A_483 = vector.broadcast %squeeze3A : f32 to vector<16xf32>
        %parallel_loop3A_484 = arith.mulf %parallel_loop3A_482, %parallel_loop3A_483 : vector<16xf32>
        %parallel_loop3A_485 = arith.constant 3 : i32
        %parallel_loop3A_486 = arith.constant 0 : i32
        %parallel_loop3A_487 = arith.constant 0 : i32
        %parallel_loop3A_488 = tpu.memref_slice %arg8[%parallel_loop3A_279, %parallel_loop3A_486, %parallel_loop3A_487] : memref<3x8x2048xf32, #tpu.memory_space<vmem>> -> memref<1x8x2048xf32, #tpu.memory_space<vmem>>
        %parallel_loop3A_489 = tpu.memref_squeeze %parallel_loop3A_488 : memref<1x8x2048xf32, #tpu.memory_space<vmem>> -> memref<8x2048xf32, #tpu.memory_space<vmem>>
        %parallel_loop3A_490 = arith.index_cast %parallel_loop3A_485 : i32 to index
        %parallel_loop3A_491 = arith.index_cast %parallel_loop3A_410 : i32 to index
        %parallel_loop3A_492 = tpu.vector_load %parallel_loop3A_489[%parallel_loop3A_490, %parallel_loop3A_491] {strides = array<i32>} : memref<8x2048xf32, #tpu.memory_space<vmem>>, vector<1x16xf32>,
        %parallel_loop3A_493 = vector.shape_cast %parallel_loop3A_492 : vector<1x16xf32> to vector<16xf32>
        %parallel_loop3A_494 = vector.shape_cast %parallel_loop3A_484 : vector<16xf32> to vector<1x16xf32>
        tpu.vector_store %parallel_loop3A_489[%parallel_loop3A_490, %parallel_loop3A_491], %parallel_loop3A_494 {strides = array<i32>} : memref<8x2048xf32, #tpu.memory_space<vmem>>, vector<1x16xf32>,
        %parallel_loop3A_495 = arith.constant 4 : i32
        %parallel_loop3A_496 = arith.constant 0 : i32
        %parallel_loop3A_497 = arith.constant 0 : i32
        %parallel_loop3A_498 = tpu.memref_slice %arg7[%parallel_loop3A_278, %parallel_loop3A_496, %parallel_loop3A_497] : memref<3x8x2048xf32, #tpu.memory_space<vmem>> -> memref<1x8x2048xf32, #tpu.memory_space<vmem>>
        %parallel_loop3A_499 = tpu.memref_squeeze %parallel_loop3A_498 : memref<1x8x2048xf32, #tpu.memory_space<vmem>> -> memref<8x2048xf32, #tpu.memory_space<vmem>>
        %parallel_loop3A_500 = arith.index_cast %parallel_loop3A_495 : i32 to index
        %parallel_loop3A_501 = arith.index_cast %parallel_loop3A_410 : i32 to index
        %parallel_loop3A_502 = tpu.vector_load %parallel_loop3A_499[%parallel_loop3A_500, %parallel_loop3A_501] {strides = array<i32>} : memref<8x2048xf32, #tpu.memory_space<vmem>>, vector<1x16xf32>,
        %parallel_loop3A_503 = vector.shape_cast %parallel_loop3A_502 : vector<1x16xf32> to vector<16xf32>
        %parallel_loop3A_504 = vector.broadcast %squeeze3A : f32 to vector<16xf32>
        %parallel_loop3A_505 = arith.mulf %parallel_loop3A_503, %parallel_loop3A_504 : vector<16xf32>
        %parallel_loop3A_506 = arith.constant 4 : i32
        %parallel_loop3A_507 = arith.constant 0 : i32
        %parallel_loop3A_508 = arith.constant 0 : i32
        %parallel_loop3A_509 = tpu.memref_slice %arg8[%parallel_loop3A_279, %parallel_loop3A_507, %parallel_loop3A_508] : memref<3x8x2048xf32, #tpu.memory_space<vmem>> -> memref<1x8x2048xf32, #tpu.memory_space<vmem>>
        %parallel_loop3A_510 = tpu.memref_squeeze %parallel_loop3A_509 : memref<1x8x2048xf32, #tpu.memory_space<vmem>> -> memref<8x2048xf32, #tpu.memory_space<vmem>>
        %parallel_loop3A_511 = arith.index_cast %parallel_loop3A_506 : i32 to index
        %parallel_loop3A_512 = arith.index_cast %parallel_loop3A_410 : i32 to index
        %parallel_loop3A_513 = tpu.vector_load %parallel_loop3A_510[%parallel_loop3A_511, %parallel_loop3A_512] {strides = array<i32>} : memref<8x2048xf32, #tpu.memory_space<vmem>>, vector<1x16xf32>,
        %parallel_loop3A_514 = vector.shape_cast %parallel_loop3A_513 : vector<1x16xf32> to vector<16xf32>
        %parallel_loop3A_515 = vector.shape_cast %parallel_loop3A_505 : vector<16xf32> to vector<1x16xf32>
        tpu.vector_store %parallel_loop3A_510[%parallel_loop3A_511, %parallel_loop3A_512], %parallel_loop3A_515 {strides = array<i32>} : memref<8x2048xf32, #tpu.memory_space<vmem>>, vector<1x16xf32>,
        %parallel_loop3A_516 = arith.constant 5 : i32
        %parallel_loop3A_517 = arith.constant 0 : i32
        %parallel_loop3A_518 = arith.constant 0 : i32
        %parallel_loop3A_519 = tpu.memref_slice %arg7[%parallel_loop3A_278, %parallel_loop3A_517, %parallel_loop3A_518] : memref<3x8x2048xf32, #tpu.memory_space<vmem>> -> memref<1x8x2048xf32, #tpu.memory_space<vmem>>
        %parallel_loop3A_520 = tpu.memref_squeeze %parallel_loop3A_519 : memref<1x8x2048xf32, #tpu.memory_space<vmem>> -> memref<8x2048xf32, #tpu.memory_space<vmem>>
        %parallel_loop3A_521 = arith.index_cast %parallel_loop3A_516 : i32 to index
        %parallel_loop3A_522 = arith.index_cast %parallel_loop3A_410 : i32 to index
        %parallel_loop3A_523 = tpu.vector_load %parallel_loop3A_520[%parallel_loop3A_521, %parallel_loop3A_522] {strides = array<i32>} : memref<8x2048xf32, #tpu.memory_space<vmem>>, vector<1x16xf32>,
        %parallel_loop3A_524 = vector.shape_cast %parallel_loop3A_523 : vector<1x16xf32> to vector<16xf32>
        %parallel_loop3A_525 = vector.broadcast %squeeze3A : f32 to vector<16xf32>
        %parallel_loop3A_526 = arith.mulf %parallel_loop3A_524, %parallel_loop3A_525 : vector<16xf32>
        %parallel_loop3A_527 = arith.constant 5 : i32
        %parallel_loop3A_528 = arith.constant 0 : i32
        %parallel_loop3A_529 = arith.constant 0 : i32
        %parallel_loop3A_530 = tpu.memref_slice %arg8[%parallel_loop3A_279, %parallel_loop3A_528, %parallel_loop3A_529] : memref<3x8x2048xf32, #tpu.memory_space<vmem>> -> memref<1x8x2048xf32, #tpu.memory_space<vmem>>
        %parallel_loop3A_531 = tpu.memref_squeeze %parallel_loop3A_530 : memref<1x8x2048xf32, #tpu.memory_space<vmem>> -> memref<8x2048xf32, #tpu.memory_space<vmem>>
        %parallel_loop3A_532 = arith.index_cast %parallel_loop3A_527 : i32 to index
        %parallel_loop3A_533 = arith.index_cast %parallel_loop3A_410 : i32 to index
        %parallel_loop3A_534 = tpu.vector_load %parallel_loop3A_531[%parallel_loop3A_532, %parallel_loop3A_533] {strides = array<i32>} : memref<8x2048xf32, #tpu.memory_space<vmem>>, vector<1x16xf32>,
        %parallel_loop3A_535 = vector.shape_cast %parallel_loop3A_534 : vector<1x16xf32> to vector<16xf32>
        %parallel_loop3A_536 = vector.shape_cast %parallel_loop3A_526 : vector<16xf32> to vector<1x16xf32>
        tpu.vector_store %parallel_loop3A_531[%parallel_loop3A_532, %parallel_loop3A_533], %parallel_loop3A_536 {strides = array<i32>} : memref<8x2048xf32, #tpu.memory_space<vmem>>, vector<1x16xf32>,
        %parallel_loop3A_537 = arith.constant 6 : i32
        %parallel_loop3A_538 = arith.constant 0 : i32
        %parallel_loop3A_539 = arith.constant 0 : i32
        %parallel_loop3A_540 = tpu.memref_slice %arg7[%parallel_loop3A_278, %parallel_loop3A_538, %parallel_loop3A_539] : memref<3x8x2048xf32, #tpu.memory_space<vmem>> -> memref<1x8x2048xf32, #tpu.memory_space<vmem>>
        %parallel_loop3A_541 = tpu.memref_squeeze %parallel_loop3A_540 : memref<1x8x2048xf32, #tpu.memory_space<vmem>> -> memref<8x2048xf32, #tpu.memory_space<vmem>>
        %parallel_loop3A_542 = arith.index_cast %parallel_loop3A_537 : i32 to index
        %parallel_loop3A_543 = arith.index_cast %parallel_loop3A_410 : i32 to index
        %parallel_loop3A_544 = tpu.vector_load %parallel_loop3A_541[%parallel_loop3A_542, %parallel_loop3A_543] {strides = array<i32>} : memref<8x2048xf32, #tpu.memory_space<vmem>>, vector<1x16xf32>,
        %parallel_loop3A_545 = vector.shape_cast %parallel_loop3A_544 : vector<1x16xf32> to vector<16xf32>
        %parallel_loop3A_546 = vector.broadcast %squeeze3A : f32 to vector<16xf32>
        %parallel_loop3A_547 = arith.mulf %parallel_loop3A_545, %parallel_loop3A_546 : vector<16xf32>
        %parallel_loop3A_548 = arith.constant 6 : i32
        %parallel_loop3A_549 = arith.constant 0 : i32
        %parallel_loop3A_550 = arith.constant 0 : i32
        %parallel_loop3A_551 = tpu.memref_slice %arg8[%parallel_loop3A_279, %parallel_loop3A_549, %parallel_loop3A_550] : memref<3x8x2048xf32, #tpu.memory_space<vmem>> -> memref<1x8x2048xf32, #tpu.memory_space<vmem>>
        %parallel_loop3A_552 = tpu.memref_squeeze %parallel_loop3A_551 : memref<1x8x2048xf32, #tpu.memory_space<vmem>> -> memref<8x2048xf32, #tpu.memory_space<vmem>>
        %parallel_loop3A_553 = arith.index_cast %parallel_loop3A_548 : i32 to index
        %parallel_loop3A_554 = arith.index_cast %parallel_loop3A_410 : i32 to index
        %parallel_loop3A_555 = tpu.vector_load %parallel_loop3A_552[%parallel_loop3A_553, %parallel_loop3A_554] {strides = array<i32>} : memref<8x2048xf32, #tpu.memory_space<vmem>>, vector<1x16xf32>,
        %parallel_loop3A_556 = vector.shape_cast %parallel_loop3A_555 : vector<1x16xf32> to vector<16xf32>
        %parallel_loop3A_557 = vector.shape_cast %parallel_loop3A_547 : vector<16xf32> to vector<1x16xf32>
        tpu.vector_store %parallel_loop3A_552[%parallel_loop3A_553, %parallel_loop3A_554], %parallel_loop3A_557 {strides = array<i32>} : memref<8x2048xf32, #tpu.memory_space<vmem>>, vector<1x16xf32>,
        %parallel_loop3A_558 = arith.constant 7 : i32
        %parallel_loop3A_559 = arith.constant 0 : i32
        %parallel_loop3A_560 = arith.constant 0 : i32
        %parallel_loop3A_561 = tpu.memref_slice %arg7[%parallel_loop3A_278, %parallel_loop3A_559, %parallel_loop3A_560] : memref<3x8x2048xf32, #tpu.memory_space<vmem>> -> memref<1x8x2048xf32, #tpu.memory_space<vmem>>
        %parallel_loop3A_562 = tpu.memref_squeeze %parallel_loop3A_561 : memref<1x8x2048xf32, #tpu.memory_space<vmem>> -> memref<8x2048xf32, #tpu.memory_space<vmem>>
        %parallel_loop3A_563 = arith.index_cast %parallel_loop3A_558 : i32 to index
        %parallel_loop3A_564 = arith.index_cast %parallel_loop3A_410 : i32 to index
        %parallel_loop3A_565 = tpu.vector_load %parallel_loop3A_562[%parallel_loop3A_563, %parallel_loop3A_564] {strides = array<i32>} : memref<8x2048xf32, #tpu.memory_space<vmem>>, vector<1x16xf32>,
        %parallel_loop3A_566 = vector.shape_cast %parallel_loop3A_565 : vector<1x16xf32> to vector<16xf32>
        %parallel_loop3A_567 = vector.broadcast %squeeze3A : f32 to vector<16xf32>
        %parallel_loop3A_568 = arith.mulf %parallel_loop3A_566, %parallel_loop3A_567 : vector<16xf32>
        %parallel_loop3A_569 = arith.constant 7 : i32
        %parallel_loop3A_570 = arith.constant 0 : i32
        %parallel_loop3A_571 = arith.constant 0 : i32
        %parallel_loop3A_572 = tpu.memref_slice %arg8[%parallel_loop3A_279, %parallel_loop3A_570, %parallel_loop3A_571] : memref<3x8x2048xf32, #tpu.memory_space<vmem>> -> memref<1x8x2048xf32, #tpu.memory_space<vmem>>
        %parallel_loop3A_573 = tpu.memref_squeeze %parallel_loop3A_572 : memref<1x8x2048xf32, #tpu.memory_space<vmem>> -> memref<8x2048xf32, #tpu.memory_space<vmem>>
        %parallel_loop3A_574 = arith.index_cast %parallel_loop3A_569 : i32 to index
        %parallel_loop3A_575 = arith.index_cast %parallel_loop3A_410 : i32 to index
        %parallel_loop3A_576 = tpu.vector_load %parallel_loop3A_573[%parallel_loop3A_574, %parallel_loop3A_575] {strides = array<i32>} : memref<8x2048xf32, #tpu.memory_space<vmem>>, vector<1x16xf32>,
        %parallel_loop3A_577 = vector.shape_cast %parallel_loop3A_576 : vector<1x16xf32> to vector<16xf32>
        %parallel_loop3A_578 = vector.shape_cast %parallel_loop3A_568 : vector<16xf32> to vector<1x16xf32>
        tpu.vector_store %parallel_loop3A_573[%parallel_loop3A_574, %parallel_loop3A_575], %parallel_loop3A_578 {strides = array<i32>} : memref<8x2048xf32, #tpu.memory_space<vmem>>, vector<1x16xf32>,
      } {sc.loop_unroll_factor = 8 : i64, sc.parallel_access}
      %mul3A_280 = arith.constant 8 : i32
      %mul3A_281 = arith.muli %add3A_248, %mul3A_280 : i32
      %add3A_282 = arith.addi %mul3A_4, %mul3A_281 : i32
      %dma_start3A_283 = arith.constant 2 : i32
      %dma_start3A_284 = arith.constant 0 : i32
      %dma_start3A_285 = arith.constant 0 : i32
      %dma_start3A_286 = tpu.memref_slice %arg8[%dma_start3A_283, %dma_start3A_284, %dma_start3A_285] : memref<3x8x2048xf32, #tpu.memory_space<vmem>> -> memref<1x8x2048xf32, #tpu.memory_space<vmem>>
      %dma_start3A_287 = tpu.memref_squeeze %dma_start3A_286 : memref<1x8x2048xf32, #tpu.memory_space<vmem>> -> memref<8x2048xf32, #tpu.memory_space<vmem>>
      %dma_start3A_288 = arith.constant 0 : i32
      %dma_start3A_289 = tpu.memref_slice %arg5[%add3A_282, %dma_start3A_288] : memref<16384x2048xf32, #tpu.memory_space<hbm>> -> memref<8x2048xf32, #tpu.memory_space<hbm>>
      %dma_start3A_290 = arith.constant 0 : i32
      %dma_start3A_291 = tpu.memref_slice %arg5[%add3A_282, %dma_start3A_290] : memref<16384x2048xf32, #tpu.memory_space<hbm>> -> memref<8x2048xf32, #tpu.memory_space<hbm>>
      %dma_start3A_292 = arith.constant 0 : i32
      %dma_start3A_293 = arith.constant 0 : i32
      %dma_start3A_294 = tpu.memref_slice %arg8[%dma_start3A_283, %dma_start3A_292, %dma_start3A_293] : memref<3x8x2048xf32, #tpu.memory_space<vmem>> -> memref<1x8x2048xf32, #tpu.memory_space<vmem>>
      %dma_start3A_295 = tpu.memref_squeeze %dma_start3A_294 : memref<1x8x2048xf32, #tpu.memory_space<vmem>> -> memref<8x2048xf32, #tpu.memory_space<vmem>>
      tpu.enqueue_dma source(%dma_start3A_295 : memref<8x2048xf32, #tpu.memory_space<vmem>>) target(%dma_start3A_291 : memref<8x2048xf32, #tpu.memory_space<hbm>>) target_semaphore(%arg14 : memref<!tpu.dma_semaphore, #tpu.memory_space<semaphore_mem>>)
      %mul3A_296 = arith.constant 3 : i32
      %mul3A_297 = arith.muli %mul3A_296, %scan3A_242 : i32
      %add3A_298 = arith.constant 2 : i32
      %add3A_299 = arith.addi %mul3A_297, %add3A_298 : i32
      %add3A_300 = arith.constant 1 : i32
      %add3A_301 = arith.addi %add3A_299, %add3A_300 : i32
      %add3A_302 = arith.constant 2 : i32
      %add3A_303 = arith.addi %add3A_301, %add3A_302 : i32
      %mul3A_304 = arith.constant 8 : i32
      %mul3A_305 = arith.muli %add3A_303, %mul3A_304 : i32
      %dma_start3A_306 = arith.constant 2 : i32
      %dma_start3A_307 = arith.constant 0 : i32
      %dma_start3A_308 = arith.constant 0 : i32
      %dma_start3A_309 = tpu.memref_slice %arg7[%dma_start3A_306, %dma_start3A_307, %dma_start3A_308] : memref<3x8x2048xf32, #tpu.memory_space<vmem>> -> memref<1x8x2048xf32, #tpu.memory_space<vmem>>
      %dma_start3A_310 = tpu.memref_squeeze %dma_start3A_309 : memref<1x8x2048xf32, #tpu.memory_space<vmem>> -> memref<8x2048xf32, #tpu.memory_space<vmem>>
      %dma_start3A_311 = tpu.memref_slice %arg6[%mul3A_305] : memref<512xi32, #tpu.memory_space<vmem>> -> memref<8xi32, #tpu.memory_space<vmem>>
      %dma_start3A_312 = arith.constant 0 : i32
      %dma_start3A_313 = arith.constant 0 : i32
      %dma_start3A_314 = tpu.memref_slice %arg3[%dma_start3A_312, %dma_start3A_313] : memref<100000x2048xf32, #tpu.memory_space<hbm>> -> memref<100000x2048xf32, #tpu.memory_space<hbm>>
      tpu.enqueue_indirect_dma source(%dma_start3A_314 : memref<100000x2048xf32, #tpu.memory_space<hbm>>) target(%dma_start3A_310 : memref<8x2048xf32, #tpu.memory_space<vmem>>) offsets(%dma_start3A_311 : memref<8xi32, #tpu.memory_space<vmem>>) semaphore(%arg11 : memref<!tpu.dma_semaphore, #tpu.memory_space<semaphore_mem>>)
      %mul3A_315 = arith.constant 8 : i32
      %mul3A_316 = arith.muli %add3A_301, %mul3A_315 : i32
      %dma_wait3A_317 = arith.constant 0 : i32
      %dma_wait3A_318 = arith.constant 0 : i32
      %dma_wait3A_319 = arith.constant 0 : i32
      %dma_wait3A_320 = tpu.memref_slice %arg7[%dma_wait3A_317, %dma_wait3A_318, %dma_wait3A_319] : memref<3x8x2048xf32, #tpu.memory_space<vmem>> -> memref<1x8x2048xf32, #tpu.memory_space<vmem>>
      %dma_wait3A_321 = tpu.memref_squeeze %dma_wait3A_320 : memref<1x8x2048xf32, #tpu.memory_space<vmem>> -> memref<8x2048xf32, #tpu.memory_space<vmem>>
      %dma_wait3A_322 = tpu.memref_slice %arg6[%mul3A_316] : memref<512xi32, #tpu.memory_space<vmem>> -> memref<8xi32, #tpu.memory_space<vmem>>
      %dma_wait3A_323 = arith.constant 0 : i32
      %dma_wait3A_324 = arith.constant 0 : i32
      %dma_wait3A_325 = tpu.memref_slice %arg3[%dma_wait3A_323, %dma_wait3A_324] : memref<100000x2048xf32, #tpu.memory_space<hbm>> -> memref<100000x2048xf32, #tpu.memory_space<hbm>>
      tpu.wait_indirect_dma semaphore(%arg9 : memref<!tpu.dma_semaphore, #tpu.memory_space<semaphore_mem>>) src(%dma_wait3A_325 : memref<100000x2048xf32, #tpu.memory_space<hbm>>) dst(%dma_wait3A_321 : memref<8x2048xf32, #tpu.memory_space<vmem>>)
      %ge3A_326 = arith.constant 3 : i32
      %ge3A_327 = arith.cmpi sge, %add3A_301, %ge3A_326 : i32
      %convert_element_type3A_328 = arith.extui %ge3A_327 : i1 to i32
      %cond3A_329 = arith.constant 0 : i32
      %cond3A_330 = arith.cmpi ne, %convert_element_type3A_328, %cond3A_329 : i32
      scf.if %cond3A_330 {
        %sub3A = arith.constant 3 : i32
        %sub3A_408 = arith.subi %add3A_301, %sub3A : i32
        %mul3A_409 = arith.constant 8 : i32
        %mul3A_410 = arith.muli %sub3A_408, %mul3A_409 : i32
        %add3A_411 = arith.addi %mul3A_4, %mul3A_410 : i32
        %dma_wait3A_412 = arith.constant 0 : i32
        %dma_wait3A_413 = arith.constant 0 : i32
        %dma_wait3A_414 = arith.constant 0 : i32
        %dma_wait3A_415 = tpu.memref_slice %arg8[%dma_wait3A_412, %dma_wait3A_413, %dma_wait3A_414] : memref<3x8x2048xf32, #tpu.memory_space<vmem>> -> memref<1x8x2048xf32, #tpu.memory_space<vmem>>
        %dma_wait3A_416 = tpu.memref_squeeze %dma_wait3A_415 : memref<1x8x2048xf32, #tpu.memory_space<vmem>> -> memref<8x2048xf32, #tpu.memory_space<vmem>>
        %dma_wait3A_417 = arith.constant 0 : i32
        %dma_wait3A_418 = tpu.memref_slice %arg5[%add3A_411, %dma_wait3A_417] : memref<16384x2048xf32, #tpu.memory_space<hbm>> -> memref<8x2048xf32, #tpu.memory_space<hbm>>
        %dma_wait3A_419 = arith.constant 0 : i32
        %dma_wait3A_420 = tpu.memref_slice %arg5[%add3A_411, %dma_wait3A_419] : memref<16384x2048xf32, #tpu.memory_space<hbm>> -> memref<8x2048xf32, #tpu.memory_space<hbm>>
        %dma_wait3A_421 = arith.constant 0 : i32
        %dma_wait3A_422 = arith.constant 0 : i32
        %dma_wait3A_423 = tpu.memref_slice %arg8[%dma_wait3A_412, %dma_wait3A_421, %dma_wait3A_422] : memref<3x8x2048xf32, #tpu.memory_space<vmem>> -> memref<1x8x2048xf32, #tpu.memory_space<vmem>>
        %dma_wait3A_424 = tpu.memref_squeeze %dma_wait3A_423 : memref<1x8x2048xf32, #tpu.memory_space<vmem>> -> memref<8x2048xf32, #tpu.memory_space<vmem>>
        tpu.wait_dma2 semaphore(%arg12 : memref<!tpu.dma_semaphore, #tpu.memory_space<semaphore_mem>>) src(%dma_wait3A_424 : memref<8x2048xf32, #tpu.memory_space<vmem>>) dst(%dma_wait3A_420 : memref<8x2048xf32, #tpu.memory_space<hbm>>)
      } else {
      }
      %parallel_loop3A_331 = arith.constant 0 : i32
      %parallel_loop3A_332 = arith.constant 128 : i32
      %parallel_loop3A_333 = arith.constant 1 : i32
      %parallel_loop3A_334 = arith.constant 0 : i32
      %parallel_loop3A_335 = arith.constant 0 : i32
      scf.for %parallel_loop3A_408 = %parallel_loop3A_331 to %parallel_loop3A_332 step %parallel_loop3A_333  : i32 {
        %parallel_loop3A_409 = arith.constant 16 : i32
        %parallel_loop3A_410 = arith.muli %parallel_loop3A_408, %parallel_loop3A_409 : i32
        %parallel_loop3A_411 = arith.constant 0 : i32
        %parallel_loop3A_412 = arith.constant 0 : i32
        %parallel_loop3A_413 = arith.constant 0 : i32
        %parallel_loop3A_414 = tpu.memref_slice %arg7[%parallel_loop3A_334, %parallel_loop3A_412, %parallel_loop3A_413] : memref<3x8x2048xf32, #tpu.memory_space<vmem>> -> memref<1x8x2048xf32, #tpu.memory_space<vmem>>
        %parallel_loop3A_415 = tpu.memref_squeeze %parallel_loop3A_414 : memref<1x8x2048xf32, #tpu.memory_space<vmem>> -> memref<8x2048xf32, #tpu.memory_space<vmem>>
        %parallel_loop3A_416 = arith.index_cast %parallel_loop3A_411 : i32 to index
        %parallel_loop3A_417 = arith.index_cast %parallel_loop3A_410 : i32 to index
        %parallel_loop3A_418 = tpu.vector_load %parallel_loop3A_415[%parallel_loop3A_416, %parallel_loop3A_417] {strides = array<i32>} : memref<8x2048xf32, #tpu.memory_space<vmem>>, vector<1x16xf32>,
        %parallel_loop3A_419 = vector.shape_cast %parallel_loop3A_418 : vector<1x16xf32> to vector<16xf32>
        %parallel_loop3A_420 = vector.broadcast %squeeze3A : f32 to vector<16xf32>
        %parallel_loop3A_421 = arith.mulf %parallel_loop3A_419, %parallel_loop3A_420 : vector<16xf32>
        %parallel_loop3A_422 = arith.constant 0 : i32
        %parallel_loop3A_423 = arith.constant 0 : i32
        %parallel_loop3A_424 = arith.constant 0 : i32
        %parallel_loop3A_425 = tpu.memref_slice %arg8[%parallel_loop3A_335, %parallel_loop3A_423, %parallel_loop3A_424] : memref<3x8x2048xf32, #tpu.memory_space<vmem>> -> memref<1x8x2048xf32, #tpu.memory_space<vmem>>
        %parallel_loop3A_426 = tpu.memref_squeeze %parallel_loop3A_425 : memref<1x8x2048xf32, #tpu.memory_space<vmem>> -> memref<8x2048xf32, #tpu.memory_space<vmem>>
        %parallel_loop3A_427 = arith.index_cast %parallel_loop3A_422 : i32 to index
        %parallel_loop3A_428 = arith.index_cast %parallel_loop3A_410 : i32 to index
        %parallel_loop3A_429 = tpu.vector_load %parallel_loop3A_426[%parallel_loop3A_427, %parallel_loop3A_428] {strides = array<i32>} : memref<8x2048xf32, #tpu.memory_space<vmem>>, vector<1x16xf32>,
        %parallel_loop3A_430 = vector.shape_cast %parallel_loop3A_429 : vector<1x16xf32> to vector<16xf32>
        %parallel_loop3A_431 = vector.shape_cast %parallel_loop3A_421 : vector<16xf32> to vector<1x16xf32>
        tpu.vector_store %parallel_loop3A_426[%parallel_loop3A_427, %parallel_loop3A_428], %parallel_loop3A_431 {strides = array<i32>} : memref<8x2048xf32, #tpu.memory_space<vmem>>, vector<1x16xf32>,
        %parallel_loop3A_432 = arith.constant 1 : i32
        %parallel_loop3A_433 = arith.constant 0 : i32
        %parallel_loop3A_434 = arith.constant 0 : i32
        %parallel_loop3A_435 = tpu.memref_slice %arg7[%parallel_loop3A_334, %parallel_loop3A_433, %parallel_loop3A_434] : memref<3x8x2048xf32, #tpu.memory_space<vmem>> -> memref<1x8x2048xf32, #tpu.memory_space<vmem>>
        %parallel_loop3A_436 = tpu.memref_squeeze %parallel_loop3A_435 : memref<1x8x2048xf32, #tpu.memory_space<vmem>> -> memref<8x2048xf32, #tpu.memory_space<vmem>>
        %parallel_loop3A_437 = arith.index_cast %parallel_loop3A_432 : i32 to index
        %parallel_loop3A_438 = arith.index_cast %parallel_loop3A_410 : i32 to index
        %parallel_loop3A_439 = tpu.vector_load %parallel_loop3A_436[%parallel_loop3A_437, %parallel_loop3A_438] {strides = array<i32>} : memref<8x2048xf32, #tpu.memory_space<vmem>>, vector<1x16xf32>,
        %parallel_loop3A_440 = vector.shape_cast %parallel_loop3A_439 : vector<1x16xf32> to vector<16xf32>
        %parallel_loop3A_441 = vector.broadcast %squeeze3A : f32 to vector<16xf32>
        %parallel_loop3A_442 = arith.mulf %parallel_loop3A_440, %parallel_loop3A_441 : vector<16xf32>
        %parallel_loop3A_443 = arith.constant 1 : i32
        %parallel_loop3A_444 = arith.constant 0 : i32
        %parallel_loop3A_445 = arith.constant 0 : i32
        %parallel_loop3A_446 = tpu.memref_slice %arg8[%parallel_loop3A_335, %parallel_loop3A_444, %parallel_loop3A_445] : memref<3x8x2048xf32, #tpu.memory_space<vmem>> -> memref<1x8x2048xf32, #tpu.memory_space<vmem>>
        %parallel_loop3A_447 = tpu.memref_squeeze %parallel_loop3A_446 : memref<1x8x2048xf32, #tpu.memory_space<vmem>> -> memref<8x2048xf32, #tpu.memory_space<vmem>>
        %parallel_loop3A_448 = arith.index_cast %parallel_loop3A_443 : i32 to index
        %parallel_loop3A_449 = arith.index_cast %parallel_loop3A_410 : i32 to index
        %parallel_loop3A_450 = tpu.vector_load %parallel_loop3A_447[%parallel_loop3A_448, %parallel_loop3A_449] {strides = array<i32>} : memref<8x2048xf32, #tpu.memory_space<vmem>>, vector<1x16xf32>,
        %parallel_loop3A_451 = vector.shape_cast %parallel_loop3A_450 : vector<1x16xf32> to vector<16xf32>
        %parallel_loop3A_452 = vector.shape_cast %parallel_loop3A_442 : vector<16xf32> to vector<1x16xf32>
        tpu.vector_store %parallel_loop3A_447[%parallel_loop3A_448, %parallel_loop3A_449], %parallel_loop3A_452 {strides = array<i32>} : memref<8x2048xf32, #tpu.memory_space<vmem>>, vector<1x16xf32>,
        %parallel_loop3A_453 = arith.constant 2 : i32
        %parallel_loop3A_454 = arith.constant 0 : i32
        %parallel_loop3A_455 = arith.constant 0 : i32
        %parallel_loop3A_456 = tpu.memref_slice %arg7[%parallel_loop3A_334, %parallel_loop3A_454, %parallel_loop3A_455] : memref<3x8x2048xf32, #tpu.memory_space<vmem>> -> memref<1x8x2048xf32, #tpu.memory_space<vmem>>
        %parallel_loop3A_457 = tpu.memref_squeeze %parallel_loop3A_456 : memref<1x8x2048xf32, #tpu.memory_space<vmem>> -> memref<8x2048xf32, #tpu.memory_space<vmem>>
        %parallel_loop3A_458 = arith.index_cast %parallel_loop3A_453 : i32 to index
        %parallel_loop3A_459 = arith.index_cast %parallel_loop3A_410 : i32 to index
        %parallel_loop3A_460 = tpu.vector_load %parallel_loop3A_457[%parallel_loop3A_458, %parallel_loop3A_459] {strides = array<i32>} : memref<8x2048xf32, #tpu.memory_space<vmem>>, vector<1x16xf32>,
        %parallel_loop3A_461 = vector.shape_cast %parallel_loop3A_460 : vector<1x16xf32> to vector<16xf32>
        %parallel_loop3A_462 = vector.broadcast %squeeze3A : f32 to vector<16xf32>
        %parallel_loop3A_463 = arith.mulf %parallel_loop3A_461, %parallel_loop3A_462 : vector<16xf32>
        %parallel_loop3A_464 = arith.constant 2 : i32
        %parallel_loop3A_465 = arith.constant 0 : i32
        %parallel_loop3A_466 = arith.constant 0 : i32
        %parallel_loop3A_467 = tpu.memref_slice %arg8[%parallel_loop3A_335, %parallel_loop3A_465, %parallel_loop3A_466] : memref<3x8x2048xf32, #tpu.memory_space<vmem>> -> memref<1x8x2048xf32, #tpu.memory_space<vmem>>
        %parallel_loop3A_468 = tpu.memref_squeeze %parallel_loop3A_467 : memref<1x8x2048xf32, #tpu.memory_space<vmem>> -> memref<8x2048xf32, #tpu.memory_space<vmem>>
        %parallel_loop3A_469 = arith.index_cast %parallel_loop3A_464 : i32 to index
        %parallel_loop3A_470 = arith.index_cast %parallel_loop3A_410 : i32 to index
        %parallel_loop3A_471 = tpu.vector_load %parallel_loop3A_468[%parallel_loop3A_469, %parallel_loop3A_470] {strides = array<i32>} : memref<8x2048xf32, #tpu.memory_space<vmem>>, vector<1x16xf32>,
        %parallel_loop3A_472 = vector.shape_cast %parallel_loop3A_471 : vector<1x16xf32> to vector<16xf32>
        %parallel_loop3A_473 = vector.shape_cast %parallel_loop3A_463 : vector<16xf32> to vector<1x16xf32>
        tpu.vector_store %parallel_loop3A_468[%parallel_loop3A_469, %parallel_loop3A_470], %parallel_loop3A_473 {strides = array<i32>} : memref<8x2048xf32, #tpu.memory_space<vmem>>, vector<1x16xf32>,
        %parallel_loop3A_474 = arith.constant 3 : i32
        %parallel_loop3A_475 = arith.constant 0 : i32
        %parallel_loop3A_476 = arith.constant 0 : i32
        %parallel_loop3A_477 = tpu.memref_slice %arg7[%parallel_loop3A_334, %parallel_loop3A_475, %parallel_loop3A_476] : memref<3x8x2048xf32, #tpu.memory_space<vmem>> -> memref<1x8x2048xf32, #tpu.memory_space<vmem>>
        %parallel_loop3A_478 = tpu.memref_squeeze %parallel_loop3A_477 : memref<1x8x2048xf32, #tpu.memory_space<vmem>> -> memref<8x2048xf32, #tpu.memory_space<vmem>>
        %parallel_loop3A_479 = arith.index_cast %parallel_loop3A_474 : i32 to index
        %parallel_loop3A_480 = arith.index_cast %parallel_loop3A_410 : i32 to index
        %parallel_loop3A_481 = tpu.vector_load %parallel_loop3A_478[%parallel_loop3A_479, %parallel_loop3A_480] {strides = array<i32>} : memref<8x2048xf32, #tpu.memory_space<vmem>>, vector<1x16xf32>,
        %parallel_loop3A_482 = vector.shape_cast %parallel_loop3A_481 : vector<1x16xf32> to vector<16xf32>
        %parallel_loop3A_483 = vector.broadcast %squeeze3A : f32 to vector<16xf32>
        %parallel_loop3A_484 = arith.mulf %parallel_loop3A_482, %parallel_loop3A_483 : vector<16xf32>
        %parallel_loop3A_485 = arith.constant 3 : i32
        %parallel_loop3A_486 = arith.constant 0 : i32
        %parallel_loop3A_487 = arith.constant 0 : i32
        %parallel_loop3A_488 = tpu.memref_slice %arg8[%parallel_loop3A_335, %parallel_loop3A_486, %parallel_loop3A_487] : memref<3x8x2048xf32, #tpu.memory_space<vmem>> -> memref<1x8x2048xf32, #tpu.memory_space<vmem>>
        %parallel_loop3A_489 = tpu.memref_squeeze %parallel_loop3A_488 : memref<1x8x2048xf32, #tpu.memory_space<vmem>> -> memref<8x2048xf32, #tpu.memory_space<vmem>>
        %parallel_loop3A_490 = arith.index_cast %parallel_loop3A_485 : i32 to index
        %parallel_loop3A_491 = arith.index_cast %parallel_loop3A_410 : i32 to index
        %parallel_loop3A_492 = tpu.vector_load %parallel_loop3A_489[%parallel_loop3A_490, %parallel_loop3A_491] {strides = array<i32>} : memref<8x2048xf32, #tpu.memory_space<vmem>>, vector<1x16xf32>,
        %parallel_loop3A_493 = vector.shape_cast %parallel_loop3A_492 : vector<1x16xf32> to vector<16xf32>
        %parallel_loop3A_494 = vector.shape_cast %parallel_loop3A_484 : vector<16xf32> to vector<1x16xf32>
        tpu.vector_store %parallel_loop3A_489[%parallel_loop3A_490, %parallel_loop3A_491], %parallel_loop3A_494 {strides = array<i32>} : memref<8x2048xf32, #tpu.memory_space<vmem>>, vector<1x16xf32>,
        %parallel_loop3A_495 = arith.constant 4 : i32
        %parallel_loop3A_496 = arith.constant 0 : i32
        %parallel_loop3A_497 = arith.constant 0 : i32
        %parallel_loop3A_498 = tpu.memref_slice %arg7[%parallel_loop3A_334, %parallel_loop3A_496, %parallel_loop3A_497] : memref<3x8x2048xf32, #tpu.memory_space<vmem>> -> memref<1x8x2048xf32, #tpu.memory_space<vmem>>
        %parallel_loop3A_499 = tpu.memref_squeeze %parallel_loop3A_498 : memref<1x8x2048xf32, #tpu.memory_space<vmem>> -> memref<8x2048xf32, #tpu.memory_space<vmem>>
        %parallel_loop3A_500 = arith.index_cast %parallel_loop3A_495 : i32 to index
        %parallel_loop3A_501 = arith.index_cast %parallel_loop3A_410 : i32 to index
        %parallel_loop3A_502 = tpu.vector_load %parallel_loop3A_499[%parallel_loop3A_500, %parallel_loop3A_501] {strides = array<i32>} : memref<8x2048xf32, #tpu.memory_space<vmem>>, vector<1x16xf32>,
        %parallel_loop3A_503 = vector.shape_cast %parallel_loop3A_502 : vector<1x16xf32> to vector<16xf32>
        %parallel_loop3A_504 = vector.broadcast %squeeze3A : f32 to vector<16xf32>
        %parallel_loop3A_505 = arith.mulf %parallel_loop3A_503, %parallel_loop3A_504 : vector<16xf32>
        %parallel_loop3A_506 = arith.constant 4 : i32
        %parallel_loop3A_507 = arith.constant 0 : i32
        %parallel_loop3A_508 = arith.constant 0 : i32
        %parallel_loop3A_509 = tpu.memref_slice %arg8[%parallel_loop3A_335, %parallel_loop3A_507, %parallel_loop3A_508] : memref<3x8x2048xf32, #tpu.memory_space<vmem>> -> memref<1x8x2048xf32, #tpu.memory_space<vmem>>
        %parallel_loop3A_510 = tpu.memref_squeeze %parallel_loop3A_509 : memref<1x8x2048xf32, #tpu.memory_space<vmem>> -> memref<8x2048xf32, #tpu.memory_space<vmem>>
        %parallel_loop3A_511 = arith.index_cast %parallel_loop3A_506 : i32 to index
        %parallel_loop3A_512 = arith.index_cast %parallel_loop3A_410 : i32 to index
        %parallel_loop3A_513 = tpu.vector_load %parallel_loop3A_510[%parallel_loop3A_511, %parallel_loop3A_512] {strides = array<i32>} : memref<8x2048xf32, #tpu.memory_space<vmem>>, vector<1x16xf32>,
        %parallel_loop3A_514 = vector.shape_cast %parallel_loop3A_513 : vector<1x16xf32> to vector<16xf32>
        %parallel_loop3A_515 = vector.shape_cast %parallel_loop3A_505 : vector<16xf32> to vector<1x16xf32>
        tpu.vector_store %parallel_loop3A_510[%parallel_loop3A_511, %parallel_loop3A_512], %parallel_loop3A_515 {strides = array<i32>} : memref<8x2048xf32, #tpu.memory_space<vmem>>, vector<1x16xf32>,
        %parallel_loop3A_516 = arith.constant 5 : i32
        %parallel_loop3A_517 = arith.constant 0 : i32
        %parallel_loop3A_518 = arith.constant 0 : i32
        %parallel_loop3A_519 = tpu.memref_slice %arg7[%parallel_loop3A_334, %parallel_loop3A_517, %parallel_loop3A_518] : memref<3x8x2048xf32, #tpu.memory_space<vmem>> -> memref<1x8x2048xf32, #tpu.memory_space<vmem>>
        %parallel_loop3A_520 = tpu.memref_squeeze %parallel_loop3A_519 : memref<1x8x2048xf32, #tpu.memory_space<vmem>> -> memref<8x2048xf32, #tpu.memory_space<vmem>>
        %parallel_loop3A_521 = arith.index_cast %parallel_loop3A_516 : i32 to index
        %parallel_loop3A_522 = arith.index_cast %parallel_loop3A_410 : i32 to index
        %parallel_loop3A_523 = tpu.vector_load %parallel_loop3A_520[%parallel_loop3A_521, %parallel_loop3A_522] {strides = array<i32>} : memref<8x2048xf32, #tpu.memory_space<vmem>>, vector<1x16xf32>,
        %parallel_loop3A_524 = vector.shape_cast %parallel_loop3A_523 : vector<1x16xf32> to vector<16xf32>
        %parallel_loop3A_525 = vector.broadcast %squeeze3A : f32 to vector<16xf32>
        %parallel_loop3A_526 = arith.mulf %parallel_loop3A_524, %parallel_loop3A_525 : vector<16xf32>
        %parallel_loop3A_527 = arith.constant 5 : i32
        %parallel_loop3A_528 = arith.constant 0 : i32
        %parallel_loop3A_529 = arith.constant 0 : i32
        %parallel_loop3A_530 = tpu.memref_slice %arg8[%parallel_loop3A_335, %parallel_loop3A_528, %parallel_loop3A_529] : memref<3x8x2048xf32, #tpu.memory_space<vmem>> -> memref<1x8x2048xf32, #tpu.memory_space<vmem>>
        %parallel_loop3A_531 = tpu.memref_squeeze %parallel_loop3A_530 : memref<1x8x2048xf32, #tpu.memory_space<vmem>> -> memref<8x2048xf32, #tpu.memory_space<vmem>>
        %parallel_loop3A_532 = arith.index_cast %parallel_loop3A_527 : i32 to index
        %parallel_loop3A_533 = arith.index_cast %parallel_loop3A_410 : i32 to index
        %parallel_loop3A_534 = tpu.vector_load %parallel_loop3A_531[%parallel_loop3A_532, %parallel_loop3A_533] {strides = array<i32>} : memref<8x2048xf32, #tpu.memory_space<vmem>>, vector<1x16xf32>,
        %parallel_loop3A_535 = vector.shape_cast %parallel_loop3A_534 : vector<1x16xf32> to vector<16xf32>
        %parallel_loop3A_536 = vector.shape_cast %parallel_loop3A_526 : vector<16xf32> to vector<1x16xf32>
        tpu.vector_store %parallel_loop3A_531[%parallel_loop3A_532, %parallel_loop3A_533], %parallel_loop3A_536 {strides = array<i32>} : memref<8x2048xf32, #tpu.memory_space<vmem>>, vector<1x16xf32>,
        %parallel_loop3A_537 = arith.constant 6 : i32
        %parallel_loop3A_538 = arith.constant 0 : i32
        %parallel_loop3A_539 = arith.constant 0 : i32
        %parallel_loop3A_540 = tpu.memref_slice %arg7[%parallel_loop3A_334, %parallel_loop3A_538, %parallel_loop3A_539] : memref<3x8x2048xf32, #tpu.memory_space<vmem>> -> memref<1x8x2048xf32, #tpu.memory_space<vmem>>
        %parallel_loop3A_541 = tpu.memref_squeeze %parallel_loop3A_540 : memref<1x8x2048xf32, #tpu.memory_space<vmem>> -> memref<8x2048xf32, #tpu.memory_space<vmem>>
        %parallel_loop3A_542 = arith.index_cast %parallel_loop3A_537 : i32 to index
        %parallel_loop3A_543 = arith.index_cast %parallel_loop3A_410 : i32 to index
        %parallel_loop3A_544 = tpu.vector_load %parallel_loop3A_541[%parallel_loop3A_542, %parallel_loop3A_543] {strides = array<i32>} : memref<8x2048xf32, #tpu.memory_space<vmem>>, vector<1x16xf32>,
        %parallel_loop3A_545 = vector.shape_cast %parallel_loop3A_544 : vector<1x16xf32> to vector<16xf32>
        %parallel_loop3A_546 = vector.broadcast %squeeze3A : f32 to vector<16xf32>
        %parallel_loop3A_547 = arith.mulf %parallel_loop3A_545, %parallel_loop3A_546 : vector<16xf32>
        %parallel_loop3A_548 = arith.constant 6 : i32
        %parallel_loop3A_549 = arith.constant 0 : i32
        %parallel_loop3A_550 = arith.constant 0 : i32
        %parallel_loop3A_551 = tpu.memref_slice %arg8[%parallel_loop3A_335, %parallel_loop3A_549, %parallel_loop3A_550] : memref<3x8x2048xf32, #tpu.memory_space<vmem>> -> memref<1x8x2048xf32, #tpu.memory_space<vmem>>
        %parallel_loop3A_552 = tpu.memref_squeeze %parallel_loop3A_551 : memref<1x8x2048xf32, #tpu.memory_space<vmem>> -> memref<8x2048xf32, #tpu.memory_space<vmem>>
        %parallel_loop3A_553 = arith.index_cast %parallel_loop3A_548 : i32 to index
        %parallel_loop3A_554 = arith.index_cast %parallel_loop3A_410 : i32 to index
        %parallel_loop3A_555 = tpu.vector_load %parallel_loop3A_552[%parallel_loop3A_553, %parallel_loop3A_554] {strides = array<i32>} : memref<8x2048xf32, #tpu.memory_space<vmem>>, vector<1x16xf32>,
        %parallel_loop3A_556 = vector.shape_cast %parallel_loop3A_555 : vector<1x16xf32> to vector<16xf32>
        %parallel_loop3A_557 = vector.shape_cast %parallel_loop3A_547 : vector<16xf32> to vector<1x16xf32>
        tpu.vector_store %parallel_loop3A_552[%parallel_loop3A_553, %parallel_loop3A_554], %parallel_loop3A_557 {strides = array<i32>} : memref<8x2048xf32, #tpu.memory_space<vmem>>, vector<1x16xf32>,
        %parallel_loop3A_558 = arith.constant 7 : i32
        %parallel_loop3A_559 = arith.constant 0 : i32
        %parallel_loop3A_560 = arith.constant 0 : i32
        %parallel_loop3A_561 = tpu.memref_slice %arg7[%parallel_loop3A_334, %parallel_loop3A_559, %parallel_loop3A_560] : memref<3x8x2048xf32, #tpu.memory_space<vmem>> -> memref<1x8x2048xf32, #tpu.memory_space<vmem>>
        %parallel_loop3A_562 = tpu.memref_squeeze %parallel_loop3A_561 : memref<1x8x2048xf32, #tpu.memory_space<vmem>> -> memref<8x2048xf32, #tpu.memory_space<vmem>>
        %parallel_loop3A_563 = arith.index_cast %parallel_loop3A_558 : i32 to index
        %parallel_loop3A_564 = arith.index_cast %parallel_loop3A_410 : i32 to index
        %parallel_loop3A_565 = tpu.vector_load %parallel_loop3A_562[%parallel_loop3A_563, %parallel_loop3A_564] {strides = array<i32>} : memref<8x2048xf32, #tpu.memory_space<vmem>>, vector<1x16xf32>,
        %parallel_loop3A_566 = vector.shape_cast %parallel_loop3A_565 : vector<1x16xf32> to vector<16xf32>
        %parallel_loop3A_567 = vector.broadcast %squeeze3A : f32 to vector<16xf32>
        %parallel_loop3A_568 = arith.mulf %parallel_loop3A_566, %parallel_loop3A_567 : vector<16xf32>
        %parallel_loop3A_569 = arith.constant 7 : i32
        %parallel_loop3A_570 = arith.constant 0 : i32
        %parallel_loop3A_571 = arith.constant 0 : i32
        %parallel_loop3A_572 = tpu.memref_slice %arg8[%parallel_loop3A_335, %parallel_loop3A_570, %parallel_loop3A_571] : memref<3x8x2048xf32, #tpu.memory_space<vmem>> -> memref<1x8x2048xf32, #tpu.memory_space<vmem>>
        %parallel_loop3A_573 = tpu.memref_squeeze %parallel_loop3A_572 : memref<1x8x2048xf32, #tpu.memory_space<vmem>> -> memref<8x2048xf32, #tpu.memory_space<vmem>>
        %parallel_loop3A_574 = arith.index_cast %parallel_loop3A_569 : i32 to index
        %parallel_loop3A_575 = arith.index_cast %parallel_loop3A_410 : i32 to index
        %parallel_loop3A_576 = tpu.vector_load %parallel_loop3A_573[%parallel_loop3A_574, %parallel_loop3A_575] {strides = array<i32>} : memref<8x2048xf32, #tpu.memory_space<vmem>>, vector<1x16xf32>,
        %parallel_loop3A_577 = vector.shape_cast %parallel_loop3A_576 : vector<1x16xf32> to vector<16xf32>
        %parallel_loop3A_578 = vector.shape_cast %parallel_loop3A_568 : vector<16xf32> to vector<1x16xf32>
        tpu.vector_store %parallel_loop3A_573[%parallel_loop3A_574, %parallel_loop3A_575], %parallel_loop3A_578 {strides = array<i32>} : memref<8x2048xf32, #tpu.memory_space<vmem>>, vector<1x16xf32>,
      } {sc.loop_unroll_factor = 8 : i64, sc.parallel_access}
      %mul3A_336 = arith.constant 8 : i32
      %mul3A_337 = arith.muli %add3A_301, %mul3A_336 : i32
      %add3A_338 = arith.addi %mul3A_4, %mul3A_337 : i32
      %dma_start3A_339 = arith.constant 0 : i32
      %dma_start3A_340 = arith.constant 0 : i32
      %dma_start3A_341 = arith.constant 0 : i32
      %dma_start3A_342 = tpu.memref_slice %arg8[%dma_start3A_339, %dma_start3A_340, %dma_start3A_341] : memref<3x8x2048xf32, #tpu.memory_space<vmem>> -> memref<1x8x2048xf32, #tpu.memory_space<vmem>>
      %dma_start3A_343 = tpu.memref_squeeze %dma_start3A_342 : memref<1x8x2048xf32, #tpu.memory_space<vmem>> -> memref<8x2048xf32, #tpu.memory_space<vmem>>
      %dma_start3A_344 = arith.constant 0 : i32
      %dma_start3A_345 = tpu.memref_slice %arg5[%add3A_338, %dma_start3A_344] : memref<16384x2048xf32, #tpu.memory_space<hbm>> -> memref<8x2048xf32, #tpu.memory_space<hbm>>
      %dma_start3A_346 = arith.constant 0 : i32
      %dma_start3A_347 = tpu.memref_slice %arg5[%add3A_338, %dma_start3A_346] : memref<16384x2048xf32, #tpu.memory_space<hbm>> -> memref<8x2048xf32, #tpu.memory_space<hbm>>
      %dma_start3A_348 = arith.constant 0 : i32
      %dma_start3A_349 = arith.constant 0 : i32
      %dma_start3A_350 = tpu.memref_slice %arg8[%dma_start3A_339, %dma_start3A_348, %dma_start3A_349] : memref<3x8x2048xf32, #tpu.memory_space<vmem>> -> memref<1x8x2048xf32, #tpu.memory_space<vmem>>
      %dma_start3A_351 = tpu.memref_squeeze %dma_start3A_350 : memref<1x8x2048xf32, #tpu.memory_space<vmem>> -> memref<8x2048xf32, #tpu.memory_space<vmem>>
      tpu.enqueue_dma source(%dma_start3A_351 : memref<8x2048xf32, #tpu.memory_space<vmem>>) target(%dma_start3A_347 : memref<8x2048xf32, #tpu.memory_space<hbm>>) target_semaphore(%arg12 : memref<!tpu.dma_semaphore, #tpu.memory_space<semaphore_mem>>)
      %mul3A_352 = arith.constant 3 : i32
      %mul3A_353 = arith.muli %mul3A_352, %scan3A_242 : i32
      %add3A_354 = arith.constant 2 : i32
      %add3A_355 = arith.addi %mul3A_353, %add3A_354 : i32
      %add3A_356 = arith.constant 2 : i32
      %add3A_357 = arith.addi %add3A_355, %add3A_356 : i32
      %add3A_358 = arith.constant 2 : i32
      %add3A_359 = arith.addi %add3A_357, %add3A_358 : i32
      %mul3A_360 = arith.constant 8 : i32
      %mul3A_361 = arith.muli %add3A_359, %mul3A_360 : i32
      %dma_start3A_362 = arith.constant 0 : i32
      %dma_start3A_363 = arith.constant 0 : i32
      %dma_start3A_364 = arith.constant 0 : i32
      %dma_start3A_365 = tpu.memref_slice %arg7[%dma_start3A_362, %dma_start3A_363, %dma_start3A_364] : memref<3x8x2048xf32, #tpu.memory_space<vmem>> -> memref<1x8x2048xf32, #tpu.memory_space<vmem>>
      %dma_start3A_366 = tpu.memref_squeeze %dma_start3A_365 : memref<1x8x2048xf32, #tpu.memory_space<vmem>> -> memref<8x2048xf32, #tpu.memory_space<vmem>>
      %dma_start3A_367 = tpu.memref_slice %arg6[%mul3A_361] : memref<512xi32, #tpu.memory_space<vmem>> -> memref<8xi32, #tpu.memory_space<vmem>>
      %dma_start3A_368 = arith.constant 0 : i32
      %dma_start3A_369 = arith.constant 0 : i32
      %dma_start3A_370 = tpu.memref_slice %arg3[%dma_start3A_368, %dma_start3A_369] : memref<100000x2048xf32, #tpu.memory_space<hbm>> -> memref<100000x2048xf32, #tpu.memory_space<hbm>>
      tpu.enqueue_indirect_dma source(%dma_start3A_370 : memref<100000x2048xf32, #tpu.memory_space<hbm>>) target(%dma_start3A_366 : memref<8x2048xf32, #tpu.memory_space<vmem>>) offsets(%dma_start3A_367 : memref<8xi32, #tpu.memory_space<vmem>>) semaphore(%arg9 : memref<!tpu.dma_semaphore, #tpu.memory_space<semaphore_mem>>)
      %mul3A_371 = arith.constant 8 : i32
      %mul3A_372 = arith.muli %add3A_357, %mul3A_371 : i32
      %dma_wait3A_373 = arith.constant 1 : i32
      %dma_wait3A_374 = arith.constant 0 : i32
      %dma_wait3A_375 = arith.constant 0 : i32
      %dma_wait3A_376 = tpu.memref_slice %arg7[%dma_wait3A_373, %dma_wait3A_374, %dma_wait3A_375] : memref<3x8x2048xf32, #tpu.memory_space<vmem>> -> memref<1x8x2048xf32, #tpu.memory_space<vmem>>
      %dma_wait3A_377 = tpu.memref_squeeze %dma_wait3A_376 : memref<1x8x2048xf32, #tpu.memory_space<vmem>> -> memref<8x2048xf32, #tpu.memory_space<vmem>>
      %dma_wait3A_378 = tpu.memref_slice %arg6[%mul3A_372] : memref<512xi32, #tpu.memory_space<vmem>> -> memref<8xi32, #tpu.memory_space<vmem>>
      %dma_wait3A_379 = arith.constant 0 : i32
      %dma_wait3A_380 = arith.constant 0 : i32
      %dma_wait3A_381 = tpu.memref_slice %arg3[%dma_wait3A_379, %dma_wait3A_380] : memref<100000x2048xf32, #tpu.memory_space<hbm>> -> memref<100000x2048xf32, #tpu.memory_space<hbm>>
      tpu.wait_indirect_dma semaphore(%arg10 : memref<!tpu.dma_semaphore, #tpu.memory_space<semaphore_mem>>) src(%dma_wait3A_381 : memref<100000x2048xf32, #tpu.memory_space<hbm>>) dst(%dma_wait3A_377 : memref<8x2048xf32, #tpu.memory_space<vmem>>)
      %ge3A_382 = arith.constant 3 : i32
      %ge3A_383 = arith.cmpi sge, %add3A_357, %ge3A_382 : i32
      %convert_element_type3A_384 = arith.extui %ge3A_383 : i1 to i32
      %cond3A_385 = arith.constant 0 : i32
      %cond3A_386 = arith.cmpi ne, %convert_element_type3A_384, %cond3A_385 : i32
      scf.if %cond3A_386 {
        %sub3A = arith.constant 3 : i32
        %sub3A_408 = arith.subi %add3A_357, %sub3A : i32
        %mul3A_409 = arith.constant 8 : i32
        %mul3A_410 = arith.muli %sub3A_408, %mul3A_409 : i32
        %add3A_411 = arith.addi %mul3A_4, %mul3A_410 : i32
        %dma_wait3A_412 = arith.constant 1 : i32
        %dma_wait3A_413 = arith.constant 0 : i32
        %dma_wait3A_414 = arith.constant 0 : i32
        %dma_wait3A_415 = tpu.memref_slice %arg8[%dma_wait3A_412, %dma_wait3A_413, %dma_wait3A_414] : memref<3x8x2048xf32, #tpu.memory_space<vmem>> -> memref<1x8x2048xf32, #tpu.memory_space<vmem>>
        %dma_wait3A_416 = tpu.memref_squeeze %dma_wait3A_415 : memref<1x8x2048xf32, #tpu.memory_space<vmem>> -> memref<8x2048xf32, #tpu.memory_space<vmem>>
        %dma_wait3A_417 = arith.constant 0 : i32
        %dma_wait3A_418 = tpu.memref_slice %arg5[%add3A_411, %dma_wait3A_417] : memref<16384x2048xf32, #tpu.memory_space<hbm>> -> memref<8x2048xf32, #tpu.memory_space<hbm>>
        %dma_wait3A_419 = arith.constant 0 : i32
        %dma_wait3A_420 = tpu.memref_slice %arg5[%add3A_411, %dma_wait3A_419] : memref<16384x2048xf32, #tpu.memory_space<hbm>> -> memref<8x2048xf32, #tpu.memory_space<hbm>>
        %dma_wait3A_421 = arith.constant 0 : i32
        %dma_wait3A_422 = arith.constant 0 : i32
        %dma_wait3A_423 = tpu.memref_slice %arg8[%dma_wait3A_412, %dma_wait3A_421, %dma_wait3A_422] : memref<3x8x2048xf32, #tpu.memory_space<vmem>> -> memref<1x8x2048xf32, #tpu.memory_space<vmem>>
        %dma_wait3A_424 = tpu.memref_squeeze %dma_wait3A_423 : memref<1x8x2048xf32, #tpu.memory_space<vmem>> -> memref<8x2048xf32, #tpu.memory_space<vmem>>
        tpu.wait_dma2 semaphore(%arg13 : memref<!tpu.dma_semaphore, #tpu.memory_space<semaphore_mem>>) src(%dma_wait3A_424 : memref<8x2048xf32, #tpu.memory_space<vmem>>) dst(%dma_wait3A_420 : memref<8x2048xf32, #tpu.memory_space<hbm>>)
      } else {
      }
      %parallel_loop3A_387 = arith.constant 0 : i32
      %parallel_loop3A_388 = arith.constant 128 : i32
      %parallel_loop3A_389 = arith.constant 1 : i32
      %parallel_loop3A_390 = arith.constant 1 : i32
      %parallel_loop3A_391 = arith.constant 1 : i32
      scf.for %parallel_loop3A_408 = %parallel_loop3A_387 to %parallel_loop3A_388 step %parallel_loop3A_389  : i32 {
        %parallel_loop3A_409 = arith.constant 16 : i32
        %parallel_loop3A_410 = arith.muli %parallel_loop3A_408, %parallel_loop3A_409 : i32
        %parallel_loop3A_411 = arith.constant 0 : i32
        %parallel_loop3A_412 = arith.constant 0 : i32
        %parallel_loop3A_413 = arith.constant 0 : i32
        %parallel_loop3A_414 = tpu.memref_slice %arg7[%parallel_loop3A_390, %parallel_loop3A_412, %parallel_loop3A_413] : memref<3x8x2048xf32, #tpu.memory_space<vmem>> -> memref<1x8x2048xf32, #tpu.memory_space<vmem>>
        %parallel_loop3A_415 = tpu.memref_squeeze %parallel_loop3A_414 : memref<1x8x2048xf32, #tpu.memory_space<vmem>> -> memref<8x2048xf32, #tpu.memory_space<vmem>>
        %parallel_loop3A_416 = arith.index_cast %parallel_loop3A_411 : i32 to index
        %parallel_loop3A_417 = arith.index_cast %parallel_loop3A_410 : i32 to index
        %parallel_loop3A_418 = tpu.vector_load %parallel_loop3A_415[%parallel_loop3A_416, %parallel_loop3A_417] {strides = array<i32>} : memref<8x2048xf32, #tpu.memory_space<vmem>>, vector<1x16xf32>,
        %parallel_loop3A_419 = vector.shape_cast %parallel_loop3A_418 : vector<1x16xf32> to vector<16xf32>
        %parallel_loop3A_420 = vector.broadcast %squeeze3A : f32 to vector<16xf32>
        %parallel_loop3A_421 = arith.mulf %parallel_loop3A_419, %parallel_loop3A_420 : vector<16xf32>
        %parallel_loop3A_422 = arith.constant 0 : i32
        %parallel_loop3A_423 = arith.constant 0 : i32
        %parallel_loop3A_424 = arith.constant 0 : i32
        %parallel_loop3A_425 = tpu.memref_slice %arg8[%parallel_loop3A_391, %parallel_loop3A_423, %parallel_loop3A_424] : memref<3x8x2048xf32, #tpu.memory_space<vmem>> -> memref<1x8x2048xf32, #tpu.memory_space<vmem>>
        %parallel_loop3A_426 = tpu.memref_squeeze %parallel_loop3A_425 : memref<1x8x2048xf32, #tpu.memory_space<vmem>> -> memref<8x2048xf32, #tpu.memory_space<vmem>>
        %parallel_loop3A_427 = arith.index_cast %parallel_loop3A_422 : i32 to index
        %parallel_loop3A_428 = arith.index_cast %parallel_loop3A_410 : i32 to index
        %parallel_loop3A_429 = tpu.vector_load %parallel_loop3A_426[%parallel_loop3A_427, %parallel_loop3A_428] {strides = array<i32>} : memref<8x2048xf32, #tpu.memory_space<vmem>>, vector<1x16xf32>,
        %parallel_loop3A_430 = vector.shape_cast %parallel_loop3A_429 : vector<1x16xf32> to vector<16xf32>
        %parallel_loop3A_431 = vector.shape_cast %parallel_loop3A_421 : vector<16xf32> to vector<1x16xf32>
        tpu.vector_store %parallel_loop3A_426[%parallel_loop3A_427, %parallel_loop3A_428], %parallel_loop3A_431 {strides = array<i32>} : memref<8x2048xf32, #tpu.memory_space<vmem>>, vector<1x16xf32>,
        %parallel_loop3A_432 = arith.constant 1 : i32
        %parallel_loop3A_433 = arith.constant 0 : i32
        %parallel_loop3A_434 = arith.constant 0 : i32
        %parallel_loop3A_435 = tpu.memref_slice %arg7[%parallel_loop3A_390, %parallel_loop3A_433, %parallel_loop3A_434] : memref<3x8x2048xf32, #tpu.memory_space<vmem>> -> memref<1x8x2048xf32, #tpu.memory_space<vmem>>
        %parallel_loop3A_436 = tpu.memref_squeeze %parallel_loop3A_435 : memref<1x8x2048xf32, #tpu.memory_space<vmem>> -> memref<8x2048xf32, #tpu.memory_space<vmem>>
        %parallel_loop3A_437 = arith.index_cast %parallel_loop3A_432 : i32 to index
        %parallel_loop3A_438 = arith.index_cast %parallel_loop3A_410 : i32 to index
        %parallel_loop3A_439 = tpu.vector_load %parallel_loop3A_436[%parallel_loop3A_437, %parallel_loop3A_438] {strides = array<i32>} : memref<8x2048xf32, #tpu.memory_space<vmem>>, vector<1x16xf32>,
        %parallel_loop3A_440 = vector.shape_cast %parallel_loop3A_439 : vector<1x16xf32> to vector<16xf32>
        %parallel_loop3A_441 = vector.broadcast %squeeze3A : f32 to vector<16xf32>
        %parallel_loop3A_442 = arith.mulf %parallel_loop3A_440, %parallel_loop3A_441 : vector<16xf32>
        %parallel_loop3A_443 = arith.constant 1 : i32
        %parallel_loop3A_444 = arith.constant 0 : i32
        %parallel_loop3A_445 = arith.constant 0 : i32
        %parallel_loop3A_446 = tpu.memref_slice %arg8[%parallel_loop3A_391, %parallel_loop3A_444, %parallel_loop3A_445] : memref<3x8x2048xf32, #tpu.memory_space<vmem>> -> memref<1x8x2048xf32, #tpu.memory_space<vmem>>
        %parallel_loop3A_447 = tpu.memref_squeeze %parallel_loop3A_446 : memref<1x8x2048xf32, #tpu.memory_space<vmem>> -> memref<8x2048xf32, #tpu.memory_space<vmem>>
        %parallel_loop3A_448 = arith.index_cast %parallel_loop3A_443 : i32 to index
        %parallel_loop3A_449 = arith.index_cast %parallel_loop3A_410 : i32 to index
        %parallel_loop3A_450 = tpu.vector_load %parallel_loop3A_447[%parallel_loop3A_448, %parallel_loop3A_449] {strides = array<i32>} : memref<8x2048xf32, #tpu.memory_space<vmem>>, vector<1x16xf32>,
        %parallel_loop3A_451 = vector.shape_cast %parallel_loop3A_450 : vector<1x16xf32> to vector<16xf32>
        %parallel_loop3A_452 = vector.shape_cast %parallel_loop3A_442 : vector<16xf32> to vector<1x16xf32>
        tpu.vector_store %parallel_loop3A_447[%parallel_loop3A_448, %parallel_loop3A_449], %parallel_loop3A_452 {strides = array<i32>} : memref<8x2048xf32, #tpu.memory_space<vmem>>, vector<1x16xf32>,
        %parallel_loop3A_453 = arith.constant 2 : i32
        %parallel_loop3A_454 = arith.constant 0 : i32
        %parallel_loop3A_455 = arith.constant 0 : i32
        %parallel_loop3A_456 = tpu.memref_slice %arg7[%parallel_loop3A_390, %parallel_loop3A_454, %parallel_loop3A_455] : memref<3x8x2048xf32, #tpu.memory_space<vmem>> -> memref<1x8x2048xf32, #tpu.memory_space<vmem>>
        %parallel_loop3A_457 = tpu.memref_squeeze %parallel_loop3A_456 : memref<1x8x2048xf32, #tpu.memory_space<vmem>> -> memref<8x2048xf32, #tpu.memory_space<vmem>>
        %parallel_loop3A_458 = arith.index_cast %parallel_loop3A_453 : i32 to index
        %parallel_loop3A_459 = arith.index_cast %parallel_loop3A_410 : i32 to index
        %parallel_loop3A_460 = tpu.vector_load %parallel_loop3A_457[%parallel_loop3A_458, %parallel_loop3A_459] {strides = array<i32>} : memref<8x2048xf32, #tpu.memory_space<vmem>>, vector<1x16xf32>,
        %parallel_loop3A_461 = vector.shape_cast %parallel_loop3A_460 : vector<1x16xf32> to vector<16xf32>
        %parallel_loop3A_462 = vector.broadcast %squeeze3A : f32 to vector<16xf32>
        %parallel_loop3A_463 = arith.mulf %parallel_loop3A_461, %parallel_loop3A_462 : vector<16xf32>
        %parallel_loop3A_464 = arith.constant 2 : i32
        %parallel_loop3A_465 = arith.constant 0 : i32
        %parallel_loop3A_466 = arith.constant 0 : i32
        %parallel_loop3A_467 = tpu.memref_slice %arg8[%parallel_loop3A_391, %parallel_loop3A_465, %parallel_loop3A_466] : memref<3x8x2048xf32, #tpu.memory_space<vmem>> -> memref<1x8x2048xf32, #tpu.memory_space<vmem>>
        %parallel_loop3A_468 = tpu.memref_squeeze %parallel_loop3A_467 : memref<1x8x2048xf32, #tpu.memory_space<vmem>> -> memref<8x2048xf32, #tpu.memory_space<vmem>>
        %parallel_loop3A_469 = arith.index_cast %parallel_loop3A_464 : i32 to index
        %parallel_loop3A_470 = arith.index_cast %parallel_loop3A_410 : i32 to index
        %parallel_loop3A_471 = tpu.vector_load %parallel_loop3A_468[%parallel_loop3A_469, %parallel_loop3A_470] {strides = array<i32>} : memref<8x2048xf32, #tpu.memory_space<vmem>>, vector<1x16xf32>,
        %parallel_loop3A_472 = vector.shape_cast %parallel_loop3A_471 : vector<1x16xf32> to vector<16xf32>
        %parallel_loop3A_473 = vector.shape_cast %parallel_loop3A_463 : vector<16xf32> to vector<1x16xf32>
        tpu.vector_store %parallel_loop3A_468[%parallel_loop3A_469, %parallel_loop3A_470], %parallel_loop3A_473 {strides = array<i32>} : memref<8x2048xf32, #tpu.memory_space<vmem>>, vector<1x16xf32>,
        %parallel_loop3A_474 = arith.constant 3 : i32
        %parallel_loop3A_475 = arith.constant 0 : i32
        %parallel_loop3A_476 = arith.constant 0 : i32
        %parallel_loop3A_477 = tpu.memref_slice %arg7[%parallel_loop3A_390, %parallel_loop3A_475, %parallel_loop3A_476] : memref<3x8x2048xf32, #tpu.memory_space<vmem>> -> memref<1x8x2048xf32, #tpu.memory_space<vmem>>
        %parallel_loop3A_478 = tpu.memref_squeeze %parallel_loop3A_477 : memref<1x8x2048xf32, #tpu.memory_space<vmem>> -> memref<8x2048xf32, #tpu.memory_space<vmem>>
        %parallel_loop3A_479 = arith.index_cast %parallel_loop3A_474 : i32 to index
        %parallel_loop3A_480 = arith.index_cast %parallel_loop3A_410 : i32 to index
        %parallel_loop3A_481 = tpu.vector_load %parallel_loop3A_478[%parallel_loop3A_479, %parallel_loop3A_480] {strides = array<i32>} : memref<8x2048xf32, #tpu.memory_space<vmem>>, vector<1x16xf32>,
        %parallel_loop3A_482 = vector.shape_cast %parallel_loop3A_481 : vector<1x16xf32> to vector<16xf32>
        %parallel_loop3A_483 = vector.broadcast %squeeze3A : f32 to vector<16xf32>
        %parallel_loop3A_484 = arith.mulf %parallel_loop3A_482, %parallel_loop3A_483 : vector<16xf32>
        %parallel_loop3A_485 = arith.constant 3 : i32
        %parallel_loop3A_486 = arith.constant 0 : i32
        %parallel_loop3A_487 = arith.constant 0 : i32
        %parallel_loop3A_488 = tpu.memref_slice %arg8[%parallel_loop3A_391, %parallel_loop3A_486, %parallel_loop3A_487] : memref<3x8x2048xf32, #tpu.memory_space<vmem>> -> memref<1x8x2048xf32, #tpu.memory_space<vmem>>
        %parallel_loop3A_489 = tpu.memref_squeeze %parallel_loop3A_488 : memref<1x8x2048xf32, #tpu.memory_space<vmem>> -> memref<8x2048xf32, #tpu.memory_space<vmem>>
        %parallel_loop3A_490 = arith.index_cast %parallel_loop3A_485 : i32 to index
        %parallel_loop3A_491 = arith.index_cast %parallel_loop3A_410 : i32 to index
        %parallel_loop3A_492 = tpu.vector_load %parallel_loop3A_489[%parallel_loop3A_490, %parallel_loop3A_491] {strides = array<i32>} : memref<8x2048xf32, #tpu.memory_space<vmem>>, vector<1x16xf32>,
        %parallel_loop3A_493 = vector.shape_cast %parallel_loop3A_492 : vector<1x16xf32> to vector<16xf32>
        %parallel_loop3A_494 = vector.shape_cast %parallel_loop3A_484 : vector<16xf32> to vector<1x16xf32>
        tpu.vector_store %parallel_loop3A_489[%parallel_loop3A_490, %parallel_loop3A_491], %parallel_loop3A_494 {strides = array<i32>} : memref<8x2048xf32, #tpu.memory_space<vmem>>, vector<1x16xf32>,
        %parallel_loop3A_495 = arith.constant 4 : i32
        %parallel_loop3A_496 = arith.constant 0 : i32
        %parallel_loop3A_497 = arith.constant 0 : i32
        %parallel_loop3A_498 = tpu.memref_slice %arg7[%parallel_loop3A_390, %parallel_loop3A_496, %parallel_loop3A_497] : memref<3x8x2048xf32, #tpu.memory_space<vmem>> -> memref<1x8x2048xf32, #tpu.memory_space<vmem>>
        %parallel_loop3A_499 = tpu.memref_squeeze %parallel_loop3A_498 : memref<1x8x2048xf32, #tpu.memory_space<vmem>> -> memref<8x2048xf32, #tpu.memory_space<vmem>>
        %parallel_loop3A_500 = arith.index_cast %parallel_loop3A_495 : i32 to index
        %parallel_loop3A_501 = arith.index_cast %parallel_loop3A_410 : i32 to index
        %parallel_loop3A_502 = tpu.vector_load %parallel_loop3A_499[%parallel_loop3A_500, %parallel_loop3A_501] {strides = array<i32>} : memref<8x2048xf32, #tpu.memory_space<vmem>>, vector<1x16xf32>,
        %parallel_loop3A_503 = vector.shape_cast %parallel_loop3A_502 : vector<1x16xf32> to vector<16xf32>
        %parallel_loop3A_504 = vector.broadcast %squeeze3A : f32 to vector<16xf32>
        %parallel_loop3A_505 = arith.mulf %parallel_loop3A_503, %parallel_loop3A_504 : vector<16xf32>
        %parallel_loop3A_506 = arith.constant 4 : i32
        %parallel_loop3A_507 = arith.constant 0 : i32
        %parallel_loop3A_508 = arith.constant 0 : i32
        %parallel_loop3A_509 = tpu.memref_slice %arg8[%parallel_loop3A_391, %parallel_loop3A_507, %parallel_loop3A_508] : memref<3x8x2048xf32, #tpu.memory_space<vmem>> -> memref<1x8x2048xf32, #tpu.memory_space<vmem>>
        %parallel_loop3A_510 = tpu.memref_squeeze %parallel_loop3A_509 : memref<1x8x2048xf32, #tpu.memory_space<vmem>> -> memref<8x2048xf32, #tpu.memory_space<vmem>>
        %parallel_loop3A_511 = arith.index_cast %parallel_loop3A_506 : i32 to index
        %parallel_loop3A_512 = arith.index_cast %parallel_loop3A_410 : i32 to index
        %parallel_loop3A_513 = tpu.vector_load %parallel_loop3A_510[%parallel_loop3A_511, %parallel_loop3A_512] {strides = array<i32>} : memref<8x2048xf32, #tpu.memory_space<vmem>>, vector<1x16xf32>,
        %parallel_loop3A_514 = vector.shape_cast %parallel_loop3A_513 : vector<1x16xf32> to vector<16xf32>
        %parallel_loop3A_515 = vector.shape_cast %parallel_loop3A_505 : vector<16xf32> to vector<1x16xf32>
        tpu.vector_store %parallel_loop3A_510[%parallel_loop3A_511, %parallel_loop3A_512], %parallel_loop3A_515 {strides = array<i32>} : memref<8x2048xf32, #tpu.memory_space<vmem>>, vector<1x16xf32>,
        %parallel_loop3A_516 = arith.constant 5 : i32
        %parallel_loop3A_517 = arith.constant 0 : i32
        %parallel_loop3A_518 = arith.constant 0 : i32
        %parallel_loop3A_519 = tpu.memref_slice %arg7[%parallel_loop3A_390, %parallel_loop3A_517, %parallel_loop3A_518] : memref<3x8x2048xf32, #tpu.memory_space<vmem>> -> memref<1x8x2048xf32, #tpu.memory_space<vmem>>
        %parallel_loop3A_520 = tpu.memref_squeeze %parallel_loop3A_519 : memref<1x8x2048xf32, #tpu.memory_space<vmem>> -> memref<8x2048xf32, #tpu.memory_space<vmem>>
        %parallel_loop3A_521 = arith.index_cast %parallel_loop3A_516 : i32 to index
        %parallel_loop3A_522 = arith.index_cast %parallel_loop3A_410 : i32 to index
        %parallel_loop3A_523 = tpu.vector_load %parallel_loop3A_520[%parallel_loop3A_521, %parallel_loop3A_522] {strides = array<i32>} : memref<8x2048xf32, #tpu.memory_space<vmem>>, vector<1x16xf32>,
        %parallel_loop3A_524 = vector.shape_cast %parallel_loop3A_523 : vector<1x16xf32> to vector<16xf32>
        %parallel_loop3A_525 = vector.broadcast %squeeze3A : f32 to vector<16xf32>
        %parallel_loop3A_526 = arith.mulf %parallel_loop3A_524, %parallel_loop3A_525 : vector<16xf32>
        %parallel_loop3A_527 = arith.constant 5 : i32
        %parallel_loop3A_528 = arith.constant 0 : i32
        %parallel_loop3A_529 = arith.constant 0 : i32
        %parallel_loop3A_530 = tpu.memref_slice %arg8[%parallel_loop3A_391, %parallel_loop3A_528, %parallel_loop3A_529] : memref<3x8x2048xf32, #tpu.memory_space<vmem>> -> memref<1x8x2048xf32, #tpu.memory_space<vmem>>
        %parallel_loop3A_531 = tpu.memref_squeeze %parallel_loop3A_530 : memref<1x8x2048xf32, #tpu.memory_space<vmem>> -> memref<8x2048xf32, #tpu.memory_space<vmem>>
        %parallel_loop3A_532 = arith.index_cast %parallel_loop3A_527 : i32 to index
        %parallel_loop3A_533 = arith.index_cast %parallel_loop3A_410 : i32 to index
        %parallel_loop3A_534 = tpu.vector_load %parallel_loop3A_531[%parallel_loop3A_532, %parallel_loop3A_533] {strides = array<i32>} : memref<8x2048xf32, #tpu.memory_space<vmem>>, vector<1x16xf32>,
        %parallel_loop3A_535 = vector.shape_cast %parallel_loop3A_534 : vector<1x16xf32> to vector<16xf32>
        %parallel_loop3A_536 = vector.shape_cast %parallel_loop3A_526 : vector<16xf32> to vector<1x16xf32>
        tpu.vector_store %parallel_loop3A_531[%parallel_loop3A_532, %parallel_loop3A_533], %parallel_loop3A_536 {strides = array<i32>} : memref<8x2048xf32, #tpu.memory_space<vmem>>, vector<1x16xf32>,
        %parallel_loop3A_537 = arith.constant 6 : i32
        %parallel_loop3A_538 = arith.constant 0 : i32
        %parallel_loop3A_539 = arith.constant 0 : i32
        %parallel_loop3A_540 = tpu.memref_slice %arg7[%parallel_loop3A_390, %parallel_loop3A_538, %parallel_loop3A_539] : memref<3x8x2048xf32, #tpu.memory_space<vmem>> -> memref<1x8x2048xf32, #tpu.memory_space<vmem>>
        %parallel_loop3A_541 = tpu.memref_squeeze %parallel_loop3A_540 : memref<1x8x2048xf32, #tpu.memory_space<vmem>> -> memref<8x2048xf32, #tpu.memory_space<vmem>>
        %parallel_loop3A_542 = arith.index_cast %parallel_loop3A_537 : i32 to index
        %parallel_loop3A_543 = arith.index_cast %parallel_loop3A_410 : i32 to index
        %parallel_loop3A_544 = tpu.vector_load %parallel_loop3A_541[%parallel_loop3A_542, %parallel_loop3A_543] {strides = array<i32>} : memref<8x2048xf32, #tpu.memory_space<vmem>>, vector<1x16xf32>,
        %parallel_loop3A_545 = vector.shape_cast %parallel_loop3A_544 : vector<1x16xf32> to vector<16xf32>
        %parallel_loop3A_546 = vector.broadcast %squeeze3A : f32 to vector<16xf32>
        %parallel_loop3A_547 = arith.mulf %parallel_loop3A_545, %parallel_loop3A_546 : vector<16xf32>
        %parallel_loop3A_548 = arith.constant 6 : i32
        %parallel_loop3A_549 = arith.constant 0 : i32
        %parallel_loop3A_550 = arith.constant 0 : i32
        %parallel_loop3A_551 = tpu.memref_slice %arg8[%parallel_loop3A_391, %parallel_loop3A_549, %parallel_loop3A_550] : memref<3x8x2048xf32, #tpu.memory_space<vmem>> -> memref<1x8x2048xf32, #tpu.memory_space<vmem>>
        %parallel_loop3A_552 = tpu.memref_squeeze %parallel_loop3A_551 : memref<1x8x2048xf32, #tpu.memory_space<vmem>> -> memref<8x2048xf32, #tpu.memory_space<vmem>>
        %parallel_loop3A_553 = arith.index_cast %parallel_loop3A_548 : i32 to index
        %parallel_loop3A_554 = arith.index_cast %parallel_loop3A_410 : i32 to index
        %parallel_loop3A_555 = tpu.vector_load %parallel_loop3A_552[%parallel_loop3A_553, %parallel_loop3A_554] {strides = array<i32>} : memref<8x2048xf32, #tpu.memory_space<vmem>>, vector<1x16xf32>,
        %parallel_loop3A_556 = vector.shape_cast %parallel_loop3A_555 : vector<1x16xf32> to vector<16xf32>
        %parallel_loop3A_557 = vector.shape_cast %parallel_loop3A_547 : vector<16xf32> to vector<1x16xf32>
        tpu.vector_store %parallel_loop3A_552[%parallel_loop3A_553, %parallel_loop3A_554], %parallel_loop3A_557 {strides = array<i32>} : memref<8x2048xf32, #tpu.memory_space<vmem>>, vector<1x16xf32>,
        %parallel_loop3A_558 = arith.constant 7 : i32
        %parallel_loop3A_559 = arith.constant 0 : i32
        %parallel_loop3A_560 = arith.constant 0 : i32
        %parallel_loop3A_561 = tpu.memref_slice %arg7[%parallel_loop3A_390, %parallel_loop3A_559, %parallel_loop3A_560] : memref<3x8x2048xf32, #tpu.memory_space<vmem>> -> memref<1x8x2048xf32, #tpu.memory_space<vmem>>
        %parallel_loop3A_562 = tpu.memref_squeeze %parallel_loop3A_561 : memref<1x8x2048xf32, #tpu.memory_space<vmem>> -> memref<8x2048xf32, #tpu.memory_space<vmem>>
        %parallel_loop3A_563 = arith.index_cast %parallel_loop3A_558 : i32 to index
        %parallel_loop3A_564 = arith.index_cast %parallel_loop3A_410 : i32 to index
        %parallel_loop3A_565 = tpu.vector_load %parallel_loop3A_562[%parallel_loop3A_563, %parallel_loop3A_564] {strides = array<i32>} : memref<8x2048xf32, #tpu.memory_space<vmem>>, vector<1x16xf32>,
        %parallel_loop3A_566 = vector.shape_cast %parallel_loop3A_565 : vector<1x16xf32> to vector<16xf32>
        %parallel_loop3A_567 = vector.broadcast %squeeze3A : f32 to vector<16xf32>
        %parallel_loop3A_568 = arith.mulf %parallel_loop3A_566, %parallel_loop3A_567 : vector<16xf32>
        %parallel_loop3A_569 = arith.constant 7 : i32
        %parallel_loop3A_570 = arith.constant 0 : i32
        %parallel_loop3A_571 = arith.constant 0 : i32
        %parallel_loop3A_572 = tpu.memref_slice %arg8[%parallel_loop3A_391, %parallel_loop3A_570, %parallel_loop3A_571] : memref<3x8x2048xf32, #tpu.memory_space<vmem>> -> memref<1x8x2048xf32, #tpu.memory_space<vmem>>
        %parallel_loop3A_573 = tpu.memref_squeeze %parallel_loop3A_572 : memref<1x8x2048xf32, #tpu.memory_space<vmem>> -> memref<8x2048xf32, #tpu.memory_space<vmem>>
        %parallel_loop3A_574 = arith.index_cast %parallel_loop3A_569 : i32 to index
        %parallel_loop3A_575 = arith.index_cast %parallel_loop3A_410 : i32 to index
        %parallel_loop3A_576 = tpu.vector_load %parallel_loop3A_573[%parallel_loop3A_574, %parallel_loop3A_575] {strides = array<i32>} : memref<8x2048xf32, #tpu.memory_space<vmem>>, vector<1x16xf32>,
        %parallel_loop3A_577 = vector.shape_cast %parallel_loop3A_576 : vector<1x16xf32> to vector<16xf32>
        %parallel_loop3A_578 = vector.shape_cast %parallel_loop3A_568 : vector<16xf32> to vector<1x16xf32>
        tpu.vector_store %parallel_loop3A_573[%parallel_loop3A_574, %parallel_loop3A_575], %parallel_loop3A_578 {strides = array<i32>} : memref<8x2048xf32, #tpu.memory_space<vmem>>, vector<1x16xf32>,
      } {sc.loop_unroll_factor = 8 : i64, sc.parallel_access}
      %mul3A_392 = arith.constant 8 : i32
      %mul3A_393 = arith.muli %add3A_357, %mul3A_392 : i32
      %add3A_394 = arith.addi %mul3A_4, %mul3A_393 : i32
      %dma_start3A_395 = arith.constant 1 : i32
      %dma_start3A_396 = arith.constant 0 : i32
      %dma_start3A_397 = arith.constant 0 : i32
      %dma_start3A_398 = tpu.memref_slice %arg8[%dma_start3A_395, %dma_start3A_396, %dma_start3A_397] : memref<3x8x2048xf32, #tpu.memory_space<vmem>> -> memref<1x8x2048xf32, #tpu.memory_space<vmem>>
      %dma_start3A_399 = tpu.memref_squeeze %dma_start3A_398 : memref<1x8x2048xf32, #tpu.memory_space<vmem>> -> memref<8x2048xf32, #tpu.memory_space<vmem>>
      %dma_start3A_400 = arith.constant 0 : i32
      %dma_start3A_401 = tpu.memref_slice %arg5[%add3A_394, %dma_start3A_400] : memref<16384x2048xf32, #tpu.memory_space<hbm>> -> memref<8x2048xf32, #tpu.memory_space<hbm>>
      %dma_start3A_402 = arith.constant 0 : i32
      %dma_start3A_403 = tpu.memref_slice %arg5[%add3A_394, %dma_start3A_402] : memref<16384x2048xf32, #tpu.memory_space<hbm>> -> memref<8x2048xf32, #tpu.memory_space<hbm>>
      %dma_start3A_404 = arith.constant 0 : i32
      %dma_start3A_405 = arith.constant 0 : i32
      %dma_start3A_406 = tpu.memref_slice %arg8[%dma_start3A_395, %dma_start3A_404, %dma_start3A_405] : memref<3x8x2048xf32, #tpu.memory_space<vmem>> -> memref<1x8x2048xf32, #tpu.memory_space<vmem>>
      %dma_start3A_407 = tpu.memref_squeeze %dma_start3A_406 : memref<1x8x2048xf32, #tpu.memory_space<vmem>> -> memref<8x2048xf32, #tpu.memory_space<vmem>>
      tpu.enqueue_dma source(%dma_start3A_407 : memref<8x2048xf32, #tpu.memory_space<vmem>>) target(%dma_start3A_403 : memref<8x2048xf32, #tpu.memory_space<hbm>>) target_semaphore(%arg13 : memref<!tpu.dma_semaphore, #tpu.memory_space<semaphore_mem>>)
    }
    %scan3A_106 = arith.constant 20 : i32
    %dma_wait3A_107 = arith.constant 2 : i32
    %dma_wait3A_108 = arith.constant 0 : i32
    %dma_wait3A_109 = arith.constant 0 : i32
    %dma_wait3A_110 = tpu.memref_slice %arg7[%dma_wait3A_107, %dma_wait3A_108, %dma_wait3A_109] : memref<3x8x2048xf32, #tpu.memory_space<vmem>> -> memref<1x8x2048xf32, #tpu.memory_space<vmem>>
    %dma_wait3A_111 = tpu.memref_squeeze %dma_wait3A_110 : memref<1x8x2048xf32, #tpu.memory_space<vmem>> -> memref<8x2048xf32, #tpu.memory_space<vmem>>
    %dma_wait3A_112 = arith.constant 496 : i32
    %dma_wait3A_113 = tpu.memref_slice %arg6[%dma_wait3A_112] : memref<512xi32, #tpu.memory_space<vmem>> -> memref<8xi32, #tpu.memory_space<vmem>>
    %dma_wait3A_114 = arith.constant 0 : i32
    %dma_wait3A_115 = arith.constant 0 : i32
    %dma_wait3A_116 = tpu.memref_slice %arg3[%dma_wait3A_114, %dma_wait3A_115] : memref<100000x2048xf32, #tpu.memory_space<hbm>> -> memref<100000x2048xf32, #tpu.memory_space<hbm>>
    tpu.wait_indirect_dma semaphore(%arg11 : memref<!tpu.dma_semaphore, #tpu.memory_space<semaphore_mem>>) src(%dma_wait3A_116 : memref<100000x2048xf32, #tpu.memory_space<hbm>>) dst(%dma_wait3A_111 : memref<8x2048xf32, #tpu.memory_space<vmem>>)
    %add3A_117 = arith.constant 472 : i32
    %add3A_118 = arith.addi %mul3A_4, %add3A_117 : i32
    %dma_wait3A_119 = arith.constant 2 : i32
    %dma_wait3A_120 = arith.constant 0 : i32
    %dma_wait3A_121 = arith.constant 0 : i32
    %dma_wait3A_122 = tpu.memref_slice %arg8[%dma_wait3A_119, %dma_wait3A_120, %dma_wait3A_121] : memref<3x8x2048xf32, #tpu.memory_space<vmem>> -> memref<1x8x2048xf32, #tpu.memory_space<vmem>>
    %dma_wait3A_123 = tpu.memref_squeeze %dma_wait3A_122 : memref<1x8x2048xf32, #tpu.memory_space<vmem>> -> memref<8x2048xf32, #tpu.memory_space<vmem>>
    %dma_wait3A_124 = arith.constant 0 : i32
    %dma_wait3A_125 = tpu.memref_slice %arg5[%add3A_118, %dma_wait3A_124] : memref<16384x2048xf32, #tpu.memory_space<hbm>> -> memref<8x2048xf32, #tpu.memory_space<hbm>>
    %dma_wait3A_126 = arith.constant 0 : i32
    %dma_wait3A_127 = tpu.memref_slice %arg5[%add3A_118, %dma_wait3A_126] : memref<16384x2048xf32, #tpu.memory_space<hbm>> -> memref<8x2048xf32, #tpu.memory_space<hbm>>
    %dma_wait3A_128 = arith.constant 0 : i32
    %dma_wait3A_129 = arith.constant 0 : i32
    %dma_wait3A_130 = tpu.memref_slice %arg8[%dma_wait3A_119, %dma_wait3A_128, %dma_wait3A_129] : memref<3x8x2048xf32, #tpu.memory_space<vmem>> -> memref<1x8x2048xf32, #tpu.memory_space<vmem>>
    %dma_wait3A_131 = tpu.memref_squeeze %dma_wait3A_130 : memref<1x8x2048xf32, #tpu.memory_space<vmem>> -> memref<8x2048xf32, #tpu.memory_space<vmem>>
    tpu.wait_dma2 semaphore(%arg14 : memref<!tpu.dma_semaphore, #tpu.memory_space<semaphore_mem>>) src(%dma_wait3A_131 : memref<8x2048xf32, #tpu.memory_space<vmem>>) dst(%dma_wait3A_127 : memref<8x2048xf32, #tpu.memory_space<hbm>>)
    %parallel_loop3A_132 = arith.constant 0 : i32
    %parallel_loop3A_133 = arith.constant 128 : i32
    %parallel_loop3A_134 = arith.constant 1 : i32
    %parallel_loop3A_135 = arith.constant 2 : i32
    %parallel_loop3A_136 = arith.constant 2 : i32
    scf.for %parallel_loop3A_242 = %parallel_loop3A_132 to %parallel_loop3A_133 step %parallel_loop3A_134  : i32 {
      %parallel_loop3A_243 = arith.constant 16 : i32
      %parallel_loop3A_244 = arith.muli %parallel_loop3A_242, %parallel_loop3A_243 : i32
      %parallel_loop3A_245 = arith.constant 0 : i32
      %parallel_loop3A_246 = arith.constant 0 : i32
      %parallel_loop3A_247 = arith.constant 0 : i32
      %parallel_loop3A_248 = tpu.memref_slice %arg7[%parallel_loop3A_135, %parallel_loop3A_246, %parallel_loop3A_247] : memref<3x8x2048xf32, #tpu.memory_space<vmem>> -> memref<1x8x2048xf32, #tpu.memory_space<vmem>>
      %parallel_loop3A_249 = tpu.memref_squeeze %parallel_loop3A_248 : memref<1x8x2048xf32, #tpu.memory_space<vmem>> -> memref<8x2048xf32, #tpu.memory_space<vmem>>
      %parallel_loop3A_250 = arith.index_cast %parallel_loop3A_245 : i32 to index
      %parallel_loop3A_251 = arith.index_cast %parallel_loop3A_244 : i32 to index
      %parallel_loop3A_252 = tpu.vector_load %parallel_loop3A_249[%parallel_loop3A_250, %parallel_loop3A_251] {strides = array<i32>} : memref<8x2048xf32, #tpu.memory_space<vmem>>, vector<1x16xf32>,
      %parallel_loop3A_253 = vector.shape_cast %parallel_loop3A_252 : vector<1x16xf32> to vector<16xf32>
      %parallel_loop3A_254 = vector.broadcast %squeeze3A : f32 to vector<16xf32>
      %parallel_loop3A_255 = arith.mulf %parallel_loop3A_253, %parallel_loop3A_254 : vector<16xf32>
      %parallel_loop3A_256 = arith.constant 0 : i32
      %parallel_loop3A_257 = arith.constant 0 : i32
      %parallel_loop3A_258 = arith.constant 0 : i32
      %parallel_loop3A_259 = tpu.memref_slice %arg8[%parallel_loop3A_136, %parallel_loop3A_257, %parallel_loop3A_258] : memref<3x8x2048xf32, #tpu.memory_space<vmem>> -> memref<1x8x2048xf32, #tpu.memory_space<vmem>>
      %parallel_loop3A_260 = tpu.memref_squeeze %parallel_loop3A_259 : memref<1x8x2048xf32, #tpu.memory_space<vmem>> -> memref<8x2048xf32, #tpu.memory_space<vmem>>
      %parallel_loop3A_261 = arith.index_cast %parallel_loop3A_256 : i32 to index
      %parallel_loop3A_262 = arith.index_cast %parallel_loop3A_244 : i32 to index
      %parallel_loop3A_263 = tpu.vector_load %parallel_loop3A_260[%parallel_loop3A_261, %parallel_loop3A_262] {strides = array<i32>} : memref<8x2048xf32, #tpu.memory_space<vmem>>, vector<1x16xf32>,
      %parallel_loop3A_264 = vector.shape_cast %parallel_loop3A_263 : vector<1x16xf32> to vector<16xf32>
      %parallel_loop3A_265 = vector.shape_cast %parallel_loop3A_255 : vector<16xf32> to vector<1x16xf32>
      tpu.vector_store %parallel_loop3A_260[%parallel_loop3A_261, %parallel_loop3A_262], %parallel_loop3A_265 {strides = array<i32>} : memref<8x2048xf32, #tpu.memory_space<vmem>>, vector<1x16xf32>,
      %parallel_loop3A_266 = arith.constant 1 : i32
      %parallel_loop3A_267 = arith.constant 0 : i32
      %parallel_loop3A_268 = arith.constant 0 : i32
      %parallel_loop3A_269 = tpu.memref_slice %arg7[%parallel_loop3A_135, %parallel_loop3A_267, %parallel_loop3A_268] : memref<3x8x2048xf32, #tpu.memory_space<vmem>> -> memref<1x8x2048xf32, #tpu.memory_space<vmem>>
      %parallel_loop3A_270 = tpu.memref_squeeze %parallel_loop3A_269 : memref<1x8x2048xf32, #tpu.memory_space<vmem>> -> memref<8x2048xf32, #tpu.memory_space<vmem>>
      %parallel_loop3A_271 = arith.index_cast %parallel_loop3A_266 : i32 to index
      %parallel_loop3A_272 = arith.index_cast %parallel_loop3A_244 : i32 to index
      %parallel_loop3A_273 = tpu.vector_load %parallel_loop3A_270[%parallel_loop3A_271, %parallel_loop3A_272] {strides = array<i32>} : memref<8x2048xf32, #tpu.memory_space<vmem>>, vector<1x16xf32>,
      %parallel_loop3A_274 = vector.shape_cast %parallel_loop3A_273 : vector<1x16xf32> to vector<16xf32>
      %parallel_loop3A_275 = vector.broadcast %squeeze3A : f32 to vector<16xf32>
      %parallel_loop3A_276 = arith.mulf %parallel_loop3A_274, %parallel_loop3A_275 : vector<16xf32>
      %parallel_loop3A_277 = arith.constant 1 : i32
      %parallel_loop3A_278 = arith.constant 0 : i32
      %parallel_loop3A_279 = arith.constant 0 : i32
      %parallel_loop3A_280 = tpu.memref_slice %arg8[%parallel_loop3A_136, %parallel_loop3A_278, %parallel_loop3A_279] : memref<3x8x2048xf32, #tpu.memory_space<vmem>> -> memref<1x8x2048xf32, #tpu.memory_space<vmem>>
      %parallel_loop3A_281 = tpu.memref_squeeze %parallel_loop3A_280 : memref<1x8x2048xf32, #tpu.memory_space<vmem>> -> memref<8x2048xf32, #tpu.memory_space<vmem>>
      %parallel_loop3A_282 = arith.index_cast %parallel_loop3A_277 : i32 to index
      %parallel_loop3A_283 = arith.index_cast %parallel_loop3A_244 : i32 to index
      %parallel_loop3A_284 = tpu.vector_load %parallel_loop3A_281[%parallel_loop3A_282, %parallel_loop3A_283] {strides = array<i32>} : memref<8x2048xf32, #tpu.memory_space<vmem>>, vector<1x16xf32>,
      %parallel_loop3A_285 = vector.shape_cast %parallel_loop3A_284 : vector<1x16xf32> to vector<16xf32>
      %parallel_loop3A_286 = vector.shape_cast %parallel_loop3A_276 : vector<16xf32> to vector<1x16xf32>
      tpu.vector_store %parallel_loop3A_281[%parallel_loop3A_282, %parallel_loop3A_283], %parallel_loop3A_286 {strides = array<i32>} : memref<8x2048xf32, #tpu.memory_space<vmem>>, vector<1x16xf32>,
      %parallel_loop3A_287 = arith.constant 2 : i32
      %parallel_loop3A_288 = arith.constant 0 : i32
      %parallel_loop3A_289 = arith.constant 0 : i32
      %parallel_loop3A_290 = tpu.memref_slice %arg7[%parallel_loop3A_135, %parallel_loop3A_288, %parallel_loop3A_289] : memref<3x8x2048xf32, #tpu.memory_space<vmem>> -> memref<1x8x2048xf32, #tpu.memory_space<vmem>>
      %parallel_loop3A_291 = tpu.memref_squeeze %parallel_loop3A_290 : memref<1x8x2048xf32, #tpu.memory_space<vmem>> -> memref<8x2048xf32, #tpu.memory_space<vmem>>
      %parallel_loop3A_292 = arith.index_cast %parallel_loop3A_287 : i32 to index
      %parallel_loop3A_293 = arith.index_cast %parallel_loop3A_244 : i32 to index
      %parallel_loop3A_294 = tpu.vector_load %parallel_loop3A_291[%parallel_loop3A_292, %parallel_loop3A_293] {strides = array<i32>} : memref<8x2048xf32, #tpu.memory_space<vmem>>, vector<1x16xf32>,
      %parallel_loop3A_295 = vector.shape_cast %parallel_loop3A_294 : vector<1x16xf32> to vector<16xf32>
      %parallel_loop3A_296 = vector.broadcast %squeeze3A : f32 to vector<16xf32>
      %parallel_loop3A_297 = arith.mulf %parallel_loop3A_295, %parallel_loop3A_296 : vector<16xf32>
      %parallel_loop3A_298 = arith.constant 2 : i32
      %parallel_loop3A_299 = arith.constant 0 : i32
      %parallel_loop3A_300 = arith.constant 0 : i32
      %parallel_loop3A_301 = tpu.memref_slice %arg8[%parallel_loop3A_136, %parallel_loop3A_299, %parallel_loop3A_300] : memref<3x8x2048xf32, #tpu.memory_space<vmem>> -> memref<1x8x2048xf32, #tpu.memory_space<vmem>>
      %parallel_loop3A_302 = tpu.memref_squeeze %parallel_loop3A_301 : memref<1x8x2048xf32, #tpu.memory_space<vmem>> -> memref<8x2048xf32, #tpu.memory_space<vmem>>
      %parallel_loop3A_303 = arith.index_cast %parallel_loop3A_298 : i32 to index
      %parallel_loop3A_304 = arith.index_cast %parallel_loop3A_244 : i32 to index
      %parallel_loop3A_305 = tpu.vector_load %parallel_loop3A_302[%parallel_loop3A_303, %parallel_loop3A_304] {strides = array<i32>} : memref<8x2048xf32, #tpu.memory_space<vmem>>, vector<1x16xf32>,
      %parallel_loop3A_306 = vector.shape_cast %parallel_loop3A_305 : vector<1x16xf32> to vector<16xf32>
      %parallel_loop3A_307 = vector.shape_cast %parallel_loop3A_297 : vector<16xf32> to vector<1x16xf32>
      tpu.vector_store %parallel_loop3A_302[%parallel_loop3A_303, %parallel_loop3A_304], %parallel_loop3A_307 {strides = array<i32>} : memref<8x2048xf32, #tpu.memory_space<vmem>>, vector<1x16xf32>,
      %parallel_loop3A_308 = arith.constant 3 : i32
      %parallel_loop3A_309 = arith.constant 0 : i32
      %parallel_loop3A_310 = arith.constant 0 : i32
      %parallel_loop3A_311 = tpu.memref_slice %arg7[%parallel_loop3A_135, %parallel_loop3A_309, %parallel_loop3A_310] : memref<3x8x2048xf32, #tpu.memory_space<vmem>> -> memref<1x8x2048xf32, #tpu.memory_space<vmem>>
      %parallel_loop3A_312 = tpu.memref_squeeze %parallel_loop3A_311 : memref<1x8x2048xf32, #tpu.memory_space<vmem>> -> memref<8x2048xf32, #tpu.memory_space<vmem>>
      %parallel_loop3A_313 = arith.index_cast %parallel_loop3A_308 : i32 to index
      %parallel_loop3A_314 = arith.index_cast %parallel_loop3A_244 : i32 to index
      %parallel_loop3A_315 = tpu.vector_load %parallel_loop3A_312[%parallel_loop3A_313, %parallel_loop3A_314] {strides = array<i32>} : memref<8x2048xf32, #tpu.memory_space<vmem>>, vector<1x16xf32>,
      %parallel_loop3A_316 = vector.shape_cast %parallel_loop3A_315 : vector<1x16xf32> to vector<16xf32>
      %parallel_loop3A_317 = vector.broadcast %squeeze3A : f32 to vector<16xf32>
      %parallel_loop3A_318 = arith.mulf %parallel_loop3A_316, %parallel_loop3A_317 : vector<16xf32>
      %parallel_loop3A_319 = arith.constant 3 : i32
      %parallel_loop3A_320 = arith.constant 0 : i32
      %parallel_loop3A_321 = arith.constant 0 : i32
      %parallel_loop3A_322 = tpu.memref_slice %arg8[%parallel_loop3A_136, %parallel_loop3A_320, %parallel_loop3A_321] : memref<3x8x2048xf32, #tpu.memory_space<vmem>> -> memref<1x8x2048xf32, #tpu.memory_space<vmem>>
      %parallel_loop3A_323 = tpu.memref_squeeze %parallel_loop3A_322 : memref<1x8x2048xf32, #tpu.memory_space<vmem>> -> memref<8x2048xf32, #tpu.memory_space<vmem>>
      %parallel_loop3A_324 = arith.index_cast %parallel_loop3A_319 : i32 to index
      %parallel_loop3A_325 = arith.index_cast %parallel_loop3A_244 : i32 to index
      %parallel_loop3A_326 = tpu.vector_load %parallel_loop3A_323[%parallel_loop3A_324, %parallel_loop3A_325] {strides = array<i32>} : memref<8x2048xf32, #tpu.memory_space<vmem>>, vector<1x16xf32>,
      %parallel_loop3A_327 = vector.shape_cast %parallel_loop3A_326 : vector<1x16xf32> to vector<16xf32>
      %parallel_loop3A_328 = vector.shape_cast %parallel_loop3A_318 : vector<16xf32> to vector<1x16xf32>
      tpu.vector_store %parallel_loop3A_323[%parallel_loop3A_324, %parallel_loop3A_325], %parallel_loop3A_328 {strides = array<i32>} : memref<8x2048xf32, #tpu.memory_space<vmem>>, vector<1x16xf32>,
      %parallel_loop3A_329 = arith.constant 4 : i32
      %parallel_loop3A_330 = arith.constant 0 : i32
      %parallel_loop3A_331 = arith.constant 0 : i32
      %parallel_loop3A_332 = tpu.memref_slice %arg7[%parallel_loop3A_135, %parallel_loop3A_330, %parallel_loop3A_331] : memref<3x8x2048xf32, #tpu.memory_space<vmem>> -> memref<1x8x2048xf32, #tpu.memory_space<vmem>>
      %parallel_loop3A_333 = tpu.memref_squeeze %parallel_loop3A_332 : memref<1x8x2048xf32, #tpu.memory_space<vmem>> -> memref<8x2048xf32, #tpu.memory_space<vmem>>
      %parallel_loop3A_334 = arith.index_cast %parallel_loop3A_329 : i32 to index
      %parallel_loop3A_335 = arith.index_cast %parallel_loop3A_244 : i32 to index
      %parallel_loop3A_336 = tpu.vector_load %parallel_loop3A_333[%parallel_loop3A_334, %parallel_loop3A_335] {strides = array<i32>} : memref<8x2048xf32, #tpu.memory_space<vmem>>, vector<1x16xf32>,
      %parallel_loop3A_337 = vector.shape_cast %parallel_loop3A_336 : vector<1x16xf32> to vector<16xf32>
      %parallel_loop3A_338 = vector.broadcast %squeeze3A : f32 to vector<16xf32>
      %parallel_loop3A_339 = arith.mulf %parallel_loop3A_337, %parallel_loop3A_338 : vector<16xf32>
      %parallel_loop3A_340 = arith.constant 4 : i32
      %parallel_loop3A_341 = arith.constant 0 : i32
      %parallel_loop3A_342 = arith.constant 0 : i32
      %parallel_loop3A_343 = tpu.memref_slice %arg8[%parallel_loop3A_136, %parallel_loop3A_341, %parallel_loop3A_342] : memref<3x8x2048xf32, #tpu.memory_space<vmem>> -> memref<1x8x2048xf32, #tpu.memory_space<vmem>>
      %parallel_loop3A_344 = tpu.memref_squeeze %parallel_loop3A_343 : memref<1x8x2048xf32, #tpu.memory_space<vmem>> -> memref<8x2048xf32, #tpu.memory_space<vmem>>
      %parallel_loop3A_345 = arith.index_cast %parallel_loop3A_340 : i32 to index
      %parallel_loop3A_346 = arith.index_cast %parallel_loop3A_244 : i32 to index
      %parallel_loop3A_347 = tpu.vector_load %parallel_loop3A_344[%parallel_loop3A_345, %parallel_loop3A_346] {strides = array<i32>} : memref<8x2048xf32, #tpu.memory_space<vmem>>, vector<1x16xf32>,
      %parallel_loop3A_348 = vector.shape_cast %parallel_loop3A_347 : vector<1x16xf32> to vector<16xf32>
      %parallel_loop3A_349 = vector.shape_cast %parallel_loop3A_339 : vector<16xf32> to vector<1x16xf32>
      tpu.vector_store %parallel_loop3A_344[%parallel_loop3A_345, %parallel_loop3A_346], %parallel_loop3A_349 {strides = array<i32>} : memref<8x2048xf32, #tpu.memory_space<vmem>>, vector<1x16xf32>,
      %parallel_loop3A_350 = arith.constant 5 : i32
      %parallel_loop3A_351 = arith.constant 0 : i32
      %parallel_loop3A_352 = arith.constant 0 : i32
      %parallel_loop3A_353 = tpu.memref_slice %arg7[%parallel_loop3A_135, %parallel_loop3A_351, %parallel_loop3A_352] : memref<3x8x2048xf32, #tpu.memory_space<vmem>> -> memref<1x8x2048xf32, #tpu.memory_space<vmem>>
      %parallel_loop3A_354 = tpu.memref_squeeze %parallel_loop3A_353 : memref<1x8x2048xf32, #tpu.memory_space<vmem>> -> memref<8x2048xf32, #tpu.memory_space<vmem>>
      %parallel_loop3A_355 = arith.index_cast %parallel_loop3A_350 : i32 to index
      %parallel_loop3A_356 = arith.index_cast %parallel_loop3A_244 : i32 to index
      %parallel_loop3A_357 = tpu.vector_load %parallel_loop3A_354[%parallel_loop3A_355, %parallel_loop3A_356] {strides = array<i32>} : memref<8x2048xf32, #tpu.memory_space<vmem>>, vector<1x16xf32>,
      %parallel_loop3A_358 = vector.shape_cast %parallel_loop3A_357 : vector<1x16xf32> to vector<16xf32>
      %parallel_loop3A_359 = vector.broadcast %squeeze3A : f32 to vector<16xf32>
      %parallel_loop3A_360 = arith.mulf %parallel_loop3A_358, %parallel_loop3A_359 : vector<16xf32>
      %parallel_loop3A_361 = arith.constant 5 : i32
      %parallel_loop3A_362 = arith.constant 0 : i32
      %parallel_loop3A_363 = arith.constant 0 : i32
      %parallel_loop3A_364 = tpu.memref_slice %arg8[%parallel_loop3A_136, %parallel_loop3A_362, %parallel_loop3A_363] : memref<3x8x2048xf32, #tpu.memory_space<vmem>> -> memref<1x8x2048xf32, #tpu.memory_space<vmem>>
      %parallel_loop3A_365 = tpu.memref_squeeze %parallel_loop3A_364 : memref<1x8x2048xf32, #tpu.memory_space<vmem>> -> memref<8x2048xf32, #tpu.memory_space<vmem>>
      %parallel_loop3A_366 = arith.index_cast %parallel_loop3A_361 : i32 to index
      %parallel_loop3A_367 = arith.index_cast %parallel_loop3A_244 : i32 to index
      %parallel_loop3A_368 = tpu.vector_load %parallel_loop3A_365[%parallel_loop3A_366, %parallel_loop3A_367] {strides = array<i32>} : memref<8x2048xf32, #tpu.memory_space<vmem>>, vector<1x16xf32>,
      %parallel_loop3A_369 = vector.shape_cast %parallel_loop3A_368 : vector<1x16xf32> to vector<16xf32>
      %parallel_loop3A_370 = vector.shape_cast %parallel_loop3A_360 : vector<16xf32> to vector<1x16xf32>
      tpu.vector_store %parallel_loop3A_365[%parallel_loop3A_366, %parallel_loop3A_367], %parallel_loop3A_370 {strides = array<i32>} : memref<8x2048xf32, #tpu.memory_space<vmem>>, vector<1x16xf32>,
      %parallel_loop3A_371 = arith.constant 6 : i32
      %parallel_loop3A_372 = arith.constant 0 : i32
      %parallel_loop3A_373 = arith.constant 0 : i32
      %parallel_loop3A_374 = tpu.memref_slice %arg7[%parallel_loop3A_135, %parallel_loop3A_372, %parallel_loop3A_373] : memref<3x8x2048xf32, #tpu.memory_space<vmem>> -> memref<1x8x2048xf32, #tpu.memory_space<vmem>>
      %parallel_loop3A_375 = tpu.memref_squeeze %parallel_loop3A_374 : memref<1x8x2048xf32, #tpu.memory_space<vmem>> -> memref<8x2048xf32, #tpu.memory_space<vmem>>
      %parallel_loop3A_376 = arith.index_cast %parallel_loop3A_371 : i32 to index
      %parallel_loop3A_377 = arith.index_cast %parallel_loop3A_244 : i32 to index
      %parallel_loop3A_378 = tpu.vector_load %parallel_loop3A_375[%parallel_loop3A_376, %parallel_loop3A_377] {strides = array<i32>} : memref<8x2048xf32, #tpu.memory_space<vmem>>, vector<1x16xf32>,
      %parallel_loop3A_379 = vector.shape_cast %parallel_loop3A_378 : vector<1x16xf32> to vector<16xf32>
      %parallel_loop3A_380 = vector.broadcast %squeeze3A : f32 to vector<16xf32>
      %parallel_loop3A_381 = arith.mulf %parallel_loop3A_379, %parallel_loop3A_380 : vector<16xf32>
      %parallel_loop3A_382 = arith.constant 6 : i32
      %parallel_loop3A_383 = arith.constant 0 : i32
      %parallel_loop3A_384 = arith.constant 0 : i32
      %parallel_loop3A_385 = tpu.memref_slice %arg8[%parallel_loop3A_136, %parallel_loop3A_383, %parallel_loop3A_384] : memref<3x8x2048xf32, #tpu.memory_space<vmem>> -> memref<1x8x2048xf32, #tpu.memory_space<vmem>>
      %parallel_loop3A_386 = tpu.memref_squeeze %parallel_loop3A_385 : memref<1x8x2048xf32, #tpu.memory_space<vmem>> -> memref<8x2048xf32, #tpu.memory_space<vmem>>
      %parallel_loop3A_387 = arith.index_cast %parallel_loop3A_382 : i32 to index
      %parallel_loop3A_388 = arith.index_cast %parallel_loop3A_244 : i32 to index
      %parallel_loop3A_389 = tpu.vector_load %parallel_loop3A_386[%parallel_loop3A_387, %parallel_loop3A_388] {strides = array<i32>} : memref<8x2048xf32, #tpu.memory_space<vmem>>, vector<1x16xf32>,
      %parallel_loop3A_390 = vector.shape_cast %parallel_loop3A_389 : vector<1x16xf32> to vector<16xf32>
      %parallel_loop3A_391 = vector.shape_cast %parallel_loop3A_381 : vector<16xf32> to vector<1x16xf32>
      tpu.vector_store %parallel_loop3A_386[%parallel_loop3A_387, %parallel_loop3A_388], %parallel_loop3A_391 {strides = array<i32>} : memref<8x2048xf32, #tpu.memory_space<vmem>>, vector<1x16xf32>,
      %parallel_loop3A_392 = arith.constant 7 : i32
      %parallel_loop3A_393 = arith.constant 0 : i32
      %parallel_loop3A_394 = arith.constant 0 : i32
      %parallel_loop3A_395 = tpu.memref_slice %arg7[%parallel_loop3A_135, %parallel_loop3A_393, %parallel_loop3A_394] : memref<3x8x2048xf32, #tpu.memory_space<vmem>> -> memref<1x8x2048xf32, #tpu.memory_space<vmem>>
      %parallel_loop3A_396 = tpu.memref_squeeze %parallel_loop3A_395 : memref<1x8x2048xf32, #tpu.memory_space<vmem>> -> memref<8x2048xf32, #tpu.memory_space<vmem>>
      %parallel_loop3A_397 = arith.index_cast %parallel_loop3A_392 : i32 to index
      %parallel_loop3A_398 = arith.index_cast %parallel_loop3A_244 : i32 to index
      %parallel_loop3A_399 = tpu.vector_load %parallel_loop3A_396[%parallel_loop3A_397, %parallel_loop3A_398] {strides = array<i32>} : memref<8x2048xf32, #tpu.memory_space<vmem>>, vector<1x16xf32>,
      %parallel_loop3A_400 = vector.shape_cast %parallel_loop3A_399 : vector<1x16xf32> to vector<16xf32>
      %parallel_loop3A_401 = vector.broadcast %squeeze3A : f32 to vector<16xf32>
      %parallel_loop3A_402 = arith.mulf %parallel_loop3A_400, %parallel_loop3A_401 : vector<16xf32>
      %parallel_loop3A_403 = arith.constant 7 : i32
      %parallel_loop3A_404 = arith.constant 0 : i32
      %parallel_loop3A_405 = arith.constant 0 : i32
      %parallel_loop3A_406 = tpu.memref_slice %arg8[%parallel_loop3A_136, %parallel_loop3A_404, %parallel_loop3A_405] : memref<3x8x2048xf32, #tpu.memory_space<vmem>> -> memref<1x8x2048xf32, #tpu.memory_space<vmem>>
      %parallel_loop3A_407 = tpu.memref_squeeze %parallel_loop3A_406 : memref<1x8x2048xf32, #tpu.memory_space<vmem>> -> memref<8x2048xf32, #tpu.memory_space<vmem>>
      %parallel_loop3A_408 = arith.index_cast %parallel_loop3A_403 : i32 to index
      %parallel_loop3A_409 = arith.index_cast %parallel_loop3A_244 : i32 to index
      %parallel_loop3A_410 = tpu.vector_load %parallel_loop3A_407[%parallel_loop3A_408, %parallel_loop3A_409] {strides = array<i32>} : memref<8x2048xf32, #tpu.memory_space<vmem>>, vector<1x16xf32>,
      %parallel_loop3A_411 = vector.shape_cast %parallel_loop3A_410 : vector<1x16xf32> to vector<16xf32>
      %parallel_loop3A_412 = vector.shape_cast %parallel_loop3A_402 : vector<16xf32> to vector<1x16xf32>
      tpu.vector_store %parallel_loop3A_407[%parallel_loop3A_408, %parallel_loop3A_409], %parallel_loop3A_412 {strides = array<i32>} : memref<8x2048xf32, #tpu.memory_space<vmem>>, vector<1x16xf32>,
    } {sc.loop_unroll_factor = 8 : i64, sc.parallel_access}
    %add3A_137 = arith.constant 496 : i32
    %add3A_138 = arith.addi %mul3A_4, %add3A_137 : i32
    %dma_start3A_139 = arith.constant 2 : i32
    %dma_start3A_140 = arith.constant 0 : i32
    %dma_start3A_141 = arith.constant 0 : i32
    %dma_start3A_142 = tpu.memref_slice %arg8[%dma_start3A_139, %dma_start3A_140, %dma_start3A_141] : memref<3x8x2048xf32, #tpu.memory_space<vmem>> -> memref<1x8x2048xf32, #tpu.memory_space<vmem>>
    %dma_start3A_143 = tpu.memref_squeeze %dma_start3A_142 : memref<1x8x2048xf32, #tpu.memory_space<vmem>> -> memref<8x2048xf32, #tpu.memory_space<vmem>>
    %dma_start3A_144 = arith.constant 0 : i32
    %dma_start3A_145 = tpu.memref_slice %arg5[%add3A_138, %dma_start3A_144] : memref<16384x2048xf32, #tpu.memory_space<hbm>> -> memref<8x2048xf32, #tpu.memory_space<hbm>>
    %dma_start3A_146 = arith.constant 0 : i32
    %dma_start3A_147 = tpu.memref_slice %arg5[%add3A_138, %dma_start3A_146] : memref<16384x2048xf32, #tpu.memory_space<hbm>> -> memref<8x2048xf32, #tpu.memory_space<hbm>>
    %dma_start3A_148 = arith.constant 0 : i32
    %dma_start3A_149 = arith.constant 0 : i32
    %dma_start3A_150 = tpu.memref_slice %arg8[%dma_start3A_139, %dma_start3A_148, %dma_start3A_149] : memref<3x8x2048xf32, #tpu.memory_space<vmem>> -> memref<1x8x2048xf32, #tpu.memory_space<vmem>>
    %dma_start3A_151 = tpu.memref_squeeze %dma_start3A_150 : memref<1x8x2048xf32, #tpu.memory_space<vmem>> -> memref<8x2048xf32, #tpu.memory_space<vmem>>
    tpu.enqueue_dma source(%dma_start3A_151 : memref<8x2048xf32, #tpu.memory_space<vmem>>) target(%dma_start3A_147 : memref<8x2048xf32, #tpu.memory_space<hbm>>) target_semaphore(%arg14 : memref<!tpu.dma_semaphore, #tpu.memory_space<semaphore_mem>>)
    %dma_wait3A_152 = arith.constant 0 : i32
    %dma_wait3A_153 = arith.constant 0 : i32
    %dma_wait3A_154 = arith.constant 0 : i32
    %dma_wait3A_155 = tpu.memref_slice %arg7[%dma_wait3A_152, %dma_wait3A_153, %dma_wait3A_154] : memref<3x8x2048xf32, #tpu.memory_space<vmem>> -> memref<1x8x2048xf32, #tpu.memory_space<vmem>>
    %dma_wait3A_156 = tpu.memref_squeeze %dma_wait3A_155 : memref<1x8x2048xf32, #tpu.memory_space<vmem>> -> memref<8x2048xf32, #tpu.memory_space<vmem>>
    %dma_wait3A_157 = arith.constant 504 : i32
    %dma_wait3A_158 = tpu.memref_slice %arg6[%dma_wait3A_157] : memref<512xi32, #tpu.memory_space<vmem>> -> memref<8xi32, #tpu.memory_space<vmem>>
    %dma_wait3A_159 = arith.constant 0 : i32
    %dma_wait3A_160 = arith.constant 0 : i32
    %dma_wait3A_161 = tpu.memref_slice %arg3[%dma_wait3A_159, %dma_wait3A_160] : memref<100000x2048xf32, #tpu.memory_space<hbm>> -> memref<100000x2048xf32, #tpu.memory_space<hbm>>
    tpu.wait_indirect_dma semaphore(%arg9 : memref<!tpu.dma_semaphore, #tpu.memory_space<semaphore_mem>>) src(%dma_wait3A_161 : memref<100000x2048xf32, #tpu.memory_space<hbm>>) dst(%dma_wait3A_156 : memref<8x2048xf32, #tpu.memory_space<vmem>>)
    %add3A_162 = arith.constant 480 : i32
    %add3A_163 = arith.addi %mul3A_4, %add3A_162 : i32
    %dma_wait3A_164 = arith.constant 0 : i32
    %dma_wait3A_165 = arith.constant 0 : i32
    %dma_wait3A_166 = arith.constant 0 : i32
    %dma_wait3A_167 = tpu.memref_slice %arg8[%dma_wait3A_164, %dma_wait3A_165, %dma_wait3A_166] : memref<3x8x2048xf32, #tpu.memory_space<vmem>> -> memref<1x8x2048xf32, #tpu.memory_space<vmem>>
    %dma_wait3A_168 = tpu.memref_squeeze %dma_wait3A_167 : memref<1x8x2048xf32, #tpu.memory_space<vmem>> -> memref<8x2048xf32, #tpu.memory_space<vmem>>
    %dma_wait3A_169 = arith.constant 0 : i32
    %dma_wait3A_170 = tpu.memref_slice %arg5[%add3A_163, %dma_wait3A_169] : memref<16384x2048xf32, #tpu.memory_space<hbm>> -> memref<8x2048xf32, #tpu.memory_space<hbm>>
    %dma_wait3A_171 = arith.constant 0 : i32
    %dma_wait3A_172 = tpu.memref_slice %arg5[%add3A_163, %dma_wait3A_171] : memref<16384x2048xf32, #tpu.memory_space<hbm>> -> memref<8x2048xf32, #tpu.memory_space<hbm>>
    %dma_wait3A_173 = arith.constant 0 : i32
    %dma_wait3A_174 = arith.constant 0 : i32
    %dma_wait3A_175 = tpu.memref_slice %arg8[%dma_wait3A_164, %dma_wait3A_173, %dma_wait3A_174] : memref<3x8x2048xf32, #tpu.memory_space<vmem>> -> memref<1x8x2048xf32, #tpu.memory_space<vmem>>
    %dma_wait3A_176 = tpu.memref_squeeze %dma_wait3A_175 : memref<1x8x2048xf32, #tpu.memory_space<vmem>> -> memref<8x2048xf32, #tpu.memory_space<vmem>>
    tpu.wait_dma2 semaphore(%arg12 : memref<!tpu.dma_semaphore, #tpu.memory_space<semaphore_mem>>) src(%dma_wait3A_176 : memref<8x2048xf32, #tpu.memory_space<vmem>>) dst(%dma_wait3A_172 : memref<8x2048xf32, #tpu.memory_space<hbm>>)
    %parallel_loop3A_177 = arith.constant 0 : i32
    %parallel_loop3A_178 = arith.constant 128 : i32
    %parallel_loop3A_179 = arith.constant 1 : i32
    %parallel_loop3A_180 = arith.constant 0 : i32
    %parallel_loop3A_181 = arith.constant 0 : i32
    scf.for %parallel_loop3A_242 = %parallel_loop3A_177 to %parallel_loop3A_178 step %parallel_loop3A_179  : i32 {
      %parallel_loop3A_243 = arith.constant 16 : i32
      %parallel_loop3A_244 = arith.muli %parallel_loop3A_242, %parallel_loop3A_243 : i32
      %parallel_loop3A_245 = arith.constant 0 : i32
      %parallel_loop3A_246 = arith.constant 0 : i32
      %parallel_loop3A_247 = arith.constant 0 : i32
      %parallel_loop3A_248 = tpu.memref_slice %arg7[%parallel_loop3A_180, %parallel_loop3A_246, %parallel_loop3A_247] : memref<3x8x2048xf32, #tpu.memory_space<vmem>> -> memref<1x8x2048xf32, #tpu.memory_space<vmem>>
      %parallel_loop3A_249 = tpu.memref_squeeze %parallel_loop3A_248 : memref<1x8x2048xf32, #tpu.memory_space<vmem>> -> memref<8x2048xf32, #tpu.memory_space<vmem>>
      %parallel_loop3A_250 = arith.index_cast %parallel_loop3A_245 : i32 to index
      %parallel_loop3A_251 = arith.index_cast %parallel_loop3A_244 : i32 to index
      %parallel_loop3A_252 = tpu.vector_load %parallel_loop3A_249[%parallel_loop3A_250, %parallel_loop3A_251] {strides = array<i32>} : memref<8x2048xf32, #tpu.memory_space<vmem>>, vector<1x16xf32>,
      %parallel_loop3A_253 = vector.shape_cast %parallel_loop3A_252 : vector<1x16xf32> to vector<16xf32>
      %parallel_loop3A_254 = vector.broadcast %squeeze3A : f32 to vector<16xf32>
      %parallel_loop3A_255 = arith.mulf %parallel_loop3A_253, %parallel_loop3A_254 : vector<16xf32>
      %parallel_loop3A_256 = arith.constant 0 : i32
      %parallel_loop3A_257 = arith.constant 0 : i32
      %parallel_loop3A_258 = arith.constant 0 : i32
      %parallel_loop3A_259 = tpu.memref_slice %arg8[%parallel_loop3A_181, %parallel_loop3A_257, %parallel_loop3A_258] : memref<3x8x2048xf32, #tpu.memory_space<vmem>> -> memref<1x8x2048xf32, #tpu.memory_space<vmem>>
      %parallel_loop3A_260 = tpu.memref_squeeze %parallel_loop3A_259 : memref<1x8x2048xf32, #tpu.memory_space<vmem>> -> memref<8x2048xf32, #tpu.memory_space<vmem>>
      %parallel_loop3A_261 = arith.index_cast %parallel_loop3A_256 : i32 to index
      %parallel_loop3A_262 = arith.index_cast %parallel_loop3A_244 : i32 to index
      %parallel_loop3A_263 = tpu.vector_load %parallel_loop3A_260[%parallel_loop3A_261, %parallel_loop3A_262] {strides = array<i32>} : memref<8x2048xf32, #tpu.memory_space<vmem>>, vector<1x16xf32>,
      %parallel_loop3A_264 = vector.shape_cast %parallel_loop3A_263 : vector<1x16xf32> to vector<16xf32>
      %parallel_loop3A_265 = vector.shape_cast %parallel_loop3A_255 : vector<16xf32> to vector<1x16xf32>
      tpu.vector_store %parallel_loop3A_260[%parallel_loop3A_261, %parallel_loop3A_262], %parallel_loop3A_265 {strides = array<i32>} : memref<8x2048xf32, #tpu.memory_space<vmem>>, vector<1x16xf32>,
      %parallel_loop3A_266 = arith.constant 1 : i32
      %parallel_loop3A_267 = arith.constant 0 : i32
      %parallel_loop3A_268 = arith.constant 0 : i32
      %parallel_loop3A_269 = tpu.memref_slice %arg7[%parallel_loop3A_180, %parallel_loop3A_267, %parallel_loop3A_268] : memref<3x8x2048xf32, #tpu.memory_space<vmem>> -> memref<1x8x2048xf32, #tpu.memory_space<vmem>>
      %parallel_loop3A_270 = tpu.memref_squeeze %parallel_loop3A_269 : memref<1x8x2048xf32, #tpu.memory_space<vmem>> -> memref<8x2048xf32, #tpu.memory_space<vmem>>
      %parallel_loop3A_271 = arith.index_cast %parallel_loop3A_266 : i32 to index
      %parallel_loop3A_272 = arith.index_cast %parallel_loop3A_244 : i32 to index
      %parallel_loop3A_273 = tpu.vector_load %parallel_loop3A_270[%parallel_loop3A_271, %parallel_loop3A_272] {strides = array<i32>} : memref<8x2048xf32, #tpu.memory_space<vmem>>, vector<1x16xf32>,
      %parallel_loop3A_274 = vector.shape_cast %parallel_loop3A_273 : vector<1x16xf32> to vector<16xf32>
      %parallel_loop3A_275 = vector.broadcast %squeeze3A : f32 to vector<16xf32>
      %parallel_loop3A_276 = arith.mulf %parallel_loop3A_274, %parallel_loop3A_275 : vector<16xf32>
      %parallel_loop3A_277 = arith.constant 1 : i32
      %parallel_loop3A_278 = arith.constant 0 : i32
      %parallel_loop3A_279 = arith.constant 0 : i32
      %parallel_loop3A_280 = tpu.memref_slice %arg8[%parallel_loop3A_181, %parallel_loop3A_278, %parallel_loop3A_279] : memref<3x8x2048xf32, #tpu.memory_space<vmem>> -> memref<1x8x2048xf32, #tpu.memory_space<vmem>>
      %parallel_loop3A_281 = tpu.memref_squeeze %parallel_loop3A_280 : memref<1x8x2048xf32, #tpu.memory_space<vmem>> -> memref<8x2048xf32, #tpu.memory_space<vmem>>
      %parallel_loop3A_282 = arith.index_cast %parallel_loop3A_277 : i32 to index
      %parallel_loop3A_283 = arith.index_cast %parallel_loop3A_244 : i32 to index
      %parallel_loop3A_284 = tpu.vector_load %parallel_loop3A_281[%parallel_loop3A_282, %parallel_loop3A_283] {strides = array<i32>} : memref<8x2048xf32, #tpu.memory_space<vmem>>, vector<1x16xf32>,
      %parallel_loop3A_285 = vector.shape_cast %parallel_loop3A_284 : vector<1x16xf32> to vector<16xf32>
      %parallel_loop3A_286 = vector.shape_cast %parallel_loop3A_276 : vector<16xf32> to vector<1x16xf32>
      tpu.vector_store %parallel_loop3A_281[%parallel_loop3A_282, %parallel_loop3A_283], %parallel_loop3A_286 {strides = array<i32>} : memref<8x2048xf32, #tpu.memory_space<vmem>>, vector<1x16xf32>,
      %parallel_loop3A_287 = arith.constant 2 : i32
      %parallel_loop3A_288 = arith.constant 0 : i32
      %parallel_loop3A_289 = arith.constant 0 : i32
      %parallel_loop3A_290 = tpu.memref_slice %arg7[%parallel_loop3A_180, %parallel_loop3A_288, %parallel_loop3A_289] : memref<3x8x2048xf32, #tpu.memory_space<vmem>> -> memref<1x8x2048xf32, #tpu.memory_space<vmem>>
      %parallel_loop3A_291 = tpu.memref_squeeze %parallel_loop3A_290 : memref<1x8x2048xf32, #tpu.memory_space<vmem>> -> memref<8x2048xf32, #tpu.memory_space<vmem>>
      %parallel_loop3A_292 = arith.index_cast %parallel_loop3A_287 : i32 to index
      %parallel_loop3A_293 = arith.index_cast %parallel_loop3A_244 : i32 to index
      %parallel_loop3A_294 = tpu.vector_load %parallel_loop3A_291[%parallel_loop3A_292, %parallel_loop3A_293] {strides = array<i32>} : memref<8x2048xf32, #tpu.memory_space<vmem>>, vector<1x16xf32>,
      %parallel_loop3A_295 = vector.shape_cast %parallel_loop3A_294 : vector<1x16xf32> to vector<16xf32>
      %parallel_loop3A_296 = vector.broadcast %squeeze3A : f32 to vector<16xf32>
      %parallel_loop3A_297 = arith.mulf %parallel_loop3A_295, %parallel_loop3A_296 : vector<16xf32>
      %parallel_loop3A_298 = arith.constant 2 : i32
      %parallel_loop3A_299 = arith.constant 0 : i32
      %parallel_loop3A_300 = arith.constant 0 : i32
      %parallel_loop3A_301 = tpu.memref_slice %arg8[%parallel_loop3A_181, %parallel_loop3A_299, %parallel_loop3A_300] : memref<3x8x2048xf32, #tpu.memory_space<vmem>> -> memref<1x8x2048xf32, #tpu.memory_space<vmem>>
      %parallel_loop3A_302 = tpu.memref_squeeze %parallel_loop3A_301 : memref<1x8x2048xf32, #tpu.memory_space<vmem>> -> memref<8x2048xf32, #tpu.memory_space<vmem>>
      %parallel_loop3A_303 = arith.index_cast %parallel_loop3A_298 : i32 to index
      %parallel_loop3A_304 = arith.index_cast %parallel_loop3A_244 : i32 to index
      %parallel_loop3A_305 = tpu.vector_load %parallel_loop3A_302[%parallel_loop3A_303, %parallel_loop3A_304] {strides = array<i32>} : memref<8x2048xf32, #tpu.memory_space<vmem>>, vector<1x16xf32>,
      %parallel_loop3A_306 = vector.shape_cast %parallel_loop3A_305 : vector<1x16xf32> to vector<16xf32>
      %parallel_loop3A_307 = vector.shape_cast %parallel_loop3A_297 : vector<16xf32> to vector<1x16xf32>
      tpu.vector_store %parallel_loop3A_302[%parallel_loop3A_303, %parallel_loop3A_304], %parallel_loop3A_307 {strides = array<i32>} : memref<8x2048xf32, #tpu.memory_space<vmem>>, vector<1x16xf32>,
      %parallel_loop3A_308 = arith.constant 3 : i32
      %parallel_loop3A_309 = arith.constant 0 : i32
      %parallel_loop3A_310 = arith.constant 0 : i32
      %parallel_loop3A_311 = tpu.memref_slice %arg7[%parallel_loop3A_180, %parallel_loop3A_309, %parallel_loop3A_310] : memref<3x8x2048xf32, #tpu.memory_space<vmem>> -> memref<1x8x2048xf32, #tpu.memory_space<vmem>>
      %parallel_loop3A_312 = tpu.memref_squeeze %parallel_loop3A_311 : memref<1x8x2048xf32, #tpu.memory_space<vmem>> -> memref<8x2048xf32, #tpu.memory_space<vmem>>
      %parallel_loop3A_313 = arith.index_cast %parallel_loop3A_308 : i32 to index
      %parallel_loop3A_314 = arith.index_cast %parallel_loop3A_244 : i32 to index
      %parallel_loop3A_315 = tpu.vector_load %parallel_loop3A_312[%parallel_loop3A_313, %parallel_loop3A_314] {strides = array<i32>} : memref<8x2048xf32, #tpu.memory_space<vmem>>, vector<1x16xf32>,
      %parallel_loop3A_316 = vector.shape_cast %parallel_loop3A_315 : vector<1x16xf32> to vector<16xf32>
      %parallel_loop3A_317 = vector.broadcast %squeeze3A : f32 to vector<16xf32>
      %parallel_loop3A_318 = arith.mulf %parallel_loop3A_316, %parallel_loop3A_317 : vector<16xf32>
      %parallel_loop3A_319 = arith.constant 3 : i32
      %parallel_loop3A_320 = arith.constant 0 : i32
      %parallel_loop3A_321 = arith.constant 0 : i32
      %parallel_loop3A_322 = tpu.memref_slice %arg8[%parallel_loop3A_181, %parallel_loop3A_320, %parallel_loop3A_321] : memref<3x8x2048xf32, #tpu.memory_space<vmem>> -> memref<1x8x2048xf32, #tpu.memory_space<vmem>>
      %parallel_loop3A_323 = tpu.memref_squeeze %parallel_loop3A_322 : memref<1x8x2048xf32, #tpu.memory_space<vmem>> -> memref<8x2048xf32, #tpu.memory_space<vmem>>
      %parallel_loop3A_324 = arith.index_cast %parallel_loop3A_319 : i32 to index
      %parallel_loop3A_325 = arith.index_cast %parallel_loop3A_244 : i32 to index
      %parallel_loop3A_326 = tpu.vector_load %parallel_loop3A_323[%parallel_loop3A_324, %parallel_loop3A_325] {strides = array<i32>} : memref<8x2048xf32, #tpu.memory_space<vmem>>, vector<1x16xf32>,
      %parallel_loop3A_327 = vector.shape_cast %parallel_loop3A_326 : vector<1x16xf32> to vector<16xf32>
      %parallel_loop3A_328 = vector.shape_cast %parallel_loop3A_318 : vector<16xf32> to vector<1x16xf32>
      tpu.vector_store %parallel_loop3A_323[%parallel_loop3A_324, %parallel_loop3A_325], %parallel_loop3A_328 {strides = array<i32>} : memref<8x2048xf32, #tpu.memory_space<vmem>>, vector<1x16xf32>,
      %parallel_loop3A_329 = arith.constant 4 : i32
      %parallel_loop3A_330 = arith.constant 0 : i32
      %parallel_loop3A_331 = arith.constant 0 : i32
      %parallel_loop3A_332 = tpu.memref_slice %arg7[%parallel_loop3A_180, %parallel_loop3A_330, %parallel_loop3A_331] : memref<3x8x2048xf32, #tpu.memory_space<vmem>> -> memref<1x8x2048xf32, #tpu.memory_space<vmem>>
      %parallel_loop3A_333 = tpu.memref_squeeze %parallel_loop3A_332 : memref<1x8x2048xf32, #tpu.memory_space<vmem>> -> memref<8x2048xf32, #tpu.memory_space<vmem>>
      %parallel_loop3A_334 = arith.index_cast %parallel_loop3A_329 : i32 to index
      %parallel_loop3A_335 = arith.index_cast %parallel_loop3A_244 : i32 to index
      %parallel_loop3A_336 = tpu.vector_load %parallel_loop3A_333[%parallel_loop3A_334, %parallel_loop3A_335] {strides = array<i32>} : memref<8x2048xf32, #tpu.memory_space<vmem>>, vector<1x16xf32>,
      %parallel_loop3A_337 = vector.shape_cast %parallel_loop3A_336 : vector<1x16xf32> to vector<16xf32>
      %parallel_loop3A_338 = vector.broadcast %squeeze3A : f32 to vector<16xf32>
      %parallel_loop3A_339 = arith.mulf %parallel_loop3A_337, %parallel_loop3A_338 : vector<16xf32>
      %parallel_loop3A_340 = arith.constant 4 : i32
      %parallel_loop3A_341 = arith.constant 0 : i32
      %parallel_loop3A_342 = arith.constant 0 : i32
      %parallel_loop3A_343 = tpu.memref_slice %arg8[%parallel_loop3A_181, %parallel_loop3A_341, %parallel_loop3A_342] : memref<3x8x2048xf32, #tpu.memory_space<vmem>> -> memref<1x8x2048xf32, #tpu.memory_space<vmem>>
      %parallel_loop3A_344 = tpu.memref_squeeze %parallel_loop3A_343 : memref<1x8x2048xf32, #tpu.memory_space<vmem>> -> memref<8x2048xf32, #tpu.memory_space<vmem>>
      %parallel_loop3A_345 = arith.index_cast %parallel_loop3A_340 : i32 to index
      %parallel_loop3A_346 = arith.index_cast %parallel_loop3A_244 : i32 to index
      %parallel_loop3A_347 = tpu.vector_load %parallel_loop3A_344[%parallel_loop3A_345, %parallel_loop3A_346] {strides = array<i32>} : memref<8x2048xf32, #tpu.memory_space<vmem>>, vector<1x16xf32>,
      %parallel_loop3A_348 = vector.shape_cast %parallel_loop3A_347 : vector<1x16xf32> to vector<16xf32>
      %parallel_loop3A_349 = vector.shape_cast %parallel_loop3A_339 : vector<16xf32> to vector<1x16xf32>
      tpu.vector_store %parallel_loop3A_344[%parallel_loop3A_345, %parallel_loop3A_346], %parallel_loop3A_349 {strides = array<i32>} : memref<8x2048xf32, #tpu.memory_space<vmem>>, vector<1x16xf32>,
      %parallel_loop3A_350 = arith.constant 5 : i32
      %parallel_loop3A_351 = arith.constant 0 : i32
      %parallel_loop3A_352 = arith.constant 0 : i32
      %parallel_loop3A_353 = tpu.memref_slice %arg7[%parallel_loop3A_180, %parallel_loop3A_351, %parallel_loop3A_352] : memref<3x8x2048xf32, #tpu.memory_space<vmem>> -> memref<1x8x2048xf32, #tpu.memory_space<vmem>>
      %parallel_loop3A_354 = tpu.memref_squeeze %parallel_loop3A_353 : memref<1x8x2048xf32, #tpu.memory_space<vmem>> -> memref<8x2048xf32, #tpu.memory_space<vmem>>
      %parallel_loop3A_355 = arith.index_cast %parallel_loop3A_350 : i32 to index
      %parallel_loop3A_356 = arith.index_cast %parallel_loop3A_244 : i32 to index
      %parallel_loop3A_357 = tpu.vector_load %parallel_loop3A_354[%parallel_loop3A_355, %parallel_loop3A_356] {strides = array<i32>} : memref<8x2048xf32, #tpu.memory_space<vmem>>, vector<1x16xf32>,
      %parallel_loop3A_358 = vector.shape_cast %parallel_loop3A_357 : vector<1x16xf32> to vector<16xf32>
      %parallel_loop3A_359 = vector.broadcast %squeeze3A : f32 to vector<16xf32>
      %parallel_loop3A_360 = arith.mulf %parallel_loop3A_358, %parallel_loop3A_359 : vector<16xf32>
      %parallel_loop3A_361 = arith.constant 5 : i32
      %parallel_loop3A_362 = arith.constant 0 : i32
      %parallel_loop3A_363 = arith.constant 0 : i32
      %parallel_loop3A_364 = tpu.memref_slice %arg8[%parallel_loop3A_181, %parallel_loop3A_362, %parallel_loop3A_363] : memref<3x8x2048xf32, #tpu.memory_space<vmem>> -> memref<1x8x2048xf32, #tpu.memory_space<vmem>>
      %parallel_loop3A_365 = tpu.memref_squeeze %parallel_loop3A_364 : memref<1x8x2048xf32, #tpu.memory_space<vmem>> -> memref<8x2048xf32, #tpu.memory_space<vmem>>
      %parallel_loop3A_366 = arith.index_cast %parallel_loop3A_361 : i32 to index
      %parallel_loop3A_367 = arith.index_cast %parallel_loop3A_244 : i32 to index
      %parallel_loop3A_368 = tpu.vector_load %parallel_loop3A_365[%parallel_loop3A_366, %parallel_loop3A_367] {strides = array<i32>} : memref<8x2048xf32, #tpu.memory_space<vmem>>, vector<1x16xf32>,
      %parallel_loop3A_369 = vector.shape_cast %parallel_loop3A_368 : vector<1x16xf32> to vector<16xf32>
      %parallel_loop3A_370 = vector.shape_cast %parallel_loop3A_360 : vector<16xf32> to vector<1x16xf32>
      tpu.vector_store %parallel_loop3A_365[%parallel_loop3A_366, %parallel_loop3A_367], %parallel_loop3A_370 {strides = array<i32>} : memref<8x2048xf32, #tpu.memory_space<vmem>>, vector<1x16xf32>,
      %parallel_loop3A_371 = arith.constant 6 : i32
      %parallel_loop3A_372 = arith.constant 0 : i32
      %parallel_loop3A_373 = arith.constant 0 : i32
      %parallel_loop3A_374 = tpu.memref_slice %arg7[%parallel_loop3A_180, %parallel_loop3A_372, %parallel_loop3A_373] : memref<3x8x2048xf32, #tpu.memory_space<vmem>> -> memref<1x8x2048xf32, #tpu.memory_space<vmem>>
      %parallel_loop3A_375 = tpu.memref_squeeze %parallel_loop3A_374 : memref<1x8x2048xf32, #tpu.memory_space<vmem>> -> memref<8x2048xf32, #tpu.memory_space<vmem>>
      %parallel_loop3A_376 = arith.index_cast %parallel_loop3A_371 : i32 to index
      %parallel_loop3A_377 = arith.index_cast %parallel_loop3A_244 : i32 to index
      %parallel_loop3A_378 = tpu.vector_load %parallel_loop3A_375[%parallel_loop3A_376, %parallel_loop3A_377] {strides = array<i32>} : memref<8x2048xf32, #tpu.memory_space<vmem>>, vector<1x16xf32>,
      %parallel_loop3A_379 = vector.shape_cast %parallel_loop3A_378 : vector<1x16xf32> to vector<16xf32>
      %parallel_loop3A_380 = vector.broadcast %squeeze3A : f32 to vector<16xf32>
      %parallel_loop3A_381 = arith.mulf %parallel_loop3A_379, %parallel_loop3A_380 : vector<16xf32>
      %parallel_loop3A_382 = arith.constant 6 : i32
      %parallel_loop3A_383 = arith.constant 0 : i32
      %parallel_loop3A_384 = arith.constant 0 : i32
      %parallel_loop3A_385 = tpu.memref_slice %arg8[%parallel_loop3A_181, %parallel_loop3A_383, %parallel_loop3A_384] : memref<3x8x2048xf32, #tpu.memory_space<vmem>> -> memref<1x8x2048xf32, #tpu.memory_space<vmem>>
      %parallel_loop3A_386 = tpu.memref_squeeze %parallel_loop3A_385 : memref<1x8x2048xf32, #tpu.memory_space<vmem>> -> memref<8x2048xf32, #tpu.memory_space<vmem>>
      %parallel_loop3A_387 = arith.index_cast %parallel_loop3A_382 : i32 to index
      %parallel_loop3A_388 = arith.index_cast %parallel_loop3A_244 : i32 to index
      %parallel_loop3A_389 = tpu.vector_load %parallel_loop3A_386[%parallel_loop3A_387, %parallel_loop3A_388] {strides = array<i32>} : memref<8x2048xf32, #tpu.memory_space<vmem>>, vector<1x16xf32>,
      %parallel_loop3A_390 = vector.shape_cast %parallel_loop3A_389 : vector<1x16xf32> to vector<16xf32>
      %parallel_loop3A_391 = vector.shape_cast %parallel_loop3A_381 : vector<16xf32> to vector<1x16xf32>
      tpu.vector_store %parallel_loop3A_386[%parallel_loop3A_387, %parallel_loop3A_388], %parallel_loop3A_391 {strides = array<i32>} : memref<8x2048xf32, #tpu.memory_space<vmem>>, vector<1x16xf32>,
      %parallel_loop3A_392 = arith.constant 7 : i32
      %parallel_loop3A_393 = arith.constant 0 : i32
      %parallel_loop3A_394 = arith.constant 0 : i32
      %parallel_loop3A_395 = tpu.memref_slice %arg7[%parallel_loop3A_180, %parallel_loop3A_393, %parallel_loop3A_394] : memref<3x8x2048xf32, #tpu.memory_space<vmem>> -> memref<1x8x2048xf32, #tpu.memory_space<vmem>>
      %parallel_loop3A_396 = tpu.memref_squeeze %parallel_loop3A_395 : memref<1x8x2048xf32, #tpu.memory_space<vmem>> -> memref<8x2048xf32, #tpu.memory_space<vmem>>
      %parallel_loop3A_397 = arith.index_cast %parallel_loop3A_392 : i32 to index
      %parallel_loop3A_398 = arith.index_cast %parallel_loop3A_244 : i32 to index
      %parallel_loop3A_399 = tpu.vector_load %parallel_loop3A_396[%parallel_loop3A_397, %parallel_loop3A_398] {strides = array<i32>} : memref<8x2048xf32, #tpu.memory_space<vmem>>, vector<1x16xf32>,
      %parallel_loop3A_400 = vector.shape_cast %parallel_loop3A_399 : vector<1x16xf32> to vector<16xf32>
      %parallel_loop3A_401 = vector.broadcast %squeeze3A : f32 to vector<16xf32>
      %parallel_loop3A_402 = arith.mulf %parallel_loop3A_400, %parallel_loop3A_401 : vector<16xf32>
      %parallel_loop3A_403 = arith.constant 7 : i32
      %parallel_loop3A_404 = arith.constant 0 : i32
      %parallel_loop3A_405 = arith.constant 0 : i32
      %parallel_loop3A_406 = tpu.memref_slice %arg8[%parallel_loop3A_181, %parallel_loop3A_404, %parallel_loop3A_405] : memref<3x8x2048xf32, #tpu.memory_space<vmem>> -> memref<1x8x2048xf32, #tpu.memory_space<vmem>>
      %parallel_loop3A_407 = tpu.memref_squeeze %parallel_loop3A_406 : memref<1x8x2048xf32, #tpu.memory_space<vmem>> -> memref<8x2048xf32, #tpu.memory_space<vmem>>
      %parallel_loop3A_408 = arith.index_cast %parallel_loop3A_403 : i32 to index
      %parallel_loop3A_409 = arith.index_cast %parallel_loop3A_244 : i32 to index
      %parallel_loop3A_410 = tpu.vector_load %parallel_loop3A_407[%parallel_loop3A_408, %parallel_loop3A_409] {strides = array<i32>} : memref<8x2048xf32, #tpu.memory_space<vmem>>, vector<1x16xf32>,
      %parallel_loop3A_411 = vector.shape_cast %parallel_loop3A_410 : vector<1x16xf32> to vector<16xf32>
      %parallel_loop3A_412 = vector.shape_cast %parallel_loop3A_402 : vector<16xf32> to vector<1x16xf32>
      tpu.vector_store %parallel_loop3A_407[%parallel_loop3A_408, %parallel_loop3A_409], %parallel_loop3A_412 {strides = array<i32>} : memref<8x2048xf32, #tpu.memory_space<vmem>>, vector<1x16xf32>,
    } {sc.loop_unroll_factor = 8 : i64, sc.parallel_access}
    %add3A_182 = arith.constant 504 : i32
    %add3A_183 = arith.addi %mul3A_4, %add3A_182 : i32
    %dma_start3A_184 = arith.constant 0 : i32
    %dma_start3A_185 = arith.constant 0 : i32
    %dma_start3A_186 = arith.constant 0 : i32
    %dma_start3A_187 = tpu.memref_slice %arg8[%dma_start3A_184, %dma_start3A_185, %dma_start3A_186] : memref<3x8x2048xf32, #tpu.memory_space<vmem>> -> memref<1x8x2048xf32, #tpu.memory_space<vmem>>
    %dma_start3A_188 = tpu.memref_squeeze %dma_start3A_187 : memref<1x8x2048xf32, #tpu.memory_space<vmem>> -> memref<8x2048xf32, #tpu.memory_space<vmem>>
    %dma_start3A_189 = arith.constant 0 : i32
    %dma_start3A_190 = tpu.memref_slice %arg5[%add3A_183, %dma_start3A_189] : memref<16384x2048xf32, #tpu.memory_space<hbm>> -> memref<8x2048xf32, #tpu.memory_space<hbm>>
    %dma_start3A_191 = arith.constant 0 : i32
    %dma_start3A_192 = tpu.memref_slice %arg5[%add3A_183, %dma_start3A_191] : memref<16384x2048xf32, #tpu.memory_space<hbm>> -> memref<8x2048xf32, #tpu.memory_space<hbm>>
    %dma_start3A_193 = arith.constant 0 : i32
    %dma_start3A_194 = arith.constant 0 : i32
    %dma_start3A_195 = tpu.memref_slice %arg8[%dma_start3A_184, %dma_start3A_193, %dma_start3A_194] : memref<3x8x2048xf32, #tpu.memory_space<vmem>> -> memref<1x8x2048xf32, #tpu.memory_space<vmem>>
    %dma_start3A_196 = tpu.memref_squeeze %dma_start3A_195 : memref<1x8x2048xf32, #tpu.memory_space<vmem>> -> memref<8x2048xf32, #tpu.memory_space<vmem>>
    tpu.enqueue_dma source(%dma_start3A_196 : memref<8x2048xf32, #tpu.memory_space<vmem>>) target(%dma_start3A_192 : memref<8x2048xf32, #tpu.memory_space<hbm>>) target_semaphore(%arg12 : memref<!tpu.dma_semaphore, #tpu.memory_space<semaphore_mem>>)
    %add3A_197 = arith.constant 488 : i32
    %add3A_198 = arith.addi %mul3A_4, %add3A_197 : i32
    %dma_wait3A_199 = arith.constant 1 : i32
    %dma_wait3A_200 = arith.constant 0 : i32
    %dma_wait3A_201 = arith.constant 0 : i32
    %dma_wait3A_202 = tpu.memref_slice %arg8[%dma_wait3A_199, %dma_wait3A_200, %dma_wait3A_201] : memref<3x8x2048xf32, #tpu.memory_space<vmem>> -> memref<1x8x2048xf32, #tpu.memory_space<vmem>>
    %dma_wait3A_203 = tpu.memref_squeeze %dma_wait3A_202 : memref<1x8x2048xf32, #tpu.memory_space<vmem>> -> memref<8x2048xf32, #tpu.memory_space<vmem>>
    %dma_wait3A_204 = arith.constant 0 : i32
    %dma_wait3A_205 = tpu.memref_slice %arg5[%add3A_198, %dma_wait3A_204] : memref<16384x2048xf32, #tpu.memory_space<hbm>> -> memref<8x2048xf32, #tpu.memory_space<hbm>>
    %dma_wait3A_206 = arith.constant 0 : i32
    %dma_wait3A_207 = tpu.memref_slice %arg5[%add3A_198, %dma_wait3A_206] : memref<16384x2048xf32, #tpu.memory_space<hbm>> -> memref<8x2048xf32, #tpu.memory_space<hbm>>
    %dma_wait3A_208 = arith.constant 0 : i32
    %dma_wait3A_209 = arith.constant 0 : i32
    %dma_wait3A_210 = tpu.memref_slice %arg8[%dma_wait3A_199, %dma_wait3A_208, %dma_wait3A_209] : memref<3x8x2048xf32, #tpu.memory_space<vmem>> -> memref<1x8x2048xf32, #tpu.memory_space<vmem>>
    %dma_wait3A_211 = tpu.memref_squeeze %dma_wait3A_210 : memref<1x8x2048xf32, #tpu.memory_space<vmem>> -> memref<8x2048xf32, #tpu.memory_space<vmem>>
    tpu.wait_dma2 semaphore(%arg13 : memref<!tpu.dma_semaphore, #tpu.memory_space<semaphore_mem>>) src(%dma_wait3A_211 : memref<8x2048xf32, #tpu.memory_space<vmem>>) dst(%dma_wait3A_207 : memref<8x2048xf32, #tpu.memory_space<hbm>>)
    %add3A_212 = arith.constant 496 : i32
    %add3A_213 = arith.addi %mul3A_4, %add3A_212 : i32
    %dma_wait3A_214 = arith.constant 2 : i32
    %dma_wait3A_215 = arith.constant 0 : i32
    %dma_wait3A_216 = arith.constant 0 : i32
    %dma_wait3A_217 = tpu.memref_slice %arg8[%dma_wait3A_214, %dma_wait3A_215, %dma_wait3A_216] : memref<3x8x2048xf32, #tpu.memory_space<vmem>> -> memref<1x8x2048xf32, #tpu.memory_space<vmem>>
    %dma_wait3A_218 = tpu.memref_squeeze %dma_wait3A_217 : memref<1x8x2048xf32, #tpu.memory_space<vmem>> -> memref<8x2048xf32, #tpu.memory_space<vmem>>
    %dma_wait3A_219 = arith.constant 0 : i32
    %dma_wait3A_220 = tpu.memref_slice %arg5[%add3A_213, %dma_wait3A_219] : memref<16384x2048xf32, #tpu.memory_space<hbm>> -> memref<8x2048xf32, #tpu.memory_space<hbm>>
    %dma_wait3A_221 = arith.constant 0 : i32
    %dma_wait3A_222 = tpu.memref_slice %arg5[%add3A_213, %dma_wait3A_221] : memref<16384x2048xf32, #tpu.memory_space<hbm>> -> memref<8x2048xf32, #tpu.memory_space<hbm>>
    %dma_wait3A_223 = arith.constant 0 : i32
    %dma_wait3A_224 = arith.constant 0 : i32
    %dma_wait3A_225 = tpu.memref_slice %arg8[%dma_wait3A_214, %dma_wait3A_223, %dma_wait3A_224] : memref<3x8x2048xf32, #tpu.memory_space<vmem>> -> memref<1x8x2048xf32, #tpu.memory_space<vmem>>
    %dma_wait3A_226 = tpu.memref_squeeze %dma_wait3A_225 : memref<1x8x2048xf32, #tpu.memory_space<vmem>> -> memref<8x2048xf32, #tpu.memory_space<vmem>>
    tpu.wait_dma2 semaphore(%arg14 : memref<!tpu.dma_semaphore, #tpu.memory_space<semaphore_mem>>) src(%dma_wait3A_226 : memref<8x2048xf32, #tpu.memory_space<vmem>>) dst(%dma_wait3A_222 : memref<8x2048xf32, #tpu.memory_space<hbm>>)
    %add3A_227 = arith.constant 504 : i32
    %add3A_228 = arith.addi %mul3A_4, %add3A_227 : i32
    %dma_wait3A_229 = arith.constant 0 : i32
    %dma_wait3A_230 = arith.constant 0 : i32
    %dma_wait3A_231 = arith.constant 0 : i32
    %dma_wait3A_232 = tpu.memref_slice %arg8[%dma_wait3A_229, %dma_wait3A_230, %dma_wait3A_231] : memref<3x8x2048xf32, #tpu.memory_space<vmem>> -> memref<1x8x2048xf32, #tpu.memory_space<vmem>>
    %dma_wait3A_233 = tpu.memref_squeeze %dma_wait3A_232 : memref<1x8x2048xf32, #tpu.memory_space<vmem>> -> memref<8x2048xf32, #tpu.memory_space<vmem>>
    %dma_wait3A_234 = arith.constant 0 : i32
    %dma_wait3A_235 = tpu.memref_slice %arg5[%add3A_228, %dma_wait3A_234] : memref<16384x2048xf32, #tpu.memory_space<hbm>> -> memref<8x2048xf32, #tpu.memory_space<hbm>>
    %dma_wait3A_236 = arith.constant 0 : i32
    %dma_wait3A_237 = tpu.memref_slice %arg5[%add3A_228, %dma_wait3A_236] : memref<16384x2048xf32, #tpu.memory_space<hbm>> -> memref<8x2048xf32, #tpu.memory_space<hbm>>
    %dma_wait3A_238 = arith.constant 0 : i32
    %dma_wait3A_239 = arith.constant 0 : i32
    %dma_wait3A_240 = tpu.memref_slice %arg8[%dma_wait3A_229, %dma_wait3A_238, %dma_wait3A_239] : memref<3x8x2048xf32, #tpu.memory_space<vmem>> -> memref<1x8x2048xf32, #tpu.memory_space<vmem>>
    %dma_wait3A_241 = tpu.memref_squeeze %dma_wait3A_240 : memref<1x8x2048xf32, #tpu.memory_space<vmem>> -> memref<8x2048xf32, #tpu.memory_space<vmem>>
    tpu.wait_dma2 semaphore(%arg12 : memref<!tpu.dma_semaphore, #tpu.memory_space<semaphore_mem>>) src(%dma_wait3A_241 : memref<8x2048xf32, #tpu.memory_space<vmem>>) dst(%dma_wait3A_237 : memref<8x2048xf32, #tpu.memory_space<hbm>>)
    return
  }
}

</mosaic_0001>

<sc_bundles>
// kernel: _gather_scaled.3.cloned.1.call-start
scs
__scs_entry_jumppad:
0x0: {  	(pc) =	sbr.rel $0x88, $3  }
0x1: {  	(tag) =	ssettag $0x0;
	lr =	simm.s32 $0x1  }
0x2: {  	[smem:$0x3F9F] =	sst lr;
	_ =	strace $0xD0000000  }
0x3: {  	_ = 	snop  }
0x4: {  	_ = 	snop  }
0x5: {  	_ = 	snop  }
0x6: {  	_ = 	snop  }
0x7: {  	_ = 	snop  }
__scs_overlays_trampoline_lowered:
0x8: {  	[smem:$0x3FAE] =	sst s0  }
0x9: {  	[smem:$0x3FAF] =	sst s1  }
0xa: {  	[smem:$0x3FB0] =	sst s2  }
0xb: {  	[smem:$0x3FB1] =	sst s3  }
0xc: {  	[smem:$0x3FB2] =	sst s4  }
0xd: {  	[smem:$0x3FB3] =	sst s5  }
0xe: {  	[smem:$0x3FB4] =	sst s6  }
0xf: {  	[smem:$0x3FB5] =	sst s7  }
0x10: {  	[smem:$0x3FB6] =	sst s8  }
0x11: {  	[smem:$0x3FB7] =	sst s9;
	s0 =	simm.s32 @!p0 $0x0  }
0x12: {  	s1 =	sld [smem:$0x3F9D];
	s0 =	simm.s32 @p0 $0x1  }
0x13: {  	[smem:$0x3FB8] =	sst s0;
	s0 =	simm.s32 @!p1 $0x0  }
0x14: {  	s2 =	sld [smem:$0x3F9C];
	s0 =	simm.s32 @p1 $0x1  }
0x15: {  	[smem:$0x3FB9] =	sst s0;
	s0 =	simm.s32 @!p2 $0x0  }
0x16: {  	s3 =	sld [smem:$0x3FDB];
	s0 =	simm.s32 @p2 $0x1  }
0x17: {  	s4 =	simm.s32 $0x1BF5;
	[smem:$0x3FBB] =	sst s0  }
0x18: {  	s0 =	sld [smem:$0x3F9E];
	_ =	swait.ge [sflag:s4], $0x0  }
0x19: {  	s7 =	sld [smem:$0x3F9F]  }
0x1a: {  	s8 =	sadd.s32 $0xFFFFE003, lr  }
0x1b: {  	s9 =	sadd.s32 $0xFFFFFEF7, lr;
	s5 =	simm.s32 $0xFFFFFFFF;
	p2 =	slt.u32 s8, $0xFFFFF086  }
0x1c: {  	p1 =	slt.u32 s9, $0xF7A;
	s5 =	simm.s32 @!p2 $0x0  }
0x1d: {  	s5 =	simm.s32 @p1 $0x1;
	p0 =	seq.s32 s7, s2  }
0x1e: {  	s7 =	smul.u32 @!p0 $0xF7A, s2;
	p2 =	seq.s32 @!p0 s5, $0x0  }
0x1f: {  	s9 =	smul.u32 $0xF7A, s1;
	s8 =	simm.s32 @!p0 $0x1BF5;
	p2 =	por !p2, p0  }
0x20: {  	[sflag:s8] =	ssyncset.s32 @!p0 $0xFFFFF086;
	s6 =	sadd.s32 @!p0 s3, s7;
	s7 =	simm.s32 @!p0 $0x108  }
0x21: {  	s3 =	sadd.s32 s3, s9;
	s6 =	sadd.s32 @!p0 $0x88, s6;
	s7 =	simm.s32 @p2 $0x1082  }
0x22: {  	[simem:s7], [sflag:s8] =	dma.local @!p0 [hbm:s6], $0xF7A  }
0x23: {  	s9 =	sor.u32 $0xD0000000, s2;
	s6 =	simm.s32 $0x108;
	_ =	swait.ge @!p0 [sflag:s8], $0x0  }
0x24: {  	s3 =	sadd.s32 $0x88, s3;
	s6 =	simm.s32 @!p1 $0x1082;
	[sflag:s4] =	ssyncset.s32 $0xFFFFF086  }
0x25: {  	[simem:s6], [sflag:s4] =	dma.local [hbm:s3], $0xF7A  }
0x26: {  	[smem:$0x3F9F] =	sst s1;
	(tag) =	ssettag s2;
	_ =	strace s9  }
0x27: {  	s1 =	sld [smem:$0x3FAF]  }
0x28: {  	s2 =	sld [smem:$0x3FB0]  }
0x29: {  	s4 =	sld [smem:$0x3FB2]  }
0x2a: {  	p0 =	seq.s32 s5, $0x0;
	s5 =	sld [smem:$0x3FB3]  }
0x2b: {  	s6 =	sld [smem:$0x3FB4]  }
0x2c: {  	s7 =	sld [smem:$0x3FB5]  }
0x2d: {  	s3 =	simm.s32 $0x108;
	s8 =	sld [smem:$0x3FB6]  }
0x2e: {  	s3 =	simm.s32 @!p0 $0x1082;
	s9 =	sld [smem:$0x3FB7]  }
0x2f: {  	lr =	sadd.s32 s0, s3;
	s0 =	sld [smem:$0x3FAE]  }
0x30: {  	s3 =	sld [smem:$0x3FB1]  }
0x31: {  	[smem:$0x3FBA] =	sst s10  }
0x32: {  	s10 =	sld [smem:$0x3FB8];
	_ =	sdelay $0x3  }
0x33: {  	p0 =	seq.s32 s10, $0x1;
	s10 =	sld [smem:$0x3FBA];
	_ =	sdelay $0x3  }
0x34: {  	[smem:$0x3FBA] =	sst s10  }
0x35: {  	s10 =	sld [smem:$0x3FB9];
	_ =	sdelay $0x3  }
0x36: {  	p1 =	seq.s32 s10, $0x1;
	s10 =	sld [smem:$0x3FBA];
	_ =	sdelay $0x3  }
0x37: {  	[smem:$0x3FBA] =	sst s10  }
0x38: {  	s10 =	sld [smem:$0x3FBB]  }
0x39: {  	_ = 	snop;
	(pc) =	sbr.ind lr, $3  }
0x3a: {  	_ = 	snop  }
0x3b: {  	_ = 	snop  }
0x3c: {  	p2 =	seq.s32 s10, $0x1;
	s10 =	sld [smem:$0x3FBA]  }
0x3d: {  	_ =	shalt  }
0x3e: {  	_ =	shalt  }
0x3f: {  	_ =	shalt  }
0x40: {  	_ =	shalt  }
0x41: {  	_ =	shalt  }
0x42: {  	_ =	shalt  }
0x43: {  	_ =	shalt  }
0x44: {  	_ =	shalt  }
0x45: {  	_ =	shalt  }
0x46: {  	_ =	shalt  }
0x47: {  	_ =	shalt  }
0x48: {  	_ =	shalt  }
0x49: {  	_ =	shalt  }
0x4a: {  	_ =	shalt  }
0x4b: {  	_ =	shalt  }
0x4c: {  	_ =	shalt  }
0x4d: {  	_ =	shalt  }
0x4e: {  	_ =	shalt  }
0x4f: {  	_ =	shalt  }
0x50: {  	_ =	shalt  }
0x51: {  	_ =	shalt  }
0x52: {  	_ =	shalt  }
0x53: {  	_ =	shalt  }
0x54: {  	_ =	shalt  }
0x55: {  	_ =	shalt  }
0x56: {  	_ =	shalt  }
0x57: {  	_ =	shalt  }
0x58: {  	_ =	shalt  }
0x59: {  	_ =	shalt  }
0x5a: {  	_ =	shalt  }
0x5b: {  	_ =	shalt  }
0x5c: {  	_ =	shalt  }
0x5d: {  	_ =	shalt  }
0x5e: {  	_ =	shalt  }
0x5f: {  	_ =	shalt  }
0x60: {  	_ =	shalt  }
0x61: {  	_ =	shalt  }
0x62: {  	_ =	shalt  }
0x63: {  	_ =	shalt  }
0x64: {  	_ =	shalt  }
0x65: {  	_ =	shalt  }
0x66: {  	_ =	shalt  }
0x67: {  	_ =	shalt  }
0x68: {  	_ =	shalt  }
0x69: {  	_ =	shalt  }
0x6a: {  	_ =	shalt  }
0x6b: {  	_ =	shalt  }
0x6c: {  	_ =	shalt  }
0x6d: {  	_ =	shalt  }
0x6e: {  	_ =	shalt  }
0x6f: {  	_ =	shalt  }
0x70: {  	_ =	shalt  }
0x71: {  	_ =	shalt  }
0x72: {  	_ =	shalt  }
0x73: {  	_ =	shalt  }
0x74: {  	_ =	shalt  }
0x75: {  	_ =	shalt  }
0x76: {  	_ =	shalt  }
0x77: {  	_ =	shalt  }
0x78: {  	_ =	shalt  }
0x79: {  	_ =	shalt  }
0x7a: {  	_ =	shalt  }
0x7b: {  	_ =	shalt  }
0x7c: {  	_ =	shalt  }
0x7d: {  	_ =	shalt  }
0x7e: {  	_ =	shalt  }
0x7f: {  	_ =	shalt  }
0x80: {  	_ =	shalt  }
0x81: {  	_ =	shalt  }
0x82: {  	_ =	shalt  }
0x83: {  	_ =	shalt  }
0x84: {  	_ =	shalt  }
0x85: {  	_ =	shalt  }
0x86: {  	_ =	shalt  }
0x87: {  	_ =	shalt  }
.Lfunc_end0:
.L_simem_size_0:
called_computation_lowered:
.L_overlay_start_0:
0x88: {  	s2 =	sld [smem:$0x3FD9]  }
0x89: {  	s3 =	sld [smem:$0x3FFE];
	_ =	sdelay $0x1  }
0x8a: {  	s1 =	srdreg.scid  }
0x8b: {  	s0 =	sand.u32 $0x1, s1  }
0x8c: {  	s17 =	sshll.u32 s0, $0xA;
	s2 =	sadd.s32 s3, s2  }
0x8d: {  	s2 =	sadd.s32 s2, s17  }
0x8e: {  	[smem:$0x3FC6] =	sst s2  }
0x8f: {  	_ = 	snop  }
0x90: {  	s2 =	sld [smem:$0x3FC9]  }
0x91: {  	s18 =	sld [smem:$0x3FC8]  }
0x92: {  	s4 =	sld [smem:$0x3FD0];
	(tm) =	ssettm $0x1  }
0x93: {  	s5 =	sld [smem:$0x3FFB];
	_ =	sdelay $0x3  }
0x94: {  	_ =	strace s5  }
0x95: {  	s5 =	sld [smem:$0x3FFC];
	_ =	sdelay $0x3  }
0x96: {  	_ =	strace s5  }
0x97: {  	s5 =	sld [smem:$0x3FFD];
	_ =	sdelay $0x3  }
0x98: {  	_ =	strace s5  }
0x99: {  	_ =	strace $0x8FFFFFFF  }
0x9a: {  	s19 =	sld [smem:$0x3FDB];
	_ =	sdelay $0x1  }
0x9b: {  	s6 =	simm.s32 $_scs_section_size  }
0x9c: {  	s7 =	simm.s32 $_size__tile_overlayer_lowered;
	s8 =	simm.s32 $_tile_overlayer_lowered  }
0x9d: {  	s22 =	simm.s32 $0x1BFF;
	s21 =	sshll.u32 s8, $0x1;
	s5 =	sadd.s32 s6, s19  }
0x9e: {  	s9 =	simm.s32 $0x0;
	s20 =	sshll.u32 s7, $0x1;
	s7 =	sadd.s32 s21, s5  }
0x9f: {  	[timem:s9], [sflag:s22] =	dma.local [hbm:s7], s20  }
0xa0: {  	_ =	swait.ge [sflag:s22], s20  }
0xa1: {  	s6 =	ssub.s32 $0x0, s20;
	[sflag:s22] =	ssyncset.done $0x0  }
0xa2: {  	[sflag:s22] =	ssyncadd.s32 s6;
	_ =	sdelay $0x1  }
0xa3: {  	s23 =	simm.s32 $0x1B8B  }
0xa4: {  	_ =	swait.ge [sflag:s23], $0x1  }
0xa5: {  	[sflag:s23] =	ssyncset.done $0x0  }
0xa6: {  	s25 =	simm.s32 $0x1B8E;
	s24 =	sld [smem:$0x3FFE];
	[sflag:s23] =	ssyncadd.s32 $0xFFFFFFFF  }
0xa7: {  	s26 =	simm.s32 $execute0_lowered;
	[smem:$0x3FD2] =	sst s25  }
0xa8: {  	s7 =	sshll.u32 s26, $0x1;
	_ =	strace $0x80000046;
	[dreg:$0x1] =	wrdreg $0xFFFFFFFF  }
0xa9: {  	s28 =	simm.s32 $_size_execute0_lowered;
	s5 =	sadd.s32 s5, s7;
	[dreg:$0x0] =	wrdreg $0x0  }
0xaa: {  	s7 =	sshll.u32 s28, $0x1;
	[dreg:$0x2] =	wrdreg s5  }
0xab: {  	[dreg:$0x3] =	wrdreg s7  }
0xac: {  	[dreg:$0x4] =	wrdreg $0xC0  }
0xad: {  	_ =	task [dreg:s9], $0x5FFFF  }
0xae: {  	[dreg:$0x1] =	wrdreg $0xFFFFFFFF  }
0xaf: {  	[dreg:$0x0] =	wrdreg $0x60  }
0xb0: {  	[dreg:$0x2] =	wrdreg s2  }
0xb1: {  	[dreg:$0x3] =	wrdreg s18  }
0xb2: {  	[dreg:$0x4] =	wrdreg s24  }
0xb3: {  	[dreg:$0x5] =	wrdreg s4  }
0xb4: {  	[dreg:$0x6] =	wrdreg $0x9  }
0xb5: {  	_ =	task.clear_ibuf [dreg:s9], $0x7FFFF;
	_ =	strace $0x90000046  }
0xb6: {  	s29 =	simm.s32 $0x9;
	_ =	strace $0x80000048  }
0xb7: {  	_ =	swait.ge [sflag:s29], $0x1  }
0xb8: {  	[sflag:s29] =	ssyncadd.s32 $0xFFFFFFFF  }
0xb9: {  	_ =	strace $0x90000048  }
0xba: {  	_ =	sfence  }
0xbb: {  	s30 =	sld [smem:$0x0];
	_ =	sdelay $0x2  }
0xbc: {  	s31 =	sshll.u32 s1, $0xD;
	s1 =	sshrl.u32 s1, $0x2  }
0xbd: {  	s3 =	sand.u32 $0x4000, s31;
	s1 =	sadd.s32 s1, s30  }
0xbe: {  	s0 =	sor.u32 s3, s0;
	s1 =	sshll.u32 s1, $0x11  }
0xbf: {  	s0 =	sor.u32 s1, s0  }
0xc0: {  	s0 =	sadd.s32 $0x8F2B, s0  }
0xc1: {  	[sflag:s0] =	ssyncadd.remote.s32 $0x1  }
0xc2: {  	_ =	sfence.sel $0xFFFF  }
0xc3: {  	[dreg:$0x0] =	wrdreg $0xFFFFFFFF;
	(pc) =	sbr.abs _section_cstart, $3  }
0xc4: {  	[dreg:$0x1] =	wrdreg $0xFFFFFFFF  }
0xc5: {  	_ =	task.clear_ibuf [dreg:s9], $0x2FFFF;
	_ =	strace $0x9FFFFFFF  }
0xc6: {  	(tm) =	ssettm $0x7FFFFFFF  }
0xc7: {  	_ =	shalt  }
tec
execute0_lowered:
.L_overlay_start_1:
0x0: {  	(tag) =	ssettag $0x1  }
0x1: {  	s0 =	rddreg [dreg:$0x0]  }
0x2: {  	s1 =	rddreg [dreg:$0x1]  }
0x3: {  	s2 =	rddreg [dreg:$0x2]  }
0x4: {  	s3 =	rddreg [dreg:$0x3]  }
0x5: {  	s4 =	srdreg.scid;
	s6 =	stileid.u32;
	s29 =	simm.s32 $0x2200  }
0x6: {  	s30 =	simm.s32 $0x2A00;
	s31 =	simm.s32 $0x3200;
	s20 =	simm.s32 $0x1  }
0x7: {  	s21 =	simm.s32 $0xC200;
	s15 =	simm.s32 $0x2;
	s19 =	simm.s32 $0x0  }
0x8: {  	s5 =	sand.u32 $0x1, s4;
	s4 =	simm.s32 $0x0;
	s6 =	sshll.u32 s6, $0xA  }
0x9: {  	s2 =	sadd.s32 $0x400, s2;
	s9 =	sadd.s32 $0x200, s1;
	s10 =	sadd.s32 $0x300, s1  }
0xa: {  	s11 =	sadd.s32 $0x400, s1;
	s12 =	sadd.s32 $0x500, s1;
	s13 =	sadd.s32 $0x600, s1  }
0xb: {  	s14 =	sadd.s32 $0x700, s1;
	s7 =	sshll.u32 s5, $0x9;
	[smem:$0x7FF] =	sst s4  }
0xc: {  	s8 =	ssub.s32 $0x2, s5;
	s5 =	sor.u32 s7, s6;
	_ =	strace $0x80000047  }
0xd: {  	s22 =	sshrl.u32 s8, $0x1;
	[dreg:$0x5] =	wrdreg s2;
	s7 =	sshrl.u32 s5, $0x3  }
0xe: {  	s2 =	simm.s32 $0x3;
	s23 =	ssub.s32 s8, s22;
	s0 =	sadd.s32 s0, s7  }
0xf: {  	s24 =	sshll.u32 s5, $0x8;
	s28 =	smax.u32 s23, $0x1;
	[dreg:$0x6] =	wrdreg s0  }
0x10: {  	s6 =	simm.s32 $0x4;
	s0 =	sadd.s32 s3, s24;
	[dreg:$0xb] =	wrdreg s28  }
0x11: {  	s8 =	sadd.s32 $0x100, s1;
	s25 =	sadd.s32 $0x800, s0;
	[dreg:$0x7] =	wrdreg s0  }
0x12: {  	v0 =	vlaneseq.u32;
	s18 =	sor.u32 $0x18, s5;
	s26 =	sadd.s32 $0x1F000, s0;
	[dreg:$0x8] =	wrdreg s25  }
0x13: {  	v1 =	vshrl.u32 v0, $0x3;
	s17 =	sor.u32 $0x2, s7;
	s0 =	sadd.s32 $0x1F800, s0;
	[dreg:$0x9] =	wrdreg s26  }
0x14: {  	vm0 =	vmmov $0xffff;
	v0 =	vand.u32 $0x7, v0;
	v1 =	vmul.u32 $0x8, v1;
	s7 =	simm.s32 $0x5;
	[dreg:$0xa] =	wrdreg s0;
	s0 =	simm.s32 $0x3A00  }
.LBB2_1:
0x15: {  	[dreg:$0xc] =	wrdreg s19  }
0x16: {  	s16 =	rddreg [dreg:$0x5];
	s25 =	simm.s32 $0x18200;
	s26 =	simm.s32 $0x7  }
0x17: {  	[tilespmem:s25], [sflag:$0x7] =	stream.linear.gather [hbm4b:s16+s4], $0x1, $0x38;
	[tilespmem:$0x18280] =	vst v63  }
0x18: {  	_ =	swait.ge [sflag:s26], $0x1  }
0x19: {  	[sflag:s26] =	ssyncset.done $0x0  }
0x1a: {  	s28 =	rddreg [dreg:$0x6];
	[sflag:s26] =	ssyncadd.s32 $0xFFFFFFFF  }
0x1b: {  	v2 =	vld.msk [tilespmem:$0x18200 ss:$0x0], $0xffff;
	[tilespmem:s4], [sflag:$0x7] =	stream.linear.gather [hbm4b:s28+s4], $0x200, $0x38  }
0x1c: {  	_ =	swait.ge [sflag:s26], $0x200  }
0x1d: {  	[sflag:s26] =	ssyncset.done $0x0  }
0x1e: {  	[sflag:s26] =	ssyncadd.s32 $0xFFFFFE00  }
0x1f: {  	v3 =	vld.msk [tilespmem:$0x0], $0xff;
	_ =	sdelay $0x4  }
0x20: {  	v4 =	vshll.u32 v3, $0x4  }
0x21: {  	v3 =	vand.u32 $0x7, v3;
	v4 =	vand.u32 $0xFFFFFF80, v4  }
0x22: {  	v3 =	vor.u32 v3, v4  }
0x23: {  	v3 =	vperm.xlane v3, v0;
	_ =	sdelay $0x1  }
0x24: {  	v3 =	vadd.s32 v1, v3;
	_ =	sdelay $0x3  }
0x25: {  	s22 =	simm.s32 $0x200  }
0x26: {  	[tilespmem:s22], [sflag:$0x1] =	stream.indirect_vreg.gather [hbm4b:s1+s4], $0x80, v3, vm0, $0xb8;
	[tilespmem:$0x18280] =	vst v63  }
0x27: {  	s23 =	simm.s32 $0xA00  }
0x28: {  	[tilespmem:s23], [sflag:$0x1] =	stream.indirect_vreg.gather [hbm4b:s8+s4], $0x80, v3, vm0, $0xb8;
	[tilespmem:$0x18280] =	vst v63  }
0x29: {  	s24 =	simm.s32 $0x1200  }
0x2a: {  	[tilespmem:s24], [sflag:$0x1] =	stream.indirect_vreg.gather [hbm4b:s9+s4], $0x80, v3, vm0, $0xb8;
	[tilespmem:$0x18280] =	vst v63  }
0x2b: {  	s25 =	simm.s32 $0x1A00  }
0x2c: {  	[tilespmem:s25], [sflag:$0x1] =	stream.indirect_vreg.gather [hbm4b:s10+s4], $0x80, v3, vm0, $0xb8;
	[tilespmem:$0x18280] =	vst v63  }
0x2d: {  	_ = 	snop  }
0x2e: {  	[tilespmem:s29], [sflag:$0x1] =	stream.indirect_vreg.gather [hbm4b:s11+s4], $0x80, v3, vm0, $0xb8;
	[tilespmem:$0x18280] =	vst v63  }
0x2f: {  	_ = 	snop  }
0x30: {  	[tilespmem:s30], [sflag:$0x1] =	stream.indirect_vreg.gather [hbm4b:s12+s4], $0x80, v3, vm0, $0xb8;
	[tilespmem:$0x18280] =	vst v63  }
0x31: {  	_ = 	snop  }
0x32: {  	[tilespmem:s31], [sflag:$0x1] =	stream.indirect_vreg.gather [hbm4b:s13+s4], $0x80, v3, vm0, $0xb8;
	[tilespmem:$0x18280] =	vst v63  }
0x33: {  	_ = 	snop  }
0x34: {  	[tilespmem:s0], [sflag:$0x1] =	stream.indirect_vreg.gather [hbm4b:s14+s4], $0x80, v3, vm0, $0xb8;
	[tilespmem:$0x18280] =	vst v63  }
0x35: {  	v3 =	vld.msk [tilespmem:$0x8], $0xff;
	_ =	sdelay $0x4  }
0x36: {  	v4 =	vshll.u32 v3, $0x4  }
0x37: {  	v3 =	vand.u32 $0x7, v3;
	v4 =	vand.u32 $0xFFFFFF80, v4  }
0x38: {  	v3 =	vor.u32 v3, v4  }
0x39: {  	v3 =	vperm.xlane v3, v0;
	_ =	sdelay $0x1  }
0x3a: {  	v3 =	vadd.s32 v1, v3;
	_ =	sdelay $0x3  }
0x3b: {  	s26 =	simm.s32 $0x4200  }
0x3c: {  	[tilespmem:s26], [sflag:$0x2] =	stream.indirect_vreg.gather [hbm4b:s1+s4], $0x80, v3, vm0, $0xb8;
	[tilespmem:$0x18280] =	vst v63  }
0x3d: {  	s28 =	simm.s32 $0x4A00  }
0x3e: {  	[tilespmem:s28], [sflag:$0x2] =	stream.indirect_vreg.gather [hbm4b:s8+s4], $0x80, v3, vm0, $0xb8;
	[tilespmem:$0x18280] =	vst v63  }
0x3f: {  	s19 =	simm.s32 $0x5200  }
0x40: {  	[tilespmem:s19], [sflag:$0x2] =	stream.indirect_vreg.gather [hbm4b:s9+s4], $0x80, v3, vm0, $0xb8;
	[tilespmem:$0x18280] =	vst v63  }
0x41: {  	s22 =	simm.s32 $0x5A00  }
0x42: {  	[tilespmem:s22], [sflag:$0x2] =	stream.indirect_vreg.gather [hbm4b:s10+s4], $0x80, v3, vm0, $0xb8;
	[tilespmem:$0x18280] =	vst v63  }
0x43: {  	s23 =	simm.s32 $0x6200  }
0x44: {  	[tilespmem:s23], [sflag:$0x2] =	stream.indirect_vreg.gather [hbm4b:s11+s4], $0x80, v3, vm0, $0xb8;
	[tilespmem:$0x18280] =	vst v63  }
0x45: {  	s24 =	simm.s32 $0x6A00  }
0x46: {  	[tilespmem:s24], [sflag:$0x2] =	stream.indirect_vreg.gather [hbm4b:s12+s4], $0x80, v3, vm0, $0xb8;
	[tilespmem:$0x18280] =	vst v63  }
0x47: {  	s25 =	simm.s32 $0x7200  }
0x48: {  	[tilespmem:s25], [sflag:$0x2] =	stream.indirect_vreg.gather [hbm4b:s13+s4], $0x80, v3, vm0, $0xb8;
	[tilespmem:$0x18280] =	vst v63  }
0x49: {  	s26 =	simm.s32 $0x7A00  }
0x4a: {  	[tilespmem:s26], [sflag:$0x2] =	stream.indirect_vreg.gather [hbm4b:s14+s4], $0x80, v3, vm0, $0xb8;
	[tilespmem:$0x18280] =	vst v63  }
0x4b: {  	v3 =	vld.msk [tilespmem:$0x10], $0xff;
	_ =	sdelay $0x4  }
0x4c: {  	v4 =	vshll.u32 v3, $0x4  }
0x4d: {  	v3 =	vand.u32 $0x7, v3;
	v4 =	vand.u32 $0xFFFFFF80, v4  }
0x4e: {  	v3 =	vor.u32 v3, v4  }
0x4f: {  	v3 =	vperm.xlane v3, v0;
	_ =	sdelay $0x1  }
0x50: {  	v3 =	vadd.s32 v1, v3;
	_ =	sdelay $0x3  }
0x51: {  	s28 =	simm.s32 $0x8200  }
0x52: {  	[tilespmem:s28], [sflag:$0x3] =	stream.indirect_vreg.gather [hbm4b:s1+s4], $0x80, v3, vm0, $0xb8;
	[tilespmem:$0x18280] =	vst v63  }
0x53: {  	s19 =	simm.s32 $0x8A00  }
0x54: {  	[tilespmem:s19], [sflag:$0x3] =	stream.indirect_vreg.gather [hbm4b:s8+s4], $0x80, v3, vm0, $0xb8;
	[tilespmem:$0x18280] =	vst v63  }
0x55: {  	s22 =	simm.s32 $0x9200  }
0x56: {  	[tilespmem:s22], [sflag:$0x3] =	stream.indirect_vreg.gather [hbm4b:s9+s4], $0x80, v3, vm0, $0xb8;
	[tilespmem:$0x18280] =	vst v63  }
0x57: {  	s23 =	simm.s32 $0x9A00  }
0x58: {  	[tilespmem:s23], [sflag:$0x3] =	stream.indirect_vreg.gather [hbm4b:s10+s4], $0x80, v3, vm0, $0xb8;
	[tilespmem:$0x18280] =	vst v63  }
0x59: {  	s24 =	simm.s32 $0xA200  }
0x5a: {  	[tilespmem:s24], [sflag:$0x3] =	stream.indirect_vreg.gather [hbm4b:s11+s4], $0x80, v3, vm0, $0xb8;
	[tilespmem:$0x18280] =	vst v63  }
0x5b: {  	s25 =	simm.s32 $0xAA00  }
0x5c: {  	[tilespmem:s25], [sflag:$0x3] =	stream.indirect_vreg.gather [hbm4b:s12+s4], $0x80, v3, vm0, $0xb8;
	[tilespmem:$0x18280] =	vst v63  }
0x5d: {  	s26 =	simm.s32 $0xB200  }
0x5e: {  	[tilespmem:s26], [sflag:$0x3] =	stream.indirect_vreg.gather [hbm4b:s13+s4], $0x80, v3, vm0, $0xb8;
	[tilespmem:$0x18280] =	vst v63  }
0x5f: {  	s28 =	simm.s32 $0xBA00  }
0x60: {  	[tilespmem:s28], [sflag:$0x3] =	stream.indirect_vreg.gather [hbm4b:s14+s4], $0x80, v3, vm0, $0xb8;
	[tilespmem:$0x18280] =	vst v63  }
0x61: {  	_ =	swait.ge [sflag:s20], $0x4000  }
0x62: {  	[sflag:s20] =	ssyncset.done $0x0  }
0x63: {  	s22 =	simm.s32 $0x400;
	[sflag:s20] =	ssyncadd.s32 $0xFFFFC000  }
0x64: {  	v3 =	vld [tilespmem:s22+$0xFFFFFE70]  }
0x65: {  	v4 =	vld [tilespmem:s22+$0xFFFFFE10]  }
0x66: {  	v5 =	vld [tilespmem:s22+$0xFFFFFE20]  }
0x67: {  	v6 =	vld [tilespmem:s22+$0xFFFFFE30]  }
0x68: {  	v7 =	vld [tilespmem:s22+$0xFFFFFE40]  }
0x69: {  	v8 =	vld [tilespmem:s22+$0xFFFFFE50];
	v3 =	vmul.f32 v3, v2  }
0x6a: {  	s16 =	simm.s32 $0xC400;
	v9 =	vld [tilespmem:s22+$0xFFFFFE60];
	v4 =	vmul.f32 v4, v2  }
0x6b: {  	v10 =	vld [tilespmem:s22+$0xFFFFFE00];
	v5 =	vmul.f32 v5, v2;
	[tilespmem:s16+$0xFFFFFE70] =	vst v3  }
0x6c: {  	[tilespmem:s16+$0xFFFFFE10] =	vst v4;
	v3 =	vmul.f32 v6, v2;
	v4 =	vld [tilespmem:s22+$0xFFFFFEF0]  }
0x6d: {  	[tilespmem:s16+$0xFFFFFE20] =	vst v5;
	v5 =	vmul.f32 v7, v2;
	v6 =	vld [tilespmem:s22+$0xFFFFFE90]  }
0x6e: {  	v7 =	vld [tilespmem:s22+$0xFFFFFEA0];
	[tilespmem:s16+$0xFFFFFE30] =	vst v3;
	v3 =	vmul.f32 v8, v2  }
0x6f: {  	[tilespmem:s16+$0xFFFFFE40] =	vst v5;
	v5 =	vmul.f32 v9, v2;
	v8 =	vld [tilespmem:s22+$0xFFFFFEB0]  }
0x70: {  	v9 =	vmul.f32 v10, v2;
	v10 =	vld [tilespmem:s22+$0xFFFFFEC0];
	[tilespmem:s16+$0xFFFFFE50] =	vst v3  }
0x71: {  	[tilespmem:s16+$0xFFFFFE60] =	vst v5;
	v3 =	vld [tilespmem:s22+$0xFFFFFED0];
	v4 =	vmul.f32 v4, v2  }
0x72: {  	[tilespmem:s16+$0xFFFFFE00] =	vst v9;
	v5 =	vmul.f32 v6, v2;
	v6 =	vld [tilespmem:s22+$0xFFFFFEE0]  }
0x73: {  	v9 =	vld [tilespmem:s22+$0xFFFFFE80];
	v7 =	vmul.f32 v7, v2;
	[tilespmem:s16+$0xFFFFFEF0] =	vst v4  }
0x74: {  	[tilespmem:s16+$0xFFFFFE90] =	vst v5;
	v4 =	vmul.f32 v8, v2;
	v5 =	vld [tilespmem:s22+$0xFFFFFF70]  }
0x75: {  	[tilespmem:s16+$0xFFFFFEA0] =	vst v7;
	v7 =	vmul.f32 v10, v2;
	v8 =	vld [tilespmem:s22+$0xFFFFFF10]  }
0x76: {  	v10 =	vld [tilespmem:s22+$0xFFFFFF20];
	[tilespmem:s16+$0xFFFFFEB0] =	vst v4;
	v3 =	vmul.f32 v3, v2  }
0x77: {  	[tilespmem:s16+$0xFFFFFEC0] =	vst v7;
	v4 =	vld [tilespmem:s22+$0xFFFFFF30];
	v6 =	vmul.f32 v6, v2  }
0x78: {  	v7 =	vmul.f32 v9, v2;
	v9 =	vld [tilespmem:s22+$0xFFFFFF40];
	[tilespmem:s16+$0xFFFFFED0] =	vst v3  }
0x79: {  	v3 =	vld [tilespmem:s22+$0xFFFFFF50];
	[tilespmem:s16+$0xFFFFFEE0] =	vst v6;
	v5 =	vmul.f32 v5, v2  }
0x7a: {  	[tilespmem:s16+$0xFFFFFE80] =	vst v7;
	v6 =	vmul.f32 v8, v2;
	v7 =	vld [tilespmem:s22+$0xFFFFFF60]  }
0x7b: {  	v8 =	vld [tilespmem:s22+$0xFFFFFF00];
	v10 =	vmul.f32 v10, v2;
	[tilespmem:s16+$0xFFFFFF70] =	vst v5  }
0x7c: {  	[tilespmem:s16+$0xFFFFFF10] =	vst v6;
	v4 =	vmul.f32 v4, v2;
	v5 =	vld [tilespmem:s22+$0xFFFFFFF0]  }
0x7d: {  	[tilespmem:s16+$0xFFFFFF20] =	vst v10;
	v9 =	vmul.f32 v9, v2;
	v6 =	vld [tilespmem:s22+$0xFFFFFF90]  }
0x7e: {  	v10 =	vld [tilespmem:s22+$0xFFFFFFA0];
	[tilespmem:s16+$0xFFFFFF30] =	vst v4;
	v3 =	vmul.f32 v3, v2  }
0x7f: {  	[tilespmem:s16+$0xFFFFFF40] =	vst v9;
	v4 =	vld [tilespmem:s22+$0xFFFFFFB0];
	v7 =	vmul.f32 v7, v2  }
0x80: {  	v8 =	vmul.f32 v8, v2;
	v9 =	vld [tilespmem:s22+$0xFFFFFFC0];
	[tilespmem:s16+$0xFFFFFF50] =	vst v3  }
0x81: {  	v3 =	vld [tilespmem:s22+$0xFFFFFFD0];
	[tilespmem:s16+$0xFFFFFF60] =	vst v7;
	v5 =	vmul.f32 v5, v2  }
0x82: {  	[tilespmem:s16+$0xFFFFFF00] =	vst v8;
	v6 =	vmul.f32 v6, v2;
	v7 =	vld [tilespmem:s22+$0xFFFFFFE0]  }
0x83: {  	v8 =	vld [tilespmem:s22+$0xFFFFFF80];
	v10 =	vmul.f32 v10, v2;
	[tilespmem:s16+$0xFFFFFFF0] =	vst v5  }
0x84: {  	[tilespmem:s16+$0xFFFFFF90] =	vst v6;
	v4 =	vmul.f32 v4, v2;
	v5 =	vld [tilespmem:s22+$0x70]  }
0x85: {  	[tilespmem:s16+$0xFFFFFFA0] =	vst v10;
	v9 =	vmul.f32 v9, v2;
	v6 =	vld [tilespmem:s22+$0x10]  }
0x86: {  	v10 =	vld [tilespmem:s22+$0x20];
	[tilespmem:s16+$0xFFFFFFB0] =	vst v4;
	v3 =	vmul.f32 v3, v2  }
0x87: {  	[tilespmem:s16+$0xFFFFFFC0] =	vst v9;
	v4 =	vld [tilespmem:s22+$0x30];
	v7 =	vmul.f32 v7, v2  }
0x88: {  	v8 =	vmul.f32 v8, v2;
	v9 =	vld [tilespmem:s22+$0x40];
	[tilespmem:s16+$0xFFFFFFD0] =	vst v3  }
0x89: {  	v3 =	vld [tilespmem:s22+$0x50];
	[tilespmem:s16+$0xFFFFFFE0] =	vst v7;
	v5 =	vmul.f32 v5, v2  }
0x8a: {  	[tilespmem:s16+$0xFFFFFF80] =	vst v8;
	v6 =	vmul.f32 v6, v2;
	v7 =	vld [tilespmem:s22+$0x60]  }
0x8b: {  	v8 =	vld [tilespmem:s22+$0x0];
	v10 =	vmul.f32 v10, v2;
	[tilespmem:s16+$0x70] =	vst v5  }
0x8c: {  	[tilespmem:s16+$0x10] =	vst v6;
	v4 =	vmul.f32 v4, v2;
	v5 =	vld [tilespmem:s22+$0xF0]  }
0x8d: {  	[tilespmem:s16+$0x20] =	vst v10;
	v9 =	vmul.f32 v9, v2;
	v6 =	vld [tilespmem:s22+$0x90]  }
0x8e: {  	v10 =	vld [tilespmem:s22+$0xA0];
	[tilespmem:s16+$0x30] =	vst v4;
	v3 =	vmul.f32 v3, v2  }
0x8f: {  	[tilespmem:s16+$0x40] =	vst v9;
	v4 =	vld [tilespmem:s22+$0xB0];
	v7 =	vmul.f32 v7, v2  }
0x90: {  	v8 =	vmul.f32 v8, v2;
	v9 =	vld [tilespmem:s22+$0xC0];
	[tilespmem:s16+$0x50] =	vst v3  }
0x91: {  	v3 =	vld [tilespmem:s22+$0xD0];
	[tilespmem:s16+$0x60] =	vst v7;
	v5 =	vmul.f32 v5, v2  }
0x92: {  	[tilespmem:s16+$0x0] =	vst v8;
	v6 =	vmul.f32 v6, v2;
	v7 =	vld [tilespmem:s22+$0xE0]  }
0x93: {  	v8 =	vld [tilespmem:s22+$0x80];
	v10 =	vmul.f32 v10, v2;
	[tilespmem:s16+$0xF0] =	vst v5  }
0x94: {  	[tilespmem:s16+$0x90] =	vst v6;
	v4 =	vmul.f32 v4, v2;
	v5 =	vld [tilespmem:s22+$0x170]  }
0x95: {  	[tilespmem:s16+$0xA0] =	vst v10;
	v9 =	vmul.f32 v9, v2;
	v6 =	vld [tilespmem:s22+$0x110]  }
0x96: {  	v10 =	vld [tilespmem:s22+$0x120];
	[tilespmem:s16+$0xB0] =	vst v4;
	v3 =	vmul.f32 v3, v2  }
0x97: {  	[tilespmem:s16+$0xC0] =	vst v9;
	v4 =	vld [tilespmem:s22+$0x130];
	v7 =	vmul.f32 v7, v2  }
0x98: {  	v8 =	vmul.f32 v8, v2;
	v9 =	vld [tilespmem:s22+$0x140];
	[tilespmem:s16+$0xD0] =	vst v3  }
0x99: {  	v3 =	vld [tilespmem:s22+$0x150];
	[tilespmem:s16+$0xE0] =	vst v7;
	v5 =	vmul.f32 v5, v2  }
0x9a: {  	[tilespmem:s16+$0x80] =	vst v8;
	v6 =	vmul.f32 v6, v2;
	v7 =	vld [tilespmem:s22+$0x160]  }
0x9b: {  	v8 =	vld [tilespmem:s22+$0x100];
	v10 =	vmul.f32 v10, v2;
	[tilespmem:s16+$0x170] =	vst v5  }
0x9c: {  	[tilespmem:s16+$0x110] =	vst v6;
	v4 =	vmul.f32 v4, v2;
	v6 =	vld [tilespmem:s22+$0x1F0]  }
0x9d: {  	[tilespmem:s16+$0x120] =	vst v10;
	v5 =	vmul.f32 v9, v2;
	v11 =	vld [tilespmem:s22+$0x190]  }
0x9e: {  	v10 =	vld [tilespmem:s22+$0x1A0];
	[tilespmem:s16+$0x130] =	vst v4;
	v4 =	vmul.f32 v3, v2  }
0x9f: {  	[tilespmem:s16+$0x140] =	vst v5;
	v3 =	vld [tilespmem:s22+$0x1B0];
	v7 =	vmul.f32 v7, v2  }
0xa0: {  	v8 =	vmul.f32 v8, v2;
	v5 =	vld [tilespmem:s22+$0x1C0];
	[tilespmem:s16+$0x150] =	vst v4  }
0xa1: {  	v4 =	vld [tilespmem:s22+$0x1D0];
	[tilespmem:s16+$0x160] =	vst v7;
	v12 =	vmul.f32 v6, v2  }
0xa2: {  	[tilespmem:s16+$0x100] =	vst v8;
	v6 =	vld [tilespmem:s22+$0x1E0];
	v9 =	vmul.f32 v11, v2  }
0xa3: {  	s19 =	simm.s32 $0x0;
	v7 =	vld [tilespmem:s22+$0x180];
	v8 =	vmul.f32 v10, v2;
	s22 =	simm.s32 $0x800;
	[tilespmem:s16+$0x1F0] =	vst v12  }
.LBB2_2:
0xa4: {  	v10 =	vld [tilespmem:s22+$0xFFFFFE70];
	s19 =	sadd.s32 $0x8, s19;
	[tilespmem:s16+$0x190] =	vst v9;
	v3 =	vmul.f32 v3, v2  }
0xa5: {  	v9 =	vld [tilespmem:s22+$0xFFFFFE10];
	p0 =	slt.u32 s19, $0x78;
	[tilespmem:s16+$0x1A0] =	vst v8;
	v5 =	vmul.f32 v5, v2  }
0xa6: {  	v8 =	vld [tilespmem:s22+$0xFFFFFE20];
	[tilespmem:s16+$0x1B0] =	vst v3;
	v3 =	vmul.f32 v4, v2  }
0xa7: {  	v4 =	vld [tilespmem:s22+$0xFFFFFE30];
	[tilespmem:s16+$0x1C0] =	vst v5;
	v5 =	vmul.f32 v6, v2  }
0xa8: {  	v6 =	vld [tilespmem:s22+$0xFFFFFE40];
	v7 =	vmul.f32 v7, v2;
	[tilespmem:s16+$0x1D0] =	vst v3  }
0xa9: {  	v3 =	vld [tilespmem:s22+$0xFFFFFE50];
	v10 =	vmul.f32 v10, v2;
	[tilespmem:s16+$0x1E0] =	vst v5  }
0xaa: {  	v5 =	vmul.f32 v9, v2;
	v9 =	vld [tilespmem:s22+$0xFFFFFE60];
	[tilespmem:s16+$0x180] =	vst v7;
	s16 =	sadd.s32 $0x400, s16  }
0xab: {  	v7 =	vld [tilespmem:s22+$0xFFFFFE00];
	v8 =	vmul.f32 v8, v2;
	[tilespmem:s16+$0xFFFFFE70] =	vst v10  }
0xac: {  	[tilespmem:s16+$0xFFFFFE10] =	vst v5;
	v4 =	vmul.f32 v4, v2;
	v5 =	vld [tilespmem:s22+$0xFFFFFEF0]  }
0xad: {  	v10 =	vld [tilespmem:s22+$0xFFFFFE90];
	[tilespmem:s16+$0xFFFFFE20] =	vst v8;
	v6 =	vmul.f32 v6, v2  }
0xae: {  	v8 =	vld [tilespmem:s22+$0xFFFFFEA0];
	[tilespmem:s16+$0xFFFFFE30] =	vst v4;
	v3 =	vmul.f32 v3, v2  }
0xaf: {  	v4 =	vld [tilespmem:s22+$0xFFFFFEB0];
	[tilespmem:s16+$0xFFFFFE40] =	vst v6;
	v6 =	vmul.f32 v9, v2  }
0xb0: {  	v7 =	vmul.f32 v7, v2;
	v9 =	vld [tilespmem:s22+$0xFFFFFEC0];
	[tilespmem:s16+$0xFFFFFE50] =	vst v3  }
0xb1: {  	v3 =	vld [tilespmem:s22+$0xFFFFFED0];
	[tilespmem:s16+$0xFFFFFE60] =	vst v6;
	v5 =	vmul.f32 v5, v2  }
0xb2: {  	[tilespmem:s16+$0xFFFFFE00] =	vst v7;
	v6 =	vmul.f32 v10, v2;
	v7 =	vld [tilespmem:s22+$0xFFFFFEE0]  }
0xb3: {  	v10 =	vld [tilespmem:s22+$0xFFFFFE80];
	v8 =	vmul.f32 v8, v2;
	[tilespmem:s16+$0xFFFFFEF0] =	vst v5  }
0xb4: {  	[tilespmem:s16+$0xFFFFFE90] =	vst v6;
	v4 =	vmul.f32 v4, v2;
	v5 =	vld [tilespmem:s22+$0xFFFFFF70]  }
0xb5: {  	v6 =	vld [tilespmem:s22+$0xFFFFFF10];
	[tilespmem:s16+$0xFFFFFEA0] =	vst v8;
	v8 =	vmul.f32 v9, v2  }
0xb6: {  	v9 =	vld [tilespmem:s22+$0xFFFFFF20];
	[tilespmem:s16+$0xFFFFFEB0] =	vst v4;
	v3 =	vmul.f32 v3, v2  }
0xb7: {  	v4 =	vld [tilespmem:s22+$0xFFFFFF30];
	[tilespmem:s16+$0xFFFFFEC0] =	vst v8;
	v7 =	vmul.f32 v7, v2  }
0xb8: {  	v8 =	vmul.f32 v10, v2;
	v10 =	vld [tilespmem:s22+$0xFFFFFF40];
	[tilespmem:s16+$0xFFFFFED0] =	vst v3  }
0xb9: {  	v3 =	vld [tilespmem:s22+$0xFFFFFF50];
	[tilespmem:s16+$0xFFFFFEE0] =	vst v7;
	v5 =	vmul.f32 v5, v2  }
0xba: {  	[tilespmem:s16+$0xFFFFFE80] =	vst v8;
	v6 =	vmul.f32 v6, v2;
	v7 =	vld [tilespmem:s22+$0xFFFFFF60]  }
0xbb: {  	v8 =	vld [tilespmem:s22+$0xFFFFFF00];
	v9 =	vmul.f32 v9, v2;
	[tilespmem:s16+$0xFFFFFF70] =	vst v5  }
0xbc: {  	[tilespmem:s16+$0xFFFFFF10] =	vst v6;
	v4 =	vmul.f32 v4, v2;
	v5 =	vld [tilespmem:s22+$0xFFFFFFF0]  }
0xbd: {  	v6 =	vld [tilespmem:s22+$0xFFFFFF90];
	[tilespmem:s16+$0xFFFFFF20] =	vst v9;
	v9 =	vmul.f32 v10, v2  }
0xbe: {  	v10 =	vld [tilespmem:s22+$0xFFFFFFA0];
	[tilespmem:s16+$0xFFFFFF30] =	vst v4;
	v3 =	vmul.f32 v3, v2  }
0xbf: {  	v4 =	vld [tilespmem:s22+$0xFFFFFFB0];
	[tilespmem:s16+$0xFFFFFF40] =	vst v9;
	v7 =	vmul.f32 v7, v2  }
0xc0: {  	v8 =	vmul.f32 v8, v2;
	v9 =	vld [tilespmem:s22+$0xFFFFFFC0];
	[tilespmem:s16+$0xFFFFFF50] =	vst v3  }
0xc1: {  	v3 =	vld [tilespmem:s22+$0xFFFFFFD0];
	[tilespmem:s16+$0xFFFFFF60] =	vst v7;
	v5 =	vmul.f32 v5, v2  }
0xc2: {  	[tilespmem:s16+$0xFFFFFF00] =	vst v8;
	v6 =	vmul.f32 v6, v2;
	v7 =	vld [tilespmem:s22+$0xFFFFFFE0]  }
0xc3: {  	v8 =	vld [tilespmem:s22+$0xFFFFFF80];
	v10 =	vmul.f32 v10, v2;
	[tilespmem:s16+$0xFFFFFFF0] =	vst v5  }
0xc4: {  	[tilespmem:s16+$0xFFFFFF90] =	vst v6;
	v4 =	vmul.f32 v4, v2;
	v5 =	vld [tilespmem:s22+$0x70]  }
0xc5: {  	v6 =	vld [tilespmem:s22+$0x10];
	[tilespmem:s16+$0xFFFFFFA0] =	vst v10;
	v9 =	vmul.f32 v9, v2  }
0xc6: {  	v10 =	vld [tilespmem:s22+$0x20];
	[tilespmem:s16+$0xFFFFFFB0] =	vst v4;
	v3 =	vmul.f32 v3, v2  }
0xc7: {  	v4 =	vld [tilespmem:s22+$0x30];
	[tilespmem:s16+$0xFFFFFFC0] =	vst v9;
	v7 =	vmul.f32 v7, v2  }
0xc8: {  	v8 =	vmul.f32 v8, v2;
	v9 =	vld [tilespmem:s22+$0x40];
	[tilespmem:s16+$0xFFFFFFD0] =	vst v3  }
0xc9: {  	v3 =	vld [tilespmem:s22+$0x50];
	[tilespmem:s16+$0xFFFFFFE0] =	vst v7;
	v5 =	vmul.f32 v5, v2  }
0xca: {  	[tilespmem:s16+$0xFFFFFF80] =	vst v8;
	v6 =	vmul.f32 v6, v2;
	v7 =	vld [tilespmem:s22+$0x60]  }
0xcb: {  	v8 =	vld [tilespmem:s22+$0x0];
	v10 =	vmul.f32 v10, v2;
	[tilespmem:s16+$0x70] =	vst v5  }
0xcc: {  	[tilespmem:s16+$0x10] =	vst v6;
	v4 =	vmul.f32 v4, v2;
	v5 =	vld [tilespmem:s22+$0xF0]  }
0xcd: {  	v6 =	vld [tilespmem:s22+$0x90];
	[tilespmem:s16+$0x20] =	vst v10;
	v9 =	vmul.f32 v9, v2  }
0xce: {  	v10 =	vld [tilespmem:s22+$0xA0];
	[tilespmem:s16+$0x30] =	vst v4;
	v3 =	vmul.f32 v3, v2  }
0xcf: {  	v4 =	vld [tilespmem:s22+$0xB0];
	[tilespmem:s16+$0x40] =	vst v9;
	v7 =	vmul.f32 v7, v2  }
0xd0: {  	v8 =	vmul.f32 v8, v2;
	v9 =	vld [tilespmem:s22+$0xC0];
	[tilespmem:s16+$0x50] =	vst v3  }
0xd1: {  	v3 =	vld [tilespmem:s22+$0xD0];
	[tilespmem:s16+$0x60] =	vst v7;
	v5 =	vmul.f32 v5, v2  }
0xd2: {  	[tilespmem:s16+$0x0] =	vst v8;
	v6 =	vmul.f32 v6, v2;
	v7 =	vld [tilespmem:s22+$0xE0]  }
0xd3: {  	v8 =	vld [tilespmem:s22+$0x80];
	v10 =	vmul.f32 v10, v2;
	[tilespmem:s16+$0xF0] =	vst v5  }
0xd4: {  	[tilespmem:s16+$0x90] =	vst v6;
	v4 =	vmul.f32 v4, v2;
	v5 =	vld [tilespmem:s22+$0x170]  }
0xd5: {  	v6 =	vld [tilespmem:s22+$0x110];
	[tilespmem:s16+$0xA0] =	vst v10;
	v9 =	vmul.f32 v9, v2  }
0xd6: {  	v10 =	vld [tilespmem:s22+$0x120];
	[tilespmem:s16+$0xB0] =	vst v4;
	v3 =	vmul.f32 v3, v2  }
0xd7: {  	v4 =	vld [tilespmem:s22+$0x130];
	[tilespmem:s16+$0xC0] =	vst v9;
	v7 =	vmul.f32 v7, v2  }
0xd8: {  	v8 =	vmul.f32 v8, v2;
	v9 =	vld [tilespmem:s22+$0x140];
	[tilespmem:s16+$0xD0] =	vst v3  }
0xd9: {  	v3 =	vld [tilespmem:s22+$0x150];
	[tilespmem:s16+$0xE0] =	vst v7;
	v5 =	vmul.f32 v5, v2  }
0xda: {  	[tilespmem:s16+$0x80] =	vst v8;
	v6 =	vmul.f32 v6, v2;
	v7 =	vld [tilespmem:s22+$0x160]  }
0xdb: {  	v8 =	vld [tilespmem:s22+$0x100];
	v10 =	vmul.f32 v10, v2;
	[tilespmem:s16+$0x170] =	vst v5  }
0xdc: {  	[tilespmem:s16+$0x110] =	vst v6;
	v4 =	vmul.f32 v4, v2;
	v6 =	vld [tilespmem:s22+$0x1F0]  }
0xdd: {  	v11 =	vld [tilespmem:s22+$0x190];
	[tilespmem:s16+$0x120] =	vst v10;
	v5 =	vmul.f32 v9, v2  }
0xde: {  	v10 =	vld [tilespmem:s22+$0x1A0];
	[tilespmem:s16+$0x130] =	vst v4;
	v4 =	vmul.f32 v3, v2  }
.Ltmp0:
0xdf: {  	v3 =	vld [tilespmem:s22+$0x1B0];
	[tilespmem:s16+$0x140] =	vst v5;
	v7 =	vmul.f32 v7, v2;
	(pc) =	sbr.rel @p0 .LBB2_2-.Ltmp0, $4  }
0xe0: {  	v8 =	vmul.f32 v8, v2;
	v5 =	vld [tilespmem:s22+$0x1C0];
	[tilespmem:s16+$0x150] =	vst v4  }
0xe1: {  	v4 =	vld [tilespmem:s22+$0x1D0];
	[tilespmem:s16+$0x160] =	vst v7;
	v12 =	vmul.f32 v6, v2  }
0xe2: {  	[tilespmem:s16+$0x100] =	vst v8;
	v9 =	vmul.f32 v11, v2;
	v6 =	vld [tilespmem:s22+$0x1E0]  }
0xe3: {  	v7 =	vld [tilespmem:s22+$0x180];
	v8 =	vmul.f32 v10, v2;
	[tilespmem:s16+$0x1F0] =	vst v12;
	s22 =	sadd.s32 $0x400, s22  }
0xe4: {  	[tilespmem:s16+$0x190] =	vst v9;
	v3 =	vmul.f32 v3, v2  }
0xe5: {  	[tilespmem:s16+$0x1A0] =	vst v8;
	v5 =	vmul.f32 v5, v2  }
0xe6: {  	[tilespmem:s16+$0x1B0] =	vst v3;
	v3 =	vmul.f32 v4, v2  }
0xe7: {  	[tilespmem:s16+$0x1C0] =	vst v5;
	v4 =	vmul.f32 v6, v2  }
0xe8: {  	v5 =	vmul.f32 v7, v2;
	[tilespmem:s16+$0x1D0] =	vst v3  }
0xe9: {  	[tilespmem:s16+$0x1E0] =	vst v4  }
0xea: {  	[tilespmem:s16+$0x180] =	vst v5  }
0xeb: {  	s23 =	simm.s32 $0x0;
	s19 =	rddreg [dreg:$0x7]  }
0xec: {  	[hbm4b:s19+s23] =	stream.linear.scatter [tilespmem:s21], [sflag:$0x4], $0x4000, $0x38;
	[tilespmem:$0x18280] =	vst v63  }
0xed: {  	v3 =	vld.msk [tilespmem:$0x18], $0xff;
	_ =	sdelay $0x4  }
0xee: {  	v4 =	vshll.u32 v3, $0x4  }
0xef: {  	v3 =	vand.u32 $0x7, v3;
	v4 =	vand.u32 $0xFFFFFF80, v4  }
0xf0: {  	v3 =	vor.u32 v3, v4  }
0xf1: {  	v3 =	vperm.xlane v3, v0;
	_ =	sdelay $0x1  }
0xf2: {  	v3 =	vadd.s32 v1, v3;
	_ =	sdelay $0x3  }
0xf3: {  	s24 =	simm.s32 $0x200  }
0xf4: {  	[tilespmem:s24], [sflag:$0x1] =	stream.indirect_vreg.gather [hbm4b:s1+s23], $0x80, v3, vm0, $0xb8;
	[tilespmem:$0x18280] =	vst v63  }
0xf5: {  	s25 =	simm.s32 $0xA00  }
0xf6: {  	[tilespmem:s25], [sflag:$0x1] =	stream.indirect_vreg.gather [hbm4b:s8+s23], $0x80, v3, vm0, $0xb8;
	[tilespmem:$0x18280] =	vst v63  }
0xf7: {  	s26 =	simm.s32 $0x1200  }
0xf8: {  	[tilespmem:s26], [sflag:$0x1] =	stream.indirect_vreg.gather [hbm4b:s9+s23], $0x80, v3, vm0, $0xb8;
	[tilespmem:$0x18280] =	vst v63  }
0xf9: {  	s28 =	simm.s32 $0x1A00  }
0xfa: {  	[tilespmem:s28], [sflag:$0x1] =	stream.indirect_vreg.gather [hbm4b:s10+s23], $0x80, v3, vm0, $0xb8;
	[tilespmem:$0x18280] =	vst v63  }
0xfb: {  	_ = 	snop  }
0xfc: {  	[tilespmem:s29], [sflag:$0x1] =	stream.indirect_vreg.gather [hbm4b:s11+s23], $0x80, v3, vm0, $0xb8;
	[tilespmem:$0x18280] =	vst v63  }
0xfd: {  	_ = 	snop  }
0xfe: {  	[tilespmem:s30], [sflag:$0x1] =	stream.indirect_vreg.gather [hbm4b:s12+s23], $0x80, v3, vm0, $0xb8;
	[tilespmem:$0x18280] =	vst v63  }
0xff: {  	_ = 	snop  }
0x100: {  	[tilespmem:s31], [sflag:$0x1] =	stream.indirect_vreg.gather [hbm4b:s13+s23], $0x80, v3, vm0, $0xb8;
	[tilespmem:$0x18280] =	vst v63  }
0x101: {  	_ = 	snop  }
0x102: {  	[tilespmem:s0], [sflag:$0x1] =	stream.indirect_vreg.gather [hbm4b:s14+s23], $0x80, v3, vm0, $0xb8;
	[tilespmem:$0x18280] =	vst v63  }
0x103: {  	_ =	swait.ge [sflag:s15], $0x4000  }
0x104: {  	[sflag:s15] =	ssyncset.done $0x0  }
0x105: {  	s16 =	simm.s32 $0x0;
	[sflag:s15] =	ssyncadd.s32 $0xFFFFC000  }
0x106: {  	v3 =	vld [tilespmem:s16+$0x4200]  }
0x107: {  	v4 =	vld [tilespmem:s16+$0x4280]  }
0x108: {  	v10 =	vld [tilespmem:s16+$0x45F0]  }
0x109: {  	v5 =	vld [tilespmem:s16+$0x4300]  }
0x10a: {  	v6 =	vld [tilespmem:s16+$0x4380]  }
0x10b: {  	v7 =	vld [tilespmem:s16+$0x4400]  }
0x10c: {  	v14 =	vld [tilespmem:s16+$0x4390];
	v3 =	vmul.f32 v3, v2  }
0x10d: {  	v8 =	vld [tilespmem:s16+$0x4480];
	v10 =	vmul.f32 v10, v2  }
0x10e: {  	v11 =	vld [tilespmem:s16+$0x4210];
	v4 =	vmul.f32 v4, v2;
	[tilespmem:s16+$0x10200] =	vst v3  }
0x10f: {  	v9 =	vld [tilespmem:s16+$0x4500];
	v5 =	vmul.f32 v5, v2;
	[tilespmem:s16+$0x105F0] =	vst v10  }
0x110: {  	v12 =	vld [tilespmem:s16+$0x4290];
	v6 =	vmul.f32 v6, v2;
	[tilespmem:s16+$0x10280] =	vst v4  }
0x111: {  	v13 =	vld [tilespmem:s16+$0x4310];
	v60 =	vmul.f32 v14, v2;
	[tilespmem:s16+$0x10300] =	vst v5  }
0x112: {  	v59 =	vld [tilespmem:s16+$0x4420];
	v5 =	vmul.f32 v7, v2;
	[tilespmem:s16+$0x10380] =	vst v6  }
0x113: {  	v3 =	vld [tilespmem:s16+$0x4580];
	v10 =	vmul.f32 v11, v2;
	[tilespmem:s16+$0x10390] =	vst v60  }
0x114: {  	v4 =	vld [tilespmem:s16+$0x4510];
	[tilespmem:s16+$0x10400] =	vst v5;
	v5 =	vmul.f32 v9, v2  }
0x115: {  	v6 =	vmul.f32 v8, v2;
	v8 =	vld [tilespmem:s16+$0x4220];
	[tilespmem:s16+$0x10210] =	vst v10  }
0x116: {  	v15 =	vld [tilespmem:s16+$0x4410];
	[tilespmem:s16+$0x10500] =	vst v5;
	v5 =	vmul.f32 v12, v2  }
0x117: {  	[tilespmem:s16+$0x10480] =	vst v6;
	v6 =	vld [tilespmem:s16+$0x4320];
	v12 =	vmul.f32 v59, v2  }
0x118: {  	v61 =	vld [tilespmem:s16+$0x45A0];
	v3 =	vmul.f32 v3, v2;
	[tilespmem:s16+$0x10290] =	vst v5  }
0x119: {  	v11 =	vld [tilespmem:s16+$0x4490];
	v4 =	vmul.f32 v4, v2;
	[tilespmem:s16+$0x10420] =	vst v12  }
0x11a: {  	v9 =	vld [tilespmem:s16+$0x42A0];
	v5 =	vmul.f32 v8, v2;
	[tilespmem:s16+$0x10580] =	vst v3  }
0x11b: {  	v7 =	vld [tilespmem:s16+$0x4590];
	v3 =	vmul.f32 v13, v2;
	[tilespmem:s16+$0x10510] =	vst v4  }
0x11c: {  	v10 =	vld [tilespmem:s16+$0x43A0];
	v6 =	vmul.f32 v6, v2;
	[tilespmem:s16+$0x10220] =	vst v5  }
0x11d: {  	v5 =	vmul.f32 v15, v2;
	[tilespmem:s16+$0x10310] =	vst v3;
	v3 =	vld [tilespmem:s16+$0x4520]  }
0x11e: {  	v11 =	vmul.f32 v11, v2;
	[tilespmem:s16+$0x10320] =	vst v6;
	v6 =	vld [tilespmem:s16+$0x44B0]  }
0x11f: {  	v4 =	vmul.f32 v9, v2;
	[tilespmem:s16+$0x10410] =	vst v5;
	v5 =	vld [tilespmem:s16+$0x4230]  }
0x120: {  	v7 =	vmul.f32 v7, v2;
	[tilespmem:s16+$0x10490] =	vst v11;
	v11 =	vld [tilespmem:s16+$0x42B0]  }
0x121: {  	v8 =	vld [tilespmem:s16+$0x44A0];
	[tilespmem:s16+$0x102A0] =	vst v4;
	v4 =	vmul.f32 v10, v2  }
0x122: {  	[tilespmem:s16+$0x10590] =	vst v7;
	v7 =	vld [tilespmem:s16+$0x43B0];
	v3 =	vmul.f32 v3, v2  }
0x123: {  	v62 =	vld [tilespmem:s16+$0x4240];
	[tilespmem:s16+$0x103A0] =	vst v4;
	v6 =	vmul.f32 v6, v2  }
0x124: {  	v9 =	vld [tilespmem:s16+$0x4330];
	v5 =	vmul.f32 v5, v2;
	[tilespmem:s16+$0x10520] =	vst v3  }
0x125: {  	v10 =	vld [tilespmem:s16+$0x4430];
	v3 =	vmul.f32 v11, v2;
	[tilespmem:s16+$0x104B0] =	vst v6  }
0x126: {  	v4 =	vld [tilespmem:s16+$0x4530];
	[tilespmem:s16+$0x10230] =	vst v5;
	v5 =	vmul.f32 v8, v2  }
0x127: {  	v8 =	vld [tilespmem:s16+$0x45B0];
	[tilespmem:s16+$0x102B0] =	vst v3;
	v3 =	vmul.f32 v7, v2  }
0x128: {  	[tilespmem:s16+$0x104A0] =	vst v5;
	v5 =	vmul.f32 v61, v2  }
0x129: {  	v11 =	vld [tilespmem:s16+$0x42C0];
	[tilespmem:s16+$0x103B0] =	vst v3;
	v3 =	vmul.f32 v62, v2  }
0x12a: {  	[tilespmem:s16+$0x105A0] =	vst v5;
	v5 =	vmul.f32 v9, v2;
	v9 =	vld [tilespmem:s16+$0x4340]  }
0x12b: {  	v7 =	vld [tilespmem:s16+$0x43C0];
	[tilespmem:s16+$0x10240] =	vst v3;
	v3 =	vmul.f32 v4, v2  }
0x12c: {  	v4 =	vmul.f32 v8, v2;
	[tilespmem:s16+$0x10330] =	vst v5;
	v5 =	vmul.f32 v10, v2;
	v10 =	vld [tilespmem:s16+$0x4440]  }
0x12d: {  	v63 =	vld [tilespmem:s16+$0x44C0];
	[tilespmem:s16+$0x10530] =	vst v3  }
0x12e: {  	v8 =	vld [tilespmem:s16+$0x4250];
	v3 =	vmul.f32 v11, v2;
	[tilespmem:s16+$0x105B0] =	vst v4  }
0x12f: {  	[tilespmem:s16+$0x10430] =	vst v5;
	v5 =	vld [tilespmem:s16+$0x4540];
	v4 =	vmul.f32 v9, v2  }
0x130: {  	v6 =	vld [tilespmem:s16+$0x45C0];
	[tilespmem:s16+$0x102C0] =	vst v3;
	v3 =	vmul.f32 v7, v2  }
0x131: {  	v9 =	vld [tilespmem:s16+$0x42D0];
	[tilespmem:s16+$0x10340] =	vst v4;
	v4 =	vmul.f32 v10, v2  }
0x132: {  	v7 =	vld [tilespmem:s16+$0x4350];
	[tilespmem:s16+$0x103C0] =	vst v3;
	v3 =	vmul.f32 v63, v2  }
0x133: {  	v10 =	vld [tilespmem:s16+$0x43D0];
	[tilespmem:s16+$0x10440] =	vst v4;
	v4 =	vmul.f32 v8, v2  }
0x134: {  	v5 =	vmul.f32 v5, v2;
	[tilespmem:s16+$0x104C0] =	vst v3;
	v3 =	vld [tilespmem:s16+$0x4550]  }
0x135: {  	v11 =	vld [tilespmem:s16+$0x4450];
	[tilespmem:s16+$0x10250] =	vst v4;
	v4 =	vmul.f32 v6, v2  }
0x136: {  	v8 =	vld [tilespmem:s16+$0x44D0];
	[tilespmem:s16+$0x10540] =	vst v5;
	v5 =	vmul.f32 v9, v2  }
0x137: {  	v6 =	vld [tilespmem:s16+$0x45D0];
	[tilespmem:s16+$0x105C0] =	vst v4;
	v4 =	vmul.f32 v7, v2  }
0x138: {  	v7 =	vld [tilespmem:s16+$0x4260];
	[tilespmem:s16+$0x102D0] =	vst v5;
	v5 =	vmul.f32 v10, v2  }
0x139: {  	v9 =	vld [tilespmem:s16+$0x42E0];
	v3 =	vmul.f32 v3, v2;
	[tilespmem:s16+$0x10350] =	vst v4  }
0x13a: {  	v10 =	vld [tilespmem:s16+$0x4360];
	v4 =	vmul.f32 v11, v2;
	[tilespmem:s16+$0x103D0] =	vst v5  }
0x13b: {  	v5 =	vmul.f32 v8, v2;
	v8 =	vld [tilespmem:s16+$0x43E0];
	[tilespmem:s16+$0x10550] =	vst v3  }
0x13c: {  	v6 =	vmul.f32 v6, v2;
	[tilespmem:s16+$0x10450] =	vst v4;
	v4 =	vld [tilespmem:s16+$0x4460]  }
0x13d: {  	[tilespmem:s16+$0x104D0] =	vst v5;
	v5 =	vmul.f32 v7, v2;
	v7 =	vld [tilespmem:s16+$0x44E0]  }
0x13e: {  	v11 =	vld [tilespmem:s16+$0x4560];
	v3 =	vmul.f32 v9, v2;
	[tilespmem:s16+$0x105D0] =	vst v6  }
0x13f: {  	v9 =	vld [tilespmem:s16+$0x45E0];
	[tilespmem:s16+$0x10260] =	vst v5;
	v5 =	vmul.f32 v10, v2  }
0x140: {  	[tilespmem:s16+$0x102E0] =	vst v3;
	v3 =	vmul.f32 v8, v2;
	v8 =	vld [tilespmem:s16+$0x4270]  }
0x141: {  	v6 =	vld [tilespmem:s16+$0x42F0];
	[tilespmem:s16+$0x10360] =	vst v5;
	v4 =	vmul.f32 v4, v2  }
0x142: {  	[tilespmem:s16+$0x103E0] =	vst v3;
	v3 =	vld [tilespmem:s16+$0x4370];
	v5 =	vmul.f32 v7, v2  }
0x143: {  	v7 =	vmul.f32 v11, v2;
	[tilespmem:s16+$0x10460] =	vst v4;
	v4 =	vld [tilespmem:s16+$0x43F0]  }
0x144: {  	v9 =	vmul.f32 v9, v2;
	[tilespmem:s16+$0x104E0] =	vst v5;
	v5 =	vld [tilespmem:s16+$0x4470]  }
0x145: {  	s22 =	simm.s32 $0x1000;
	s19 =	simm.s32 $0x0;
	[tilespmem:s16+$0x10560] =	vst v7;
	v8 =	vmul.f32 v8, v2;
	v7 =	vld [tilespmem:s16+$0x44F0]  }
.LBB2_4:
0x146: {  	s23 =	sshra.s32 s22, $0x2;
	s19 =	sadd.s32 $0x8, s19;
	[tilespmem:s16+$0x105E0] =	vst v9;
	v6 =	vmul.f32 v6, v2;
	v9 =	vld [tilespmem:s16+$0x4570]  }
0x147: {  	v10 =	vld [tilespmem:s23+$0x45F0];
	p0 =	slt.u32 s19, $0x78;
	[tilespmem:s16+$0x10270] =	vst v8;
	v3 =	vmul.f32 v3, v2  }
0x148: {  	v8 =	vld [tilespmem:s23+$0x4200];
	[tilespmem:s16+$0x102F0] =	vst v6;
	v4 =	vmul.f32 v4, v2  }
0x149: {  	v6 =	vld [tilespmem:s23+$0x4280];
	[tilespmem:s16+$0x10370] =	vst v3;
	v3 =	vmul.f32 v5, v2  }
0x14a: {  	v5 =	vld [tilespmem:s23+$0x4300];
	[tilespmem:s16+$0x103F0] =	vst v4;
	v4 =	vmul.f32 v7, v2  }
0x14b: {  	v7 =	vld [tilespmem:s23+$0x4380];
	[tilespmem:s16+$0x10470] =	vst v3;
	v3 =	vmul.f32 v9, v2  }
0x14c: {  	v9 =	vld [tilespmem:s23+$0x4400];
	v10 =	vmul.f32 v10, v2;
	[tilespmem:s16+$0x104F0] =	vst v4  }
0x14d: {  	v4 =	vmul.f32 v8, v2;
	v8 =	vld [tilespmem:s23+$0x4480];
	[tilespmem:s16+$0x10570] =	vst v3;
	s16 =	smov.u32 s23  }
0x14e: {  	v3 =	vmul.f32 v6, v2;
	v6 =	vld [tilespmem:s16+$0x4500];
	[tilespmem:s16+$0x105F0] =	vst v10  }
0x14f: {  	[tilespmem:s16+$0x10200] =	vst v4;
	v4 =	vmul.f32 v5, v2;
	v5 =	vld [tilespmem:s16+$0x4580]  }
0x150: {  	[tilespmem:s16+$0x10280] =	vst v3;
	v3 =	vmul.f32 v7, v2;
	v7 =	vld [tilespmem:s16+$0x4210]  }
0x151: {  	[tilespmem:s16+$0x10300] =	vst v4;
	v4 =	vmul.f32 v9, v2;
	v9 =	vld [tilespmem:s16+$0x4290]  }
0x152: {  	[tilespmem:s16+$0x10380] =	vst v3;
	v3 =	vmul.f32 v8, v2;
	v8 =	vld [tilespmem:s16+$0x4310]  }
0x153: {  	[tilespmem:s16+$0x10400] =	vst v4;
	v4 =	vmul.f32 v6, v2;
	v6 =	vld [tilespmem:s16+$0x4390]  }
0x154: {  	[tilespmem:s16+$0x10480] =	vst v3;
	v3 =	vmul.f32 v5, v2;
	v5 =	vld [tilespmem:s16+$0x4410]  }
0x155: {  	[tilespmem:s16+$0x10500] =	vst v4;
	v4 =	vmul.f32 v7, v2;
	v7 =	vld [tilespmem:s16+$0x4490]  }
0x156: {  	[tilespmem:s16+$0x10580] =	vst v3;
	v3 =	vmul.f32 v9, v2;
	v9 =	vld [tilespmem:s16+$0x4510]  }
0x157: {  	[tilespmem:s16+$0x10210] =	vst v4;
	v4 =	vmul.f32 v8, v2;
	v8 =	vld [tilespmem:s16+$0x4590]  }
0x158: {  	[tilespmem:s16+$0x10290] =	vst v3;
	v3 =	vmul.f32 v6, v2;
	v6 =	vld [tilespmem:s16+$0x4220]  }
0x159: {  	[tilespmem:s16+$0x10310] =	vst v4;
	v4 =	vmul.f32 v5, v2;
	v5 =	vld [tilespmem:s16+$0x42A0]  }
0x15a: {  	[tilespmem:s16+$0x10390] =	vst v3;
	v3 =	vmul.f32 v7, v2;
	v7 =	vld [tilespmem:s16+$0x4320]  }
0x15b: {  	[tilespmem:s16+$0x10410] =	vst v4;
	v4 =	vmul.f32 v9, v2;
	v9 =	vld [tilespmem:s16+$0x43A0]  }
0x15c: {  	[tilespmem:s16+$0x10490] =	vst v3;
	v3 =	vmul.f32 v8, v2;
	v8 =	vld [tilespmem:s16+$0x4420]  }
0x15d: {  	[tilespmem:s16+$0x10510] =	vst v4;
	v4 =	vmul.f32 v6, v2;
	v6 =	vld [tilespmem:s16+$0x44A0]  }
0x15e: {  	[tilespmem:s16+$0x10590] =	vst v3;
	v3 =	vmul.f32 v5, v2;
	v5 =	vld [tilespmem:s16+$0x4520]  }
0x15f: {  	[tilespmem:s16+$0x10220] =	vst v4;
	v4 =	vmul.f32 v7, v2;
	v7 =	vld [tilespmem:s16+$0x45A0]  }
0x160: {  	[tilespmem:s16+$0x102A0] =	vst v3;
	v3 =	vmul.f32 v9, v2;
	v9 =	vld [tilespmem:s16+$0x4230]  }
0x161: {  	[tilespmem:s16+$0x10320] =	vst v4;
	v4 =	vmul.f32 v8, v2;
	v8 =	vld [tilespmem:s16+$0x42B0]  }
0x162: {  	[tilespmem:s16+$0x103A0] =	vst v3;
	v3 =	vmul.f32 v6, v2;
	v6 =	vld [tilespmem:s16+$0x4330]  }
0x163: {  	[tilespmem:s16+$0x10420] =	vst v4;
	v4 =	vmul.f32 v5, v2;
	v5 =	vld [tilespmem:s16+$0x43B0]  }
0x164: {  	[tilespmem:s16+$0x104A0] =	vst v3;
	v3 =	vmul.f32 v7, v2;
	v7 =	vld [tilespmem:s16+$0x4430]  }
0x165: {  	[tilespmem:s16+$0x10520] =	vst v4;
	v4 =	vmul.f32 v9, v2;
	v9 =	vld [tilespmem:s16+$0x44B0]  }
0x166: {  	[tilespmem:s16+$0x105A0] =	vst v3;
	v3 =	vmul.f32 v8, v2;
	v8 =	vld [tilespmem:s16+$0x4530]  }
0x167: {  	[tilespmem:s16+$0x10230] =	vst v4;
	v4 =	vmul.f32 v6, v2;
	v6 =	vld [tilespmem:s16+$0x45B0]  }
0x168: {  	[tilespmem:s16+$0x102B0] =	vst v3;
	v3 =	vmul.f32 v5, v2;
	v5 =	vld [tilespmem:s16+$0x4240]  }
0x169: {  	[tilespmem:s16+$0x10330] =	vst v4;
	v4 =	vmul.f32 v7, v2;
	v7 =	vld [tilespmem:s16+$0x42C0]  }
0x16a: {  	[tilespmem:s16+$0x103B0] =	vst v3;
	v3 =	vmul.f32 v9, v2;
	v9 =	vld [tilespmem:s16+$0x4340]  }
0x16b: {  	[tilespmem:s16+$0x10430] =	vst v4;
	v4 =	vmul.f32 v8, v2;
	v8 =	vld [tilespmem:s16+$0x43C0]  }
0x16c: {  	[tilespmem:s16+$0x104B0] =	vst v3;
	v3 =	vmul.f32 v6, v2;
	v6 =	vld [tilespmem:s16+$0x4440]  }
0x16d: {  	[tilespmem:s16+$0x10530] =	vst v4;
	v4 =	vmul.f32 v5, v2;
	v5 =	vld [tilespmem:s16+$0x44C0]  }
0x16e: {  	[tilespmem:s16+$0x105B0] =	vst v3;
	v3 =	vmul.f32 v7, v2;
	v7 =	vld [tilespmem:s16+$0x4540]  }
0x16f: {  	[tilespmem:s16+$0x10240] =	vst v4;
	v4 =	vmul.f32 v9, v2;
	v9 =	vld [tilespmem:s16+$0x45C0]  }
0x170: {  	[tilespmem:s16+$0x102C0] =	vst v3;
	v3 =	vmul.f32 v8, v2;
	v8 =	vld [tilespmem:s16+$0x4250]  }
0x171: {  	[tilespmem:s16+$0x10340] =	vst v4;
	v4 =	vmul.f32 v6, v2;
	v6 =	vld [tilespmem:s16+$0x42D0]  }
0x172: {  	[tilespmem:s16+$0x103C0] =	vst v3;
	v3 =	vmul.f32 v5, v2;
	v5 =	vld [tilespmem:s16+$0x4350]  }
0x173: {  	[tilespmem:s16+$0x10440] =	vst v4;
	v4 =	vmul.f32 v7, v2;
	v7 =	vld [tilespmem:s16+$0x43D0]  }
0x174: {  	[tilespmem:s16+$0x104C0] =	vst v3;
	v3 =	vmul.f32 v9, v2;
	v9 =	vld [tilespmem:s16+$0x4450]  }
0x175: {  	[tilespmem:s16+$0x10540] =	vst v4;
	v4 =	vmul.f32 v8, v2;
	v8 =	vld [tilespmem:s16+$0x44D0]  }
0x176: {  	[tilespmem:s16+$0x105C0] =	vst v3;
	v3 =	vmul.f32 v6, v2;
	v6 =	vld [tilespmem:s16+$0x4550]  }
0x177: {  	[tilespmem:s16+$0x10250] =	vst v4;
	v4 =	vmul.f32 v5, v2;
	v5 =	vld [tilespmem:s16+$0x45D0]  }
0x178: {  	[tilespmem:s16+$0x102D0] =	vst v3;
	v3 =	vmul.f32 v7, v2;
	v7 =	vld [tilespmem:s16+$0x4260]  }
0x179: {  	[tilespmem:s16+$0x10350] =	vst v4;
	v4 =	vmul.f32 v9, v2;
	v9 =	vld [tilespmem:s16+$0x42E0]  }
0x17a: {  	[tilespmem:s16+$0x103D0] =	vst v3;
	v3 =	vmul.f32 v8, v2;
	v8 =	vld [tilespmem:s16+$0x4360]  }
0x17b: {  	[tilespmem:s16+$0x10450] =	vst v4;
	v4 =	vmul.f32 v6, v2;
	v6 =	vld [tilespmem:s16+$0x43E0]  }
0x17c: {  	[tilespmem:s16+$0x104D0] =	vst v3;
	v3 =	vmul.f32 v5, v2;
	v5 =	vld [tilespmem:s16+$0x4460]  }
0x17d: {  	[tilespmem:s16+$0x10550] =	vst v4;
	v4 =	vmul.f32 v7, v2;
	v7 =	vld [tilespmem:s16+$0x44E0]  }
0x17e: {  	[tilespmem:s16+$0x105D0] =	vst v3;
	v3 =	vmul.f32 v9, v2;
	v9 =	vld [tilespmem:s16+$0x4560]  }
0x17f: {  	[tilespmem:s16+$0x10260] =	vst v4;
	v4 =	vmul.f32 v8, v2;
	v8 =	vld [tilespmem:s16+$0x45E0]  }
0x180: {  	[tilespmem:s16+$0x102E0] =	vst v3;
	v3 =	vmul.f32 v6, v2;
	v10 =	vld [tilespmem:s16+$0x4270]  }
.Ltmp1:
0x181: {  	[tilespmem:s16+$0x10360] =	vst v4;
	v4 =	vmul.f32 v5, v2;
	v6 =	vld [tilespmem:s16+$0x42F0];
	(pc) =	sbr.rel @p0 .LBB2_4-.Ltmp1, $4  }
0x182: {  	[tilespmem:s16+$0x103E0] =	vst v3;
	v5 =	vmul.f32 v7, v2;
	v3 =	vld [tilespmem:s16+$0x4370]  }
0x183: {  	[tilespmem:s16+$0x10460] =	vst v4;
	v7 =	vmul.f32 v9, v2;
	v4 =	vld [tilespmem:s16+$0x43F0]  }
0x184: {  	[tilespmem:s16+$0x104E0] =	vst v5;
	v9 =	vmul.f32 v8, v2;
	v5 =	vld [tilespmem:s16+$0x4470]  }
0x185: {  	s22 =	sadd.s32 $0x1000, s22;
	[tilespmem:s16+$0x10560] =	vst v7;
	v8 =	vmul.f32 v10, v2;
	v7 =	vld [tilespmem:s16+$0x44F0]  }
0x186: {  	[tilespmem:s16+$0x105E0] =	vst v9;
	v6 =	vmul.f32 v6, v2;
	v62 =	vld [tilespmem:s16+$0x4570]  }
0x187: {  	[tilespmem:s16+$0x10270] =	vst v8;
	v3 =	vmul.f32 v3, v2  }
0x188: {  	[tilespmem:s16+$0x102F0] =	vst v6;
	v4 =	vmul.f32 v4, v2  }
0x189: {  	[tilespmem:s16+$0x10370] =	vst v3;
	v3 =	vmul.f32 v5, v2  }
0x18a: {  	[tilespmem:s16+$0x103F0] =	vst v4;
	v63 =	vmul.f32 v7, v2  }
0x18b: {  	[tilespmem:s16+$0x10470] =	vst v3;
	v3 =	vmul.f32 v62, v2  }
0x18c: {  	[tilespmem:s16+$0x104F0] =	vst v63  }
0x18d: {  	[tilespmem:s16+$0x10570] =	vst v3  }
0x18e: {  	s22 =	simm.s32 $0x10200;
	s16 =	simm.s32 $0x0;
	s19 =	rddreg [dreg:$0x8]  }
0x18f: {  	[hbm4b:s19+s16] =	stream.linear.scatter [tilespmem:s22], [sflag:$0x5], $0x4000, $0x38;
	[tilespmem:$0x18280] =	vst v63  }
.LBB2_6:
0x190: {  	s23 =	smul.u32 $0x18, s16;
	_ =	sdelay $0x1  }
0x191: {  	v3 =	vld.msk [tilespmem:s23+$0x20], $0xff;
	_ =	sdelay $0x4  }
0x192: {  	v4 =	vshll.u32 v3, $0x4  }
0x193: {  	v3 =	vand.u32 $0x7, v3;
	v4 =	vand.u32 $0xFFFFFF80, v4  }
0x194: {  	v3 =	vor.u32 v3, v4  }
0x195: {  	v3 =	vperm.xlane v3, v0;
	_ =	sdelay $0x1  }
0x196: {  	v3 =	vadd.s32 v1, v3;
	_ =	sdelay $0x3  }
0x197: {  	s19 =	simm.s32 $0x4200  }
0x198: {  	[tilespmem:s19], [sflag:$0x2] =	stream.indirect_vreg.gather [hbm4b:s1+s4], $0x80, v3, vm0, $0xb8;
	[tilespmem:$0x18280] =	vst v63  }
0x199: {  	s26 =	simm.s32 $0x4A00  }
0x19a: {  	[tilespmem:s26], [sflag:$0x2] =	stream.indirect_vreg.gather [hbm4b:s8+s4], $0x80, v3, vm0, $0xb8;
	[tilespmem:$0x18280] =	vst v63  }
0x19b: {  	s28 =	simm.s32 $0x5200  }
0x19c: {  	[tilespmem:s28], [sflag:$0x2] =	stream.indirect_vreg.gather [hbm4b:s9+s4], $0x80, v3, vm0, $0xb8;
	[tilespmem:$0x18280] =	vst v63  }
0x19d: {  	s22 =	simm.s32 $0x5A00  }
0x19e: {  	[tilespmem:s22], [sflag:$0x2] =	stream.indirect_vreg.gather [hbm4b:s10+s4], $0x80, v3, vm0, $0xb8;
	[tilespmem:$0x18280] =	vst v63  }
0x19f: {  	s24 =	simm.s32 $0x6200  }
0x1a0: {  	[tilespmem:s24], [sflag:$0x2] =	stream.indirect_vreg.gather [hbm4b:s11+s4], $0x80, v3, vm0, $0xb8;
	[tilespmem:$0x18280] =	vst v63  }
0x1a1: {  	s25 =	simm.s32 $0x6A00  }
0x1a2: {  	[tilespmem:s25], [sflag:$0x2] =	stream.indirect_vreg.gather [hbm4b:s12+s4], $0x80, v3, vm0, $0xb8;
	[tilespmem:$0x18280] =	vst v63  }
0x1a3: {  	s26 =	simm.s32 $0x7200  }
0x1a4: {  	[tilespmem:s26], [sflag:$0x2] =	stream.indirect_vreg.gather [hbm4b:s13+s4], $0x80, v3, vm0, $0xb8;
	[tilespmem:$0x18280] =	vst v63  }
0x1a5: {  	s28 =	simm.s32 $0x7A00  }
0x1a6: {  	[tilespmem:s28], [sflag:$0x2] =	stream.indirect_vreg.gather [hbm4b:s14+s4], $0x80, v3, vm0, $0xb8;
	[tilespmem:$0x18280] =	vst v63  }
0x1a7: {  	_ =	swait.ge [sflag:s2], $0x4000  }
0x1a8: {  	p0 =	seq.s32 s16, $0x0;
	[sflag:s2] =	ssyncset.done $0x0  }
0x1a9: {  	s19 =	simm.s32 @!p0 $0x6;
	[sflag:s2] =	ssyncadd.s32 $0xFFFFC000  }
0x1aa: {  	_ =	swait.ge @!p0 [sflag:s19], $0x4000  }
0x1ab: {  	[sflag:s19] =	ssyncset.done @!p0 $0x0  }
0x1ac: {  	s22 =	simm.s32 $0x0;
	[sflag:s19] =	ssyncadd.s32 @!p0 $0xFFFFC000  }
0x1ad: {  	v3 =	vld [tilespmem:s22+$0x8200]  }
0x1ae: {  	v4 =	vld [tilespmem:s22+$0x8280]  }
0x1af: {  	v10 =	vld [tilespmem:s22+$0x85F0]  }
0x1b0: {  	v5 =	vld [tilespmem:s22+$0x8300]  }
0x1b1: {  	v6 =	vld [tilespmem:s22+$0x8380]  }
0x1b2: {  	v7 =	vld [tilespmem:s22+$0x8400]  }
0x1b3: {  	v14 =	vld [tilespmem:s22+$0x8390];
	v3 =	vmul.f32 v3, v2  }
0x1b4: {  	v8 =	vld [tilespmem:s22+$0x8480];
	v10 =	vmul.f32 v10, v2  }
0x1b5: {  	v11 =	vld [tilespmem:s22+$0x8210];
	v4 =	vmul.f32 v4, v2;
	[tilespmem:s22+$0x14200] =	vst v3  }
0x1b6: {  	v9 =	vld [tilespmem:s22+$0x8500];
	v5 =	vmul.f32 v5, v2;
	[tilespmem:s22+$0x145F0] =	vst v10  }
0x1b7: {  	v12 =	vld [tilespmem:s22+$0x8290];
	v6 =	vmul.f32 v6, v2;
	[tilespmem:s22+$0x14280] =	vst v4  }
0x1b8: {  	v13 =	vld [tilespmem:s22+$0x8310];
	v60 =	vmul.f32 v14, v2;
	[tilespmem:s22+$0x14300] =	vst v5  }
0x1b9: {  	v59 =	vld [tilespmem:s22+$0x8420];
	v5 =	vmul.f32 v7, v2;
	[tilespmem:s22+$0x14380] =	vst v6  }
0x1ba: {  	v3 =	vld [tilespmem:s22+$0x8580];
	v10 =	vmul.f32 v11, v2;
	[tilespmem:s22+$0x14390] =	vst v60  }
0x1bb: {  	v4 =	vld [tilespmem:s22+$0x8510];
	[tilespmem:s22+$0x14400] =	vst v5;
	v5 =	vmul.f32 v9, v2  }
0x1bc: {  	v6 =	vmul.f32 v8, v2;
	v8 =	vld [tilespmem:s22+$0x8220];
	[tilespmem:s22+$0x14210] =	vst v10  }
0x1bd: {  	v15 =	vld [tilespmem:s22+$0x8410];
	[tilespmem:s22+$0x14500] =	vst v5;
	v5 =	vmul.f32 v12, v2  }
0x1be: {  	[tilespmem:s22+$0x14480] =	vst v6;
	v6 =	vld [tilespmem:s22+$0x8320];
	v12 =	vmul.f32 v59, v2  }
0x1bf: {  	v61 =	vld [tilespmem:s22+$0x85A0];
	v3 =	vmul.f32 v3, v2;
	[tilespmem:s22+$0x14290] =	vst v5  }
0x1c0: {  	v11 =	vld [tilespmem:s22+$0x8490];
	v4 =	vmul.f32 v4, v2;
	[tilespmem:s22+$0x14420] =	vst v12  }
0x1c1: {  	v9 =	vld [tilespmem:s22+$0x82A0];
	v5 =	vmul.f32 v8, v2;
	[tilespmem:s22+$0x14580] =	vst v3  }
0x1c2: {  	v7 =	vld [tilespmem:s22+$0x8590];
	v3 =	vmul.f32 v13, v2;
	[tilespmem:s22+$0x14510] =	vst v4  }
0x1c3: {  	v10 =	vld [tilespmem:s22+$0x83A0];
	v6 =	vmul.f32 v6, v2;
	[tilespmem:s22+$0x14220] =	vst v5  }
0x1c4: {  	v5 =	vmul.f32 v15, v2;
	[tilespmem:s22+$0x14310] =	vst v3;
	v3 =	vld [tilespmem:s22+$0x8520]  }
0x1c5: {  	v11 =	vmul.f32 v11, v2;
	[tilespmem:s22+$0x14320] =	vst v6;
	v6 =	vld [tilespmem:s22+$0x84B0]  }
0x1c6: {  	v4 =	vmul.f32 v9, v2;
	[tilespmem:s22+$0x14410] =	vst v5;
	v5 =	vld [tilespmem:s22+$0x8230]  }
0x1c7: {  	v7 =	vmul.f32 v7, v2;
	[tilespmem:s22+$0x14490] =	vst v11;
	v11 =	vld [tilespmem:s22+$0x82B0]  }
0x1c8: {  	v8 =	vld [tilespmem:s22+$0x84A0];
	[tilespmem:s22+$0x142A0] =	vst v4;
	v4 =	vmul.f32 v10, v2  }
0x1c9: {  	[tilespmem:s22+$0x14590] =	vst v7;
	v7 =	vld [tilespmem:s22+$0x83B0];
	v3 =	vmul.f32 v3, v2  }
0x1ca: {  	v62 =	vld [tilespmem:s22+$0x8240];
	[tilespmem:s22+$0x143A0] =	vst v4;
	v6 =	vmul.f32 v6, v2  }
0x1cb: {  	v9 =	vld [tilespmem:s22+$0x8330];
	v5 =	vmul.f32 v5, v2;
	[tilespmem:s22+$0x14520] =	vst v3  }
0x1cc: {  	v10 =	vld [tilespmem:s22+$0x8430];
	v3 =	vmul.f32 v11, v2;
	[tilespmem:s22+$0x144B0] =	vst v6  }
0x1cd: {  	v4 =	vld [tilespmem:s22+$0x8530];
	[tilespmem:s22+$0x14230] =	vst v5;
	v5 =	vmul.f32 v8, v2  }
0x1ce: {  	v8 =	vld [tilespmem:s22+$0x85B0];
	[tilespmem:s22+$0x142B0] =	vst v3;
	v3 =	vmul.f32 v7, v2  }
0x1cf: {  	[tilespmem:s22+$0x144A0] =	vst v5;
	v5 =	vmul.f32 v61, v2  }
0x1d0: {  	v11 =	vld [tilespmem:s22+$0x82C0];
	[tilespmem:s22+$0x143B0] =	vst v3;
	v3 =	vmul.f32 v62, v2  }
0x1d1: {  	[tilespmem:s22+$0x145A0] =	vst v5;
	v5 =	vmul.f32 v9, v2;
	v9 =	vld [tilespmem:s22+$0x8340]  }
0x1d2: {  	v7 =	vld [tilespmem:s22+$0x83C0];
	[tilespmem:s22+$0x14240] =	vst v3;
	v3 =	vmul.f32 v4, v2  }
0x1d3: {  	v4 =	vmul.f32 v8, v2;
	[tilespmem:s22+$0x14330] =	vst v5;
	v5 =	vmul.f32 v10, v2;
	v10 =	vld [tilespmem:s22+$0x8440]  }
0x1d4: {  	v63 =	vld [tilespmem:s22+$0x84C0];
	[tilespmem:s22+$0x14530] =	vst v3  }
0x1d5: {  	v8 =	vld [tilespmem:s22+$0x8250];
	v3 =	vmul.f32 v11, v2;
	[tilespmem:s22+$0x145B0] =	vst v4  }
0x1d6: {  	[tilespmem:s22+$0x14430] =	vst v5;
	v5 =	vld [tilespmem:s22+$0x8540];
	v4 =	vmul.f32 v9, v2  }
0x1d7: {  	v6 =	vld [tilespmem:s22+$0x85C0];
	[tilespmem:s22+$0x142C0] =	vst v3;
	v3 =	vmul.f32 v7, v2  }
0x1d8: {  	v9 =	vld [tilespmem:s22+$0x82D0];
	[tilespmem:s22+$0x14340] =	vst v4;
	v4 =	vmul.f32 v10, v2  }
0x1d9: {  	v7 =	vld [tilespmem:s22+$0x8350];
	[tilespmem:s22+$0x143C0] =	vst v3;
	v3 =	vmul.f32 v63, v2  }
0x1da: {  	v10 =	vld [tilespmem:s22+$0x83D0];
	[tilespmem:s22+$0x14440] =	vst v4;
	v4 =	vmul.f32 v8, v2  }
0x1db: {  	v5 =	vmul.f32 v5, v2;
	[tilespmem:s22+$0x144C0] =	vst v3;
	v3 =	vld [tilespmem:s22+$0x8550]  }
0x1dc: {  	v11 =	vld [tilespmem:s22+$0x8450];
	[tilespmem:s22+$0x14250] =	vst v4;
	v4 =	vmul.f32 v6, v2  }
0x1dd: {  	v8 =	vld [tilespmem:s22+$0x84D0];
	[tilespmem:s22+$0x14540] =	vst v5;
	v5 =	vmul.f32 v9, v2  }
0x1de: {  	v6 =	vld [tilespmem:s22+$0x85D0];
	[tilespmem:s22+$0x145C0] =	vst v4;
	v4 =	vmul.f32 v7, v2  }
0x1df: {  	v7 =	vld [tilespmem:s22+$0x8260];
	[tilespmem:s22+$0x142D0] =	vst v5;
	v5 =	vmul.f32 v10, v2  }
0x1e0: {  	v9 =	vld [tilespmem:s22+$0x82E0];
	v3 =	vmul.f32 v3, v2;
	[tilespmem:s22+$0x14350] =	vst v4  }
0x1e1: {  	v10 =	vld [tilespmem:s22+$0x8360];
	v4 =	vmul.f32 v11, v2;
	[tilespmem:s22+$0x143D0] =	vst v5  }
0x1e2: {  	v5 =	vmul.f32 v8, v2;
	v8 =	vld [tilespmem:s22+$0x83E0];
	[tilespmem:s22+$0x14550] =	vst v3  }
0x1e3: {  	v6 =	vmul.f32 v6, v2;
	[tilespmem:s22+$0x14450] =	vst v4;
	v4 =	vld [tilespmem:s22+$0x8460]  }
0x1e4: {  	[tilespmem:s22+$0x144D0] =	vst v5;
	v5 =	vmul.f32 v7, v2;
	v7 =	vld [tilespmem:s22+$0x84E0]  }
0x1e5: {  	v11 =	vld [tilespmem:s22+$0x8560];
	v3 =	vmul.f32 v9, v2;
	[tilespmem:s22+$0x145D0] =	vst v6  }
0x1e6: {  	v9 =	vld [tilespmem:s22+$0x85E0];
	[tilespmem:s22+$0x14260] =	vst v5;
	v5 =	vmul.f32 v10, v2  }
0x1e7: {  	[tilespmem:s22+$0x142E0] =	vst v3;
	v3 =	vmul.f32 v8, v2;
	v8 =	vld [tilespmem:s22+$0x8270]  }
0x1e8: {  	[tilespmem:s22+$0x14360] =	vst v5;
	v4 =	vmul.f32 v4, v2;
	v5 =	vld [tilespmem:s22+$0x82F0]  }
0x1e9: {  	[tilespmem:s22+$0x143E0] =	vst v3;
	v3 =	vld [tilespmem:s22+$0x8370];
	v6 =	vmul.f32 v7, v2  }
0x1ea: {  	v7 =	vmul.f32 v11, v2;
	[tilespmem:s22+$0x14460] =	vst v4;
	v4 =	vld [tilespmem:s22+$0x83F0]  }
0x1eb: {  	s24 =	smul.u32 $0x3, s16;
	v9 =	vmul.f32 v9, v2;
	[tilespmem:s22+$0x144E0] =	vst v6;
	v6 =	vld [tilespmem:s22+$0x8470]  }
0x1ec: {  	s25 =	simm.s32 $0x0;
	s26 =	simm.s32 $0x1000;
	s19 =	sadd.s32 $0x20, s23;
	[tilespmem:s22+$0x14560] =	vst v7;
	v8 =	vmul.f32 v8, v2;
	v7 =	vld [tilespmem:s22+$0x84F0]  }
.LBB2_7:
0x1ed: {  	s28 =	sshra.s32 s26, $0x2;
	s25 =	sadd.s32 $0x8, s25;
	[tilespmem:s22+$0x145E0] =	vst v9;
	v5 =	vmul.f32 v5, v2;
	v9 =	vld [tilespmem:s22+$0x8570]  }
0x1ee: {  	v10 =	vld [tilespmem:s28+$0x85F0];
	p0 =	slt.u32 s25, $0x78;
	[tilespmem:s22+$0x14270] =	vst v8;
	v3 =	vmul.f32 v3, v2  }
0x1ef: {  	v8 =	vld [tilespmem:s28+$0x8200];
	[tilespmem:s22+$0x142F0] =	vst v5;
	v4 =	vmul.f32 v4, v2  }
0x1f0: {  	v5 =	vld [tilespmem:s28+$0x8280];
	[tilespmem:s22+$0x14370] =	vst v3;
	v3 =	vmul.f32 v6, v2  }
0x1f1: {  	v6 =	vld [tilespmem:s28+$0x8300];
	[tilespmem:s22+$0x143F0] =	vst v4;
	v4 =	vmul.f32 v7, v2  }
0x1f2: {  	v7 =	vld [tilespmem:s28+$0x8380];
	[tilespmem:s22+$0x14470] =	vst v3;
	v3 =	vmul.f32 v9, v2  }
0x1f3: {  	v9 =	vld [tilespmem:s28+$0x8400];
	v10 =	vmul.f32 v10, v2;
	[tilespmem:s22+$0x144F0] =	vst v4  }
0x1f4: {  	v4 =	vmul.f32 v8, v2;
	v8 =	vld [tilespmem:s28+$0x8480];
	[tilespmem:s22+$0x14570] =	vst v3;
	s22 =	smov.u32 s28  }
0x1f5: {  	v3 =	vmul.f32 v5, v2;
	v5 =	vld [tilespmem:s22+$0x8500];
	[tilespmem:s22+$0x145F0] =	vst v10  }
0x1f6: {  	[tilespmem:s22+$0x14200] =	vst v4;
	v4 =	vmul.f32 v6, v2;
	v6 =	vld [tilespmem:s22+$0x8580]  }
0x1f7: {  	[tilespmem:s22+$0x14280] =	vst v3;
	v3 =	vmul.f32 v7, v2;
	v7 =	vld [tilespmem:s22+$0x8210]  }
0x1f8: {  	[tilespmem:s22+$0x14300] =	vst v4;
	v4 =	vmul.f32 v9, v2;
	v9 =	vld [tilespmem:s22+$0x8290]  }
0x1f9: {  	[tilespmem:s22+$0x14380] =	vst v3;
	v3 =	vmul.f32 v8, v2;
	v8 =	vld [tilespmem:s22+$0x8310]  }
0x1fa: {  	[tilespmem:s22+$0x14400] =	vst v4;
	v4 =	vmul.f32 v5, v2;
	v5 =	vld [tilespmem:s22+$0x8390]  }
0x1fb: {  	[tilespmem:s22+$0x14480] =	vst v3;
	v3 =	vmul.f32 v6, v2;
	v6 =	vld [tilespmem:s22+$0x8410]  }
0x1fc: {  	[tilespmem:s22+$0x14500] =	vst v4;
	v4 =	vmul.f32 v7, v2;
	v7 =	vld [tilespmem:s22+$0x8490]  }
0x1fd: {  	[tilespmem:s22+$0x14580] =	vst v3;
	v3 =	vmul.f32 v9, v2;
	v9 =	vld [tilespmem:s22+$0x8510]  }
0x1fe: {  	[tilespmem:s22+$0x14210] =	vst v4;
	v4 =	vmul.f32 v8, v2;
	v8 =	vld [tilespmem:s22+$0x8590]  }
0x1ff: {  	[tilespmem:s22+$0x14290] =	vst v3;
	v3 =	vmul.f32 v5, v2;
	v5 =	vld [tilespmem:s22+$0x8220]  }
0x200: {  	[tilespmem:s22+$0x14310] =	vst v4;
	v4 =	vmul.f32 v6, v2;
	v6 =	vld [tilespmem:s22+$0x82A0]  }
0x201: {  	[tilespmem:s22+$0x14390] =	vst v3;
	v3 =	vmul.f32 v7, v2;
	v7 =	vld [tilespmem:s22+$0x8320]  }
0x202: {  	[tilespmem:s22+$0x14410] =	vst v4;
	v4 =	vmul.f32 v9, v2;
	v9 =	vld [tilespmem:s22+$0x83A0]  }
0x203: {  	[tilespmem:s22+$0x14490] =	vst v3;
	v3 =	vmul.f32 v8, v2;
	v8 =	vld [tilespmem:s22+$0x8420]  }
0x204: {  	[tilespmem:s22+$0x14510] =	vst v4;
	v4 =	vmul.f32 v5, v2;
	v5 =	vld [tilespmem:s22+$0x84A0]  }
0x205: {  	[tilespmem:s22+$0x14590] =	vst v3;
	v3 =	vmul.f32 v6, v2;
	v6 =	vld [tilespmem:s22+$0x8520]  }
0x206: {  	[tilespmem:s22+$0x14220] =	vst v4;
	v4 =	vmul.f32 v7, v2;
	v7 =	vld [tilespmem:s22+$0x85A0]  }
0x207: {  	[tilespmem:s22+$0x142A0] =	vst v3;
	v3 =	vmul.f32 v9, v2;
	v9 =	vld [tilespmem:s22+$0x8230]  }
0x208: {  	[tilespmem:s22+$0x14320] =	vst v4;
	v4 =	vmul.f32 v8, v2;
	v8 =	vld [tilespmem:s22+$0x82B0]  }
0x209: {  	[tilespmem:s22+$0x143A0] =	vst v3;
	v3 =	vmul.f32 v5, v2;
	v5 =	vld [tilespmem:s22+$0x8330]  }
0x20a: {  	[tilespmem:s22+$0x14420] =	vst v4;
	v4 =	vmul.f32 v6, v2;
	v6 =	vld [tilespmem:s22+$0x83B0]  }
0x20b: {  	[tilespmem:s22+$0x144A0] =	vst v3;
	v3 =	vmul.f32 v7, v2;
	v7 =	vld [tilespmem:s22+$0x8430]  }
0x20c: {  	[tilespmem:s22+$0x14520] =	vst v4;
	v4 =	vmul.f32 v9, v2;
	v9 =	vld [tilespmem:s22+$0x84B0]  }
0x20d: {  	[tilespmem:s22+$0x145A0] =	vst v3;
	v3 =	vmul.f32 v8, v2;
	v8 =	vld [tilespmem:s22+$0x8530]  }
0x20e: {  	[tilespmem:s22+$0x14230] =	vst v4;
	v4 =	vmul.f32 v5, v2;
	v5 =	vld [tilespmem:s22+$0x85B0]  }
0x20f: {  	[tilespmem:s22+$0x142B0] =	vst v3;
	v3 =	vmul.f32 v6, v2;
	v6 =	vld [tilespmem:s22+$0x8240]  }
0x210: {  	[tilespmem:s22+$0x14330] =	vst v4;
	v4 =	vmul.f32 v7, v2;
	v7 =	vld [tilespmem:s22+$0x82C0]  }
0x211: {  	[tilespmem:s22+$0x143B0] =	vst v3;
	v3 =	vmul.f32 v9, v2;
	v9 =	vld [tilespmem:s22+$0x8340]  }
0x212: {  	[tilespmem:s22+$0x14430] =	vst v4;
	v4 =	vmul.f32 v8, v2;
	v8 =	vld [tilespmem:s22+$0x83C0]  }
0x213: {  	[tilespmem:s22+$0x144B0] =	vst v3;
	v3 =	vmul.f32 v5, v2;
	v5 =	vld [tilespmem:s22+$0x8440]  }
0x214: {  	[tilespmem:s22+$0x14530] =	vst v4;
	v4 =	vmul.f32 v6, v2;
	v6 =	vld [tilespmem:s22+$0x84C0]  }
0x215: {  	[tilespmem:s22+$0x145B0] =	vst v3;
	v3 =	vmul.f32 v7, v2;
	v7 =	vld [tilespmem:s22+$0x8540]  }
0x216: {  	[tilespmem:s22+$0x14240] =	vst v4;
	v4 =	vmul.f32 v9, v2;
	v9 =	vld [tilespmem:s22+$0x85C0]  }
0x217: {  	[tilespmem:s22+$0x142C0] =	vst v3;
	v3 =	vmul.f32 v8, v2;
	v8 =	vld [tilespmem:s22+$0x8250]  }
0x218: {  	[tilespmem:s22+$0x14340] =	vst v4;
	v4 =	vmul.f32 v5, v2;
	v5 =	vld [tilespmem:s22+$0x82D0]  }
0x219: {  	[tilespmem:s22+$0x143C0] =	vst v3;
	v3 =	vmul.f32 v6, v2;
	v6 =	vld [tilespmem:s22+$0x8350]  }
0x21a: {  	[tilespmem:s22+$0x14440] =	vst v4;
	v4 =	vmul.f32 v7, v2;
	v7 =	vld [tilespmem:s22+$0x83D0]  }
0x21b: {  	[tilespmem:s22+$0x144C0] =	vst v3;
	v3 =	vmul.f32 v9, v2;
	v9 =	vld [tilespmem:s22+$0x8450]  }
0x21c: {  	[tilespmem:s22+$0x14540] =	vst v4;
	v4 =	vmul.f32 v8, v2;
	v8 =	vld [tilespmem:s22+$0x84D0]  }
0x21d: {  	[tilespmem:s22+$0x145C0] =	vst v3;
	v3 =	vmul.f32 v5, v2;
	v5 =	vld [tilespmem:s22+$0x8550]  }
0x21e: {  	[tilespmem:s22+$0x14250] =	vst v4;
	v4 =	vmul.f32 v6, v2;
	v6 =	vld [tilespmem:s22+$0x85D0]  }
0x21f: {  	[tilespmem:s22+$0x142D0] =	vst v3;
	v3 =	vmul.f32 v7, v2;
	v7 =	vld [tilespmem:s22+$0x8260]  }
0x220: {  	[tilespmem:s22+$0x14350] =	vst v4;
	v4 =	vmul.f32 v9, v2;
	v9 =	vld [tilespmem:s22+$0x82E0]  }
0x221: {  	[tilespmem:s22+$0x143D0] =	vst v3;
	v3 =	vmul.f32 v8, v2;
	v8 =	vld [tilespmem:s22+$0x8360]  }
0x222: {  	[tilespmem:s22+$0x14450] =	vst v4;
	v4 =	vmul.f32 v5, v2;
	v5 =	vld [tilespmem:s22+$0x83E0]  }
0x223: {  	[tilespmem:s22+$0x144D0] =	vst v3;
	v3 =	vmul.f32 v6, v2;
	v6 =	vld [tilespmem:s22+$0x8460]  }
0x224: {  	[tilespmem:s22+$0x14550] =	vst v4;
	v4 =	vmul.f32 v7, v2;
	v7 =	vld [tilespmem:s22+$0x84E0]  }
0x225: {  	[tilespmem:s22+$0x145D0] =	vst v3;
	v3 =	vmul.f32 v9, v2;
	v9 =	vld [tilespmem:s22+$0x8560]  }
0x226: {  	[tilespmem:s22+$0x14260] =	vst v4;
	v4 =	vmul.f32 v8, v2;
	v8 =	vld [tilespmem:s22+$0x85E0]  }
0x227: {  	[tilespmem:s22+$0x142E0] =	vst v3;
	v3 =	vmul.f32 v5, v2;
	v10 =	vld [tilespmem:s22+$0x8270]  }
.Ltmp2:
0x228: {  	[tilespmem:s22+$0x14360] =	vst v4;
	v4 =	vmul.f32 v6, v2;
	v5 =	vld [tilespmem:s22+$0x82F0];
	(pc) =	sbr.rel @p0 .LBB2_7-.Ltmp2, $4  }
0x229: {  	[tilespmem:s22+$0x143E0] =	vst v3;
	v6 =	vmul.f32 v7, v2;
	v3 =	vld [tilespmem:s22+$0x8370]  }
0x22a: {  	[tilespmem:s22+$0x14460] =	vst v4;
	v7 =	vmul.f32 v9, v2;
	v4 =	vld [tilespmem:s22+$0x83F0]  }
0x22b: {  	[tilespmem:s22+$0x144E0] =	vst v6;
	v9 =	vmul.f32 v8, v2;
	v6 =	vld [tilespmem:s22+$0x8470]  }
0x22c: {  	s26 =	sadd.s32 $0x1000, s26;
	[tilespmem:s22+$0x14560] =	vst v7;
	v8 =	vmul.f32 v10, v2;
	v7 =	vld [tilespmem:s22+$0x84F0]  }
0x22d: {  	[tilespmem:s22+$0x145E0] =	vst v9;
	v5 =	vmul.f32 v5, v2;
	v9 =	vld [tilespmem:s22+$0x8570]  }
0x22e: {  	[tilespmem:s22+$0x14270] =	vst v8;
	v3 =	vmul.f32 v3, v2  }
0x22f: {  	[tilespmem:s22+$0x142F0] =	vst v5;
	v4 =	vmul.f32 v4, v2  }
0x230: {  	[tilespmem:s22+$0x14370] =	vst v3;
	v3 =	vmul.f32 v6, v2  }
0x231: {  	[tilespmem:s22+$0x143F0] =	vst v4;
	v4 =	vmul.f32 v7, v2  }
0x232: {  	s24 =	sadd.s32 s24, s17;
	s28 =	smul.u32 $0x60, s16;
	[tilespmem:s22+$0x14470] =	vst v3;
	v3 =	vmul.f32 v9, v2  }
0x233: {  	s24 =	sshll.u32 s24, $0xB;
	[tilespmem:s22+$0x144F0] =	vst v4  }
0x234: {  	s25 =	simm.s32 $0x14200;
	s26 =	sadd.s32 s3, s24;
	[tilespmem:s22+$0x14570] =	vst v3;
	s22 =	sshra.s32 s28, $0x2  }
0x235: {  	[hbm4b:s26+s4] =	stream.linear.scatter [tilespmem:s25], [sflag:$0x6], $0x4000, $0x38;
	[tilespmem:$0x18280] =	vst v63  }
0x236: {  	v3 =	vld.msk [tilespmem:s22+$0x28], $0xff;
	_ =	sdelay $0x4  }
0x237: {  	v4 =	vshll.u32 v3, $0x4  }
0x238: {  	v3 =	vand.u32 $0x7, v3;
	v4 =	vand.u32 $0xFFFFFF80, v4  }
0x239: {  	v3 =	vor.u32 v3, v4  }
0x23a: {  	v3 =	vperm.xlane v3, v0;
	_ =	sdelay $0x1  }
0x23b: {  	v3 =	vadd.s32 v1, v3;
	_ =	sdelay $0x3  }
0x23c: {  	s26 =	simm.s32 $0x8200  }
0x23d: {  	[tilespmem:s26], [sflag:$0x3] =	stream.indirect_vreg.gather [hbm4b:s1+s4], $0x80, v3, vm0, $0xb8;
	[tilespmem:$0x18280] =	vst v63  }
0x23e: {  	s28 =	simm.s32 $0x8A00  }
0x23f: {  	[tilespmem:s28], [sflag:$0x3] =	stream.indirect_vreg.gather [hbm4b:s8+s4], $0x80, v3, vm0, $0xb8;
	[tilespmem:$0x18280] =	vst v63  }
0x240: {  	s25 =	simm.s32 $0x9200  }
0x241: {  	[tilespmem:s25], [sflag:$0x3] =	stream.indirect_vreg.gather [hbm4b:s9+s4], $0x80, v3, vm0, $0xb8;
	[tilespmem:$0x18280] =	vst v63  }
0x242: {  	s26 =	simm.s32 $0x9A00  }
0x243: {  	[tilespmem:s26], [sflag:$0x3] =	stream.indirect_vreg.gather [hbm4b:s10+s4], $0x80, v3, vm0, $0xb8;
	[tilespmem:$0x18280] =	vst v63  }
0x244: {  	s28 =	simm.s32 $0xA200  }
0x245: {  	[tilespmem:s28], [sflag:$0x3] =	stream.indirect_vreg.gather [hbm4b:s11+s4], $0x80, v3, vm0, $0xb8;
	[tilespmem:$0x18280] =	vst v63  }
0x246: {  	s25 =	simm.s32 $0xAA00  }
0x247: {  	[tilespmem:s25], [sflag:$0x3] =	stream.indirect_vreg.gather [hbm4b:s12+s4], $0x80, v3, vm0, $0xb8;
	[tilespmem:$0x18280] =	vst v63  }
0x248: {  	s26 =	simm.s32 $0xB200  }
0x249: {  	[tilespmem:s26], [sflag:$0x3] =	stream.indirect_vreg.gather [hbm4b:s13+s4], $0x80, v3, vm0, $0xb8;
	[tilespmem:$0x18280] =	vst v63  }
0x24a: {  	s28 =	simm.s32 $0xBA00  }
0x24b: {  	[tilespmem:s28], [sflag:$0x3] =	stream.indirect_vreg.gather [hbm4b:s14+s4], $0x80, v3, vm0, $0xb8;
	[tilespmem:$0x18280] =	vst v63  }
0x24c: {  	_ =	swait.ge [sflag:s20], $0x4000  }
0x24d: {  	[sflag:s20] =	ssyncset.done $0x0  }
0x24e: {  	[sflag:s20] =	ssyncadd.s32 $0xFFFFC000  }
0x24f: {  	_ =	swait.ge [sflag:s6], $0x4000  }
0x250: {  	[sflag:s6] =	ssyncset.done $0x0  }
0x251: {  	s26 =	simm.s32 $0x400;
	[sflag:s6] =	ssyncadd.s32 $0xFFFFC000  }
0x252: {  	v3 =	vld [tilespmem:s26+$0xFFFFFE70]  }
0x253: {  	v4 =	vld [tilespmem:s26+$0xFFFFFE10]  }
0x254: {  	v5 =	vld [tilespmem:s26+$0xFFFFFE20]  }
0x255: {  	v6 =	vld [tilespmem:s26+$0xFFFFFE30]  }
0x256: {  	v7 =	vld [tilespmem:s26+$0xFFFFFE40]  }
0x257: {  	v8 =	vld [tilespmem:s26+$0xFFFFFE50];
	v3 =	vmul.f32 v3, v2  }
0x258: {  	s24 =	simm.s32 $0xC400;
	v9 =	vld [tilespmem:s26+$0xFFFFFE60];
	v4 =	vmul.f32 v4, v2  }
0x259: {  	v10 =	vld [tilespmem:s26+$0xFFFFFE00];
	v5 =	vmul.f32 v5, v2;
	[tilespmem:s24+$0xFFFFFE70] =	vst v3  }
0x25a: {  	[tilespmem:s24+$0xFFFFFE10] =	vst v4;
	v3 =	vmul.f32 v6, v2;
	v4 =	vld [tilespmem:s26+$0xFFFFFEF0]  }
0x25b: {  	[tilespmem:s24+$0xFFFFFE20] =	vst v5;
	v5 =	vmul.f32 v7, v2;
	v6 =	vld [tilespmem:s26+$0xFFFFFE90]  }
0x25c: {  	v7 =	vld [tilespmem:s26+$0xFFFFFEA0];
	[tilespmem:s24+$0xFFFFFE30] =	vst v3;
	v3 =	vmul.f32 v8, v2  }
0x25d: {  	[tilespmem:s24+$0xFFFFFE40] =	vst v5;
	v5 =	vmul.f32 v9, v2;
	v8 =	vld [tilespmem:s26+$0xFFFFFEB0]  }
0x25e: {  	v9 =	vmul.f32 v10, v2;
	v10 =	vld [tilespmem:s26+$0xFFFFFEC0];
	[tilespmem:s24+$0xFFFFFE50] =	vst v3  }
0x25f: {  	[tilespmem:s24+$0xFFFFFE60] =	vst v5;
	v3 =	vld [tilespmem:s26+$0xFFFFFED0];
	v4 =	vmul.f32 v4, v2  }
0x260: {  	[tilespmem:s24+$0xFFFFFE00] =	vst v9;
	v5 =	vmul.f32 v6, v2;
	v6 =	vld [tilespmem:s26+$0xFFFFFEE0]  }
0x261: {  	v9 =	vld [tilespmem:s26+$0xFFFFFE80];
	v7 =	vmul.f32 v7, v2;
	[tilespmem:s24+$0xFFFFFEF0] =	vst v4  }
0x262: {  	[tilespmem:s24+$0xFFFFFE90] =	vst v5;
	v4 =	vmul.f32 v8, v2;
	v5 =	vld [tilespmem:s26+$0xFFFFFF70]  }
0x263: {  	[tilespmem:s24+$0xFFFFFEA0] =	vst v7;
	v7 =	vmul.f32 v10, v2;
	v8 =	vld [tilespmem:s26+$0xFFFFFF10]  }
0x264: {  	v10 =	vld [tilespmem:s26+$0xFFFFFF20];
	[tilespmem:s24+$0xFFFFFEB0] =	vst v4;
	v3 =	vmul.f32 v3, v2  }
0x265: {  	[tilespmem:s24+$0xFFFFFEC0] =	vst v7;
	v4 =	vld [tilespmem:s26+$0xFFFFFF30];
	v6 =	vmul.f32 v6, v2  }
0x266: {  	v7 =	vmul.f32 v9, v2;
	v9 =	vld [tilespmem:s26+$0xFFFFFF40];
	[tilespmem:s24+$0xFFFFFED0] =	vst v3  }
0x267: {  	v3 =	vld [tilespmem:s26+$0xFFFFFF50];
	[tilespmem:s24+$0xFFFFFEE0] =	vst v6;
	v5 =	vmul.f32 v5, v2  }
0x268: {  	[tilespmem:s24+$0xFFFFFE80] =	vst v7;
	v6 =	vmul.f32 v8, v2;
	v7 =	vld [tilespmem:s26+$0xFFFFFF60]  }
0x269: {  	v8 =	vld [tilespmem:s26+$0xFFFFFF00];
	v10 =	vmul.f32 v10, v2;
	[tilespmem:s24+$0xFFFFFF70] =	vst v5  }
0x26a: {  	[tilespmem:s24+$0xFFFFFF10] =	vst v6;
	v4 =	vmul.f32 v4, v2;
	v5 =	vld [tilespmem:s26+$0xFFFFFFF0]  }
0x26b: {  	[tilespmem:s24+$0xFFFFFF20] =	vst v10;
	v9 =	vmul.f32 v9, v2;
	v6 =	vld [tilespmem:s26+$0xFFFFFF90]  }
0x26c: {  	v10 =	vld [tilespmem:s26+$0xFFFFFFA0];
	[tilespmem:s24+$0xFFFFFF30] =	vst v4;
	v3 =	vmul.f32 v3, v2  }
0x26d: {  	[tilespmem:s24+$0xFFFFFF40] =	vst v9;
	v4 =	vld [tilespmem:s26+$0xFFFFFFB0];
	v7 =	vmul.f32 v7, v2  }
0x26e: {  	v8 =	vmul.f32 v8, v2;
	v9 =	vld [tilespmem:s26+$0xFFFFFFC0];
	[tilespmem:s24+$0xFFFFFF50] =	vst v3  }
0x26f: {  	v3 =	vld [tilespmem:s26+$0xFFFFFFD0];
	[tilespmem:s24+$0xFFFFFF60] =	vst v7;
	v5 =	vmul.f32 v5, v2  }
0x270: {  	[tilespmem:s24+$0xFFFFFF00] =	vst v8;
	v6 =	vmul.f32 v6, v2;
	v7 =	vld [tilespmem:s26+$0xFFFFFFE0]  }
0x271: {  	v8 =	vld [tilespmem:s26+$0xFFFFFF80];
	v10 =	vmul.f32 v10, v2;
	[tilespmem:s24+$0xFFFFFFF0] =	vst v5  }
0x272: {  	[tilespmem:s24+$0xFFFFFF90] =	vst v6;
	v4 =	vmul.f32 v4, v2;
	v5 =	vld [tilespmem:s26+$0x70]  }
0x273: {  	[tilespmem:s24+$0xFFFFFFA0] =	vst v10;
	v9 =	vmul.f32 v9, v2;
	v6 =	vld [tilespmem:s26+$0x10]  }
0x274: {  	v10 =	vld [tilespmem:s26+$0x20];
	[tilespmem:s24+$0xFFFFFFB0] =	vst v4;
	v3 =	vmul.f32 v3, v2  }
0x275: {  	[tilespmem:s24+$0xFFFFFFC0] =	vst v9;
	v4 =	vld [tilespmem:s26+$0x30];
	v7 =	vmul.f32 v7, v2  }
0x276: {  	v8 =	vmul.f32 v8, v2;
	v9 =	vld [tilespmem:s26+$0x40];
	[tilespmem:s24+$0xFFFFFFD0] =	vst v3  }
0x277: {  	v3 =	vld [tilespmem:s26+$0x50];
	[tilespmem:s24+$0xFFFFFFE0] =	vst v7;
	v5 =	vmul.f32 v5, v2  }
0x278: {  	[tilespmem:s24+$0xFFFFFF80] =	vst v8;
	v6 =	vmul.f32 v6, v2;
	v7 =	vld [tilespmem:s26+$0x60]  }
0x279: {  	v8 =	vld [tilespmem:s26+$0x0];
	v10 =	vmul.f32 v10, v2;
	[tilespmem:s24+$0x70] =	vst v5  }
0x27a: {  	[tilespmem:s24+$0x10] =	vst v6;
	v4 =	vmul.f32 v4, v2;
	v5 =	vld [tilespmem:s26+$0xF0]  }
0x27b: {  	[tilespmem:s24+$0x20] =	vst v10;
	v9 =	vmul.f32 v9, v2;
	v6 =	vld [tilespmem:s26+$0x90]  }
0x27c: {  	v10 =	vld [tilespmem:s26+$0xA0];
	[tilespmem:s24+$0x30] =	vst v4;
	v3 =	vmul.f32 v3, v2  }
0x27d: {  	[tilespmem:s24+$0x40] =	vst v9;
	v4 =	vld [tilespmem:s26+$0xB0];
	v7 =	vmul.f32 v7, v2  }
0x27e: {  	v8 =	vmul.f32 v8, v2;
	v9 =	vld [tilespmem:s26+$0xC0];
	[tilespmem:s24+$0x50] =	vst v3  }
0x27f: {  	v3 =	vld [tilespmem:s26+$0xD0];
	[tilespmem:s24+$0x60] =	vst v7;
	v5 =	vmul.f32 v5, v2  }
0x280: {  	[tilespmem:s24+$0x0] =	vst v8;
	v6 =	vmul.f32 v6, v2;
	v7 =	vld [tilespmem:s26+$0xE0]  }
0x281: {  	v8 =	vld [tilespmem:s26+$0x80];
	v10 =	vmul.f32 v10, v2;
	[tilespmem:s24+$0xF0] =	vst v5  }
0x282: {  	[tilespmem:s24+$0x90] =	vst v6;
	v4 =	vmul.f32 v4, v2;
	v5 =	vld [tilespmem:s26+$0x170]  }
0x283: {  	[tilespmem:s24+$0xA0] =	vst v10;
	v9 =	vmul.f32 v9, v2;
	v6 =	vld [tilespmem:s26+$0x110]  }
0x284: {  	v10 =	vld [tilespmem:s26+$0x120];
	[tilespmem:s24+$0xB0] =	vst v4;
	v3 =	vmul.f32 v3, v2  }
0x285: {  	[tilespmem:s24+$0xC0] =	vst v9;
	v4 =	vld [tilespmem:s26+$0x130];
	v7 =	vmul.f32 v7, v2  }
0x286: {  	v8 =	vmul.f32 v8, v2;
	v9 =	vld [tilespmem:s26+$0x140];
	[tilespmem:s24+$0xD0] =	vst v3  }
0x287: {  	v3 =	vld [tilespmem:s26+$0x150];
	[tilespmem:s24+$0xE0] =	vst v7;
	v5 =	vmul.f32 v5, v2  }
0x288: {  	[tilespmem:s24+$0x80] =	vst v8;
	v6 =	vmul.f32 v6, v2;
	v7 =	vld [tilespmem:s26+$0x160]  }
0x289: {  	v8 =	vld [tilespmem:s26+$0x100];
	v10 =	vmul.f32 v10, v2;
	[tilespmem:s24+$0x170] =	vst v5  }
0x28a: {  	[tilespmem:s24+$0x110] =	vst v6;
	v4 =	vmul.f32 v4, v2;
	v6 =	vld [tilespmem:s26+$0x1F0]  }
0x28b: {  	[tilespmem:s24+$0x120] =	vst v10;
	v5 =	vmul.f32 v9, v2;
	v11 =	vld [tilespmem:s26+$0x190]  }
0x28c: {  	v10 =	vld [tilespmem:s26+$0x1A0];
	[tilespmem:s24+$0x130] =	vst v4;
	v4 =	vmul.f32 v3, v2  }
0x28d: {  	[tilespmem:s24+$0x140] =	vst v5;
	v3 =	vld [tilespmem:s26+$0x1B0];
	v7 =	vmul.f32 v7, v2  }
0x28e: {  	v8 =	vmul.f32 v8, v2;
	v5 =	vld [tilespmem:s26+$0x1C0];
	[tilespmem:s24+$0x150] =	vst v4  }
0x28f: {  	v4 =	vld [tilespmem:s26+$0x1D0];
	[tilespmem:s24+$0x160] =	vst v7;
	v12 =	vmul.f32 v6, v2  }
0x290: {  	[tilespmem:s24+$0x100] =	vst v8;
	v6 =	vld [tilespmem:s26+$0x1E0];
	v9 =	vmul.f32 v11, v2  }
0x291: {  	s25 =	simm.s32 $0x0;
	v7 =	vld [tilespmem:s26+$0x180];
	v8 =	vmul.f32 v10, v2;
	s26 =	simm.s32 $0x800;
	[tilespmem:s24+$0x1F0] =	vst v12  }
.LBB2_9:
0x292: {  	v10 =	vld [tilespmem:s26+$0xFFFFFE70];
	s25 =	sadd.s32 $0x8, s25;
	[tilespmem:s24+$0x190] =	vst v9;
	v3 =	vmul.f32 v3, v2  }
0x293: {  	v9 =	vld [tilespmem:s26+$0xFFFFFE10];
	p0 =	slt.u32 s25, $0x78;
	[tilespmem:s24+$0x1A0] =	vst v8;
	v5 =	vmul.f32 v5, v2  }
0x294: {  	v8 =	vld [tilespmem:s26+$0xFFFFFE20];
	[tilespmem:s24+$0x1B0] =	vst v3;
	v3 =	vmul.f32 v4, v2  }
0x295: {  	v4 =	vld [tilespmem:s26+$0xFFFFFE30];
	[tilespmem:s24+$0x1C0] =	vst v5;
	v5 =	vmul.f32 v6, v2  }
0x296: {  	v6 =	vld [tilespmem:s26+$0xFFFFFE40];
	v7 =	vmul.f32 v7, v2;
	[tilespmem:s24+$0x1D0] =	vst v3  }
0x297: {  	v3 =	vld [tilespmem:s26+$0xFFFFFE50];
	v10 =	vmul.f32 v10, v2;
	[tilespmem:s24+$0x1E0] =	vst v5  }
0x298: {  	v5 =	vmul.f32 v9, v2;
	v9 =	vld [tilespmem:s26+$0xFFFFFE60];
	[tilespmem:s24+$0x180] =	vst v7;
	s24 =	sadd.s32 $0x400, s24  }
0x299: {  	v7 =	vld [tilespmem:s26+$0xFFFFFE00];
	v8 =	vmul.f32 v8, v2;
	[tilespmem:s24+$0xFFFFFE70] =	vst v10  }
0x29a: {  	[tilespmem:s24+$0xFFFFFE10] =	vst v5;
	v4 =	vmul.f32 v4, v2;
	v5 =	vld [tilespmem:s26+$0xFFFFFEF0]  }
0x29b: {  	v10 =	vld [tilespmem:s26+$0xFFFFFE90];
	[tilespmem:s24+$0xFFFFFE20] =	vst v8;
	v6 =	vmul.f32 v6, v2  }
0x29c: {  	v8 =	vld [tilespmem:s26+$0xFFFFFEA0];
	[tilespmem:s24+$0xFFFFFE30] =	vst v4;
	v3 =	vmul.f32 v3, v2  }
0x29d: {  	v4 =	vld [tilespmem:s26+$0xFFFFFEB0];
	[tilespmem:s24+$0xFFFFFE40] =	vst v6;
	v6 =	vmul.f32 v9, v2  }
0x29e: {  	v7 =	vmul.f32 v7, v2;
	v9 =	vld [tilespmem:s26+$0xFFFFFEC0];
	[tilespmem:s24+$0xFFFFFE50] =	vst v3  }
0x29f: {  	v3 =	vld [tilespmem:s26+$0xFFFFFED0];
	[tilespmem:s24+$0xFFFFFE60] =	vst v6;
	v5 =	vmul.f32 v5, v2  }
0x2a0: {  	[tilespmem:s24+$0xFFFFFE00] =	vst v7;
	v6 =	vmul.f32 v10, v2;
	v7 =	vld [tilespmem:s26+$0xFFFFFEE0]  }
0x2a1: {  	v10 =	vld [tilespmem:s26+$0xFFFFFE80];
	v8 =	vmul.f32 v8, v2;
	[tilespmem:s24+$0xFFFFFEF0] =	vst v5  }
0x2a2: {  	[tilespmem:s24+$0xFFFFFE90] =	vst v6;
	v4 =	vmul.f32 v4, v2;
	v5 =	vld [tilespmem:s26+$0xFFFFFF70]  }
0x2a3: {  	v6 =	vld [tilespmem:s26+$0xFFFFFF10];
	[tilespmem:s24+$0xFFFFFEA0] =	vst v8;
	v8 =	vmul.f32 v9, v2  }
0x2a4: {  	v9 =	vld [tilespmem:s26+$0xFFFFFF20];
	[tilespmem:s24+$0xFFFFFEB0] =	vst v4;
	v3 =	vmul.f32 v3, v2  }
0x2a5: {  	v4 =	vld [tilespmem:s26+$0xFFFFFF30];
	[tilespmem:s24+$0xFFFFFEC0] =	vst v8;
	v7 =	vmul.f32 v7, v2  }
0x2a6: {  	v8 =	vmul.f32 v10, v2;
	v10 =	vld [tilespmem:s26+$0xFFFFFF40];
	[tilespmem:s24+$0xFFFFFED0] =	vst v3  }
0x2a7: {  	v3 =	vld [tilespmem:s26+$0xFFFFFF50];
	[tilespmem:s24+$0xFFFFFEE0] =	vst v7;
	v5 =	vmul.f32 v5, v2  }
0x2a8: {  	[tilespmem:s24+$0xFFFFFE80] =	vst v8;
	v6 =	vmul.f32 v6, v2;
	v7 =	vld [tilespmem:s26+$0xFFFFFF60]  }
0x2a9: {  	v8 =	vld [tilespmem:s26+$0xFFFFFF00];
	v9 =	vmul.f32 v9, v2;
	[tilespmem:s24+$0xFFFFFF70] =	vst v5  }
0x2aa: {  	[tilespmem:s24+$0xFFFFFF10] =	vst v6;
	v4 =	vmul.f32 v4, v2;
	v5 =	vld [tilespmem:s26+$0xFFFFFFF0]  }
0x2ab: {  	v6 =	vld [tilespmem:s26+$0xFFFFFF90];
	[tilespmem:s24+$0xFFFFFF20] =	vst v9;
	v9 =	vmul.f32 v10, v2  }
0x2ac: {  	v10 =	vld [tilespmem:s26+$0xFFFFFFA0];
	[tilespmem:s24+$0xFFFFFF30] =	vst v4;
	v3 =	vmul.f32 v3, v2  }
0x2ad: {  	v4 =	vld [tilespmem:s26+$0xFFFFFFB0];
	[tilespmem:s24+$0xFFFFFF40] =	vst v9;
	v7 =	vmul.f32 v7, v2  }
0x2ae: {  	v8 =	vmul.f32 v8, v2;
	v9 =	vld [tilespmem:s26+$0xFFFFFFC0];
	[tilespmem:s24+$0xFFFFFF50] =	vst v3  }
0x2af: {  	v3 =	vld [tilespmem:s26+$0xFFFFFFD0];
	[tilespmem:s24+$0xFFFFFF60] =	vst v7;
	v5 =	vmul.f32 v5, v2  }
0x2b0: {  	[tilespmem:s24+$0xFFFFFF00] =	vst v8;
	v6 =	vmul.f32 v6, v2;
	v7 =	vld [tilespmem:s26+$0xFFFFFFE0]  }
0x2b1: {  	v8 =	vld [tilespmem:s26+$0xFFFFFF80];
	v10 =	vmul.f32 v10, v2;
	[tilespmem:s24+$0xFFFFFFF0] =	vst v5  }
0x2b2: {  	[tilespmem:s24+$0xFFFFFF90] =	vst v6;
	v4 =	vmul.f32 v4, v2;
	v5 =	vld [tilespmem:s26+$0x70]  }
0x2b3: {  	v6 =	vld [tilespmem:s26+$0x10];
	[tilespmem:s24+$0xFFFFFFA0] =	vst v10;
	v9 =	vmul.f32 v9, v2  }
0x2b4: {  	v10 =	vld [tilespmem:s26+$0x20];
	[tilespmem:s24+$0xFFFFFFB0] =	vst v4;
	v3 =	vmul.f32 v3, v2  }
0x2b5: {  	v4 =	vld [tilespmem:s26+$0x30];
	[tilespmem:s24+$0xFFFFFFC0] =	vst v9;
	v7 =	vmul.f32 v7, v2  }
0x2b6: {  	v8 =	vmul.f32 v8, v2;
	v9 =	vld [tilespmem:s26+$0x40];
	[tilespmem:s24+$0xFFFFFFD0] =	vst v3  }
0x2b7: {  	v3 =	vld [tilespmem:s26+$0x50];
	[tilespmem:s24+$0xFFFFFFE0] =	vst v7;
	v5 =	vmul.f32 v5, v2  }
0x2b8: {  	[tilespmem:s24+$0xFFFFFF80] =	vst v8;
	v6 =	vmul.f32 v6, v2;
	v7 =	vld [tilespmem:s26+$0x60]  }
0x2b9: {  	v8 =	vld [tilespmem:s26+$0x0];
	v10 =	vmul.f32 v10, v2;
	[tilespmem:s24+$0x70] =	vst v5  }
0x2ba: {  	[tilespmem:s24+$0x10] =	vst v6;
	v4 =	vmul.f32 v4, v2;
	v5 =	vld [tilespmem:s26+$0xF0]  }
0x2bb: {  	v6 =	vld [tilespmem:s26+$0x90];
	[tilespmem:s24+$0x20] =	vst v10;
	v9 =	vmul.f32 v9, v2  }
0x2bc: {  	v10 =	vld [tilespmem:s26+$0xA0];
	[tilespmem:s24+$0x30] =	vst v4;
	v3 =	vmul.f32 v3, v2  }
0x2bd: {  	v4 =	vld [tilespmem:s26+$0xB0];
	[tilespmem:s24+$0x40] =	vst v9;
	v7 =	vmul.f32 v7, v2  }
0x2be: {  	v8 =	vmul.f32 v8, v2;
	v9 =	vld [tilespmem:s26+$0xC0];
	[tilespmem:s24+$0x50] =	vst v3  }
0x2bf: {  	v3 =	vld [tilespmem:s26+$0xD0];
	[tilespmem:s24+$0x60] =	vst v7;
	v5 =	vmul.f32 v5, v2  }
0x2c0: {  	[tilespmem:s24+$0x0] =	vst v8;
	v6 =	vmul.f32 v6, v2;
	v7 =	vld [tilespmem:s26+$0xE0]  }
0x2c1: {  	v8 =	vld [tilespmem:s26+$0x80];
	v10 =	vmul.f32 v10, v2;
	[tilespmem:s24+$0xF0] =	vst v5  }
0x2c2: {  	[tilespmem:s24+$0x90] =	vst v6;
	v4 =	vmul.f32 v4, v2;
	v5 =	vld [tilespmem:s26+$0x170]  }
0x2c3: {  	v6 =	vld [tilespmem:s26+$0x110];
	[tilespmem:s24+$0xA0] =	vst v10;
	v9 =	vmul.f32 v9, v2  }
0x2c4: {  	v10 =	vld [tilespmem:s26+$0x120];
	[tilespmem:s24+$0xB0] =	vst v4;
	v3 =	vmul.f32 v3, v2  }
0x2c5: {  	v4 =	vld [tilespmem:s26+$0x130];
	[tilespmem:s24+$0xC0] =	vst v9;
	v7 =	vmul.f32 v7, v2  }
0x2c6: {  	v8 =	vmul.f32 v8, v2;
	v9 =	vld [tilespmem:s26+$0x140];
	[tilespmem:s24+$0xD0] =	vst v3  }
0x2c7: {  	v3 =	vld [tilespmem:s26+$0x150];
	[tilespmem:s24+$0xE0] =	vst v7;
	v5 =	vmul.f32 v5, v2  }
0x2c8: {  	[tilespmem:s24+$0x80] =	vst v8;
	v6 =	vmul.f32 v6, v2;
	v7 =	vld [tilespmem:s26+$0x160]  }
0x2c9: {  	v8 =	vld [tilespmem:s26+$0x100];
	v10 =	vmul.f32 v10, v2;
	[tilespmem:s24+$0x170] =	vst v5  }
0x2ca: {  	[tilespmem:s24+$0x110] =	vst v6;
	v4 =	vmul.f32 v4, v2;
	v6 =	vld [tilespmem:s26+$0x1F0]  }
0x2cb: {  	v11 =	vld [tilespmem:s26+$0x190];
	[tilespmem:s24+$0x120] =	vst v10;
	v5 =	vmul.f32 v9, v2  }
0x2cc: {  	v10 =	vld [tilespmem:s26+$0x1A0];
	[tilespmem:s24+$0x130] =	vst v4;
	v4 =	vmul.f32 v3, v2  }
.Ltmp3:
0x2cd: {  	v3 =	vld [tilespmem:s26+$0x1B0];
	[tilespmem:s24+$0x140] =	vst v5;
	v7 =	vmul.f32 v7, v2;
	(pc) =	sbr.rel @p0 .LBB2_9-.Ltmp3, $4  }
0x2ce: {  	v8 =	vmul.f32 v8, v2;
	v5 =	vld [tilespmem:s26+$0x1C0];
	[tilespmem:s24+$0x150] =	vst v4  }
0x2cf: {  	v4 =	vld [tilespmem:s26+$0x1D0];
	[tilespmem:s24+$0x160] =	vst v7;
	v12 =	vmul.f32 v6, v2  }
0x2d0: {  	[tilespmem:s24+$0x100] =	vst v8;
	v9 =	vmul.f32 v11, v2;
	v6 =	vld [tilespmem:s26+$0x1E0]  }
0x2d1: {  	v7 =	vld [tilespmem:s26+$0x180];
	v8 =	vmul.f32 v10, v2;
	[tilespmem:s24+$0x1F0] =	vst v12;
	s26 =	sadd.s32 $0x400, s26  }
0x2d2: {  	[tilespmem:s24+$0x190] =	vst v9;
	v3 =	vmul.f32 v3, v2  }
0x2d3: {  	[tilespmem:s24+$0x1A0] =	vst v8;
	v5 =	vmul.f32 v5, v2  }
0x2d4: {  	[tilespmem:s24+$0x1B0] =	vst v3;
	v3 =	vmul.f32 v4, v2  }
0x2d5: {  	[tilespmem:s24+$0x1C0] =	vst v5;
	v4 =	vmul.f32 v6, v2  }
0x2d6: {  	s23 =	sadd.s32 s23, s18;
	v5 =	vmul.f32 v7, v2;
	[tilespmem:s24+$0x1D0] =	vst v3  }
0x2d7: {  	s23 =	sshll.u32 s23, $0x8;
	[tilespmem:s24+$0x1E0] =	vst v4  }
0x2d8: {  	s23 =	sadd.s32 s3, s23;
	[tilespmem:s24+$0x180] =	vst v5;
	s24 =	simm.s32 $0x0  }
0x2d9: {  	[hbm4b:s23+s24] =	stream.linear.scatter [tilespmem:s21], [sflag:$0x4], $0x4000, $0x38;
	[tilespmem:$0x18280] =	vst v63  }
0x2da: {  	v3 =	vld.msk [tilespmem:s22+$0x30], $0xff;
	_ =	sdelay $0x4  }
0x2db: {  	v4 =	vshll.u32 v3, $0x4  }
0x2dc: {  	v3 =	vand.u32 $0x7, v3;
	v4 =	vand.u32 $0xFFFFFF80, v4  }
0x2dd: {  	v3 =	vor.u32 v3, v4  }
0x2de: {  	v3 =	vperm.xlane v3, v0;
	_ =	sdelay $0x1  }
0x2df: {  	v3 =	vadd.s32 v1, v3;
	_ =	sdelay $0x3  }
0x2e0: {  	s23 =	simm.s32 $0x200  }
0x2e1: {  	[tilespmem:s23], [sflag:$0x1] =	stream.indirect_vreg.gather [hbm4b:s1+s24], $0x80, v3, vm0, $0xb8;
	[tilespmem:$0x18280] =	vst v63  }
0x2e2: {  	s25 =	simm.s32 $0xA00  }
0x2e3: {  	[tilespmem:s25], [sflag:$0x1] =	stream.indirect_vreg.gather [hbm4b:s8+s24], $0x80, v3, vm0, $0xb8;
	[tilespmem:$0x18280] =	vst v63  }
0x2e4: {  	s26 =	simm.s32 $0x1200  }
0x2e5: {  	[tilespmem:s26], [sflag:$0x1] =	stream.indirect_vreg.gather [hbm4b:s9+s24], $0x80, v3, vm0, $0xb8;
	[tilespmem:$0x18280] =	vst v63  }
0x2e6: {  	s28 =	simm.s32 $0x1A00  }
0x2e7: {  	[tilespmem:s28], [sflag:$0x1] =	stream.indirect_vreg.gather [hbm4b:s10+s24], $0x80, v3, vm0, $0xb8;
	[tilespmem:$0x18280] =	vst v63  }
0x2e8: {  	_ = 	snop  }
0x2e9: {  	[tilespmem:s29], [sflag:$0x1] =	stream.indirect_vreg.gather [hbm4b:s11+s24], $0x80, v3, vm0, $0xb8;
	[tilespmem:$0x18280] =	vst v63  }
0x2ea: {  	_ = 	snop  }
0x2eb: {  	[tilespmem:s30], [sflag:$0x1] =	stream.indirect_vreg.gather [hbm4b:s12+s24], $0x80, v3, vm0, $0xb8;
	[tilespmem:$0x18280] =	vst v63  }
0x2ec: {  	_ = 	snop  }
0x2ed: {  	[tilespmem:s31], [sflag:$0x1] =	stream.indirect_vreg.gather [hbm4b:s13+s24], $0x80, v3, vm0, $0xb8;
	[tilespmem:$0x18280] =	vst v63  }
0x2ee: {  	_ = 	snop  }
0x2ef: {  	[tilespmem:s0], [sflag:$0x1] =	stream.indirect_vreg.gather [hbm4b:s14+s24], $0x80, v3, vm0, $0xb8;
	[tilespmem:$0x18280] =	vst v63  }
0x2f0: {  	_ =	swait.ge [sflag:s15], $0x4000  }
0x2f1: {  	[sflag:s15] =	ssyncset.done $0x0  }
0x2f2: {  	[sflag:s15] =	ssyncadd.s32 $0xFFFFC000  }
0x2f3: {  	_ =	swait.ge [sflag:s7], $0x4000  }
0x2f4: {  	[sflag:s7] =	ssyncset.done $0x0  }
0x2f5: {  	s22 =	simm.s32 $0x0;
	[sflag:s7] =	ssyncadd.s32 $0xFFFFC000  }
0x2f6: {  	v3 =	vld [tilespmem:s22+$0x4200]  }
0x2f7: {  	v4 =	vld [tilespmem:s22+$0x4280]  }
0x2f8: {  	v10 =	vld [tilespmem:s22+$0x45F0]  }
0x2f9: {  	v5 =	vld [tilespmem:s22+$0x4300]  }
0x2fa: {  	v6 =	vld [tilespmem:s22+$0x4380]  }
0x2fb: {  	v7 =	vld [tilespmem:s22+$0x4400]  }
0x2fc: {  	v14 =	vld [tilespmem:s22+$0x4390];
	v3 =	vmul.f32 v3, v2  }
0x2fd: {  	v8 =	vld [tilespmem:s22+$0x4480];
	v10 =	vmul.f32 v10, v2  }
0x2fe: {  	v11 =	vld [tilespmem:s22+$0x4210];
	v4 =	vmul.f32 v4, v2;
	[tilespmem:s22+$0x10200] =	vst v3  }
0x2ff: {  	v9 =	vld [tilespmem:s22+$0x4500];
	v5 =	vmul.f32 v5, v2;
	[tilespmem:s22+$0x105F0] =	vst v10  }
0x300: {  	v12 =	vld [tilespmem:s22+$0x4290];
	v6 =	vmul.f32 v6, v2;
	[tilespmem:s22+$0x10280] =	vst v4  }
0x301: {  	v13 =	vld [tilespmem:s22+$0x4310];
	v60 =	vmul.f32 v14, v2;
	[tilespmem:s22+$0x10300] =	vst v5  }
0x302: {  	v59 =	vld [tilespmem:s22+$0x4420];
	v5 =	vmul.f32 v7, v2;
	[tilespmem:s22+$0x10380] =	vst v6  }
0x303: {  	v3 =	vld [tilespmem:s22+$0x4580];
	v10 =	vmul.f32 v11, v2;
	[tilespmem:s22+$0x10390] =	vst v60  }
0x304: {  	v4 =	vld [tilespmem:s22+$0x4510];
	[tilespmem:s22+$0x10400] =	vst v5;
	v5 =	vmul.f32 v9, v2  }
0x305: {  	v6 =	vmul.f32 v8, v2;
	v8 =	vld [tilespmem:s22+$0x4220];
	[tilespmem:s22+$0x10210] =	vst v10  }
0x306: {  	v15 =	vld [tilespmem:s22+$0x4410];
	[tilespmem:s22+$0x10500] =	vst v5;
	v5 =	vmul.f32 v12, v2  }
0x307: {  	[tilespmem:s22+$0x10480] =	vst v6;
	v6 =	vld [tilespmem:s22+$0x4320];
	v12 =	vmul.f32 v59, v2  }
0x308: {  	v61 =	vld [tilespmem:s22+$0x45A0];
	v3 =	vmul.f32 v3, v2;
	[tilespmem:s22+$0x10290] =	vst v5  }
0x309: {  	v11 =	vld [tilespmem:s22+$0x4490];
	v4 =	vmul.f32 v4, v2;
	[tilespmem:s22+$0x10420] =	vst v12  }
0x30a: {  	v9 =	vld [tilespmem:s22+$0x42A0];
	v5 =	vmul.f32 v8, v2;
	[tilespmem:s22+$0x10580] =	vst v3  }
0x30b: {  	v7 =	vld [tilespmem:s22+$0x4590];
	v3 =	vmul.f32 v13, v2;
	[tilespmem:s22+$0x10510] =	vst v4  }
0x30c: {  	v10 =	vld [tilespmem:s22+$0x43A0];
	v6 =	vmul.f32 v6, v2;
	[tilespmem:s22+$0x10220] =	vst v5  }
0x30d: {  	v5 =	vmul.f32 v15, v2;
	[tilespmem:s22+$0x10310] =	vst v3;
	v3 =	vld [tilespmem:s22+$0x4520]  }
0x30e: {  	v11 =	vmul.f32 v11, v2;
	[tilespmem:s22+$0x10320] =	vst v6;
	v6 =	vld [tilespmem:s22+$0x44B0]  }
0x30f: {  	v4 =	vmul.f32 v9, v2;
	[tilespmem:s22+$0x10410] =	vst v5;
	v5 =	vld [tilespmem:s22+$0x4230]  }
0x310: {  	v7 =	vmul.f32 v7, v2;
	[tilespmem:s22+$0x10490] =	vst v11;
	v11 =	vld [tilespmem:s22+$0x42B0]  }
0x311: {  	v8 =	vld [tilespmem:s22+$0x44A0];
	[tilespmem:s22+$0x102A0] =	vst v4;
	v4 =	vmul.f32 v10, v2  }
0x312: {  	[tilespmem:s22+$0x10590] =	vst v7;
	v7 =	vld [tilespmem:s22+$0x43B0];
	v3 =	vmul.f32 v3, v2  }
0x313: {  	v62 =	vld [tilespmem:s22+$0x4240];
	[tilespmem:s22+$0x103A0] =	vst v4;
	v6 =	vmul.f32 v6, v2  }
0x314: {  	v9 =	vld [tilespmem:s22+$0x4330];
	v5 =	vmul.f32 v5, v2;
	[tilespmem:s22+$0x10520] =	vst v3  }
0x315: {  	v10 =	vld [tilespmem:s22+$0x4430];
	v3 =	vmul.f32 v11, v2;
	[tilespmem:s22+$0x104B0] =	vst v6  }
0x316: {  	v4 =	vld [tilespmem:s22+$0x4530];
	[tilespmem:s22+$0x10230] =	vst v5;
	v5 =	vmul.f32 v8, v2  }
0x317: {  	v8 =	vld [tilespmem:s22+$0x45B0];
	[tilespmem:s22+$0x102B0] =	vst v3;
	v3 =	vmul.f32 v7, v2  }
0x318: {  	[tilespmem:s22+$0x104A0] =	vst v5;
	v5 =	vmul.f32 v61, v2  }
0x319: {  	v11 =	vld [tilespmem:s22+$0x42C0];
	[tilespmem:s22+$0x103B0] =	vst v3;
	v3 =	vmul.f32 v62, v2  }
0x31a: {  	[tilespmem:s22+$0x105A0] =	vst v5;
	v5 =	vmul.f32 v9, v2;
	v9 =	vld [tilespmem:s22+$0x4340]  }
0x31b: {  	v7 =	vld [tilespmem:s22+$0x43C0];
	[tilespmem:s22+$0x10240] =	vst v3;
	v3 =	vmul.f32 v4, v2  }
0x31c: {  	v4 =	vmul.f32 v8, v2;
	[tilespmem:s22+$0x10330] =	vst v5;
	v5 =	vmul.f32 v10, v2;
	v10 =	vld [tilespmem:s22+$0x4440]  }
0x31d: {  	v63 =	vld [tilespmem:s22+$0x44C0];
	[tilespmem:s22+$0x10530] =	vst v3  }
0x31e: {  	v8 =	vld [tilespmem:s22+$0x4250];
	v3 =	vmul.f32 v11, v2;
	[tilespmem:s22+$0x105B0] =	vst v4  }
0x31f: {  	[tilespmem:s22+$0x10430] =	vst v5;
	v5 =	vld [tilespmem:s22+$0x4540];
	v4 =	vmul.f32 v9, v2  }
0x320: {  	v6 =	vld [tilespmem:s22+$0x45C0];
	[tilespmem:s22+$0x102C0] =	vst v3;
	v3 =	vmul.f32 v7, v2  }
0x321: {  	v9 =	vld [tilespmem:s22+$0x42D0];
	[tilespmem:s22+$0x10340] =	vst v4;
	v4 =	vmul.f32 v10, v2  }
0x322: {  	v7 =	vld [tilespmem:s22+$0x4350];
	[tilespmem:s22+$0x103C0] =	vst v3;
	v3 =	vmul.f32 v63, v2  }
0x323: {  	v10 =	vld [tilespmem:s22+$0x43D0];
	[tilespmem:s22+$0x10440] =	vst v4;
	v4 =	vmul.f32 v8, v2  }
0x324: {  	v5 =	vmul.f32 v5, v2;
	[tilespmem:s22+$0x104C0] =	vst v3;
	v3 =	vld [tilespmem:s22+$0x4550]  }
0x325: {  	v11 =	vld [tilespmem:s22+$0x4450];
	[tilespmem:s22+$0x10250] =	vst v4;
	v4 =	vmul.f32 v6, v2  }
0x326: {  	v8 =	vld [tilespmem:s22+$0x44D0];
	[tilespmem:s22+$0x10540] =	vst v5;
	v5 =	vmul.f32 v9, v2  }
0x327: {  	v6 =	vld [tilespmem:s22+$0x45D0];
	[tilespmem:s22+$0x105C0] =	vst v4;
	v4 =	vmul.f32 v7, v2  }
0x328: {  	v7 =	vld [tilespmem:s22+$0x4260];
	[tilespmem:s22+$0x102D0] =	vst v5;
	v5 =	vmul.f32 v10, v2  }
0x329: {  	v9 =	vld [tilespmem:s22+$0x42E0];
	v3 =	vmul.f32 v3, v2;
	[tilespmem:s22+$0x10350] =	vst v4  }
0x32a: {  	v10 =	vld [tilespmem:s22+$0x4360];
	v4 =	vmul.f32 v11, v2;
	[tilespmem:s22+$0x103D0] =	vst v5  }
0x32b: {  	v5 =	vmul.f32 v8, v2;
	v8 =	vld [tilespmem:s22+$0x43E0];
	[tilespmem:s22+$0x10550] =	vst v3  }
0x32c: {  	v6 =	vmul.f32 v6, v2;
	[tilespmem:s22+$0x10450] =	vst v4;
	v4 =	vld [tilespmem:s22+$0x4460]  }
0x32d: {  	[tilespmem:s22+$0x104D0] =	vst v5;
	v5 =	vmul.f32 v7, v2;
	v7 =	vld [tilespmem:s22+$0x44E0]  }
0x32e: {  	v11 =	vld [tilespmem:s22+$0x4560];
	v3 =	vmul.f32 v9, v2;
	[tilespmem:s22+$0x105D0] =	vst v6  }
0x32f: {  	v9 =	vld [tilespmem:s22+$0x45E0];
	[tilespmem:s22+$0x10260] =	vst v5;
	v5 =	vmul.f32 v10, v2  }
0x330: {  	[tilespmem:s22+$0x102E0] =	vst v3;
	v3 =	vmul.f32 v8, v2;
	v8 =	vld [tilespmem:s22+$0x4270]  }
0x331: {  	v6 =	vld [tilespmem:s22+$0x42F0];
	[tilespmem:s22+$0x10360] =	vst v5;
	v4 =	vmul.f32 v4, v2  }
0x332: {  	[tilespmem:s22+$0x103E0] =	vst v3;
	v3 =	vld [tilespmem:s22+$0x4370];
	v5 =	vmul.f32 v7, v2  }
0x333: {  	v7 =	vmul.f32 v11, v2;
	[tilespmem:s22+$0x10460] =	vst v4;
	v4 =	vld [tilespmem:s22+$0x43F0]  }
0x334: {  	v9 =	vmul.f32 v9, v2;
	[tilespmem:s22+$0x104E0] =	vst v5;
	v5 =	vld [tilespmem:s22+$0x4470]  }
0x335: {  	s23 =	simm.s32 $0x0;
	s24 =	simm.s32 $0x1000;
	[tilespmem:s22+$0x10560] =	vst v7;
	v8 =	vmul.f32 v8, v2;
	v7 =	vld [tilespmem:s22+$0x44F0]  }
.LBB2_11:
0x336: {  	s25 =	sshra.s32 s24, $0x2;
	s23 =	sadd.s32 $0x8, s23;
	[tilespmem:s22+$0x105E0] =	vst v9;
	v6 =	vmul.f32 v6, v2;
	v9 =	vld [tilespmem:s22+$0x4570]  }
0x337: {  	v10 =	vld [tilespmem:s25+$0x45F0];
	p0 =	slt.u32 s23, $0x78;
	[tilespmem:s22+$0x10270] =	vst v8;
	v3 =	vmul.f32 v3, v2  }
0x338: {  	v8 =	vld [tilespmem:s25+$0x4200];
	[tilespmem:s22+$0x102F0] =	vst v6;
	v4 =	vmul.f32 v4, v2  }
0x339: {  	v6 =	vld [tilespmem:s25+$0x4280];
	[tilespmem:s22+$0x10370] =	vst v3;
	v3 =	vmul.f32 v5, v2  }
0x33a: {  	v5 =	vld [tilespmem:s25+$0x4300];
	[tilespmem:s22+$0x103F0] =	vst v4;
	v4 =	vmul.f32 v7, v2  }
0x33b: {  	v7 =	vld [tilespmem:s25+$0x4380];
	[tilespmem:s22+$0x10470] =	vst v3;
	v3 =	vmul.f32 v9, v2  }
0x33c: {  	v9 =	vld [tilespmem:s25+$0x4400];
	v10 =	vmul.f32 v10, v2;
	[tilespmem:s22+$0x104F0] =	vst v4  }
0x33d: {  	v4 =	vmul.f32 v8, v2;
	v8 =	vld [tilespmem:s25+$0x4480];
	[tilespmem:s22+$0x10570] =	vst v3;
	s22 =	smov.u32 s25  }
0x33e: {  	v3 =	vmul.f32 v6, v2;
	v6 =	vld [tilespmem:s22+$0x4500];
	[tilespmem:s22+$0x105F0] =	vst v10  }
0x33f: {  	[tilespmem:s22+$0x10200] =	vst v4;
	v4 =	vmul.f32 v5, v2;
	v5 =	vld [tilespmem:s22+$0x4580]  }
0x340: {  	[tilespmem:s22+$0x10280] =	vst v3;
	v3 =	vmul.f32 v7, v2;
	v7 =	vld [tilespmem:s22+$0x4210]  }
0x341: {  	[tilespmem:s22+$0x10300] =	vst v4;
	v4 =	vmul.f32 v9, v2;
	v9 =	vld [tilespmem:s22+$0x4290]  }
0x342: {  	[tilespmem:s22+$0x10380] =	vst v3;
	v3 =	vmul.f32 v8, v2;
	v8 =	vld [tilespmem:s22+$0x4310]  }
0x343: {  	[tilespmem:s22+$0x10400] =	vst v4;
	v4 =	vmul.f32 v6, v2;
	v6 =	vld [tilespmem:s22+$0x4390]  }
0x344: {  	[tilespmem:s22+$0x10480] =	vst v3;
	v3 =	vmul.f32 v5, v2;
	v5 =	vld [tilespmem:s22+$0x4410]  }
0x345: {  	[tilespmem:s22+$0x10500] =	vst v4;
	v4 =	vmul.f32 v7, v2;
	v7 =	vld [tilespmem:s22+$0x4490]  }
0x346: {  	[tilespmem:s22+$0x10580] =	vst v3;
	v3 =	vmul.f32 v9, v2;
	v9 =	vld [tilespmem:s22+$0x4510]  }
0x347: {  	[tilespmem:s22+$0x10210] =	vst v4;
	v4 =	vmul.f32 v8, v2;
	v8 =	vld [tilespmem:s22+$0x4590]  }
0x348: {  	[tilespmem:s22+$0x10290] =	vst v3;
	v3 =	vmul.f32 v6, v2;
	v6 =	vld [tilespmem:s22+$0x4220]  }
0x349: {  	[tilespmem:s22+$0x10310] =	vst v4;
	v4 =	vmul.f32 v5, v2;
	v5 =	vld [tilespmem:s22+$0x42A0]  }
0x34a: {  	[tilespmem:s22+$0x10390] =	vst v3;
	v3 =	vmul.f32 v7, v2;
	v7 =	vld [tilespmem:s22+$0x4320]  }
0x34b: {  	[tilespmem:s22+$0x10410] =	vst v4;
	v4 =	vmul.f32 v9, v2;
	v9 =	vld [tilespmem:s22+$0x43A0]  }
0x34c: {  	[tilespmem:s22+$0x10490] =	vst v3;
	v3 =	vmul.f32 v8, v2;
	v8 =	vld [tilespmem:s22+$0x4420]  }
0x34d: {  	[tilespmem:s22+$0x10510] =	vst v4;
	v4 =	vmul.f32 v6, v2;
	v6 =	vld [tilespmem:s22+$0x44A0]  }
0x34e: {  	[tilespmem:s22+$0x10590] =	vst v3;
	v3 =	vmul.f32 v5, v2;
	v5 =	vld [tilespmem:s22+$0x4520]  }
0x34f: {  	[tilespmem:s22+$0x10220] =	vst v4;
	v4 =	vmul.f32 v7, v2;
	v7 =	vld [tilespmem:s22+$0x45A0]  }
0x350: {  	[tilespmem:s22+$0x102A0] =	vst v3;
	v3 =	vmul.f32 v9, v2;
	v9 =	vld [tilespmem:s22+$0x4230]  }
0x351: {  	[tilespmem:s22+$0x10320] =	vst v4;
	v4 =	vmul.f32 v8, v2;
	v8 =	vld [tilespmem:s22+$0x42B0]  }
0x352: {  	[tilespmem:s22+$0x103A0] =	vst v3;
	v3 =	vmul.f32 v6, v2;
	v6 =	vld [tilespmem:s22+$0x4330]  }
0x353: {  	[tilespmem:s22+$0x10420] =	vst v4;
	v4 =	vmul.f32 v5, v2;
	v5 =	vld [tilespmem:s22+$0x43B0]  }
0x354: {  	[tilespmem:s22+$0x104A0] =	vst v3;
	v3 =	vmul.f32 v7, v2;
	v7 =	vld [tilespmem:s22+$0x4430]  }
0x355: {  	[tilespmem:s22+$0x10520] =	vst v4;
	v4 =	vmul.f32 v9, v2;
	v9 =	vld [tilespmem:s22+$0x44B0]  }
0x356: {  	[tilespmem:s22+$0x105A0] =	vst v3;
	v3 =	vmul.f32 v8, v2;
	v8 =	vld [tilespmem:s22+$0x4530]  }
0x357: {  	[tilespmem:s22+$0x10230] =	vst v4;
	v4 =	vmul.f32 v6, v2;
	v6 =	vld [tilespmem:s22+$0x45B0]  }
0x358: {  	[tilespmem:s22+$0x102B0] =	vst v3;
	v3 =	vmul.f32 v5, v2;
	v5 =	vld [tilespmem:s22+$0x4240]  }
0x359: {  	[tilespmem:s22+$0x10330] =	vst v4;
	v4 =	vmul.f32 v7, v2;
	v7 =	vld [tilespmem:s22+$0x42C0]  }
0x35a: {  	[tilespmem:s22+$0x103B0] =	vst v3;
	v3 =	vmul.f32 v9, v2;
	v9 =	vld [tilespmem:s22+$0x4340]  }
0x35b: {  	[tilespmem:s22+$0x10430] =	vst v4;
	v4 =	vmul.f32 v8, v2;
	v8 =	vld [tilespmem:s22+$0x43C0]  }
0x35c: {  	[tilespmem:s22+$0x104B0] =	vst v3;
	v3 =	vmul.f32 v6, v2;
	v6 =	vld [tilespmem:s22+$0x4440]  }
0x35d: {  	[tilespmem:s22+$0x10530] =	vst v4;
	v4 =	vmul.f32 v5, v2;
	v5 =	vld [tilespmem:s22+$0x44C0]  }
0x35e: {  	[tilespmem:s22+$0x105B0] =	vst v3;
	v3 =	vmul.f32 v7, v2;
	v7 =	vld [tilespmem:s22+$0x4540]  }
0x35f: {  	[tilespmem:s22+$0x10240] =	vst v4;
	v4 =	vmul.f32 v9, v2;
	v9 =	vld [tilespmem:s22+$0x45C0]  }
0x360: {  	[tilespmem:s22+$0x102C0] =	vst v3;
	v3 =	vmul.f32 v8, v2;
	v8 =	vld [tilespmem:s22+$0x4250]  }
0x361: {  	[tilespmem:s22+$0x10340] =	vst v4;
	v4 =	vmul.f32 v6, v2;
	v6 =	vld [tilespmem:s22+$0x42D0]  }
0x362: {  	[tilespmem:s22+$0x103C0] =	vst v3;
	v3 =	vmul.f32 v5, v2;
	v5 =	vld [tilespmem:s22+$0x4350]  }
0x363: {  	[tilespmem:s22+$0x10440] =	vst v4;
	v4 =	vmul.f32 v7, v2;
	v7 =	vld [tilespmem:s22+$0x43D0]  }
0x364: {  	[tilespmem:s22+$0x104C0] =	vst v3;
	v3 =	vmul.f32 v9, v2;
	v9 =	vld [tilespmem:s22+$0x4450]  }
0x365: {  	[tilespmem:s22+$0x10540] =	vst v4;
	v4 =	vmul.f32 v8, v2;
	v8 =	vld [tilespmem:s22+$0x44D0]  }
0x366: {  	[tilespmem:s22+$0x105C0] =	vst v3;
	v3 =	vmul.f32 v6, v2;
	v6 =	vld [tilespmem:s22+$0x4550]  }
0x367: {  	[tilespmem:s22+$0x10250] =	vst v4;
	v4 =	vmul.f32 v5, v2;
	v5 =	vld [tilespmem:s22+$0x45D0]  }
0x368: {  	[tilespmem:s22+$0x102D0] =	vst v3;
	v3 =	vmul.f32 v7, v2;
	v7 =	vld [tilespmem:s22+$0x4260]  }
0x369: {  	[tilespmem:s22+$0x10350] =	vst v4;
	v4 =	vmul.f32 v9, v2;
	v9 =	vld [tilespmem:s22+$0x42E0]  }
0x36a: {  	[tilespmem:s22+$0x103D0] =	vst v3;
	v3 =	vmul.f32 v8, v2;
	v8 =	vld [tilespmem:s22+$0x4360]  }
0x36b: {  	[tilespmem:s22+$0x10450] =	vst v4;
	v4 =	vmul.f32 v6, v2;
	v6 =	vld [tilespmem:s22+$0x43E0]  }
0x36c: {  	[tilespmem:s22+$0x104D0] =	vst v3;
	v3 =	vmul.f32 v5, v2;
	v5 =	vld [tilespmem:s22+$0x4460]  }
0x36d: {  	[tilespmem:s22+$0x10550] =	vst v4;
	v4 =	vmul.f32 v7, v2;
	v7 =	vld [tilespmem:s22+$0x44E0]  }
0x36e: {  	[tilespmem:s22+$0x105D0] =	vst v3;
	v3 =	vmul.f32 v9, v2;
	v9 =	vld [tilespmem:s22+$0x4560]  }
0x36f: {  	[tilespmem:s22+$0x10260] =	vst v4;
	v4 =	vmul.f32 v8, v2;
	v8 =	vld [tilespmem:s22+$0x45E0]  }
0x370: {  	[tilespmem:s22+$0x102E0] =	vst v3;
	v3 =	vmul.f32 v6, v2;
	v10 =	vld [tilespmem:s22+$0x4270]  }
.Ltmp4:
0x371: {  	[tilespmem:s22+$0x10360] =	vst v4;
	v4 =	vmul.f32 v5, v2;
	v6 =	vld [tilespmem:s22+$0x42F0];
	(pc) =	sbr.rel @p0 .LBB2_11-.Ltmp4, $4  }
0x372: {  	[tilespmem:s22+$0x103E0] =	vst v3;
	v5 =	vmul.f32 v7, v2;
	v3 =	vld [tilespmem:s22+$0x4370]  }
0x373: {  	[tilespmem:s22+$0x10460] =	vst v4;
	v7 =	vmul.f32 v9, v2;
	v4 =	vld [tilespmem:s22+$0x43F0]  }
0x374: {  	[tilespmem:s22+$0x104E0] =	vst v5;
	v9 =	vmul.f32 v8, v2;
	v5 =	vld [tilespmem:s22+$0x4470]  }
0x375: {  	s24 =	sadd.s32 $0x1000, s24;
	[tilespmem:s22+$0x10560] =	vst v7;
	v8 =	vmul.f32 v10, v2;
	v7 =	vld [tilespmem:s22+$0x44F0]  }
0x376: {  	[tilespmem:s22+$0x105E0] =	vst v9;
	v6 =	vmul.f32 v6, v2;
	v62 =	vld [tilespmem:s22+$0x4570]  }
0x377: {  	[tilespmem:s22+$0x10270] =	vst v8;
	v3 =	vmul.f32 v3, v2  }
0x378: {  	s16 =	sadd.s32 $0x1, s16;
	[tilespmem:s22+$0x102F0] =	vst v6;
	v4 =	vmul.f32 v4, v2  }
0x379: {  	p0 =	sne.s32 s16, $0x14;
	[tilespmem:s22+$0x10370] =	vst v3;
	v3 =	vmul.f32 v5, v2  }
.Ltmp5:
0x37a: {  	[tilespmem:s22+$0x103F0] =	vst v4;
	v63 =	vmul.f32 v7, v2;
	(pc) =	sbr.rel @p0 .LBB2_6-.Ltmp5, $4  }
0x37b: {  	s19 =	sadd.s32 s5, s19;
	[tilespmem:s22+$0x10470] =	vst v3;
	v3 =	vmul.f32 v62, v2  }
0x37c: {  	s19 =	sshll.u32 s19, $0x8;
	[tilespmem:s22+$0x104F0] =	vst v63  }
0x37d: {  	s28 =	simm.s32 $0x10200;
	s19 =	sadd.s32 s3, s19;
	[tilespmem:s22+$0x10570] =	vst v3  }
0x37e: {  	[hbm4b:s19+s4] =	stream.linear.scatter [tilespmem:s28], [sflag:$0x5], $0x4000, $0x38;
	[tilespmem:$0x18280] =	vst v63  }
0x37f: {  	_ =	swait.ge [sflag:s2], $0x4000  }
0x380: {  	[sflag:s2] =	ssyncset.done $0x0  }
0x381: {  	s24 =	simm.s32 $0x6;
	[sflag:s2] =	ssyncadd.s32 $0xFFFFC000  }
0x382: {  	_ =	swait.ge [sflag:s24], $0x4000  }
0x383: {  	[sflag:s24] =	ssyncset.done $0x0  }
0x384: {  	s16 =	simm.s32 $0x0;
	[sflag:s24] =	ssyncadd.s32 $0xFFFFC000  }
0x385: {  	v3 =	vld [tilespmem:s16+$0x8200]  }
0x386: {  	v4 =	vld [tilespmem:s16+$0x8280]  }
0x387: {  	v10 =	vld [tilespmem:s16+$0x85F0]  }
0x388: {  	v5 =	vld [tilespmem:s16+$0x8300]  }
0x389: {  	v6 =	vld [tilespmem:s16+$0x8380]  }
0x38a: {  	v7 =	vld [tilespmem:s16+$0x8400]  }
0x38b: {  	v14 =	vld [tilespmem:s16+$0x8390];
	v3 =	vmul.f32 v3, v2  }
0x38c: {  	v8 =	vld [tilespmem:s16+$0x8480];
	v10 =	vmul.f32 v10, v2  }
0x38d: {  	v11 =	vld [tilespmem:s16+$0x8210];
	v4 =	vmul.f32 v4, v2;
	[tilespmem:s16+$0x14200] =	vst v3  }
0x38e: {  	v9 =	vld [tilespmem:s16+$0x8500];
	v5 =	vmul.f32 v5, v2;
	[tilespmem:s16+$0x145F0] =	vst v10  }
0x38f: {  	v12 =	vld [tilespmem:s16+$0x8290];
	v6 =	vmul.f32 v6, v2;
	[tilespmem:s16+$0x14280] =	vst v4  }
0x390: {  	v13 =	vld [tilespmem:s16+$0x8310];
	v60 =	vmul.f32 v14, v2;
	[tilespmem:s16+$0x14300] =	vst v5  }
0x391: {  	v59 =	vld [tilespmem:s16+$0x8420];
	v5 =	vmul.f32 v7, v2;
	[tilespmem:s16+$0x14380] =	vst v6  }
0x392: {  	v3 =	vld [tilespmem:s16+$0x8580];
	v10 =	vmul.f32 v11, v2;
	[tilespmem:s16+$0x14390] =	vst v60  }
0x393: {  	v4 =	vld [tilespmem:s16+$0x8510];
	[tilespmem:s16+$0x14400] =	vst v5;
	v5 =	vmul.f32 v9, v2  }
0x394: {  	v6 =	vmul.f32 v8, v2;
	v8 =	vld [tilespmem:s16+$0x8220];
	[tilespmem:s16+$0x14210] =	vst v10  }
0x395: {  	v15 =	vld [tilespmem:s16+$0x8410];
	[tilespmem:s16+$0x14500] =	vst v5;
	v5 =	vmul.f32 v12, v2  }
0x396: {  	[tilespmem:s16+$0x14480] =	vst v6;
	v6 =	vld [tilespmem:s16+$0x8320];
	v12 =	vmul.f32 v59, v2  }
0x397: {  	v61 =	vld [tilespmem:s16+$0x85A0];
	v3 =	vmul.f32 v3, v2;
	[tilespmem:s16+$0x14290] =	vst v5  }
0x398: {  	v11 =	vld [tilespmem:s16+$0x8490];
	v4 =	vmul.f32 v4, v2;
	[tilespmem:s16+$0x14420] =	vst v12  }
0x399: {  	v9 =	vld [tilespmem:s16+$0x82A0];
	v5 =	vmul.f32 v8, v2;
	[tilespmem:s16+$0x14580] =	vst v3  }
0x39a: {  	v7 =	vld [tilespmem:s16+$0x8590];
	v3 =	vmul.f32 v13, v2;
	[tilespmem:s16+$0x14510] =	vst v4  }
0x39b: {  	v10 =	vld [tilespmem:s16+$0x83A0];
	v6 =	vmul.f32 v6, v2;
	[tilespmem:s16+$0x14220] =	vst v5  }
0x39c: {  	v5 =	vmul.f32 v15, v2;
	[tilespmem:s16+$0x14310] =	vst v3;
	v3 =	vld [tilespmem:s16+$0x8520]  }
0x39d: {  	v11 =	vmul.f32 v11, v2;
	[tilespmem:s16+$0x14320] =	vst v6;
	v6 =	vld [tilespmem:s16+$0x84B0]  }
0x39e: {  	v4 =	vmul.f32 v9, v2;
	[tilespmem:s16+$0x14410] =	vst v5;
	v5 =	vld [tilespmem:s16+$0x8230]  }
0x39f: {  	v7 =	vmul.f32 v7, v2;
	[tilespmem:s16+$0x14490] =	vst v11;
	v11 =	vld [tilespmem:s16+$0x82B0]  }
0x3a0: {  	v8 =	vld [tilespmem:s16+$0x84A0];
	[tilespmem:s16+$0x142A0] =	vst v4;
	v4 =	vmul.f32 v10, v2  }
0x3a1: {  	[tilespmem:s16+$0x14590] =	vst v7;
	v7 =	vld [tilespmem:s16+$0x83B0];
	v3 =	vmul.f32 v3, v2  }
0x3a2: {  	v62 =	vld [tilespmem:s16+$0x8240];
	[tilespmem:s16+$0x143A0] =	vst v4;
	v6 =	vmul.f32 v6, v2  }
0x3a3: {  	v9 =	vld [tilespmem:s16+$0x8330];
	v5 =	vmul.f32 v5, v2;
	[tilespmem:s16+$0x14520] =	vst v3  }
0x3a4: {  	v10 =	vld [tilespmem:s16+$0x8430];
	v3 =	vmul.f32 v11, v2;
	[tilespmem:s16+$0x144B0] =	vst v6  }
0x3a5: {  	v4 =	vld [tilespmem:s16+$0x8530];
	[tilespmem:s16+$0x14230] =	vst v5;
	v5 =	vmul.f32 v8, v2  }
0x3a6: {  	v8 =	vld [tilespmem:s16+$0x85B0];
	[tilespmem:s16+$0x142B0] =	vst v3;
	v3 =	vmul.f32 v7, v2  }
0x3a7: {  	[tilespmem:s16+$0x144A0] =	vst v5;
	v5 =	vmul.f32 v61, v2  }
0x3a8: {  	v11 =	vld [tilespmem:s16+$0x82C0];
	[tilespmem:s16+$0x143B0] =	vst v3;
	v3 =	vmul.f32 v62, v2  }
0x3a9: {  	[tilespmem:s16+$0x145A0] =	vst v5;
	v5 =	vmul.f32 v9, v2;
	v9 =	vld [tilespmem:s16+$0x8340]  }
0x3aa: {  	v7 =	vld [tilespmem:s16+$0x83C0];
	[tilespmem:s16+$0x14240] =	vst v3;
	v3 =	vmul.f32 v4, v2  }
0x3ab: {  	v4 =	vmul.f32 v8, v2;
	[tilespmem:s16+$0x14330] =	vst v5;
	v5 =	vmul.f32 v10, v2;
	v10 =	vld [tilespmem:s16+$0x8440]  }
0x3ac: {  	v63 =	vld [tilespmem:s16+$0x84C0];
	[tilespmem:s16+$0x14530] =	vst v3  }
0x3ad: {  	v8 =	vld [tilespmem:s16+$0x8250];
	v3 =	vmul.f32 v11, v2;
	[tilespmem:s16+$0x145B0] =	vst v4  }
0x3ae: {  	[tilespmem:s16+$0x14430] =	vst v5;
	v5 =	vld [tilespmem:s16+$0x8540];
	v4 =	vmul.f32 v9, v2  }
0x3af: {  	v6 =	vld [tilespmem:s16+$0x85C0];
	[tilespmem:s16+$0x142C0] =	vst v3;
	v3 =	vmul.f32 v7, v2  }
0x3b0: {  	v9 =	vld [tilespmem:s16+$0x82D0];
	[tilespmem:s16+$0x14340] =	vst v4;
	v4 =	vmul.f32 v10, v2  }
0x3b1: {  	v7 =	vld [tilespmem:s16+$0x8350];
	[tilespmem:s16+$0x143C0] =	vst v3;
	v3 =	vmul.f32 v63, v2  }
0x3b2: {  	v10 =	vld [tilespmem:s16+$0x83D0];
	[tilespmem:s16+$0x14440] =	vst v4;
	v4 =	vmul.f32 v8, v2  }
0x3b3: {  	v5 =	vmul.f32 v5, v2;
	[tilespmem:s16+$0x144C0] =	vst v3;
	v3 =	vld [tilespmem:s16+$0x8550]  }
0x3b4: {  	v11 =	vld [tilespmem:s16+$0x8450];
	[tilespmem:s16+$0x14250] =	vst v4;
	v4 =	vmul.f32 v6, v2  }
0x3b5: {  	v8 =	vld [tilespmem:s16+$0x84D0];
	[tilespmem:s16+$0x14540] =	vst v5;
	v5 =	vmul.f32 v9, v2  }
0x3b6: {  	v6 =	vld [tilespmem:s16+$0x85D0];
	[tilespmem:s16+$0x145C0] =	vst v4;
	v4 =	vmul.f32 v7, v2  }
0x3b7: {  	v7 =	vld [tilespmem:s16+$0x8260];
	[tilespmem:s16+$0x142D0] =	vst v5;
	v5 =	vmul.f32 v10, v2  }
0x3b8: {  	v9 =	vld [tilespmem:s16+$0x82E0];
	v3 =	vmul.f32 v3, v2;
	[tilespmem:s16+$0x14350] =	vst v4  }
0x3b9: {  	v10 =	vld [tilespmem:s16+$0x8360];
	v4 =	vmul.f32 v11, v2;
	[tilespmem:s16+$0x143D0] =	vst v5  }
0x3ba: {  	v5 =	vmul.f32 v8, v2;
	v8 =	vld [tilespmem:s16+$0x83E0];
	[tilespmem:s16+$0x14550] =	vst v3  }
0x3bb: {  	v6 =	vmul.f32 v6, v2;
	[tilespmem:s16+$0x14450] =	vst v4;
	v4 =	vld [tilespmem:s16+$0x8460]  }
0x3bc: {  	[tilespmem:s16+$0x144D0] =	vst v5;
	v5 =	vmul.f32 v7, v2;
	v7 =	vld [tilespmem:s16+$0x84E0]  }
0x3bd: {  	v11 =	vld [tilespmem:s16+$0x8560];
	v3 =	vmul.f32 v9, v2;
	[tilespmem:s16+$0x145D0] =	vst v6  }
0x3be: {  	v9 =	vld [tilespmem:s16+$0x85E0];
	[tilespmem:s16+$0x14260] =	vst v5;
	v5 =	vmul.f32 v10, v2  }
0x3bf: {  	[tilespmem:s16+$0x142E0] =	vst v3;
	v3 =	vmul.f32 v8, v2;
	v8 =	vld [tilespmem:s16+$0x8270]  }
0x3c0: {  	v6 =	vld [tilespmem:s16+$0x82F0];
	[tilespmem:s16+$0x14360] =	vst v5;
	v4 =	vmul.f32 v4, v2  }
0x3c1: {  	[tilespmem:s16+$0x143E0] =	vst v3;
	v3 =	vld [tilespmem:s16+$0x8370];
	v5 =	vmul.f32 v7, v2  }
0x3c2: {  	v7 =	vmul.f32 v11, v2;
	[tilespmem:s16+$0x14460] =	vst v4;
	v4 =	vld [tilespmem:s16+$0x83F0]  }
0x3c3: {  	v9 =	vmul.f32 v9, v2;
	[tilespmem:s16+$0x144E0] =	vst v5;
	v5 =	vld [tilespmem:s16+$0x8470]  }
0x3c4: {  	s19 =	simm.s32 $0x0;
	s22 =	simm.s32 $0x1000;
	[tilespmem:s16+$0x14560] =	vst v7;
	v8 =	vmul.f32 v8, v2;
	v7 =	vld [tilespmem:s16+$0x84F0]  }
.LBB2_14:
0x3c5: {  	s23 =	sshra.s32 s22, $0x2;
	s19 =	sadd.s32 $0x8, s19;
	[tilespmem:s16+$0x145E0] =	vst v9;
	v6 =	vmul.f32 v6, v2;
	v9 =	vld [tilespmem:s16+$0x8570]  }
0x3c6: {  	v10 =	vld [tilespmem:s23+$0x85F0];
	p0 =	slt.u32 s19, $0x78;
	[tilespmem:s16+$0x14270] =	vst v8;
	v3 =	vmul.f32 v3, v2  }
0x3c7: {  	v8 =	vld [tilespmem:s23+$0x8200];
	[tilespmem:s16+$0x142F0] =	vst v6;
	v4 =	vmul.f32 v4, v2  }
0x3c8: {  	v6 =	vld [tilespmem:s23+$0x8280];
	[tilespmem:s16+$0x14370] =	vst v3;
	v3 =	vmul.f32 v5, v2  }
0x3c9: {  	v5 =	vld [tilespmem:s23+$0x8300];
	[tilespmem:s16+$0x143F0] =	vst v4;
	v4 =	vmul.f32 v7, v2  }
0x3ca: {  	v7 =	vld [tilespmem:s23+$0x8380];
	[tilespmem:s16+$0x14470] =	vst v3;
	v3 =	vmul.f32 v9, v2  }
0x3cb: {  	v9 =	vld [tilespmem:s23+$0x8400];
	v10 =	vmul.f32 v10, v2;
	[tilespmem:s16+$0x144F0] =	vst v4  }
0x3cc: {  	v4 =	vmul.f32 v8, v2;
	v8 =	vld [tilespmem:s23+$0x8480];
	[tilespmem:s16+$0x14570] =	vst v3;
	s16 =	smov.u32 s23  }
0x3cd: {  	v3 =	vmul.f32 v6, v2;
	v6 =	vld [tilespmem:s16+$0x8500];
	[tilespmem:s16+$0x145F0] =	vst v10  }
0x3ce: {  	[tilespmem:s16+$0x14200] =	vst v4;
	v4 =	vmul.f32 v5, v2;
	v5 =	vld [tilespmem:s16+$0x8580]  }
0x3cf: {  	[tilespmem:s16+$0x14280] =	vst v3;
	v3 =	vmul.f32 v7, v2;
	v7 =	vld [tilespmem:s16+$0x8210]  }
0x3d0: {  	[tilespmem:s16+$0x14300] =	vst v4;
	v4 =	vmul.f32 v9, v2;
	v9 =	vld [tilespmem:s16+$0x8290]  }
0x3d1: {  	[tilespmem:s16+$0x14380] =	vst v3;
	v3 =	vmul.f32 v8, v2;
	v8 =	vld [tilespmem:s16+$0x8310]  }
0x3d2: {  	[tilespmem:s16+$0x14400] =	vst v4;
	v4 =	vmul.f32 v6, v2;
	v6 =	vld [tilespmem:s16+$0x8390]  }
0x3d3: {  	[tilespmem:s16+$0x14480] =	vst v3;
	v3 =	vmul.f32 v5, v2;
	v5 =	vld [tilespmem:s16+$0x8410]  }
0x3d4: {  	[tilespmem:s16+$0x14500] =	vst v4;
	v4 =	vmul.f32 v7, v2;
	v7 =	vld [tilespmem:s16+$0x8490]  }
0x3d5: {  	[tilespmem:s16+$0x14580] =	vst v3;
	v3 =	vmul.f32 v9, v2;
	v9 =	vld [tilespmem:s16+$0x8510]  }
0x3d6: {  	[tilespmem:s16+$0x14210] =	vst v4;
	v4 =	vmul.f32 v8, v2;
	v8 =	vld [tilespmem:s16+$0x8590]  }
0x3d7: {  	[tilespmem:s16+$0x14290] =	vst v3;
	v3 =	vmul.f32 v6, v2;
	v6 =	vld [tilespmem:s16+$0x8220]  }
0x3d8: {  	[tilespmem:s16+$0x14310] =	vst v4;
	v4 =	vmul.f32 v5, v2;
	v5 =	vld [tilespmem:s16+$0x82A0]  }
0x3d9: {  	[tilespmem:s16+$0x14390] =	vst v3;
	v3 =	vmul.f32 v7, v2;
	v7 =	vld [tilespmem:s16+$0x8320]  }
0x3da: {  	[tilespmem:s16+$0x14410] =	vst v4;
	v4 =	vmul.f32 v9, v2;
	v9 =	vld [tilespmem:s16+$0x83A0]  }
0x3db: {  	[tilespmem:s16+$0x14490] =	vst v3;
	v3 =	vmul.f32 v8, v2;
	v8 =	vld [tilespmem:s16+$0x8420]  }
0x3dc: {  	[tilespmem:s16+$0x14510] =	vst v4;
	v4 =	vmul.f32 v6, v2;
	v6 =	vld [tilespmem:s16+$0x84A0]  }
0x3dd: {  	[tilespmem:s16+$0x14590] =	vst v3;
	v3 =	vmul.f32 v5, v2;
	v5 =	vld [tilespmem:s16+$0x8520]  }
0x3de: {  	[tilespmem:s16+$0x14220] =	vst v4;
	v4 =	vmul.f32 v7, v2;
	v7 =	vld [tilespmem:s16+$0x85A0]  }
0x3df: {  	[tilespmem:s16+$0x142A0] =	vst v3;
	v3 =	vmul.f32 v9, v2;
	v9 =	vld [tilespmem:s16+$0x8230]  }
0x3e0: {  	[tilespmem:s16+$0x14320] =	vst v4;
	v4 =	vmul.f32 v8, v2;
	v8 =	vld [tilespmem:s16+$0x82B0]  }
0x3e1: {  	[tilespmem:s16+$0x143A0] =	vst v3;
	v3 =	vmul.f32 v6, v2;
	v6 =	vld [tilespmem:s16+$0x8330]  }
0x3e2: {  	[tilespmem:s16+$0x14420] =	vst v4;
	v4 =	vmul.f32 v5, v2;
	v5 =	vld [tilespmem:s16+$0x83B0]  }
0x3e3: {  	[tilespmem:s16+$0x144A0] =	vst v3;
	v3 =	vmul.f32 v7, v2;
	v7 =	vld [tilespmem:s16+$0x8430]  }
0x3e4: {  	[tilespmem:s16+$0x14520] =	vst v4;
	v4 =	vmul.f32 v9, v2;
	v9 =	vld [tilespmem:s16+$0x84B0]  }
0x3e5: {  	[tilespmem:s16+$0x145A0] =	vst v3;
	v3 =	vmul.f32 v8, v2;
	v8 =	vld [tilespmem:s16+$0x8530]  }
0x3e6: {  	[tilespmem:s16+$0x14230] =	vst v4;
	v4 =	vmul.f32 v6, v2;
	v6 =	vld [tilespmem:s16+$0x85B0]  }
0x3e7: {  	[tilespmem:s16+$0x142B0] =	vst v3;
	v3 =	vmul.f32 v5, v2;
	v5 =	vld [tilespmem:s16+$0x8240]  }
0x3e8: {  	[tilespmem:s16+$0x14330] =	vst v4;
	v4 =	vmul.f32 v7, v2;
	v7 =	vld [tilespmem:s16+$0x82C0]  }
0x3e9: {  	[tilespmem:s16+$0x143B0] =	vst v3;
	v3 =	vmul.f32 v9, v2;
	v9 =	vld [tilespmem:s16+$0x8340]  }
0x3ea: {  	[tilespmem:s16+$0x14430] =	vst v4;
	v4 =	vmul.f32 v8, v2;
	v8 =	vld [tilespmem:s16+$0x83C0]  }
0x3eb: {  	[tilespmem:s16+$0x144B0] =	vst v3;
	v3 =	vmul.f32 v6, v2;
	v6 =	vld [tilespmem:s16+$0x8440]  }
0x3ec: {  	[tilespmem:s16+$0x14530] =	vst v4;
	v4 =	vmul.f32 v5, v2;
	v5 =	vld [tilespmem:s16+$0x84C0]  }
0x3ed: {  	[tilespmem:s16+$0x145B0] =	vst v3;
	v3 =	vmul.f32 v7, v2;
	v7 =	vld [tilespmem:s16+$0x8540]  }
0x3ee: {  	[tilespmem:s16+$0x14240] =	vst v4;
	v4 =	vmul.f32 v9, v2;
	v9 =	vld [tilespmem:s16+$0x85C0]  }
0x3ef: {  	[tilespmem:s16+$0x142C0] =	vst v3;
	v3 =	vmul.f32 v8, v2;
	v8 =	vld [tilespmem:s16+$0x8250]  }
0x3f0: {  	[tilespmem:s16+$0x14340] =	vst v4;
	v4 =	vmul.f32 v6, v2;
	v6 =	vld [tilespmem:s16+$0x82D0]  }
0x3f1: {  	[tilespmem:s16+$0x143C0] =	vst v3;
	v3 =	vmul.f32 v5, v2;
	v5 =	vld [tilespmem:s16+$0x8350]  }
0x3f2: {  	[tilespmem:s16+$0x14440] =	vst v4;
	v4 =	vmul.f32 v7, v2;
	v7 =	vld [tilespmem:s16+$0x83D0]  }
0x3f3: {  	[tilespmem:s16+$0x144C0] =	vst v3;
	v3 =	vmul.f32 v9, v2;
	v9 =	vld [tilespmem:s16+$0x8450]  }
0x3f4: {  	[tilespmem:s16+$0x14540] =	vst v4;
	v4 =	vmul.f32 v8, v2;
	v8 =	vld [tilespmem:s16+$0x84D0]  }
0x3f5: {  	[tilespmem:s16+$0x145C0] =	vst v3;
	v3 =	vmul.f32 v6, v2;
	v6 =	vld [tilespmem:s16+$0x8550]  }
0x3f6: {  	[tilespmem:s16+$0x14250] =	vst v4;
	v4 =	vmul.f32 v5, v2;
	v5 =	vld [tilespmem:s16+$0x85D0]  }
0x3f7: {  	[tilespmem:s16+$0x142D0] =	vst v3;
	v3 =	vmul.f32 v7, v2;
	v7 =	vld [tilespmem:s16+$0x8260]  }
0x3f8: {  	[tilespmem:s16+$0x14350] =	vst v4;
	v4 =	vmul.f32 v9, v2;
	v9 =	vld [tilespmem:s16+$0x82E0]  }
0x3f9: {  	[tilespmem:s16+$0x143D0] =	vst v3;
	v3 =	vmul.f32 v8, v2;
	v8 =	vld [tilespmem:s16+$0x8360]  }
0x3fa: {  	[tilespmem:s16+$0x14450] =	vst v4;
	v4 =	vmul.f32 v6, v2;
	v6 =	vld [tilespmem:s16+$0x83E0]  }
0x3fb: {  	[tilespmem:s16+$0x144D0] =	vst v3;
	v3 =	vmul.f32 v5, v2;
	v5 =	vld [tilespmem:s16+$0x8460]  }
0x3fc: {  	[tilespmem:s16+$0x14550] =	vst v4;
	v4 =	vmul.f32 v7, v2;
	v7 =	vld [tilespmem:s16+$0x84E0]  }
0x3fd: {  	[tilespmem:s16+$0x145D0] =	vst v3;
	v3 =	vmul.f32 v9, v2;
	v9 =	vld [tilespmem:s16+$0x8560]  }
0x3fe: {  	[tilespmem:s16+$0x14260] =	vst v4;
	v4 =	vmul.f32 v8, v2;
	v8 =	vld [tilespmem:s16+$0x85E0]  }
0x3ff: {  	[tilespmem:s16+$0x142E0] =	vst v3;
	v3 =	vmul.f32 v6, v2;
	v10 =	vld [tilespmem:s16+$0x8270]  }
.Ltmp6:
0x400: {  	[tilespmem:s16+$0x14360] =	vst v4;
	v4 =	vmul.f32 v5, v2;
	v6 =	vld [tilespmem:s16+$0x82F0];
	(pc) =	sbr.rel @p0 .LBB2_14-.Ltmp6, $4  }
0x401: {  	[tilespmem:s16+$0x143E0] =	vst v3;
	v5 =	vmul.f32 v7, v2;
	v3 =	vld [tilespmem:s16+$0x8370]  }
0x402: {  	[tilespmem:s16+$0x14460] =	vst v4;
	v7 =	vmul.f32 v9, v2;
	v4 =	vld [tilespmem:s16+$0x83F0]  }
0x403: {  	[tilespmem:s16+$0x144E0] =	vst v5;
	v9 =	vmul.f32 v8, v2;
	v5 =	vld [tilespmem:s16+$0x8470]  }
0x404: {  	s22 =	sadd.s32 $0x1000, s22;
	[tilespmem:s16+$0x14560] =	vst v7;
	v8 =	vmul.f32 v10, v2;
	v7 =	vld [tilespmem:s16+$0x84F0]  }
0x405: {  	[tilespmem:s16+$0x145E0] =	vst v9;
	v6 =	vmul.f32 v6, v2;
	v9 =	vld [tilespmem:s16+$0x8570]  }
0x406: {  	[tilespmem:s16+$0x14270] =	vst v8;
	v3 =	vmul.f32 v3, v2  }
0x407: {  	[tilespmem:s16+$0x142F0] =	vst v6;
	v4 =	vmul.f32 v4, v2  }
0x408: {  	[tilespmem:s16+$0x14370] =	vst v3;
	v3 =	vmul.f32 v5, v2  }
0x409: {  	[tilespmem:s16+$0x143F0] =	vst v4;
	v4 =	vmul.f32 v7, v2  }
0x40a: {  	[tilespmem:s16+$0x14470] =	vst v3;
	v3 =	vmul.f32 v9, v2  }
0x40b: {  	[tilespmem:s16+$0x144F0] =	vst v4  }
0x40c: {  	[tilespmem:s16+$0x14570] =	vst v3  }
0x40d: {  	s19 =	simm.s32 $0x14200;
	s16 =	rddreg [dreg:$0x9]  }
0x40e: {  	[hbm4b:s16+s4] =	stream.linear.scatter [tilespmem:s19], [sflag:$0x6], $0x4000, $0x38;
	[tilespmem:$0x18280] =	vst v63  }
0x40f: {  	_ =	swait.ge [sflag:s20], $0x4000  }
0x410: {  	[sflag:s20] =	ssyncset.done $0x0  }
0x411: {  	[sflag:s20] =	ssyncadd.s32 $0xFFFFC000  }
0x412: {  	_ =	swait.ge [sflag:s6], $0x4000  }
0x413: {  	[sflag:s6] =	ssyncset.done $0x0  }
0x414: {  	s22 =	simm.s32 $0x400;
	[sflag:s6] =	ssyncadd.s32 $0xFFFFC000  }
0x415: {  	v3 =	vld [tilespmem:s22+$0xFFFFFE70]  }
0x416: {  	v4 =	vld [tilespmem:s22+$0xFFFFFE10]  }
0x417: {  	v5 =	vld [tilespmem:s22+$0xFFFFFE20]  }
0x418: {  	v6 =	vld [tilespmem:s22+$0xFFFFFE30]  }
0x419: {  	v7 =	vld [tilespmem:s22+$0xFFFFFE40]  }
0x41a: {  	v8 =	vld [tilespmem:s22+$0xFFFFFE50];
	v3 =	vmul.f32 v3, v2  }
0x41b: {  	s16 =	simm.s32 $0xC400;
	v9 =	vld [tilespmem:s22+$0xFFFFFE60];
	v4 =	vmul.f32 v4, v2  }
0x41c: {  	v10 =	vld [tilespmem:s22+$0xFFFFFE00];
	v5 =	vmul.f32 v5, v2;
	[tilespmem:s16+$0xFFFFFE70] =	vst v3  }
0x41d: {  	[tilespmem:s16+$0xFFFFFE10] =	vst v4;
	v3 =	vmul.f32 v6, v2;
	v4 =	vld [tilespmem:s22+$0xFFFFFEF0]  }
0x41e: {  	[tilespmem:s16+$0xFFFFFE20] =	vst v5;
	v5 =	vmul.f32 v7, v2;
	v6 =	vld [tilespmem:s22+$0xFFFFFE90]  }
0x41f: {  	v7 =	vld [tilespmem:s22+$0xFFFFFEA0];
	[tilespmem:s16+$0xFFFFFE30] =	vst v3;
	v3 =	vmul.f32 v8, v2  }
0x420: {  	[tilespmem:s16+$0xFFFFFE40] =	vst v5;
	v5 =	vmul.f32 v9, v2;
	v8 =	vld [tilespmem:s22+$0xFFFFFEB0]  }
0x421: {  	v9 =	vmul.f32 v10, v2;
	v10 =	vld [tilespmem:s22+$0xFFFFFEC0];
	[tilespmem:s16+$0xFFFFFE50] =	vst v3  }
0x422: {  	[tilespmem:s16+$0xFFFFFE60] =	vst v5;
	v3 =	vld [tilespmem:s22+$0xFFFFFED0];
	v4 =	vmul.f32 v4, v2  }
0x423: {  	[tilespmem:s16+$0xFFFFFE00] =	vst v9;
	v5 =	vmul.f32 v6, v2;
	v6 =	vld [tilespmem:s22+$0xFFFFFEE0]  }
0x424: {  	v9 =	vld [tilespmem:s22+$0xFFFFFE80];
	v7 =	vmul.f32 v7, v2;
	[tilespmem:s16+$0xFFFFFEF0] =	vst v4  }
0x425: {  	[tilespmem:s16+$0xFFFFFE90] =	vst v5;
	v4 =	vmul.f32 v8, v2;
	v5 =	vld [tilespmem:s22+$0xFFFFFF70]  }
0x426: {  	[tilespmem:s16+$0xFFFFFEA0] =	vst v7;
	v7 =	vmul.f32 v10, v2;
	v8 =	vld [tilespmem:s22+$0xFFFFFF10]  }
0x427: {  	v10 =	vld [tilespmem:s22+$0xFFFFFF20];
	[tilespmem:s16+$0xFFFFFEB0] =	vst v4;
	v3 =	vmul.f32 v3, v2  }
0x428: {  	[tilespmem:s16+$0xFFFFFEC0] =	vst v7;
	v4 =	vld [tilespmem:s22+$0xFFFFFF30];
	v6 =	vmul.f32 v6, v2  }
0x429: {  	v7 =	vmul.f32 v9, v2;
	v9 =	vld [tilespmem:s22+$0xFFFFFF40];
	[tilespmem:s16+$0xFFFFFED0] =	vst v3  }
0x42a: {  	v3 =	vld [tilespmem:s22+$0xFFFFFF50];
	[tilespmem:s16+$0xFFFFFEE0] =	vst v6;
	v5 =	vmul.f32 v5, v2  }
0x42b: {  	[tilespmem:s16+$0xFFFFFE80] =	vst v7;
	v6 =	vmul.f32 v8, v2;
	v7 =	vld [tilespmem:s22+$0xFFFFFF60]  }
0x42c: {  	v8 =	vld [tilespmem:s22+$0xFFFFFF00];
	v10 =	vmul.f32 v10, v2;
	[tilespmem:s16+$0xFFFFFF70] =	vst v5  }
0x42d: {  	[tilespmem:s16+$0xFFFFFF10] =	vst v6;
	v4 =	vmul.f32 v4, v2;
	v5 =	vld [tilespmem:s22+$0xFFFFFFF0]  }
0x42e: {  	[tilespmem:s16+$0xFFFFFF20] =	vst v10;
	v9 =	vmul.f32 v9, v2;
	v6 =	vld [tilespmem:s22+$0xFFFFFF90]  }
0x42f: {  	v10 =	vld [tilespmem:s22+$0xFFFFFFA0];
	[tilespmem:s16+$0xFFFFFF30] =	vst v4;
	v3 =	vmul.f32 v3, v2  }
0x430: {  	[tilespmem:s16+$0xFFFFFF40] =	vst v9;
	v4 =	vld [tilespmem:s22+$0xFFFFFFB0];
	v7 =	vmul.f32 v7, v2  }
0x431: {  	v8 =	vmul.f32 v8, v2;
	v9 =	vld [tilespmem:s22+$0xFFFFFFC0];
	[tilespmem:s16+$0xFFFFFF50] =	vst v3  }
0x432: {  	v3 =	vld [tilespmem:s22+$0xFFFFFFD0];
	[tilespmem:s16+$0xFFFFFF60] =	vst v7;
	v5 =	vmul.f32 v5, v2  }
0x433: {  	[tilespmem:s16+$0xFFFFFF00] =	vst v8;
	v6 =	vmul.f32 v6, v2;
	v7 =	vld [tilespmem:s22+$0xFFFFFFE0]  }
0x434: {  	v8 =	vld [tilespmem:s22+$0xFFFFFF80];
	v10 =	vmul.f32 v10, v2;
	[tilespmem:s16+$0xFFFFFFF0] =	vst v5  }
0x435: {  	[tilespmem:s16+$0xFFFFFF90] =	vst v6;
	v4 =	vmul.f32 v4, v2;
	v5 =	vld [tilespmem:s22+$0x70]  }
0x436: {  	[tilespmem:s16+$0xFFFFFFA0] =	vst v10;
	v9 =	vmul.f32 v9, v2;
	v6 =	vld [tilespmem:s22+$0x10]  }
0x437: {  	v10 =	vld [tilespmem:s22+$0x20];
	[tilespmem:s16+$0xFFFFFFB0] =	vst v4;
	v3 =	vmul.f32 v3, v2  }
0x438: {  	[tilespmem:s16+$0xFFFFFFC0] =	vst v9;
	v4 =	vld [tilespmem:s22+$0x30];
	v7 =	vmul.f32 v7, v2  }
0x439: {  	v8 =	vmul.f32 v8, v2;
	v9 =	vld [tilespmem:s22+$0x40];
	[tilespmem:s16+$0xFFFFFFD0] =	vst v3  }
0x43a: {  	v3 =	vld [tilespmem:s22+$0x50];
	[tilespmem:s16+$0xFFFFFFE0] =	vst v7;
	v5 =	vmul.f32 v5, v2  }
0x43b: {  	[tilespmem:s16+$0xFFFFFF80] =	vst v8;
	v6 =	vmul.f32 v6, v2;
	v7 =	vld [tilespmem:s22+$0x60]  }
0x43c: {  	v8 =	vld [tilespmem:s22+$0x0];
	v10 =	vmul.f32 v10, v2;
	[tilespmem:s16+$0x70] =	vst v5  }
0x43d: {  	[tilespmem:s16+$0x10] =	vst v6;
	v4 =	vmul.f32 v4, v2;
	v5 =	vld [tilespmem:s22+$0xF0]  }
0x43e: {  	[tilespmem:s16+$0x20] =	vst v10;
	v9 =	vmul.f32 v9, v2;
	v6 =	vld [tilespmem:s22+$0x90]  }
0x43f: {  	v10 =	vld [tilespmem:s22+$0xA0];
	[tilespmem:s16+$0x30] =	vst v4;
	v3 =	vmul.f32 v3, v2  }
0x440: {  	[tilespmem:s16+$0x40] =	vst v9;
	v4 =	vld [tilespmem:s22+$0xB0];
	v7 =	vmul.f32 v7, v2  }
0x441: {  	v8 =	vmul.f32 v8, v2;
	v9 =	vld [tilespmem:s22+$0xC0];
	[tilespmem:s16+$0x50] =	vst v3  }
0x442: {  	v3 =	vld [tilespmem:s22+$0xD0];
	[tilespmem:s16+$0x60] =	vst v7;
	v5 =	vmul.f32 v5, v2  }
0x443: {  	[tilespmem:s16+$0x0] =	vst v8;
	v6 =	vmul.f32 v6, v2;
	v7 =	vld [tilespmem:s22+$0xE0]  }
0x444: {  	v8 =	vld [tilespmem:s22+$0x80];
	v10 =	vmul.f32 v10, v2;
	[tilespmem:s16+$0xF0] =	vst v5  }
0x445: {  	[tilespmem:s16+$0x90] =	vst v6;
	v4 =	vmul.f32 v4, v2;
	v5 =	vld [tilespmem:s22+$0x170]  }
0x446: {  	[tilespmem:s16+$0xA0] =	vst v10;
	v9 =	vmul.f32 v9, v2;
	v6 =	vld [tilespmem:s22+$0x110]  }
0x447: {  	v10 =	vld [tilespmem:s22+$0x120];
	[tilespmem:s16+$0xB0] =	vst v4;
	v3 =	vmul.f32 v3, v2  }
0x448: {  	[tilespmem:s16+$0xC0] =	vst v9;
	v4 =	vld [tilespmem:s22+$0x130];
	v7 =	vmul.f32 v7, v2  }
0x449: {  	v8 =	vmul.f32 v8, v2;
	v9 =	vld [tilespmem:s22+$0x140];
	[tilespmem:s16+$0xD0] =	vst v3  }
0x44a: {  	v3 =	vld [tilespmem:s22+$0x150];
	[tilespmem:s16+$0xE0] =	vst v7;
	v5 =	vmul.f32 v5, v2  }
0x44b: {  	[tilespmem:s16+$0x80] =	vst v8;
	v6 =	vmul.f32 v6, v2;
	v7 =	vld [tilespmem:s22+$0x160]  }
0x44c: {  	v8 =	vld [tilespmem:s22+$0x100];
	v10 =	vmul.f32 v10, v2;
	[tilespmem:s16+$0x170] =	vst v5  }
0x44d: {  	[tilespmem:s16+$0x110] =	vst v6;
	v4 =	vmul.f32 v4, v2;
	v6 =	vld [tilespmem:s22+$0x1F0]  }
0x44e: {  	[tilespmem:s16+$0x120] =	vst v10;
	v5 =	vmul.f32 v9, v2;
	v11 =	vld [tilespmem:s22+$0x190]  }
0x44f: {  	v10 =	vld [tilespmem:s22+$0x1A0];
	[tilespmem:s16+$0x130] =	vst v4;
	v4 =	vmul.f32 v3, v2  }
0x450: {  	[tilespmem:s16+$0x140] =	vst v5;
	v3 =	vld [tilespmem:s22+$0x1B0];
	v7 =	vmul.f32 v7, v2  }
0x451: {  	v8 =	vmul.f32 v8, v2;
	v5 =	vld [tilespmem:s22+$0x1C0];
	[tilespmem:s16+$0x150] =	vst v4  }
0x452: {  	v4 =	vld [tilespmem:s22+$0x1D0];
	[tilespmem:s16+$0x160] =	vst v7;
	v12 =	vmul.f32 v6, v2  }
0x453: {  	[tilespmem:s16+$0x100] =	vst v8;
	v6 =	vld [tilespmem:s22+$0x1E0];
	v9 =	vmul.f32 v11, v2  }
0x454: {  	s19 =	simm.s32 $0x0;
	v7 =	vld [tilespmem:s22+$0x180];
	v8 =	vmul.f32 v10, v2;
	s22 =	simm.s32 $0x800;
	[tilespmem:s16+$0x1F0] =	vst v12  }
.LBB2_16:
0x455: {  	v10 =	vld [tilespmem:s22+$0xFFFFFE70];
	s19 =	sadd.s32 $0x8, s19;
	[tilespmem:s16+$0x190] =	vst v9;
	v3 =	vmul.f32 v3, v2  }
0x456: {  	v9 =	vld [tilespmem:s22+$0xFFFFFE10];
	p0 =	slt.u32 s19, $0x78;
	[tilespmem:s16+$0x1A0] =	vst v8;
	v5 =	vmul.f32 v5, v2  }
0x457: {  	v8 =	vld [tilespmem:s22+$0xFFFFFE20];
	[tilespmem:s16+$0x1B0] =	vst v3;
	v3 =	vmul.f32 v4, v2  }
0x458: {  	v4 =	vld [tilespmem:s22+$0xFFFFFE30];
	[tilespmem:s16+$0x1C0] =	vst v5;
	v5 =	vmul.f32 v6, v2  }
0x459: {  	v6 =	vld [tilespmem:s22+$0xFFFFFE40];
	v7 =	vmul.f32 v7, v2;
	[tilespmem:s16+$0x1D0] =	vst v3  }
0x45a: {  	v3 =	vld [tilespmem:s22+$0xFFFFFE50];
	v10 =	vmul.f32 v10, v2;
	[tilespmem:s16+$0x1E0] =	vst v5  }
0x45b: {  	v5 =	vmul.f32 v9, v2;
	v9 =	vld [tilespmem:s22+$0xFFFFFE60];
	[tilespmem:s16+$0x180] =	vst v7;
	s16 =	sadd.s32 $0x400, s16  }
0x45c: {  	v7 =	vld [tilespmem:s22+$0xFFFFFE00];
	v8 =	vmul.f32 v8, v2;
	[tilespmem:s16+$0xFFFFFE70] =	vst v10  }
0x45d: {  	[tilespmem:s16+$0xFFFFFE10] =	vst v5;
	v4 =	vmul.f32 v4, v2;
	v5 =	vld [tilespmem:s22+$0xFFFFFEF0]  }
0x45e: {  	v10 =	vld [tilespmem:s22+$0xFFFFFE90];
	[tilespmem:s16+$0xFFFFFE20] =	vst v8;
	v6 =	vmul.f32 v6, v2  }
0x45f: {  	v8 =	vld [tilespmem:s22+$0xFFFFFEA0];
	[tilespmem:s16+$0xFFFFFE30] =	vst v4;
	v3 =	vmul.f32 v3, v2  }
0x460: {  	v4 =	vld [tilespmem:s22+$0xFFFFFEB0];
	[tilespmem:s16+$0xFFFFFE40] =	vst v6;
	v6 =	vmul.f32 v9, v2  }
0x461: {  	v7 =	vmul.f32 v7, v2;
	v9 =	vld [tilespmem:s22+$0xFFFFFEC0];
	[tilespmem:s16+$0xFFFFFE50] =	vst v3  }
0x462: {  	v3 =	vld [tilespmem:s22+$0xFFFFFED0];
	[tilespmem:s16+$0xFFFFFE60] =	vst v6;
	v5 =	vmul.f32 v5, v2  }
0x463: {  	[tilespmem:s16+$0xFFFFFE00] =	vst v7;
	v6 =	vmul.f32 v10, v2;
	v7 =	vld [tilespmem:s22+$0xFFFFFEE0]  }
0x464: {  	v10 =	vld [tilespmem:s22+$0xFFFFFE80];
	v8 =	vmul.f32 v8, v2;
	[tilespmem:s16+$0xFFFFFEF0] =	vst v5  }
0x465: {  	[tilespmem:s16+$0xFFFFFE90] =	vst v6;
	v4 =	vmul.f32 v4, v2;
	v5 =	vld [tilespmem:s22+$0xFFFFFF70]  }
0x466: {  	v6 =	vld [tilespmem:s22+$0xFFFFFF10];
	[tilespmem:s16+$0xFFFFFEA0] =	vst v8;
	v8 =	vmul.f32 v9, v2  }
0x467: {  	v9 =	vld [tilespmem:s22+$0xFFFFFF20];
	[tilespmem:s16+$0xFFFFFEB0] =	vst v4;
	v3 =	vmul.f32 v3, v2  }
0x468: {  	v4 =	vld [tilespmem:s22+$0xFFFFFF30];
	[tilespmem:s16+$0xFFFFFEC0] =	vst v8;
	v7 =	vmul.f32 v7, v2  }
0x469: {  	v8 =	vmul.f32 v10, v2;
	v10 =	vld [tilespmem:s22+$0xFFFFFF40];
	[tilespmem:s16+$0xFFFFFED0] =	vst v3  }
0x46a: {  	v3 =	vld [tilespmem:s22+$0xFFFFFF50];
	[tilespmem:s16+$0xFFFFFEE0] =	vst v7;
	v5 =	vmul.f32 v5, v2  }
0x46b: {  	[tilespmem:s16+$0xFFFFFE80] =	vst v8;
	v6 =	vmul.f32 v6, v2;
	v7 =	vld [tilespmem:s22+$0xFFFFFF60]  }
0x46c: {  	v8 =	vld [tilespmem:s22+$0xFFFFFF00];
	v9 =	vmul.f32 v9, v2;
	[tilespmem:s16+$0xFFFFFF70] =	vst v5  }
0x46d: {  	[tilespmem:s16+$0xFFFFFF10] =	vst v6;
	v4 =	vmul.f32 v4, v2;
	v5 =	vld [tilespmem:s22+$0xFFFFFFF0]  }
0x46e: {  	v6 =	vld [tilespmem:s22+$0xFFFFFF90];
	[tilespmem:s16+$0xFFFFFF20] =	vst v9;
	v9 =	vmul.f32 v10, v2  }
0x46f: {  	v10 =	vld [tilespmem:s22+$0xFFFFFFA0];
	[tilespmem:s16+$0xFFFFFF30] =	vst v4;
	v3 =	vmul.f32 v3, v2  }
0x470: {  	v4 =	vld [tilespmem:s22+$0xFFFFFFB0];
	[tilespmem:s16+$0xFFFFFF40] =	vst v9;
	v7 =	vmul.f32 v7, v2  }
0x471: {  	v8 =	vmul.f32 v8, v2;
	v9 =	vld [tilespmem:s22+$0xFFFFFFC0];
	[tilespmem:s16+$0xFFFFFF50] =	vst v3  }
0x472: {  	v3 =	vld [tilespmem:s22+$0xFFFFFFD0];
	[tilespmem:s16+$0xFFFFFF60] =	vst v7;
	v5 =	vmul.f32 v5, v2  }
0x473: {  	[tilespmem:s16+$0xFFFFFF00] =	vst v8;
	v6 =	vmul.f32 v6, v2;
	v7 =	vld [tilespmem:s22+$0xFFFFFFE0]  }
0x474: {  	v8 =	vld [tilespmem:s22+$0xFFFFFF80];
	v10 =	vmul.f32 v10, v2;
	[tilespmem:s16+$0xFFFFFFF0] =	vst v5  }
0x475: {  	[tilespmem:s16+$0xFFFFFF90] =	vst v6;
	v4 =	vmul.f32 v4, v2;
	v5 =	vld [tilespmem:s22+$0x70]  }
0x476: {  	v6 =	vld [tilespmem:s22+$0x10];
	[tilespmem:s16+$0xFFFFFFA0] =	vst v10;
	v9 =	vmul.f32 v9, v2  }
0x477: {  	v10 =	vld [tilespmem:s22+$0x20];
	[tilespmem:s16+$0xFFFFFFB0] =	vst v4;
	v3 =	vmul.f32 v3, v2  }
0x478: {  	v4 =	vld [tilespmem:s22+$0x30];
	[tilespmem:s16+$0xFFFFFFC0] =	vst v9;
	v7 =	vmul.f32 v7, v2  }
0x479: {  	v8 =	vmul.f32 v8, v2;
	v9 =	vld [tilespmem:s22+$0x40];
	[tilespmem:s16+$0xFFFFFFD0] =	vst v3  }
0x47a: {  	v3 =	vld [tilespmem:s22+$0x50];
	[tilespmem:s16+$0xFFFFFFE0] =	vst v7;
	v5 =	vmul.f32 v5, v2  }
0x47b: {  	[tilespmem:s16+$0xFFFFFF80] =	vst v8;
	v6 =	vmul.f32 v6, v2;
	v7 =	vld [tilespmem:s22+$0x60]  }
0x47c: {  	v8 =	vld [tilespmem:s22+$0x0];
	v10 =	vmul.f32 v10, v2;
	[tilespmem:s16+$0x70] =	vst v5  }
0x47d: {  	[tilespmem:s16+$0x10] =	vst v6;
	v4 =	vmul.f32 v4, v2;
	v5 =	vld [tilespmem:s22+$0xF0]  }
0x47e: {  	v6 =	vld [tilespmem:s22+$0x90];
	[tilespmem:s16+$0x20] =	vst v10;
	v9 =	vmul.f32 v9, v2  }
0x47f: {  	v10 =	vld [tilespmem:s22+$0xA0];
	[tilespmem:s16+$0x30] =	vst v4;
	v3 =	vmul.f32 v3, v2  }
0x480: {  	v4 =	vld [tilespmem:s22+$0xB0];
	[tilespmem:s16+$0x40] =	vst v9;
	v7 =	vmul.f32 v7, v2  }
0x481: {  	v8 =	vmul.f32 v8, v2;
	v9 =	vld [tilespmem:s22+$0xC0];
	[tilespmem:s16+$0x50] =	vst v3  }
0x482: {  	v3 =	vld [tilespmem:s22+$0xD0];
	[tilespmem:s16+$0x60] =	vst v7;
	v5 =	vmul.f32 v5, v2  }
0x483: {  	[tilespmem:s16+$0x0] =	vst v8;
	v6 =	vmul.f32 v6, v2;
	v7 =	vld [tilespmem:s22+$0xE0]  }
0x484: {  	v8 =	vld [tilespmem:s22+$0x80];
	v10 =	vmul.f32 v10, v2;
	[tilespmem:s16+$0xF0] =	vst v5  }
0x485: {  	[tilespmem:s16+$0x90] =	vst v6;
	v4 =	vmul.f32 v4, v2;
	v5 =	vld [tilespmem:s22+$0x170]  }
0x486: {  	v6 =	vld [tilespmem:s22+$0x110];
	[tilespmem:s16+$0xA0] =	vst v10;
	v9 =	vmul.f32 v9, v2  }
0x487: {  	v10 =	vld [tilespmem:s22+$0x120];
	[tilespmem:s16+$0xB0] =	vst v4;
	v3 =	vmul.f32 v3, v2  }
0x488: {  	v4 =	vld [tilespmem:s22+$0x130];
	[tilespmem:s16+$0xC0] =	vst v9;
	v7 =	vmul.f32 v7, v2  }
0x489: {  	v8 =	vmul.f32 v8, v2;
	v9 =	vld [tilespmem:s22+$0x140];
	[tilespmem:s16+$0xD0] =	vst v3  }
0x48a: {  	v3 =	vld [tilespmem:s22+$0x150];
	[tilespmem:s16+$0xE0] =	vst v7;
	v5 =	vmul.f32 v5, v2  }
0x48b: {  	[tilespmem:s16+$0x80] =	vst v8;
	v6 =	vmul.f32 v6, v2;
	v7 =	vld [tilespmem:s22+$0x160]  }
0x48c: {  	v8 =	vld [tilespmem:s22+$0x100];
	v10 =	vmul.f32 v10, v2;
	[tilespmem:s16+$0x170] =	vst v5  }
0x48d: {  	[tilespmem:s16+$0x110] =	vst v6;
	v4 =	vmul.f32 v4, v2;
	v6 =	vld [tilespmem:s22+$0x1F0]  }
0x48e: {  	v11 =	vld [tilespmem:s22+$0x190];
	[tilespmem:s16+$0x120] =	vst v10;
	v5 =	vmul.f32 v9, v2  }
0x48f: {  	v10 =	vld [tilespmem:s22+$0x1A0];
	[tilespmem:s16+$0x130] =	vst v4;
	v4 =	vmul.f32 v3, v2  }
.Ltmp7:
0x490: {  	v3 =	vld [tilespmem:s22+$0x1B0];
	[tilespmem:s16+$0x140] =	vst v5;
	v7 =	vmul.f32 v7, v2;
	(pc) =	sbr.rel @p0 .LBB2_16-.Ltmp7, $4  }
0x491: {  	v8 =	vmul.f32 v8, v2;
	v5 =	vld [tilespmem:s22+$0x1C0];
	[tilespmem:s16+$0x150] =	vst v4  }
0x492: {  	v4 =	vld [tilespmem:s22+$0x1D0];
	[tilespmem:s16+$0x160] =	vst v7;
	v12 =	vmul.f32 v6, v2  }
0x493: {  	[tilespmem:s16+$0x100] =	vst v8;
	v9 =	vmul.f32 v11, v2;
	v6 =	vld [tilespmem:s22+$0x1E0]  }
0x494: {  	v7 =	vld [tilespmem:s22+$0x180];
	v8 =	vmul.f32 v10, v2;
	[tilespmem:s16+$0x1F0] =	vst v12;
	s22 =	sadd.s32 $0x400, s22  }
0x495: {  	[tilespmem:s16+$0x190] =	vst v9;
	v3 =	vmul.f32 v3, v2  }
0x496: {  	[tilespmem:s16+$0x1A0] =	vst v8;
	v5 =	vmul.f32 v5, v2  }
0x497: {  	[tilespmem:s16+$0x1B0] =	vst v3;
	v3 =	vmul.f32 v4, v2  }
0x498: {  	[tilespmem:s16+$0x1C0] =	vst v5;
	v63 =	vmul.f32 v6, v2  }
0x499: {  	v2 =	vmul.f32 v7, v2;
	[tilespmem:s16+$0x1D0] =	vst v3  }
0x49a: {  	[tilespmem:s16+$0x1E0] =	vst v63  }
0x49b: {  	[tilespmem:s16+$0x180] =	vst v2  }
0x49c: {  	s16 =	rddreg [dreg:$0xa]  }
0x49d: {  	[hbm4b:s16+s4] =	stream.linear.scatter [tilespmem:s21], [sflag:$0x4], $0x4000, $0x38;
	[tilespmem:$0x18280] =	vst v63  }
0x49e: {  	_ =	swait.ge [sflag:s7], $0x4000  }
0x49f: {  	[sflag:s7] =	ssyncset.done $0x0  }
0x4a0: {  	[sflag:s7] =	ssyncadd.s32 $0xFFFFC000  }
0x4a1: {  	_ =	swait.ge [sflag:s24], $0x4000  }
0x4a2: {  	[sflag:s24] =	ssyncset.done $0x0  }
0x4a3: {  	[sflag:s24] =	ssyncadd.s32 $0xFFFFC000  }
0x4a4: {  	_ =	swait.ge [sflag:s6], $0x4000  }
0x4a5: {  	s19 =	rddreg [dreg:$0xc]  }
0x4a6: {  	s28 =	rddreg [dreg:$0xb];
	s19 =	sadd.s32 $0x1, s19  }
0x4a7: {  	p0 =	sne.s32 s19, s28  }
.Ltmp8:
0x4a8: {  	_ = 	snop;
	(pc) =	sbr.rel @p0 .LBB2_1-.Ltmp8, $3  }
0x4a9: {  	_ =	sdelay $0x1  }
0x4aa: {  	[sflag:s6] =	ssyncset.done $0x0  }
0x4ab: {  	[sflag:s6] =	ssyncadd.s32 $0xFFFFC000  }
0x4ac: {  	_ =	sfence.sel $0x180000  }
0x4ad: {  	[bflag:$0x0] =	sbarrier.arrive $0xFFFF  }
0x4ae: {  	_ =	strace $0x90000047  }
0x4af: {  	s0 =	stileid.u32;
	[bflag:$0x2] =	sbarrier.arrive $0xFFFF  }
0x4b0: {  	p0 =	sne.s32 s0, $0x0;
	s0 =	rddreg [dreg:$0x4]  }
0x4b1: {  	s0 =	sadd.s32 @!p0 $0x100000, s0  }
0x4b2: {  	[sflag:s0] =	ssyncadd.tile.s32 @!p0 $0x1;
	_ =	shalt  }
.Lfunc_end2:
_tile_overlayer_lowered:
.L_overlay_start_2:
0x4b3: {  	(tag) =	ssettag $0x2  }
0x4b4: {  	s0 =	rddreg [dreg:$0x0];
	s2 =	stileid.u32  }
0x4b5: {  	s1 =	rddreg [dreg:$0x1];
	p0 =	sne.s32 s2, $0x0  }
0x4b6: {  	s3 =	rddreg [dreg:$0x2];
	[bflag:$0x3] =	sbarrier.arrive $0xFFFF;
	s2 =	simm.s32 @!p0 $0x1C07  }
0x4b7: {  	[timem:s3], [sflag:s2] =	dma.local @!p0 [hbm:s0], s1  }
0x4b8: {  	s0 =	simm.s32 @!p0 $0x7  }
0x4b9: {  	_ =	swait.ge @!p0 [sflag:s0], s1  }
0x4ba: {  	s1 =	ssub.s32 @!p0 $0x0, s1;
	[sflag:s0] =	ssyncset.done @!p0 $0x0  }
0x4bb: {  	[sflag:s0] =	ssyncadd.s32 @!p0 s1  }
0x4bc: {  	[bflag:$0x3] =	sbarrier.arrive $0xFFFF  }
0x4bd: {  	_ =	shalt  }

</sc_bundles>
